<compile_context>
chip_gen: v7x
topology: tpu7x:2x2x1
jax: 0.10.2.dev20260603
libtpu: 0.0.44.dev20260713+nightly
codegen_flags: <defaults>
</compile_context>

<pallas_src>
import functools

import jax
import jax.numpy as jnp
import numpy as np
from jax import lax
from jax.experimental import pallas as pl
from jax.experimental.pallas import tpu as pltpu
from jax.experimental.pallas import tpu_sc as plsc

V = 1000
T = 128
NB = 32
SEQ = 2048
KEEP = 10
ZROW = 3 * V
NC = 2
NS = 16


def _sc_gather_body(s2_hbm, table_hbm, consts_hbm, out_hbm, tok_v, consts_v,
                    idx_v, rows_v, log_v, sem):
    w = lax.axis_index("s")
    pltpu.sync_copy(s2_hbm.at[w], tok_v)
    pltpu.sync_copy(consts_hbm, consts_v)

    for c in range(4):
        sl = pl.ds(c * 16, 16)
        tokg = plsc.load_gather(tok_v, [consts_v[0, sl]])
        idx_v[sl] = consts_v[1, sl] + tokg * consts_v[2, sl]

    pltpu.async_copy(table_hbm.at[idx_v], rows_v, sem).wait()

    zeros16 = jnp.zeros((16,), jnp.float32)
    for bb in range(2):
        for l in range(16):
            for c in range(8):
                sl = pl.ds(c * 16, 16)
                r0 = bb * 32 + 3 * l
                if l < KEEP:
                    log_v[bb * 16 + l, sl] = (
                        rows_v[r0, sl] + rows_v[r0 + 1, sl]
                        + rows_v[r0 + 2, sl])
                else:
                    log_v[bb * 16 + l, sl] = zeros16

    pltpu.sync_copy(log_v, out_hbm.at[w])


@functools.cache
def _sc_gather():
    return pl.kernel(
        _sc_gather_body,
        mesh=plsc.VectorSubcoreMesh(core_axis_name="c", subcore_axis_name="s",
                                    num_cores=1),
        compiler_params=pltpu.CompilerParams(needs_layout_passes=False),
        out_type=jax.ShapeDtypeStruct((NS, 2 * 16, T), jnp.float32),
        scratch_types=[
            pltpu.VMEM((32,), jnp.int32),
            pltpu.VMEM((3, 64), jnp.int32),
            pltpu.VMEM((64,), jnp.int32),
            pltpu.VMEM((64, T), jnp.float32),
            pltpu.VMEM((32, T), jnp.float32),
            pltpu.SemaphoreType.DMA,
        ],
    )


def _lane_consts():
    j = np.arange(32)
    l, k = j // 3, j % 3
    tpos = l + k - 1
    pad = (tpos < 0) | (j >= 3 * KEEP)
    tsafe = np.where(pad, 0, np.clip(tpos, 0, 15))
    base = np.where(pad, ZROW, k * V)
    mul = np.where(pad, 0, 1)
    one = np.stack([tsafe, base, mul]).astype(np.int32)
    two = one.copy()
    two[0] += 16
    return np.concatenate([one, two], axis=1)


def _threefry_bits(j):
    ks = [np.uint32(0), np.uint32(42),
          np.uint32(np.uint32(0x1BD11BDA) ^ np.uint32(42))]
    rot = ((13, 15, 26, 6), (17, 29, 16, 24))

    def rotl(x, d):
        return lax.shift_left(x, np.uint32(d)) | lax.shift_right_logical(
            x, np.uint32(32 - d))

    x0 = jnp.zeros_like(j) + ks[0]
    x1 = j + ks[1]
    sched = [ks[1], ks[2], ks[0]]
    for i in range(5):
        for d in rot[i % 2]:
            x0 = x0 + x1
            x1 = x0 ^ rotl(x1, d)
        x0 = x0 + sched[0]
        x1 = x1 + sched[1] + np.uint32(i + 1)
        sched = sched[1:] + sched[:1]
    return x0 ^ x1


def _tc_sample_body(logits_ref, bias_ref, out_ref):
    z = logits_ref[...] + bias_ref[...]
    m = jnp.max(z, axis=2, keepdims=True)
    e = jnp.exp(z - m)
    p = e / jnp.sum(e, axis=2, keepdims=True)
    q = jnp.log(p + np.float32(1e-20))

    b = lax.broadcasted_iota(jnp.int32, (NB, 16, T), 0)
    l = lax.broadcasted_iota(jnp.int32, (NB, 16, T), 1)
    t = lax.broadcasted_iota(jnp.int32, (NB, 16, T), 2)
    j = ((b * np.int32(SEQ) + l) * np.int32(T) + t).astype(jnp.uint32)
    bits = _threefry_bits(j)

    fb = lax.shift_right_logical(bits, np.uint32(9)) | np.uint32(0x3F800000)
    f = lax.bitcast_convert_type(fb, jnp.float32) - np.float32(1.0)
    tiny = np.float32(np.finfo(np.float32).tiny)
    u = jnp.maximum(tiny, f * (np.float32(1.0) - tiny) + tiny)
    g = -jnp.log(-jnp.log(u))

    val = q + g
    m2 = jnp.max(val, axis=2, keepdims=True)
    cand = jnp.where(val == m2, t, np.int32(T))
    acts = jnp.min(cand, axis=2)
    l2 = lax.broadcasted_iota(jnp.int32, (NB, 16), 1)
    acts = jnp.where(l2 < np.int32(KEEP), acts, np.int32(0))
    out_ref[...] = jnp.concatenate(
        [acts, jnp.zeros((NB, SEQ - 16), jnp.int32)], axis=1)


def _tc_sample(logits, bias):
    return pl.pallas_call(
        _tc_sample_body,
        out_shape=jax.ShapeDtypeStruct((NB, SEQ), jnp.int32),
    )(logits, bias)


def kernel(sentence_batch, emb, W, b):
    del emb
    table = jnp.concatenate(
        [jnp.transpose(W, (2, 1, 0)).reshape(3 * V, T),
         jnp.zeros((8, T), jnp.float32)], axis=0)
    s2 = sentence_batch[:, :16].reshape(NS, 32)

    consts = jnp.asarray(_lane_consts())
    logits = _sc_gather()(s2, table, consts)
    logits = logits.reshape(NB, 16, T)
    return _tc_sample(logits, b.reshape(1, T))

# --- scband reference (transcript-rebuilt; emitter-appended) ---
"""Pipeline reference for scband-seq-rewriter-5093831213779 (READ-ONLY COPY).

The authoritative reference and input builder live on the scoring server;
editing this copy changes nothing except your own understanding.
"""

import jax, jax.numpy as jnp
import numpy as np

VOCAB = 1000
TARGET = 128
B = 32
L = 2048


def setup_inputs(seed: int = 0) -> dict:
    key = jax.random.key(seed)
    k1, k2 = jax.random.split(key, 2)
    sentence_batch = jax.random.randint(k1, (B, L), 0, VOCAB, dtype=jnp.int32)
    # frozen identity embedding (char_embedding.weight = eye, requires_grad=False)
    emb = jnp.eye(VOCAB, dtype=jnp.float32)
    # Conv1d(VOCAB, TARGET, kernel_size=3, padding=1) params
    fan_in = VOCAB * 3
    bound = 1.0 / np.sqrt(fan_in)
    W = jax.random.uniform(k2, (TARGET, VOCAB, 3), minval=-bound, maxval=bound, dtype=jnp.float32)
    b = jnp.zeros((TARGET,), dtype=jnp.float32)
    return {"sentence_batch": sentence_batch, "emb": emb, "W": W, "b": b}


def reference(sentence_batch, emb, W, b):
    Bc, Lc = sentence_batch.shape
    # one-hot embedding lookup (gather rows of identity table)
    one_hot = jnp.take(emb, sentence_batch, axis=0)          # [B, L, V]
    x = jnp.transpose(one_hot, (0, 2, 1))                    # [B, V, L]  (NCW)
    y = jax.lax.conv_general_dilated(
        x, W, window_strides=(1,), padding=[(1, 1)],
        dimension_numbers=("NCH", "OIH", "NCH"))            # [B, T, L]
    y = y + b[None, :, None]
    logits = jnp.transpose(y, (0, 2, 1)).reshape(Bc * Lc, TARGET)
    probs = jax.nn.softmax(logits, axis=-1)
    # Categorical(probs).sample() per row, vectorized
    key = jax.random.key(42)
    actions = jax.random.categorical(key, jnp.log(probs + 1e-20), axis=-1)  # [B*L]
    # torch loop keeps actions only where i % L < 10, else zeros
    pos = jnp.arange(Bc * Lc) % Lc
    new_seq = jnp.where(pos < 10, actions, 0).astype(jnp.int32)
    new_seq = new_seq.reshape(Bc, Lc)
    return new_seq

if __name__ == "__main__":
    import jax
    _d = setup_inputs()
    print(jax.jit(kernel)(*tuple(_d.values())))

</pallas_src>

<mosaic_0001>
#map = affine_map<(d0, d1) -> (0, 0)>
#map1 = affine_map<(d0, d1) -> (0, 0, 0)>
module attributes {stable_mosaic.version = 14 : i64} {
  func.func @_sc_gather_body(%arg0: i32, %arg1: i32, %arg2: memref<16x32xi32, #tpu.memory_space<hbm>>, %arg3: memref<3008x128xf32, #tpu.memory_space<hbm>>, %arg4: memref<3x64xi32, #tpu.memory_space<hbm>>, %arg5: memref<16x32x128xf32, #tpu.memory_space<hbm>>, %arg6: memref<32xi32, #tpu.memory_space<vmem>>, %arg7: memref<3x64xi32, #tpu.memory_space<vmem>>, %arg8: memref<64xi32, #tpu.memory_space<vmem>>, %arg9: memref<64x128xf32, #tpu.memory_space<vmem>>, %arg10: memref<32x128xf32, #tpu.memory_space<vmem>>, %arg11: memref<!tpu.dma_semaphore, #tpu.memory_space<semaphore_mem>>) attributes {dimension_semantics = [#tpu.dimension_semantics<core_parallel>, #tpu.dimension_semantics<subcore_parallel>], iteration_bounds = array<i64: 1, 16>, scalar_prefetch = 0 : i64, scratch_operands = 6 : i64, tpu.core_type = #tpu.core_type<sc_vector_subcore>, window_params = [{transform_indices = #map}, {transform_indices = #map}, {transform_indices = #map}, {transform_indices = #map1}]} {
    "tpu.region"() ({
      %run_scoped3A = tpu.sem_alloc : memref<!tpu.dma_semaphore, #tpu.memory_space<semaphore_mem>>
      %dma_start3A_3332 = arith.constant 0 : i32
      %dma_start3A_3333 = tpu.memref_slice %arg2[%arg1, %dma_start3A_3332] : memref<16x32xi32, #tpu.memory_space<hbm>> -> memref<1x32xi32, #tpu.memory_space<hbm>>
      %dma_start3A_3334 = tpu.memref_squeeze %dma_start3A_3333 : memref<1x32xi32, #tpu.memory_space<hbm>> -> memref<32xi32, #tpu.memory_space<hbm>>
      %dma_start3A_3335 = arith.constant 0 : i32
      %dma_start3A_3336 = tpu.memref_slice %arg2[%arg1, %dma_start3A_3335] : memref<16x32xi32, #tpu.memory_space<hbm>> -> memref<1x32xi32, #tpu.memory_space<hbm>>
      %dma_start3A_3337 = tpu.memref_squeeze %dma_start3A_3336 : memref<1x32xi32, #tpu.memory_space<hbm>> -> memref<32xi32, #tpu.memory_space<hbm>>
      tpu.enqueue_dma source(%dma_start3A_3337 : memref<32xi32, #tpu.memory_space<hbm>>) target(%arg6 : memref<32xi32, #tpu.memory_space<vmem>>) target_semaphore(%run_scoped3A : memref<!tpu.dma_semaphore, #tpu.memory_space<semaphore_mem>>)
      %dma_wait3A_3338 = arith.constant 0 : i32
      %dma_wait3A_3339 = tpu.memref_slice %arg2[%arg1, %dma_wait3A_3338] : memref<16x32xi32, #tpu.memory_space<hbm>> -> memref<1x32xi32, #tpu.memory_space<hbm>>
      %dma_wait3A_3340 = tpu.memref_squeeze %dma_wait3A_3339 : memref<1x32xi32, #tpu.memory_space<hbm>> -> memref<32xi32, #tpu.memory_space<hbm>>
      %dma_wait3A_3341 = arith.constant 0 : i32
      %dma_wait3A_3342 = tpu.memref_slice %arg2[%arg1, %dma_wait3A_3341] : memref<16x32xi32, #tpu.memory_space<hbm>> -> memref<1x32xi32, #tpu.memory_space<hbm>>
      %dma_wait3A_3343 = tpu.memref_squeeze %dma_wait3A_3342 : memref<1x32xi32, #tpu.memory_space<hbm>> -> memref<32xi32, #tpu.memory_space<hbm>>
      tpu.wait_dma2 semaphore(%run_scoped3A : memref<!tpu.dma_semaphore, #tpu.memory_space<semaphore_mem>>) src(%dma_wait3A_3343 : memref<32xi32, #tpu.memory_space<hbm>>) dst(%arg6 : memref<32xi32, #tpu.memory_space<vmem>>)
      tpu.yield
    }) : () -> ()
    "tpu.region"() ({
      %run_scoped3A = tpu.sem_alloc : memref<!tpu.dma_semaphore, #tpu.memory_space<semaphore_mem>>
      tpu.enqueue_dma source(%arg4 : memref<3x64xi32, #tpu.memory_space<hbm>>) target(%arg7 : memref<3x64xi32, #tpu.memory_space<vmem>>) target_semaphore(%run_scoped3A : memref<!tpu.dma_semaphore, #tpu.memory_space<semaphore_mem>>)
      tpu.wait_dma2 semaphore(%run_scoped3A : memref<!tpu.dma_semaphore, #tpu.memory_space<semaphore_mem>>) src(%arg4 : memref<3x64xi32, #tpu.memory_space<hbm>>) dst(%arg7 : memref<3x64xi32, #tpu.memory_space<vmem>>)
      tpu.yield
    }) : () -> ()
    %get3A = arith.constant 0 : i32
    %get3A_0 = arith.index_cast %get3A : i32 to index
    %get3A_1 = arith.constant 0 : index
    %get3A_2 = tpu.vector_load %arg7[%get3A_0, %get3A_1] {strides = array<i32>} : memref<3x64xi32, #tpu.memory_space<vmem>>, vector<16xi32>,
    %gather3A = tpu.vector_load_idx %arg6[%get3A_2] : memref<32xi32, #tpu.memory_space<vmem>>[vector<16xi32>], vector<16xi32>,
    %get3A_3 = arith.constant 1 : i32
    %get3A_4 = arith.index_cast %get3A_3 : i32 to index
    %get3A_5 = arith.constant 0 : index
    %get3A_6 = tpu.vector_load %arg7[%get3A_4, %get3A_5] {strides = array<i32>} : memref<3x64xi32, #tpu.memory_space<vmem>>, vector<16xi32>,
    %get3A_7 = arith.constant 2 : i32
    %get3A_8 = arith.index_cast %get3A_7 : i32 to index
    %get3A_9 = arith.constant 0 : index
    %get3A_10 = tpu.vector_load %arg7[%get3A_8, %get3A_9] {strides = array<i32>} : memref<3x64xi32, #tpu.memory_space<vmem>>, vector<16xi32>,
    %mul3A = arith.muli %gather3A, %get3A_10 : vector<16xi32>
    %add3A = arith.addi %get3A_6, %mul3A : vector<16xi32>
    %swap3A = arith.constant 0 : index
    %swap3A_11 = tpu.vector_load %arg8[%swap3A] {strides = array<i32>} : memref<64xi32, #tpu.memory_space<vmem>>, vector<16xi32>,
    tpu.vector_store %arg8[%swap3A], %add3A {strides = array<i32>} : memref<64xi32, #tpu.memory_space<vmem>>, vector<16xi32>,
    %get3A_12 = arith.constant 0 : i32
    %get3A_13 = arith.index_cast %get3A_12 : i32 to index
    %get3A_14 = arith.constant 16 : index
    %get3A_15 = tpu.vector_load %arg7[%get3A_13, %get3A_14] {strides = array<i32>} : memref<3x64xi32, #tpu.memory_space<vmem>>, vector<16xi32>,
    %gather3A_16 = tpu.vector_load_idx %arg6[%get3A_15] : memref<32xi32, #tpu.memory_space<vmem>>[vector<16xi32>], vector<16xi32>,
    %get3A_17 = arith.constant 1 : i32
    %get3A_18 = arith.index_cast %get3A_17 : i32 to index
    %get3A_19 = arith.constant 16 : index
    %get3A_20 = tpu.vector_load %arg7[%get3A_18, %get3A_19] {strides = array<i32>} : memref<3x64xi32, #tpu.memory_space<vmem>>, vector<16xi32>,
    %get3A_21 = arith.constant 2 : i32
    %get3A_22 = arith.index_cast %get3A_21 : i32 to index
    %get3A_23 = arith.constant 16 : index
    %get3A_24 = tpu.vector_load %arg7[%get3A_22, %get3A_23] {strides = array<i32>} : memref<3x64xi32, #tpu.memory_space<vmem>>, vector<16xi32>,
    %mul3A_25 = arith.muli %gather3A_16, %get3A_24 : vector<16xi32>
    %add3A_26 = arith.addi %get3A_20, %mul3A_25 : vector<16xi32>
    %swap3A_27 = arith.constant 16 : index
    %swap3A_28 = tpu.vector_load %arg8[%swap3A_27] {strides = array<i32>} : memref<64xi32, #tpu.memory_space<vmem>>, vector<16xi32>,
    tpu.vector_store %arg8[%swap3A_27], %add3A_26 {strides = array<i32>} : memref<64xi32, #tpu.memory_space<vmem>>, vector<16xi32>,
    %get3A_29 = arith.constant 0 : i32
    %get3A_30 = arith.index_cast %get3A_29 : i32 to index
    %get3A_31 = arith.constant 32 : index
    %get3A_32 = tpu.vector_load %arg7[%get3A_30, %get3A_31] {strides = array<i32>} : memref<3x64xi32, #tpu.memory_space<vmem>>, vector<16xi32>,
    %gather3A_33 = tpu.vector_load_idx %arg6[%get3A_32] : memref<32xi32, #tpu.memory_space<vmem>>[vector<16xi32>], vector<16xi32>,
    %get3A_34 = arith.constant 1 : i32
    %get3A_35 = arith.index_cast %get3A_34 : i32 to index
    %get3A_36 = arith.constant 32 : index
    %get3A_37 = tpu.vector_load %arg7[%get3A_35, %get3A_36] {strides = array<i32>} : memref<3x64xi32, #tpu.memory_space<vmem>>, vector<16xi32>,
    %get3A_38 = arith.constant 2 : i32
    %get3A_39 = arith.index_cast %get3A_38 : i32 to index
    %get3A_40 = arith.constant 32 : index
    %get3A_41 = tpu.vector_load %arg7[%get3A_39, %get3A_40] {strides = array<i32>} : memref<3x64xi32, #tpu.memory_space<vmem>>, vector<16xi32>,
    %mul3A_42 = arith.muli %gather3A_33, %get3A_41 : vector<16xi32>
    %add3A_43 = arith.addi %get3A_37, %mul3A_42 : vector<16xi32>
    %swap3A_44 = arith.constant 32 : index
    %swap3A_45 = tpu.vector_load %arg8[%swap3A_44] {strides = array<i32>} : memref<64xi32, #tpu.memory_space<vmem>>, vector<16xi32>,
    tpu.vector_store %arg8[%swap3A_44], %add3A_43 {strides = array<i32>} : memref<64xi32, #tpu.memory_space<vmem>>, vector<16xi32>,
    %get3A_46 = arith.constant 0 : i32
    %get3A_47 = arith.index_cast %get3A_46 : i32 to index
    %get3A_48 = arith.constant 48 : index
    %get3A_49 = tpu.vector_load %arg7[%get3A_47, %get3A_48] {strides = array<i32>} : memref<3x64xi32, #tpu.memory_space<vmem>>, vector<16xi32>,
    %gather3A_50 = tpu.vector_load_idx %arg6[%get3A_49] : memref<32xi32, #tpu.memory_space<vmem>>[vector<16xi32>], vector<16xi32>,
    %get3A_51 = arith.constant 1 : i32
    %get3A_52 = arith.index_cast %get3A_51 : i32 to index
    %get3A_53 = arith.constant 48 : index
    %get3A_54 = tpu.vector_load %arg7[%get3A_52, %get3A_53] {strides = array<i32>} : memref<3x64xi32, #tpu.memory_space<vmem>>, vector<16xi32>,
    %get3A_55 = arith.constant 2 : i32
    %get3A_56 = arith.index_cast %get3A_55 : i32 to index
    %get3A_57 = arith.constant 48 : index
    %get3A_58 = tpu.vector_load %arg7[%get3A_56, %get3A_57] {strides = array<i32>} : memref<3x64xi32, #tpu.memory_space<vmem>>, vector<16xi32>,
    %mul3A_59 = arith.muli %gather3A_50, %get3A_58 : vector<16xi32>
    %add3A_60 = arith.addi %get3A_54, %mul3A_59 : vector<16xi32>
    %swap3A_61 = arith.constant 48 : index
    %swap3A_62 = tpu.vector_load %arg8[%swap3A_61] {strides = array<i32>} : memref<64xi32, #tpu.memory_space<vmem>>, vector<16xi32>,
    tpu.vector_store %arg8[%swap3A_61], %add3A_60 {strides = array<i32>} : memref<64xi32, #tpu.memory_space<vmem>>, vector<16xi32>,
    %dma_start3A = arith.constant 0 : i32
    %dma_start3A_63 = arith.constant 0 : i32
    %dma_start3A_64 = tpu.memref_slice %arg3[%dma_start3A, %dma_start3A_63] : memref<3008x128xf32, #tpu.memory_space<hbm>> -> memref<3008x128xf32, #tpu.memory_space<hbm>>
    tpu.enqueue_indirect_dma source(%dma_start3A_64 : memref<3008x128xf32, #tpu.memory_space<hbm>>) target(%arg9 : memref<64x128xf32, #tpu.memory_space<vmem>>) offsets(%arg8 : memref<64xi32, #tpu.memory_space<vmem>>) semaphore(%arg11 : memref<!tpu.dma_semaphore, #tpu.memory_space<semaphore_mem>>)
    %dma_wait3A = arith.constant 0 : i32
    %dma_wait3A_65 = arith.constant 0 : i32
    %dma_wait3A_66 = tpu.memref_slice %arg3[%dma_wait3A, %dma_wait3A_65] : memref<3008x128xf32, #tpu.memory_space<hbm>> -> memref<3008x128xf32, #tpu.memory_space<hbm>>
    tpu.wait_indirect_dma semaphore(%arg11 : memref<!tpu.dma_semaphore, #tpu.memory_space<semaphore_mem>>) src(%dma_wait3A_66 : memref<3008x128xf32, #tpu.memory_space<hbm>>) dst(%arg9 : memref<64x128xf32, #tpu.memory_space<vmem>>)
    %broadcast_in_dim3A = arith.constant 0.000000e+00 : f32
    %broadcast_in_dim3A_67 = vector.broadcast %broadcast_in_dim3A : f32 to vector<16xf32>
    %get3A_68 = arith.constant 0 : i32
    %get3A_69 = arith.index_cast %get3A_68 : i32 to index
    %get3A_70 = arith.constant 0 : index
    %get3A_71 = tpu.vector_load %arg9[%get3A_69, %get3A_70] {strides = array<i32>} : memref<64x128xf32, #tpu.memory_space<vmem>>, vector<16xf32>,
    %get3A_72 = arith.constant 1 : i32
    %get3A_73 = arith.index_cast %get3A_72 : i32 to index
    %get3A_74 = arith.constant 0 : index
    %get3A_75 = tpu.vector_load %arg9[%get3A_73, %get3A_74] {strides = array<i32>} : memref<64x128xf32, #tpu.memory_space<vmem>>, vector<16xf32>,
    %add3A_76 = arith.addf %get3A_71, %get3A_75 : vector<16xf32>
    %get3A_77 = arith.constant 2 : i32
    %get3A_78 = arith.index_cast %get3A_77 : i32 to index
    %get3A_79 = arith.constant 0 : index
    %get3A_80 = tpu.vector_load %arg9[%get3A_78, %get3A_79] {strides = array<i32>} : memref<64x128xf32, #tpu.memory_space<vmem>>, vector<16xf32>,
    %add3A_81 = arith.addf %add3A_76, %get3A_80 : vector<16xf32>
    %swap3A_82 = arith.constant 0 : i32
    %swap3A_83 = arith.index_cast %swap3A_82 : i32 to index
    %swap3A_84 = arith.constant 0 : index
    %swap3A_85 = tpu.vector_load %arg10[%swap3A_83, %swap3A_84] {strides = array<i32>} : memref<32x128xf32, #tpu.memory_space<vmem>>, vector<16xf32>,
    tpu.vector_store %arg10[%swap3A_83, %swap3A_84], %add3A_81 {strides = array<i32>} : memref<32x128xf32, #tpu.memory_space<vmem>>, vector<16xf32>,
    %get3A_86 = arith.constant 0 : i32
    %get3A_87 = arith.index_cast %get3A_86 : i32 to index
    %get3A_88 = arith.constant 16 : index
    %get3A_89 = tpu.vector_load %arg9[%get3A_87, %get3A_88] {strides = array<i32>} : memref<64x128xf32, #tpu.memory_space<vmem>>, vector<16xf32>,
    %get3A_90 = arith.constant 1 : i32
    %get3A_91 = arith.index_cast %get3A_90 : i32 to index
    %get3A_92 = arith.constant 16 : index
    %get3A_93 = tpu.vector_load %arg9[%get3A_91, %get3A_92] {strides = array<i32>} : memref<64x128xf32, #tpu.memory_space<vmem>>, vector<16xf32>,
    %add3A_94 = arith.addf %get3A_89, %get3A_93 : vector<16xf32>
    %get3A_95 = arith.constant 2 : i32
    %get3A_96 = arith.index_cast %get3A_95 : i32 to index
    %get3A_97 = arith.constant 16 : index
    %get3A_98 = tpu.vector_load %arg9[%get3A_96, %get3A_97] {strides = array<i32>} : memref<64x128xf32, #tpu.memory_space<vmem>>, vector<16xf32>,
    %add3A_99 = arith.addf %add3A_94, %get3A_98 : vector<16xf32>
    %swap3A_100 = arith.constant 0 : i32
    %swap3A_101 = arith.index_cast %swap3A_100 : i32 to index
    %swap3A_102 = arith.constant 16 : index
    %swap3A_103 = tpu.vector_load %arg10[%swap3A_101, %swap3A_102] {strides = array<i32>} : memref<32x128xf32, #tpu.memory_space<vmem>>, vector<16xf32>,
    tpu.vector_store %arg10[%swap3A_101, %swap3A_102], %add3A_99 {strides = array<i32>} : memref<32x128xf32, #tpu.memory_space<vmem>>, vector<16xf32>,
    %get3A_104 = arith.constant 0 : i32
    %get3A_105 = arith.index_cast %get3A_104 : i32 to index
    %get3A_106 = arith.constant 32 : index
    %get3A_107 = tpu.vector_load %arg9[%get3A_105, %get3A_106] {strides = array<i32>} : memref<64x128xf32, #tpu.memory_space<vmem>>, vector<16xf32>,
    %get3A_108 = arith.constant 1 : i32
    %get3A_109 = arith.index_cast %get3A_108 : i32 to index
    %get3A_110 = arith.constant 32 : index
    %get3A_111 = tpu.vector_load %arg9[%get3A_109, %get3A_110] {strides = array<i32>} : memref<64x128xf32, #tpu.memory_space<vmem>>, vector<16xf32>,
    %add3A_112 = arith.addf %get3A_107, %get3A_111 : vector<16xf32>
    %get3A_113 = arith.constant 2 : i32
    %get3A_114 = arith.index_cast %get3A_113 : i32 to index
    %get3A_115 = arith.constant 32 : index
    %get3A_116 = tpu.vector_load %arg9[%get3A_114, %get3A_115] {strides = array<i32>} : memref<64x128xf32, #tpu.memory_space<vmem>>, vector<16xf32>,
    %add3A_117 = arith.addf %add3A_112, %get3A_116 : vector<16xf32>
    %swap3A_118 = arith.constant 0 : i32
    %swap3A_119 = arith.index_cast %swap3A_118 : i32 to index
    %swap3A_120 = arith.constant 32 : index
    %swap3A_121 = tpu.vector_load %arg10[%swap3A_119, %swap3A_120] {strides = array<i32>} : memref<32x128xf32, #tpu.memory_space<vmem>>, vector<16xf32>,
    tpu.vector_store %arg10[%swap3A_119, %swap3A_120], %add3A_117 {strides = array<i32>} : memref<32x128xf32, #tpu.memory_space<vmem>>, vector<16xf32>,
    %get3A_122 = arith.constant 0 : i32
    %get3A_123 = arith.index_cast %get3A_122 : i32 to index
    %get3A_124 = arith.constant 48 : index
    %get3A_125 = tpu.vector_load %arg9[%get3A_123, %get3A_124] {strides = array<i32>} : memref<64x128xf32, #tpu.memory_space<vmem>>, vector<16xf32>,
    %get3A_126 = arith.constant 1 : i32
    %get3A_127 = arith.index_cast %get3A_126 : i32 to index
    %get3A_128 = arith.constant 48 : index
    %get3A_129 = tpu.vector_load %arg9[%get3A_127, %get3A_128] {strides = array<i32>} : memref<64x128xf32, #tpu.memory_space<vmem>>, vector<16xf32>,
    %add3A_130 = arith.addf %get3A_125, %get3A_129 : vector<16xf32>
    %get3A_131 = arith.constant 2 : i32
    %get3A_132 = arith.index_cast %get3A_131 : i32 to index
    %get3A_133 = arith.constant 48 : index
    %get3A_134 = tpu.vector_load %arg9[%get3A_132, %get3A_133] {strides = array<i32>} : memref<64x128xf32, #tpu.memory_space<vmem>>, vector<16xf32>,
    %add3A_135 = arith.addf %add3A_130, %get3A_134 : vector<16xf32>
    %swap3A_136 = arith.constant 0 : i32
    %swap3A_137 = arith.index_cast %swap3A_136 : i32 to index
    %swap3A_138 = arith.constant 48 : index
    %swap3A_139 = tpu.vector_load %arg10[%swap3A_137, %swap3A_138] {strides = array<i32>} : memref<32x128xf32, #tpu.memory_space<vmem>>, vector<16xf32>,
    tpu.vector_store %arg10[%swap3A_137, %swap3A_138], %add3A_135 {strides = array<i32>} : memref<32x128xf32, #tpu.memory_space<vmem>>, vector<16xf32>,
    %get3A_140 = arith.constant 0 : i32
    %get3A_141 = arith.index_cast %get3A_140 : i32 to index
    %get3A_142 = arith.constant 64 : index
    %get3A_143 = tpu.vector_load %arg9[%get3A_141, %get3A_142] {strides = array<i32>} : memref<64x128xf32, #tpu.memory_space<vmem>>, vector<16xf32>,
    %get3A_144 = arith.constant 1 : i32
    %get3A_145 = arith.index_cast %get3A_144 : i32 to index
    %get3A_146 = arith.constant 64 : index
    %get3A_147 = tpu.vector_load %arg9[%get3A_145, %get3A_146] {strides = array<i32>} : memref<64x128xf32, #tpu.memory_space<vmem>>, vector<16xf32>,
    %add3A_148 = arith.addf %get3A_143, %get3A_147 : vector<16xf32>
    %get3A_149 = arith.constant 2 : i32
    %get3A_150 = arith.index_cast %get3A_149 : i32 to index
    %get3A_151 = arith.constant 64 : index
    %get3A_152 = tpu.vector_load %arg9[%get3A_150, %get3A_151] {strides = array<i32>} : memref<64x128xf32, #tpu.memory_space<vmem>>, vector<16xf32>,
    %add3A_153 = arith.addf %add3A_148, %get3A_152 : vector<16xf32>
    %swap3A_154 = arith.constant 0 : i32
    %swap3A_155 = arith.index_cast %swap3A_154 : i32 to index
    %swap3A_156 = arith.constant 64 : index
    %swap3A_157 = tpu.vector_load %arg10[%swap3A_155, %swap3A_156] {strides = array<i32>} : memref<32x128xf32, #tpu.memory_space<vmem>>, vector<16xf32>,
    tpu.vector_store %arg10[%swap3A_155, %swap3A_156], %add3A_153 {strides = array<i32>} : memref<32x128xf32, #tpu.memory_space<vmem>>, vector<16xf32>,
    %get3A_158 = arith.constant 0 : i32
    %get3A_159 = arith.index_cast %get3A_158 : i32 to index
    %get3A_160 = arith.constant 80 : index
    %get3A_161 = tpu.vector_load %arg9[%get3A_159, %get3A_160] {strides = array<i32>} : memref<64x128xf32, #tpu.memory_space<vmem>>, vector<16xf32>,
    %get3A_162 = arith.constant 1 : i32
    %get3A_163 = arith.index_cast %get3A_162 : i32 to index
    %get3A_164 = arith.constant 80 : index
    %get3A_165 = tpu.vector_load %arg9[%get3A_163, %get3A_164] {strides = array<i32>} : memref<64x128xf32, #tpu.memory_space<vmem>>, vector<16xf32>,
    %add3A_166 = arith.addf %get3A_161, %get3A_165 : vector<16xf32>
    %get3A_167 = arith.constant 2 : i32
    %get3A_168 = arith.index_cast %get3A_167 : i32 to index
    %get3A_169 = arith.constant 80 : index
    %get3A_170 = tpu.vector_load %arg9[%get3A_168, %get3A_169] {strides = array<i32>} : memref<64x128xf32, #tpu.memory_space<vmem>>, vector<16xf32>,
    %add3A_171 = arith.addf %add3A_166, %get3A_170 : vector<16xf32>
    %swap3A_172 = arith.constant 0 : i32
    %swap3A_173 = arith.index_cast %swap3A_172 : i32 to index
    %swap3A_174 = arith.constant 80 : index
    %swap3A_175 = tpu.vector_load %arg10[%swap3A_173, %swap3A_174] {strides = array<i32>} : memref<32x128xf32, #tpu.memory_space<vmem>>, vector<16xf32>,
    tpu.vector_store %arg10[%swap3A_173, %swap3A_174], %add3A_171 {strides = array<i32>} : memref<32x128xf32, #tpu.memory_space<vmem>>, vector<16xf32>,
    %get3A_176 = arith.constant 0 : i32
    %get3A_177 = arith.index_cast %get3A_176 : i32 to index
    %get3A_178 = arith.constant 96 : index
    %get3A_179 = tpu.vector_load %arg9[%get3A_177, %get3A_178] {strides = array<i32>} : memref<64x128xf32, #tpu.memory_space<vmem>>, vector<16xf32>,
    %get3A_180 = arith.constant 1 : i32
    %get3A_181 = arith.index_cast %get3A_180 : i32 to index
    %get3A_182 = arith.constant 96 : index
    %get3A_183 = tpu.vector_load %arg9[%get3A_181, %get3A_182] {strides = array<i32>} : memref<64x128xf32, #tpu.memory_space<vmem>>, vector<16xf32>,
    %add3A_184 = arith.addf %get3A_179, %get3A_183 : vector<16xf32>
    %get3A_185 = arith.constant 2 : i32
    %get3A_186 = arith.index_cast %get3A_185 : i32 to index
    %get3A_187 = arith.constant 96 : index
    %get3A_188 = tpu.vector_load %arg9[%get3A_186, %get3A_187] {strides = array<i32>} : memref<64x128xf32, #tpu.memory_space<vmem>>, vector<16xf32>,
    %add3A_189 = arith.addf %add3A_184, %get3A_188 : vector<16xf32>
    %swap3A_190 = arith.constant 0 : i32
    %swap3A_191 = arith.index_cast %swap3A_190 : i32 to index
    %swap3A_192 = arith.constant 96 : index
    %swap3A_193 = tpu.vector_load %arg10[%swap3A_191, %swap3A_192] {strides = array<i32>} : memref<32x128xf32, #tpu.memory_space<vmem>>, vector<16xf32>,
    tpu.vector_store %arg10[%swap3A_191, %swap3A_192], %add3A_189 {strides = array<i32>} : memref<32x128xf32, #tpu.memory_space<vmem>>, vector<16xf32>,
    %get3A_194 = arith.constant 0 : i32
    %get3A_195 = arith.index_cast %get3A_194 : i32 to index
    %get3A_196 = arith.constant 112 : index
    %get3A_197 = tpu.vector_load %arg9[%get3A_195, %get3A_196] {strides = array<i32>} : memref<64x128xf32, #tpu.memory_space<vmem>>, vector<16xf32>,
    %get3A_198 = arith.constant 1 : i32
    %get3A_199 = arith.index_cast %get3A_198 : i32 to index
    %get3A_200 = arith.constant 112 : index
    %get3A_201 = tpu.vector_load %arg9[%get3A_199, %get3A_200] {strides = array<i32>} : memref<64x128xf32, #tpu.memory_space<vmem>>, vector<16xf32>,
    %add3A_202 = arith.addf %get3A_197, %get3A_201 : vector<16xf32>
    %get3A_203 = arith.constant 2 : i32
    %get3A_204 = arith.index_cast %get3A_203 : i32 to index
    %get3A_205 = arith.constant 112 : index
    %get3A_206 = tpu.vector_load %arg9[%get3A_204, %get3A_205] {strides = array<i32>} : memref<64x128xf32, #tpu.memory_space<vmem>>, vector<16xf32>,
    %add3A_207 = arith.addf %add3A_202, %get3A_206 : vector<16xf32>
    %swap3A_208 = arith.constant 0 : i32
    %swap3A_209 = arith.index_cast %swap3A_208 : i32 to index
    %swap3A_210 = arith.constant 112 : index
    %swap3A_211 = tpu.vector_load %arg10[%swap3A_209, %swap3A_210] {strides = array<i32>} : memref<32x128xf32, #tpu.memory_space<vmem>>, vector<16xf32>,
    tpu.vector_store %arg10[%swap3A_209, %swap3A_210], %add3A_207 {strides = array<i32>} : memref<32x128xf32, #tpu.memory_space<vmem>>, vector<16xf32>,
    %get3A_212 = arith.constant 3 : i32
    %get3A_213 = arith.index_cast %get3A_212 : i32 to index
    %get3A_214 = arith.constant 0 : index
    %get3A_215 = tpu.vector_load %arg9[%get3A_213, %get3A_214] {strides = array<i32>} : memref<64x128xf32, #tpu.memory_space<vmem>>, vector<16xf32>,
    %get3A_216 = arith.constant 4 : i32
    %get3A_217 = arith.index_cast %get3A_216 : i32 to index
    %get3A_218 = arith.constant 0 : index
    %get3A_219 = tpu.vector_load %arg9[%get3A_217, %get3A_218] {strides = array<i32>} : memref<64x128xf32, #tpu.memory_space<vmem>>, vector<16xf32>,
    %add3A_220 = arith.addf %get3A_215, %get3A_219 : vector<16xf32>
    %get3A_221 = arith.constant 5 : i32
    %get3A_222 = arith.index_cast %get3A_221 : i32 to index
    %get3A_223 = arith.constant 0 : index
    %get3A_224 = tpu.vector_load %arg9[%get3A_222, %get3A_223] {strides = array<i32>} : memref<64x128xf32, #tpu.memory_space<vmem>>, vector<16xf32>,
    %add3A_225 = arith.addf %add3A_220, %get3A_224 : vector<16xf32>
    %swap3A_226 = arith.constant 1 : i32
    %swap3A_227 = arith.index_cast %swap3A_226 : i32 to index
    %swap3A_228 = arith.constant 0 : index
    %swap3A_229 = tpu.vector_load %arg10[%swap3A_227, %swap3A_228] {strides = array<i32>} : memref<32x128xf32, #tpu.memory_space<vmem>>, vector<16xf32>,
    tpu.vector_store %arg10[%swap3A_227, %swap3A_228], %add3A_225 {strides = array<i32>} : memref<32x128xf32, #tpu.memory_space<vmem>>, vector<16xf32>,
    %get3A_230 = arith.constant 3 : i32
    %get3A_231 = arith.index_cast %get3A_230 : i32 to index
    %get3A_232 = arith.constant 16 : index
    %get3A_233 = tpu.vector_load %arg9[%get3A_231, %get3A_232] {strides = array<i32>} : memref<64x128xf32, #tpu.memory_space<vmem>>, vector<16xf32>,
    %get3A_234 = arith.constant 4 : i32
    %get3A_235 = arith.index_cast %get3A_234 : i32 to index
    %get3A_236 = arith.constant 16 : index
    %get3A_237 = tpu.vector_load %arg9[%get3A_235, %get3A_236] {strides = array<i32>} : memref<64x128xf32, #tpu.memory_space<vmem>>, vector<16xf32>,
    %add3A_238 = arith.addf %get3A_233, %get3A_237 : vector<16xf32>
    %get3A_239 = arith.constant 5 : i32
    %get3A_240 = arith.index_cast %get3A_239 : i32 to index
    %get3A_241 = arith.constant 16 : index
    %get3A_242 = tpu.vector_load %arg9[%get3A_240, %get3A_241] {strides = array<i32>} : memref<64x128xf32, #tpu.memory_space<vmem>>, vector<16xf32>,
    %add3A_243 = arith.addf %add3A_238, %get3A_242 : vector<16xf32>
    %swap3A_244 = arith.constant 1 : i32
    %swap3A_245 = arith.index_cast %swap3A_244 : i32 to index
    %swap3A_246 = arith.constant 16 : index
    %swap3A_247 = tpu.vector_load %arg10[%swap3A_245, %swap3A_246] {strides = array<i32>} : memref<32x128xf32, #tpu.memory_space<vmem>>, vector<16xf32>,
    tpu.vector_store %arg10[%swap3A_245, %swap3A_246], %add3A_243 {strides = array<i32>} : memref<32x128xf32, #tpu.memory_space<vmem>>, vector<16xf32>,
    %get3A_248 = arith.constant 3 : i32
    %get3A_249 = arith.index_cast %get3A_248 : i32 to index
    %get3A_250 = arith.constant 32 : index
    %get3A_251 = tpu.vector_load %arg9[%get3A_249, %get3A_250] {strides = array<i32>} : memref<64x128xf32, #tpu.memory_space<vmem>>, vector<16xf32>,
    %get3A_252 = arith.constant 4 : i32
    %get3A_253 = arith.index_cast %get3A_252 : i32 to index
    %get3A_254 = arith.constant 32 : index
    %get3A_255 = tpu.vector_load %arg9[%get3A_253, %get3A_254] {strides = array<i32>} : memref<64x128xf32, #tpu.memory_space<vmem>>, vector<16xf32>,
    %add3A_256 = arith.addf %get3A_251, %get3A_255 : vector<16xf32>
    %get3A_257 = arith.constant 5 : i32
    %get3A_258 = arith.index_cast %get3A_257 : i32 to index
    %get3A_259 = arith.constant 32 : index
    %get3A_260 = tpu.vector_load %arg9[%get3A_258, %get3A_259] {strides = array<i32>} : memref<64x128xf32, #tpu.memory_space<vmem>>, vector<16xf32>,
    %add3A_261 = arith.addf %add3A_256, %get3A_260 : vector<16xf32>
    %swap3A_262 = arith.constant 1 : i32
    %swap3A_263 = arith.index_cast %swap3A_262 : i32 to index
    %swap3A_264 = arith.constant 32 : index
    %swap3A_265 = tpu.vector_load %arg10[%swap3A_263, %swap3A_264] {strides = array<i32>} : memref<32x128xf32, #tpu.memory_space<vmem>>, vector<16xf32>,
    tpu.vector_store %arg10[%swap3A_263, %swap3A_264], %add3A_261 {strides = array<i32>} : memref<32x128xf32, #tpu.memory_space<vmem>>, vector<16xf32>,
    %get3A_266 = arith.constant 3 : i32
    %get3A_267 = arith.index_cast %get3A_266 : i32 to index
    %get3A_268 = arith.constant 48 : index
    %get3A_269 = tpu.vector_load %arg9[%get3A_267, %get3A_268] {strides = array<i32>} : memref<64x128xf32, #tpu.memory_space<vmem>>, vector<16xf32>,
    %get3A_270 = arith.constant 4 : i32
    %get3A_271 = arith.index_cast %get3A_270 : i32 to index
    %get3A_272 = arith.constant 48 : index
    %get3A_273 = tpu.vector_load %arg9[%get3A_271, %get3A_272] {strides = array<i32>} : memref<64x128xf32, #tpu.memory_space<vmem>>, vector<16xf32>,
    %add3A_274 = arith.addf %get3A_269, %get3A_273 : vector<16xf32>
    %get3A_275 = arith.constant 5 : i32
    %get3A_276 = arith.index_cast %get3A_275 : i32 to index
    %get3A_277 = arith.constant 48 : index
    %get3A_278 = tpu.vector_load %arg9[%get3A_276, %get3A_277] {strides = array<i32>} : memref<64x128xf32, #tpu.memory_space<vmem>>, vector<16xf32>,
    %add3A_279 = arith.addf %add3A_274, %get3A_278 : vector<16xf32>
    %swap3A_280 = arith.constant 1 : i32
    %swap3A_281 = arith.index_cast %swap3A_280 : i32 to index
    %swap3A_282 = arith.constant 48 : index
    %swap3A_283 = tpu.vector_load %arg10[%swap3A_281, %swap3A_282] {strides = array<i32>} : memref<32x128xf32, #tpu.memory_space<vmem>>, vector<16xf32>,
    tpu.vector_store %arg10[%swap3A_281, %swap3A_282], %add3A_279 {strides = array<i32>} : memref<32x128xf32, #tpu.memory_space<vmem>>, vector<16xf32>,
    %get3A_284 = arith.constant 3 : i32
    %get3A_285 = arith.index_cast %get3A_284 : i32 to index
    %get3A_286 = arith.constant 64 : index
    %get3A_287 = tpu.vector_load %arg9[%get3A_285, %get3A_286] {strides = array<i32>} : memref<64x128xf32, #tpu.memory_space<vmem>>, vector<16xf32>,
    %get3A_288 = arith.constant 4 : i32
    %get3A_289 = arith.index_cast %get3A_288 : i32 to index
    %get3A_290 = arith.constant 64 : index
    %get3A_291 = tpu.vector_load %arg9[%get3A_289, %get3A_290] {strides = array<i32>} : memref<64x128xf32, #tpu.memory_space<vmem>>, vector<16xf32>,
    %add3A_292 = arith.addf %get3A_287, %get3A_291 : vector<16xf32>
    %get3A_293 = arith.constant 5 : i32
    %get3A_294 = arith.index_cast %get3A_293 : i32 to index
    %get3A_295 = arith.constant 64 : index
    %get3A_296 = tpu.vector_load %arg9[%get3A_294, %get3A_295] {strides = array<i32>} : memref<64x128xf32, #tpu.memory_space<vmem>>, vector<16xf32>,
    %add3A_297 = arith.addf %add3A_292, %get3A_296 : vector<16xf32>
    %swap3A_298 = arith.constant 1 : i32
    %swap3A_299 = arith.index_cast %swap3A_298 : i32 to index
    %swap3A_300 = arith.constant 64 : index
    %swap3A_301 = tpu.vector_load %arg10[%swap3A_299, %swap3A_300] {strides = array<i32>} : memref<32x128xf32, #tpu.memory_space<vmem>>, vector<16xf32>,
    tpu.vector_store %arg10[%swap3A_299, %swap3A_300], %add3A_297 {strides = array<i32>} : memref<32x128xf32, #tpu.memory_space<vmem>>, vector<16xf32>,
    %get3A_302 = arith.constant 3 : i32
    %get3A_303 = arith.index_cast %get3A_302 : i32 to index
    %get3A_304 = arith.constant 80 : index
    %get3A_305 = tpu.vector_load %arg9[%get3A_303, %get3A_304] {strides = array<i32>} : memref<64x128xf32, #tpu.memory_space<vmem>>, vector<16xf32>,
    %get3A_306 = arith.constant 4 : i32
    %get3A_307 = arith.index_cast %get3A_306 : i32 to index
    %get3A_308 = arith.constant 80 : index
    %get3A_309 = tpu.vector_load %arg9[%get3A_307, %get3A_308] {strides = array<i32>} : memref<64x128xf32, #tpu.memory_space<vmem>>, vector<16xf32>,
    %add3A_310 = arith.addf %get3A_305, %get3A_309 : vector<16xf32>
    %get3A_311 = arith.constant 5 : i32
    %get3A_312 = arith.index_cast %get3A_311 : i32 to index
    %get3A_313 = arith.constant 80 : index
    %get3A_314 = tpu.vector_load %arg9[%get3A_312, %get3A_313] {strides = array<i32>} : memref<64x128xf32, #tpu.memory_space<vmem>>, vector<16xf32>,
    %add3A_315 = arith.addf %add3A_310, %get3A_314 : vector<16xf32>
    %swap3A_316 = arith.constant 1 : i32
    %swap3A_317 = arith.index_cast %swap3A_316 : i32 to index
    %swap3A_318 = arith.constant 80 : index
    %swap3A_319 = tpu.vector_load %arg10[%swap3A_317, %swap3A_318] {strides = array<i32>} : memref<32x128xf32, #tpu.memory_space<vmem>>, vector<16xf32>,
    tpu.vector_store %arg10[%swap3A_317, %swap3A_318], %add3A_315 {strides = array<i32>} : memref<32x128xf32, #tpu.memory_space<vmem>>, vector<16xf32>,
    %get3A_320 = arith.constant 3 : i32
    %get3A_321 = arith.index_cast %get3A_320 : i32 to index
    %get3A_322 = arith.constant 96 : index
    %get3A_323 = tpu.vector_load %arg9[%get3A_321, %get3A_322] {strides = array<i32>} : memref<64x128xf32, #tpu.memory_space<vmem>>, vector<16xf32>,
    %get3A_324 = arith.constant 4 : i32
    %get3A_325 = arith.index_cast %get3A_324 : i32 to index
    %get3A_326 = arith.constant 96 : index
    %get3A_327 = tpu.vector_load %arg9[%get3A_325, %get3A_326] {strides = array<i32>} : memref<64x128xf32, #tpu.memory_space<vmem>>, vector<16xf32>,
    %add3A_328 = arith.addf %get3A_323, %get3A_327 : vector<16xf32>
    %get3A_329 = arith.constant 5 : i32
    %get3A_330 = arith.index_cast %get3A_329 : i32 to index
    %get3A_331 = arith.constant 96 : index
    %get3A_332 = tpu.vector_load %arg9[%get3A_330, %get3A_331] {strides = array<i32>} : memref<64x128xf32, #tpu.memory_space<vmem>>, vector<16xf32>,
    %add3A_333 = arith.addf %add3A_328, %get3A_332 : vector<16xf32>
    %swap3A_334 = arith.constant 1 : i32
    %swap3A_335 = arith.index_cast %swap3A_334 : i32 to index
    %swap3A_336 = arith.constant 96 : index
    %swap3A_337 = tpu.vector_load %arg10[%swap3A_335, %swap3A_336] {strides = array<i32>} : memref<32x128xf32, #tpu.memory_space<vmem>>, vector<16xf32>,
    tpu.vector_store %arg10[%swap3A_335, %swap3A_336], %add3A_333 {strides = array<i32>} : memref<32x128xf32, #tpu.memory_space<vmem>>, vector<16xf32>,
    %get3A_338 = arith.constant 3 : i32
    %get3A_339 = arith.index_cast %get3A_338 : i32 to index
    %get3A_340 = arith.constant 112 : index
    %get3A_341 = tpu.vector_load %arg9[%get3A_339, %get3A_340] {strides = array<i32>} : memref<64x128xf32, #tpu.memory_space<vmem>>, vector<16xf32>,
    %get3A_342 = arith.constant 4 : i32
    %get3A_343 = arith.index_cast %get3A_342 : i32 to index
    %get3A_344 = arith.constant 112 : index
    %get3A_345 = tpu.vector_load %arg9[%get3A_343, %get3A_344] {strides = array<i32>} : memref<64x128xf32, #tpu.memory_space<vmem>>, vector<16xf32>,
    %add3A_346 = arith.addf %get3A_341, %get3A_345 : vector<16xf32>
    %get3A_347 = arith.constant 5 : i32
    %get3A_348 = arith.index_cast %get3A_347 : i32 to index
    %get3A_349 = arith.constant 112 : index
    %get3A_350 = tpu.vector_load %arg9[%get3A_348, %get3A_349] {strides = array<i32>} : memref<64x128xf32, #tpu.memory_space<vmem>>, vector<16xf32>,
    %add3A_351 = arith.addf %add3A_346, %get3A_350 : vector<16xf32>
    %swap3A_352 = arith.constant 1 : i32
    %swap3A_353 = arith.index_cast %swap3A_352 : i32 to index
    %swap3A_354 = arith.constant 112 : index
    %swap3A_355 = tpu.vector_load %arg10[%swap3A_353, %swap3A_354] {strides = array<i32>} : memref<32x128xf32, #tpu.memory_space<vmem>>, vector<16xf32>,
    tpu.vector_store %arg10[%swap3A_353, %swap3A_354], %add3A_351 {strides = array<i32>} : memref<32x128xf32, #tpu.memory_space<vmem>>, vector<16xf32>,
    %get3A_356 = arith.constant 6 : i32
    %get3A_357 = arith.index_cast %get3A_356 : i32 to index
    %get3A_358 = arith.constant 0 : index
    %get3A_359 = tpu.vector_load %arg9[%get3A_357, %get3A_358] {strides = array<i32>} : memref<64x128xf32, #tpu.memory_space<vmem>>, vector<16xf32>,
    %get3A_360 = arith.constant 7 : i32
    %get3A_361 = arith.index_cast %get3A_360 : i32 to index
    %get3A_362 = arith.constant 0 : index
    %get3A_363 = tpu.vector_load %arg9[%get3A_361, %get3A_362] {strides = array<i32>} : memref<64x128xf32, #tpu.memory_space<vmem>>, vector<16xf32>,
    %add3A_364 = arith.addf %get3A_359, %get3A_363 : vector<16xf32>
    %get3A_365 = arith.constant 8 : i32
    %get3A_366 = arith.index_cast %get3A_365 : i32 to index
    %get3A_367 = arith.constant 0 : index
    %get3A_368 = tpu.vector_load %arg9[%get3A_366, %get3A_367] {strides = array<i32>} : memref<64x128xf32, #tpu.memory_space<vmem>>, vector<16xf32>,
    %add3A_369 = arith.addf %add3A_364, %get3A_368 : vector<16xf32>
    %swap3A_370 = arith.constant 2 : i32
    %swap3A_371 = arith.index_cast %swap3A_370 : i32 to index
    %swap3A_372 = arith.constant 0 : index
    %swap3A_373 = tpu.vector_load %arg10[%swap3A_371, %swap3A_372] {strides = array<i32>} : memref<32x128xf32, #tpu.memory_space<vmem>>, vector<16xf32>,
    tpu.vector_store %arg10[%swap3A_371, %swap3A_372], %add3A_369 {strides = array<i32>} : memref<32x128xf32, #tpu.memory_space<vmem>>, vector<16xf32>,
    %get3A_374 = arith.constant 6 : i32
    %get3A_375 = arith.index_cast %get3A_374 : i32 to index
    %get3A_376 = arith.constant 16 : index
    %get3A_377 = tpu.vector_load %arg9[%get3A_375, %get3A_376] {strides = array<i32>} : memref<64x128xf32, #tpu.memory_space<vmem>>, vector<16xf32>,
    %get3A_378 = arith.constant 7 : i32
    %get3A_379 = arith.index_cast %get3A_378 : i32 to index
    %get3A_380 = arith.constant 16 : index
    %get3A_381 = tpu.vector_load %arg9[%get3A_379, %get3A_380] {strides = array<i32>} : memref<64x128xf32, #tpu.memory_space<vmem>>, vector<16xf32>,
    %add3A_382 = arith.addf %get3A_377, %get3A_381 : vector<16xf32>
    %get3A_383 = arith.constant 8 : i32
    %get3A_384 = arith.index_cast %get3A_383 : i32 to index
    %get3A_385 = arith.constant 16 : index
    %get3A_386 = tpu.vector_load %arg9[%get3A_384, %get3A_385] {strides = array<i32>} : memref<64x128xf32, #tpu.memory_space<vmem>>, vector<16xf32>,
    %add3A_387 = arith.addf %add3A_382, %get3A_386 : vector<16xf32>
    %swap3A_388 = arith.constant 2 : i32
    %swap3A_389 = arith.index_cast %swap3A_388 : i32 to index
    %swap3A_390 = arith.constant 16 : index
    %swap3A_391 = tpu.vector_load %arg10[%swap3A_389, %swap3A_390] {strides = array<i32>} : memref<32x128xf32, #tpu.memory_space<vmem>>, vector<16xf32>,
    tpu.vector_store %arg10[%swap3A_389, %swap3A_390], %add3A_387 {strides = array<i32>} : memref<32x128xf32, #tpu.memory_space<vmem>>, vector<16xf32>,
    %get3A_392 = arith.constant 6 : i32
    %get3A_393 = arith.index_cast %get3A_392 : i32 to index
    %get3A_394 = arith.constant 32 : index
    %get3A_395 = tpu.vector_load %arg9[%get3A_393, %get3A_394] {strides = array<i32>} : memref<64x128xf32, #tpu.memory_space<vmem>>, vector<16xf32>,
    %get3A_396 = arith.constant 7 : i32
    %get3A_397 = arith.index_cast %get3A_396 : i32 to index
    %get3A_398 = arith.constant 32 : index
    %get3A_399 = tpu.vector_load %arg9[%get3A_397, %get3A_398] {strides = array<i32>} : memref<64x128xf32, #tpu.memory_space<vmem>>, vector<16xf32>,
    %add3A_400 = arith.addf %get3A_395, %get3A_399 : vector<16xf32>
    %get3A_401 = arith.constant 8 : i32
    %get3A_402 = arith.index_cast %get3A_401 : i32 to index
    %get3A_403 = arith.constant 32 : index
    %get3A_404 = tpu.vector_load %arg9[%get3A_402, %get3A_403] {strides = array<i32>} : memref<64x128xf32, #tpu.memory_space<vmem>>, vector<16xf32>,
    %add3A_405 = arith.addf %add3A_400, %get3A_404 : vector<16xf32>
    %swap3A_406 = arith.constant 2 : i32
    %swap3A_407 = arith.index_cast %swap3A_406 : i32 to index
    %swap3A_408 = arith.constant 32 : index
    %swap3A_409 = tpu.vector_load %arg10[%swap3A_407, %swap3A_408] {strides = array<i32>} : memref<32x128xf32, #tpu.memory_space<vmem>>, vector<16xf32>,
    tpu.vector_store %arg10[%swap3A_407, %swap3A_408], %add3A_405 {strides = array<i32>} : memref<32x128xf32, #tpu.memory_space<vmem>>, vector<16xf32>,
    %get3A_410 = arith.constant 6 : i32
    %get3A_411 = arith.index_cast %get3A_410 : i32 to index
    %get3A_412 = arith.constant 48 : index
    %get3A_413 = tpu.vector_load %arg9[%get3A_411, %get3A_412] {strides = array<i32>} : memref<64x128xf32, #tpu.memory_space<vmem>>, vector<16xf32>,
    %get3A_414 = arith.constant 7 : i32
    %get3A_415 = arith.index_cast %get3A_414 : i32 to index
    %get3A_416 = arith.constant 48 : index
    %get3A_417 = tpu.vector_load %arg9[%get3A_415, %get3A_416] {strides = array<i32>} : memref<64x128xf32, #tpu.memory_space<vmem>>, vector<16xf32>,
    %add3A_418 = arith.addf %get3A_413, %get3A_417 : vector<16xf32>
    %get3A_419 = arith.constant 8 : i32
    %get3A_420 = arith.index_cast %get3A_419 : i32 to index
    %get3A_421 = arith.constant 48 : index
    %get3A_422 = tpu.vector_load %arg9[%get3A_420, %get3A_421] {strides = array<i32>} : memref<64x128xf32, #tpu.memory_space<vmem>>, vector<16xf32>,
    %add3A_423 = arith.addf %add3A_418, %get3A_422 : vector<16xf32>
    %swap3A_424 = arith.constant 2 : i32
    %swap3A_425 = arith.index_cast %swap3A_424 : i32 to index
    %swap3A_426 = arith.constant 48 : index
    %swap3A_427 = tpu.vector_load %arg10[%swap3A_425, %swap3A_426] {strides = array<i32>} : memref<32x128xf32, #tpu.memory_space<vmem>>, vector<16xf32>,
    tpu.vector_store %arg10[%swap3A_425, %swap3A_426], %add3A_423 {strides = array<i32>} : memref<32x128xf32, #tpu.memory_space<vmem>>, vector<16xf32>,
    %get3A_428 = arith.constant 6 : i32
    %get3A_429 = arith.index_cast %get3A_428 : i32 to index
    %get3A_430 = arith.constant 64 : index
    %get3A_431 = tpu.vector_load %arg9[%get3A_429, %get3A_430] {strides = array<i32>} : memref<64x128xf32, #tpu.memory_space<vmem>>, vector<16xf32>,
    %get3A_432 = arith.constant 7 : i32
    %get3A_433 = arith.index_cast %get3A_432 : i32 to index
    %get3A_434 = arith.constant 64 : index
    %get3A_435 = tpu.vector_load %arg9[%get3A_433, %get3A_434] {strides = array<i32>} : memref<64x128xf32, #tpu.memory_space<vmem>>, vector<16xf32>,
    %add3A_436 = arith.addf %get3A_431, %get3A_435 : vector<16xf32>
    %get3A_437 = arith.constant 8 : i32
    %get3A_438 = arith.index_cast %get3A_437 : i32 to index
    %get3A_439 = arith.constant 64 : index
    %get3A_440 = tpu.vector_load %arg9[%get3A_438, %get3A_439] {strides = array<i32>} : memref<64x128xf32, #tpu.memory_space<vmem>>, vector<16xf32>,
    %add3A_441 = arith.addf %add3A_436, %get3A_440 : vector<16xf32>
    %swap3A_442 = arith.constant 2 : i32
    %swap3A_443 = arith.index_cast %swap3A_442 : i32 to index
    %swap3A_444 = arith.constant 64 : index
    %swap3A_445 = tpu.vector_load %arg10[%swap3A_443, %swap3A_444] {strides = array<i32>} : memref<32x128xf32, #tpu.memory_space<vmem>>, vector<16xf32>,
    tpu.vector_store %arg10[%swap3A_443, %swap3A_444], %add3A_441 {strides = array<i32>} : memref<32x128xf32, #tpu.memory_space<vmem>>, vector<16xf32>,
    %get3A_446 = arith.constant 6 : i32
    %get3A_447 = arith.index_cast %get3A_446 : i32 to index
    %get3A_448 = arith.constant 80 : index
    %get3A_449 = tpu.vector_load %arg9[%get3A_447, %get3A_448] {strides = array<i32>} : memref<64x128xf32, #tpu.memory_space<vmem>>, vector<16xf32>,
    %get3A_450 = arith.constant 7 : i32
    %get3A_451 = arith.index_cast %get3A_450 : i32 to index
    %get3A_452 = arith.constant 80 : index
    %get3A_453 = tpu.vector_load %arg9[%get3A_451, %get3A_452] {strides = array<i32>} : memref<64x128xf32, #tpu.memory_space<vmem>>, vector<16xf32>,
    %add3A_454 = arith.addf %get3A_449, %get3A_453 : vector<16xf32>
    %get3A_455 = arith.constant 8 : i32
    %get3A_456 = arith.index_cast %get3A_455 : i32 to index
    %get3A_457 = arith.constant 80 : index
    %get3A_458 = tpu.vector_load %arg9[%get3A_456, %get3A_457] {strides = array<i32>} : memref<64x128xf32, #tpu.memory_space<vmem>>, vector<16xf32>,
    %add3A_459 = arith.addf %add3A_454, %get3A_458 : vector<16xf32>
    %swap3A_460 = arith.constant 2 : i32
    %swap3A_461 = arith.index_cast %swap3A_460 : i32 to index
    %swap3A_462 = arith.constant 80 : index
    %swap3A_463 = tpu.vector_load %arg10[%swap3A_461, %swap3A_462] {strides = array<i32>} : memref<32x128xf32, #tpu.memory_space<vmem>>, vector<16xf32>,
    tpu.vector_store %arg10[%swap3A_461, %swap3A_462], %add3A_459 {strides = array<i32>} : memref<32x128xf32, #tpu.memory_space<vmem>>, vector<16xf32>,
    %get3A_464 = arith.constant 6 : i32
    %get3A_465 = arith.index_cast %get3A_464 : i32 to index
    %get3A_466 = arith.constant 96 : index
    %get3A_467 = tpu.vector_load %arg9[%get3A_465, %get3A_466] {strides = array<i32>} : memref<64x128xf32, #tpu.memory_space<vmem>>, vector<16xf32>,
    %get3A_468 = arith.constant 7 : i32
    %get3A_469 = arith.index_cast %get3A_468 : i32 to index
    %get3A_470 = arith.constant 96 : index
    %get3A_471 = tpu.vector_load %arg9[%get3A_469, %get3A_470] {strides = array<i32>} : memref<64x128xf32, #tpu.memory_space<vmem>>, vector<16xf32>,
    %add3A_472 = arith.addf %get3A_467, %get3A_471 : vector<16xf32>
    %get3A_473 = arith.constant 8 : i32
    %get3A_474 = arith.index_cast %get3A_473 : i32 to index
    %get3A_475 = arith.constant 96 : index
    %get3A_476 = tpu.vector_load %arg9[%get3A_474, %get3A_475] {strides = array<i32>} : memref<64x128xf32, #tpu.memory_space<vmem>>, vector<16xf32>,
    %add3A_477 = arith.addf %add3A_472, %get3A_476 : vector<16xf32>
    %swap3A_478 = arith.constant 2 : i32
    %swap3A_479 = arith.index_cast %swap3A_478 : i32 to index
    %swap3A_480 = arith.constant 96 : index
    %swap3A_481 = tpu.vector_load %arg10[%swap3A_479, %swap3A_480] {strides = array<i32>} : memref<32x128xf32, #tpu.memory_space<vmem>>, vector<16xf32>,
    tpu.vector_store %arg10[%swap3A_479, %swap3A_480], %add3A_477 {strides = array<i32>} : memref<32x128xf32, #tpu.memory_space<vmem>>, vector<16xf32>,
    %get3A_482 = arith.constant 6 : i32
    %get3A_483 = arith.index_cast %get3A_482 : i32 to index
    %get3A_484 = arith.constant 112 : index
    %get3A_485 = tpu.vector_load %arg9[%get3A_483, %get3A_484] {strides = array<i32>} : memref<64x128xf32, #tpu.memory_space<vmem>>, vector<16xf32>,
    %get3A_486 = arith.constant 7 : i32
    %get3A_487 = arith.index_cast %get3A_486 : i32 to index
    %get3A_488 = arith.constant 112 : index
    %get3A_489 = tpu.vector_load %arg9[%get3A_487, %get3A_488] {strides = array<i32>} : memref<64x128xf32, #tpu.memory_space<vmem>>, vector<16xf32>,
    %add3A_490 = arith.addf %get3A_485, %get3A_489 : vector<16xf32>
    %get3A_491 = arith.constant 8 : i32
    %get3A_492 = arith.index_cast %get3A_491 : i32 to index
    %get3A_493 = arith.constant 112 : index
    %get3A_494 = tpu.vector_load %arg9[%get3A_492, %get3A_493] {strides = array<i32>} : memref<64x128xf32, #tpu.memory_space<vmem>>, vector<16xf32>,
    %add3A_495 = arith.addf %add3A_490, %get3A_494 : vector<16xf32>
    %swap3A_496 = arith.constant 2 : i32
    %swap3A_497 = arith.index_cast %swap3A_496 : i32 to index
    %swap3A_498 = arith.constant 112 : index
    %swap3A_499 = tpu.vector_load %arg10[%swap3A_497, %swap3A_498] {strides = array<i32>} : memref<32x128xf32, #tpu.memory_space<vmem>>, vector<16xf32>,
    tpu.vector_store %arg10[%swap3A_497, %swap3A_498], %add3A_495 {strides = array<i32>} : memref<32x128xf32, #tpu.memory_space<vmem>>, vector<16xf32>,
    %get3A_500 = arith.constant 9 : i32
    %get3A_501 = arith.index_cast %get3A_500 : i32 to index
    %get3A_502 = arith.constant 0 : index
    %get3A_503 = tpu.vector_load %arg9[%get3A_501, %get3A_502] {strides = array<i32>} : memref<64x128xf32, #tpu.memory_space<vmem>>, vector<16xf32>,
    %get3A_504 = arith.constant 10 : i32
    %get3A_505 = arith.index_cast %get3A_504 : i32 to index
    %get3A_506 = arith.constant 0 : index
    %get3A_507 = tpu.vector_load %arg9[%get3A_505, %get3A_506] {strides = array<i32>} : memref<64x128xf32, #tpu.memory_space<vmem>>, vector<16xf32>,
    %add3A_508 = arith.addf %get3A_503, %get3A_507 : vector<16xf32>
    %get3A_509 = arith.constant 11 : i32
    %get3A_510 = arith.index_cast %get3A_509 : i32 to index
    %get3A_511 = arith.constant 0 : index
    %get3A_512 = tpu.vector_load %arg9[%get3A_510, %get3A_511] {strides = array<i32>} : memref<64x128xf32, #tpu.memory_space<vmem>>, vector<16xf32>,
    %add3A_513 = arith.addf %add3A_508, %get3A_512 : vector<16xf32>
    %swap3A_514 = arith.constant 3 : i32
    %swap3A_515 = arith.index_cast %swap3A_514 : i32 to index
    %swap3A_516 = arith.constant 0 : index
    %swap3A_517 = tpu.vector_load %arg10[%swap3A_515, %swap3A_516] {strides = array<i32>} : memref<32x128xf32, #tpu.memory_space<vmem>>, vector<16xf32>,
    tpu.vector_store %arg10[%swap3A_515, %swap3A_516], %add3A_513 {strides = array<i32>} : memref<32x128xf32, #tpu.memory_space<vmem>>, vector<16xf32>,
    %get3A_518 = arith.constant 9 : i32
    %get3A_519 = arith.index_cast %get3A_518 : i32 to index
    %get3A_520 = arith.constant 16 : index
    %get3A_521 = tpu.vector_load %arg9[%get3A_519, %get3A_520] {strides = array<i32>} : memref<64x128xf32, #tpu.memory_space<vmem>>, vector<16xf32>,
    %get3A_522 = arith.constant 10 : i32
    %get3A_523 = arith.index_cast %get3A_522 : i32 to index
    %get3A_524 = arith.constant 16 : index
    %get3A_525 = tpu.vector_load %arg9[%get3A_523, %get3A_524] {strides = array<i32>} : memref<64x128xf32, #tpu.memory_space<vmem>>, vector<16xf32>,
    %add3A_526 = arith.addf %get3A_521, %get3A_525 : vector<16xf32>
    %get3A_527 = arith.constant 11 : i32
    %get3A_528 = arith.index_cast %get3A_527 : i32 to index
    %get3A_529 = arith.constant 16 : index
    %get3A_530 = tpu.vector_load %arg9[%get3A_528, %get3A_529] {strides = array<i32>} : memref<64x128xf32, #tpu.memory_space<vmem>>, vector<16xf32>,
    %add3A_531 = arith.addf %add3A_526, %get3A_530 : vector<16xf32>
    %swap3A_532 = arith.constant 3 : i32
    %swap3A_533 = arith.index_cast %swap3A_532 : i32 to index
    %swap3A_534 = arith.constant 16 : index
    %swap3A_535 = tpu.vector_load %arg10[%swap3A_533, %swap3A_534] {strides = array<i32>} : memref<32x128xf32, #tpu.memory_space<vmem>>, vector<16xf32>,
    tpu.vector_store %arg10[%swap3A_533, %swap3A_534], %add3A_531 {strides = array<i32>} : memref<32x128xf32, #tpu.memory_space<vmem>>, vector<16xf32>,
    %get3A_536 = arith.constant 9 : i32
    %get3A_537 = arith.index_cast %get3A_536 : i32 to index
    %get3A_538 = arith.constant 32 : index
    %get3A_539 = tpu.vector_load %arg9[%get3A_537, %get3A_538] {strides = array<i32>} : memref<64x128xf32, #tpu.memory_space<vmem>>, vector<16xf32>,
    %get3A_540 = arith.constant 10 : i32
    %get3A_541 = arith.index_cast %get3A_540 : i32 to index
    %get3A_542 = arith.constant 32 : index
    %get3A_543 = tpu.vector_load %arg9[%get3A_541, %get3A_542] {strides = array<i32>} : memref<64x128xf32, #tpu.memory_space<vmem>>, vector<16xf32>,
    %add3A_544 = arith.addf %get3A_539, %get3A_543 : vector<16xf32>
    %get3A_545 = arith.constant 11 : i32
    %get3A_546 = arith.index_cast %get3A_545 : i32 to index
    %get3A_547 = arith.constant 32 : index
    %get3A_548 = tpu.vector_load %arg9[%get3A_546, %get3A_547] {strides = array<i32>} : memref<64x128xf32, #tpu.memory_space<vmem>>, vector<16xf32>,
    %add3A_549 = arith.addf %add3A_544, %get3A_548 : vector<16xf32>
    %swap3A_550 = arith.constant 3 : i32
    %swap3A_551 = arith.index_cast %swap3A_550 : i32 to index
    %swap3A_552 = arith.constant 32 : index
    %swap3A_553 = tpu.vector_load %arg10[%swap3A_551, %swap3A_552] {strides = array<i32>} : memref<32x128xf32, #tpu.memory_space<vmem>>, vector<16xf32>,
    tpu.vector_store %arg10[%swap3A_551, %swap3A_552], %add3A_549 {strides = array<i32>} : memref<32x128xf32, #tpu.memory_space<vmem>>, vector<16xf32>,
    %get3A_554 = arith.constant 9 : i32
    %get3A_555 = arith.index_cast %get3A_554 : i32 to index
    %get3A_556 = arith.constant 48 : index
    %get3A_557 = tpu.vector_load %arg9[%get3A_555, %get3A_556] {strides = array<i32>} : memref<64x128xf32, #tpu.memory_space<vmem>>, vector<16xf32>,
    %get3A_558 = arith.constant 10 : i32
    %get3A_559 = arith.index_cast %get3A_558 : i32 to index
    %get3A_560 = arith.constant 48 : index
    %get3A_561 = tpu.vector_load %arg9[%get3A_559, %get3A_560] {strides = array<i32>} : memref<64x128xf32, #tpu.memory_space<vmem>>, vector<16xf32>,
    %add3A_562 = arith.addf %get3A_557, %get3A_561 : vector<16xf32>
    %get3A_563 = arith.constant 11 : i32
    %get3A_564 = arith.index_cast %get3A_563 : i32 to index
    %get3A_565 = arith.constant 48 : index
    %get3A_566 = tpu.vector_load %arg9[%get3A_564, %get3A_565] {strides = array<i32>} : memref<64x128xf32, #tpu.memory_space<vmem>>, vector<16xf32>,
    %add3A_567 = arith.addf %add3A_562, %get3A_566 : vector<16xf32>
    %swap3A_568 = arith.constant 3 : i32
    %swap3A_569 = arith.index_cast %swap3A_568 : i32 to index
    %swap3A_570 = arith.constant 48 : index
    %swap3A_571 = tpu.vector_load %arg10[%swap3A_569, %swap3A_570] {strides = array<i32>} : memref<32x128xf32, #tpu.memory_space<vmem>>, vector<16xf32>,
    tpu.vector_store %arg10[%swap3A_569, %swap3A_570], %add3A_567 {strides = array<i32>} : memref<32x128xf32, #tpu.memory_space<vmem>>, vector<16xf32>,
    %get3A_572 = arith.constant 9 : i32
    %get3A_573 = arith.index_cast %get3A_572 : i32 to index
    %get3A_574 = arith.constant 64 : index
    %get3A_575 = tpu.vector_load %arg9[%get3A_573, %get3A_574] {strides = array<i32>} : memref<64x128xf32, #tpu.memory_space<vmem>>, vector<16xf32>,
    %get3A_576 = arith.constant 10 : i32
    %get3A_577 = arith.index_cast %get3A_576 : i32 to index
    %get3A_578 = arith.constant 64 : index
    %get3A_579 = tpu.vector_load %arg9[%get3A_577, %get3A_578] {strides = array<i32>} : memref<64x128xf32, #tpu.memory_space<vmem>>, vector<16xf32>,
    %add3A_580 = arith.addf %get3A_575, %get3A_579 : vector<16xf32>
    %get3A_581 = arith.constant 11 : i32
    %get3A_582 = arith.index_cast %get3A_581 : i32 to index
    %get3A_583 = arith.constant 64 : index
    %get3A_584 = tpu.vector_load %arg9[%get3A_582, %get3A_583] {strides = array<i32>} : memref<64x128xf32, #tpu.memory_space<vmem>>, vector<16xf32>,
    %add3A_585 = arith.addf %add3A_580, %get3A_584 : vector<16xf32>
    %swap3A_586 = arith.constant 3 : i32
    %swap3A_587 = arith.index_cast %swap3A_586 : i32 to index
    %swap3A_588 = arith.constant 64 : index
    %swap3A_589 = tpu.vector_load %arg10[%swap3A_587, %swap3A_588] {strides = array<i32>} : memref<32x128xf32, #tpu.memory_space<vmem>>, vector<16xf32>,
    tpu.vector_store %arg10[%swap3A_587, %swap3A_588], %add3A_585 {strides = array<i32>} : memref<32x128xf32, #tpu.memory_space<vmem>>, vector<16xf32>,
    %get3A_590 = arith.constant 9 : i32
    %get3A_591 = arith.index_cast %get3A_590 : i32 to index
    %get3A_592 = arith.constant 80 : index
    %get3A_593 = tpu.vector_load %arg9[%get3A_591, %get3A_592] {strides = array<i32>} : memref<64x128xf32, #tpu.memory_space<vmem>>, vector<16xf32>,
    %get3A_594 = arith.constant 10 : i32
    %get3A_595 = arith.index_cast %get3A_594 : i32 to index
    %get3A_596 = arith.constant 80 : index
    %get3A_597 = tpu.vector_load %arg9[%get3A_595, %get3A_596] {strides = array<i32>} : memref<64x128xf32, #tpu.memory_space<vmem>>, vector<16xf32>,
    %add3A_598 = arith.addf %get3A_593, %get3A_597 : vector<16xf32>
    %get3A_599 = arith.constant 11 : i32
    %get3A_600 = arith.index_cast %get3A_599 : i32 to index
    %get3A_601 = arith.constant 80 : index
    %get3A_602 = tpu.vector_load %arg9[%get3A_600, %get3A_601] {strides = array<i32>} : memref<64x128xf32, #tpu.memory_space<vmem>>, vector<16xf32>,
    %add3A_603 = arith.addf %add3A_598, %get3A_602 : vector<16xf32>
    %swap3A_604 = arith.constant 3 : i32
    %swap3A_605 = arith.index_cast %swap3A_604 : i32 to index
    %swap3A_606 = arith.constant 80 : index
    %swap3A_607 = tpu.vector_load %arg10[%swap3A_605, %swap3A_606] {strides = array<i32>} : memref<32x128xf32, #tpu.memory_space<vmem>>, vector<16xf32>,
    tpu.vector_store %arg10[%swap3A_605, %swap3A_606], %add3A_603 {strides = array<i32>} : memref<32x128xf32, #tpu.memory_space<vmem>>, vector<16xf32>,
    %get3A_608 = arith.constant 9 : i32
    %get3A_609 = arith.index_cast %get3A_608 : i32 to index
    %get3A_610 = arith.constant 96 : index
    %get3A_611 = tpu.vector_load %arg9[%get3A_609, %get3A_610] {strides = array<i32>} : memref<64x128xf32, #tpu.memory_space<vmem>>, vector<16xf32>,
    %get3A_612 = arith.constant 10 : i32
    %get3A_613 = arith.index_cast %get3A_612 : i32 to index
    %get3A_614 = arith.constant 96 : index
    %get3A_615 = tpu.vector_load %arg9[%get3A_613, %get3A_614] {strides = array<i32>} : memref<64x128xf32, #tpu.memory_space<vmem>>, vector<16xf32>,
    %add3A_616 = arith.addf %get3A_611, %get3A_615 : vector<16xf32>
    %get3A_617 = arith.constant 11 : i32
    %get3A_618 = arith.index_cast %get3A_617 : i32 to index
    %get3A_619 = arith.constant 96 : index
    %get3A_620 = tpu.vector_load %arg9[%get3A_618, %get3A_619] {strides = array<i32>} : memref<64x128xf32, #tpu.memory_space<vmem>>, vector<16xf32>,
    %add3A_621 = arith.addf %add3A_616, %get3A_620 : vector<16xf32>
    %swap3A_622 = arith.constant 3 : i32
    %swap3A_623 = arith.index_cast %swap3A_622 : i32 to index
    %swap3A_624 = arith.constant 96 : index
    %swap3A_625 = tpu.vector_load %arg10[%swap3A_623, %swap3A_624] {strides = array<i32>} : memref<32x128xf32, #tpu.memory_space<vmem>>, vector<16xf32>,
    tpu.vector_store %arg10[%swap3A_623, %swap3A_624], %add3A_621 {strides = array<i32>} : memref<32x128xf32, #tpu.memory_space<vmem>>, vector<16xf32>,
    %get3A_626 = arith.constant 9 : i32
    %get3A_627 = arith.index_cast %get3A_626 : i32 to index
    %get3A_628 = arith.constant 112 : index
    %get3A_629 = tpu.vector_load %arg9[%get3A_627, %get3A_628] {strides = array<i32>} : memref<64x128xf32, #tpu.memory_space<vmem>>, vector<16xf32>,
    %get3A_630 = arith.constant 10 : i32
    %get3A_631 = arith.index_cast %get3A_630 : i32 to index
    %get3A_632 = arith.constant 112 : index
    %get3A_633 = tpu.vector_load %arg9[%get3A_631, %get3A_632] {strides = array<i32>} : memref<64x128xf32, #tpu.memory_space<vmem>>, vector<16xf32>,
    %add3A_634 = arith.addf %get3A_629, %get3A_633 : vector<16xf32>
    %get3A_635 = arith.constant 11 : i32
    %get3A_636 = arith.index_cast %get3A_635 : i32 to index
    %get3A_637 = arith.constant 112 : index
    %get3A_638 = tpu.vector_load %arg9[%get3A_636, %get3A_637] {strides = array<i32>} : memref<64x128xf32, #tpu.memory_space<vmem>>, vector<16xf32>,
    %add3A_639 = arith.addf %add3A_634, %get3A_638 : vector<16xf32>
    %swap3A_640 = arith.constant 3 : i32
    %swap3A_641 = arith.index_cast %swap3A_640 : i32 to index
    %swap3A_642 = arith.constant 112 : index
    %swap3A_643 = tpu.vector_load %arg10[%swap3A_641, %swap3A_642] {strides = array<i32>} : memref<32x128xf32, #tpu.memory_space<vmem>>, vector<16xf32>,
    tpu.vector_store %arg10[%swap3A_641, %swap3A_642], %add3A_639 {strides = array<i32>} : memref<32x128xf32, #tpu.memory_space<vmem>>, vector<16xf32>,
    %get3A_644 = arith.constant 12 : i32
    %get3A_645 = arith.index_cast %get3A_644 : i32 to index
    %get3A_646 = arith.constant 0 : index
    %get3A_647 = tpu.vector_load %arg9[%get3A_645, %get3A_646] {strides = array<i32>} : memref<64x128xf32, #tpu.memory_space<vmem>>, vector<16xf32>,
    %get3A_648 = arith.constant 13 : i32
    %get3A_649 = arith.index_cast %get3A_648 : i32 to index
    %get3A_650 = arith.constant 0 : index
    %get3A_651 = tpu.vector_load %arg9[%get3A_649, %get3A_650] {strides = array<i32>} : memref<64x128xf32, #tpu.memory_space<vmem>>, vector<16xf32>,
    %add3A_652 = arith.addf %get3A_647, %get3A_651 : vector<16xf32>
    %get3A_653 = arith.constant 14 : i32
    %get3A_654 = arith.index_cast %get3A_653 : i32 to index
    %get3A_655 = arith.constant 0 : index
    %get3A_656 = tpu.vector_load %arg9[%get3A_654, %get3A_655] {strides = array<i32>} : memref<64x128xf32, #tpu.memory_space<vmem>>, vector<16xf32>,
    %add3A_657 = arith.addf %add3A_652, %get3A_656 : vector<16xf32>
    %swap3A_658 = arith.constant 4 : i32
    %swap3A_659 = arith.index_cast %swap3A_658 : i32 to index
    %swap3A_660 = arith.constant 0 : index
    %swap3A_661 = tpu.vector_load %arg10[%swap3A_659, %swap3A_660] {strides = array<i32>} : memref<32x128xf32, #tpu.memory_space<vmem>>, vector<16xf32>,
    tpu.vector_store %arg10[%swap3A_659, %swap3A_660], %add3A_657 {strides = array<i32>} : memref<32x128xf32, #tpu.memory_space<vmem>>, vector<16xf32>,
    %get3A_662 = arith.constant 12 : i32
    %get3A_663 = arith.index_cast %get3A_662 : i32 to index
    %get3A_664 = arith.constant 16 : index
    %get3A_665 = tpu.vector_load %arg9[%get3A_663, %get3A_664] {strides = array<i32>} : memref<64x128xf32, #tpu.memory_space<vmem>>, vector<16xf32>,
    %get3A_666 = arith.constant 13 : i32
    %get3A_667 = arith.index_cast %get3A_666 : i32 to index
    %get3A_668 = arith.constant 16 : index
    %get3A_669 = tpu.vector_load %arg9[%get3A_667, %get3A_668] {strides = array<i32>} : memref<64x128xf32, #tpu.memory_space<vmem>>, vector<16xf32>,
    %add3A_670 = arith.addf %get3A_665, %get3A_669 : vector<16xf32>
    %get3A_671 = arith.constant 14 : i32
    %get3A_672 = arith.index_cast %get3A_671 : i32 to index
    %get3A_673 = arith.constant 16 : index
    %get3A_674 = tpu.vector_load %arg9[%get3A_672, %get3A_673] {strides = array<i32>} : memref<64x128xf32, #tpu.memory_space<vmem>>, vector<16xf32>,
    %add3A_675 = arith.addf %add3A_670, %get3A_674 : vector<16xf32>
    %swap3A_676 = arith.constant 4 : i32
    %swap3A_677 = arith.index_cast %swap3A_676 : i32 to index
    %swap3A_678 = arith.constant 16 : index
    %swap3A_679 = tpu.vector_load %arg10[%swap3A_677, %swap3A_678] {strides = array<i32>} : memref<32x128xf32, #tpu.memory_space<vmem>>, vector<16xf32>,
    tpu.vector_store %arg10[%swap3A_677, %swap3A_678], %add3A_675 {strides = array<i32>} : memref<32x128xf32, #tpu.memory_space<vmem>>, vector<16xf32>,
    %get3A_680 = arith.constant 12 : i32
    %get3A_681 = arith.index_cast %get3A_680 : i32 to index
    %get3A_682 = arith.constant 32 : index
    %get3A_683 = tpu.vector_load %arg9[%get3A_681, %get3A_682] {strides = array<i32>} : memref<64x128xf32, #tpu.memory_space<vmem>>, vector<16xf32>,
    %get3A_684 = arith.constant 13 : i32
    %get3A_685 = arith.index_cast %get3A_684 : i32 to index
    %get3A_686 = arith.constant 32 : index
    %get3A_687 = tpu.vector_load %arg9[%get3A_685, %get3A_686] {strides = array<i32>} : memref<64x128xf32, #tpu.memory_space<vmem>>, vector<16xf32>,
    %add3A_688 = arith.addf %get3A_683, %get3A_687 : vector<16xf32>
    %get3A_689 = arith.constant 14 : i32
    %get3A_690 = arith.index_cast %get3A_689 : i32 to index
    %get3A_691 = arith.constant 32 : index
    %get3A_692 = tpu.vector_load %arg9[%get3A_690, %get3A_691] {strides = array<i32>} : memref<64x128xf32, #tpu.memory_space<vmem>>, vector<16xf32>,
    %add3A_693 = arith.addf %add3A_688, %get3A_692 : vector<16xf32>
    %swap3A_694 = arith.constant 4 : i32
    %swap3A_695 = arith.index_cast %swap3A_694 : i32 to index
    %swap3A_696 = arith.constant 32 : index
    %swap3A_697 = tpu.vector_load %arg10[%swap3A_695, %swap3A_696] {strides = array<i32>} : memref<32x128xf32, #tpu.memory_space<vmem>>, vector<16xf32>,
    tpu.vector_store %arg10[%swap3A_695, %swap3A_696], %add3A_693 {strides = array<i32>} : memref<32x128xf32, #tpu.memory_space<vmem>>, vector<16xf32>,
    %get3A_698 = arith.constant 12 : i32
    %get3A_699 = arith.index_cast %get3A_698 : i32 to index
    %get3A_700 = arith.constant 48 : index
    %get3A_701 = tpu.vector_load %arg9[%get3A_699, %get3A_700] {strides = array<i32>} : memref<64x128xf32, #tpu.memory_space<vmem>>, vector<16xf32>,
    %get3A_702 = arith.constant 13 : i32
    %get3A_703 = arith.index_cast %get3A_702 : i32 to index
    %get3A_704 = arith.constant 48 : index
    %get3A_705 = tpu.vector_load %arg9[%get3A_703, %get3A_704] {strides = array<i32>} : memref<64x128xf32, #tpu.memory_space<vmem>>, vector<16xf32>,
    %add3A_706 = arith.addf %get3A_701, %get3A_705 : vector<16xf32>
    %get3A_707 = arith.constant 14 : i32
    %get3A_708 = arith.index_cast %get3A_707 : i32 to index
    %get3A_709 = arith.constant 48 : index
    %get3A_710 = tpu.vector_load %arg9[%get3A_708, %get3A_709] {strides = array<i32>} : memref<64x128xf32, #tpu.memory_space<vmem>>, vector<16xf32>,
    %add3A_711 = arith.addf %add3A_706, %get3A_710 : vector<16xf32>
    %swap3A_712 = arith.constant 4 : i32
    %swap3A_713 = arith.index_cast %swap3A_712 : i32 to index
    %swap3A_714 = arith.constant 48 : index
    %swap3A_715 = tpu.vector_load %arg10[%swap3A_713, %swap3A_714] {strides = array<i32>} : memref<32x128xf32, #tpu.memory_space<vmem>>, vector<16xf32>,
    tpu.vector_store %arg10[%swap3A_713, %swap3A_714], %add3A_711 {strides = array<i32>} : memref<32x128xf32, #tpu.memory_space<vmem>>, vector<16xf32>,
    %get3A_716 = arith.constant 12 : i32
    %get3A_717 = arith.index_cast %get3A_716 : i32 to index
    %get3A_718 = arith.constant 64 : index
    %get3A_719 = tpu.vector_load %arg9[%get3A_717, %get3A_718] {strides = array<i32>} : memref<64x128xf32, #tpu.memory_space<vmem>>, vector<16xf32>,
    %get3A_720 = arith.constant 13 : i32
    %get3A_721 = arith.index_cast %get3A_720 : i32 to index
    %get3A_722 = arith.constant 64 : index
    %get3A_723 = tpu.vector_load %arg9[%get3A_721, %get3A_722] {strides = array<i32>} : memref<64x128xf32, #tpu.memory_space<vmem>>, vector<16xf32>,
    %add3A_724 = arith.addf %get3A_719, %get3A_723 : vector<16xf32>
    %get3A_725 = arith.constant 14 : i32
    %get3A_726 = arith.index_cast %get3A_725 : i32 to index
    %get3A_727 = arith.constant 64 : index
    %get3A_728 = tpu.vector_load %arg9[%get3A_726, %get3A_727] {strides = array<i32>} : memref<64x128xf32, #tpu.memory_space<vmem>>, vector<16xf32>,
    %add3A_729 = arith.addf %add3A_724, %get3A_728 : vector<16xf32>
    %swap3A_730 = arith.constant 4 : i32
    %swap3A_731 = arith.index_cast %swap3A_730 : i32 to index
    %swap3A_732 = arith.constant 64 : index
    %swap3A_733 = tpu.vector_load %arg10[%swap3A_731, %swap3A_732] {strides = array<i32>} : memref<32x128xf32, #tpu.memory_space<vmem>>, vector<16xf32>,
    tpu.vector_store %arg10[%swap3A_731, %swap3A_732], %add3A_729 {strides = array<i32>} : memref<32x128xf32, #tpu.memory_space<vmem>>, vector<16xf32>,
    %get3A_734 = arith.constant 12 : i32
    %get3A_735 = arith.index_cast %get3A_734 : i32 to index
    %get3A_736 = arith.constant 80 : index
    %get3A_737 = tpu.vector_load %arg9[%get3A_735, %get3A_736] {strides = array<i32>} : memref<64x128xf32, #tpu.memory_space<vmem>>, vector<16xf32>,
    %get3A_738 = arith.constant 13 : i32
    %get3A_739 = arith.index_cast %get3A_738 : i32 to index
    %get3A_740 = arith.constant 80 : index
    %get3A_741 = tpu.vector_load %arg9[%get3A_739, %get3A_740] {strides = array<i32>} : memref<64x128xf32, #tpu.memory_space<vmem>>, vector<16xf32>,
    %add3A_742 = arith.addf %get3A_737, %get3A_741 : vector<16xf32>
    %get3A_743 = arith.constant 14 : i32
    %get3A_744 = arith.index_cast %get3A_743 : i32 to index
    %get3A_745 = arith.constant 80 : index
    %get3A_746 = tpu.vector_load %arg9[%get3A_744, %get3A_745] {strides = array<i32>} : memref<64x128xf32, #tpu.memory_space<vmem>>, vector<16xf32>,
    %add3A_747 = arith.addf %add3A_742, %get3A_746 : vector<16xf32>
    %swap3A_748 = arith.constant 4 : i32
    %swap3A_749 = arith.index_cast %swap3A_748 : i32 to index
    %swap3A_750 = arith.constant 80 : index
    %swap3A_751 = tpu.vector_load %arg10[%swap3A_749, %swap3A_750] {strides = array<i32>} : memref<32x128xf32, #tpu.memory_space<vmem>>, vector<16xf32>,
    tpu.vector_store %arg10[%swap3A_749, %swap3A_750], %add3A_747 {strides = array<i32>} : memref<32x128xf32, #tpu.memory_space<vmem>>, vector<16xf32>,
    %get3A_752 = arith.constant 12 : i32
    %get3A_753 = arith.index_cast %get3A_752 : i32 to index
    %get3A_754 = arith.constant 96 : index
    %get3A_755 = tpu.vector_load %arg9[%get3A_753, %get3A_754] {strides = array<i32>} : memref<64x128xf32, #tpu.memory_space<vmem>>, vector<16xf32>,
    %get3A_756 = arith.constant 13 : i32
    %get3A_757 = arith.index_cast %get3A_756 : i32 to index
    %get3A_758 = arith.constant 96 : index
    %get3A_759 = tpu.vector_load %arg9[%get3A_757, %get3A_758] {strides = array<i32>} : memref<64x128xf32, #tpu.memory_space<vmem>>, vector<16xf32>,
    %add3A_760 = arith.addf %get3A_755, %get3A_759 : vector<16xf32>
    %get3A_761 = arith.constant 14 : i32
    %get3A_762 = arith.index_cast %get3A_761 : i32 to index
    %get3A_763 = arith.constant 96 : index
    %get3A_764 = tpu.vector_load %arg9[%get3A_762, %get3A_763] {strides = array<i32>} : memref<64x128xf32, #tpu.memory_space<vmem>>, vector<16xf32>,
    %add3A_765 = arith.addf %add3A_760, %get3A_764 : vector<16xf32>
    %swap3A_766 = arith.constant 4 : i32
    %swap3A_767 = arith.index_cast %swap3A_766 : i32 to index
    %swap3A_768 = arith.constant 96 : index
    %swap3A_769 = tpu.vector_load %arg10[%swap3A_767, %swap3A_768] {strides = array<i32>} : memref<32x128xf32, #tpu.memory_space<vmem>>, vector<16xf32>,
    tpu.vector_store %arg10[%swap3A_767, %swap3A_768], %add3A_765 {strides = array<i32>} : memref<32x128xf32, #tpu.memory_space<vmem>>, vector<16xf32>,
    %get3A_770 = arith.constant 12 : i32
    %get3A_771 = arith.index_cast %get3A_770 : i32 to index
    %get3A_772 = arith.constant 112 : index
    %get3A_773 = tpu.vector_load %arg9[%get3A_771, %get3A_772] {strides = array<i32>} : memref<64x128xf32, #tpu.memory_space<vmem>>, vector<16xf32>,
    %get3A_774 = arith.constant 13 : i32
    %get3A_775 = arith.index_cast %get3A_774 : i32 to index
    %get3A_776 = arith.constant 112 : index
    %get3A_777 = tpu.vector_load %arg9[%get3A_775, %get3A_776] {strides = array<i32>} : memref<64x128xf32, #tpu.memory_space<vmem>>, vector<16xf32>,
    %add3A_778 = arith.addf %get3A_773, %get3A_777 : vector<16xf32>
    %get3A_779 = arith.constant 14 : i32
    %get3A_780 = arith.index_cast %get3A_779 : i32 to index
    %get3A_781 = arith.constant 112 : index
    %get3A_782 = tpu.vector_load %arg9[%get3A_780, %get3A_781] {strides = array<i32>} : memref<64x128xf32, #tpu.memory_space<vmem>>, vector<16xf32>,
    %add3A_783 = arith.addf %add3A_778, %get3A_782 : vector<16xf32>
    %swap3A_784 = arith.constant 4 : i32
    %swap3A_785 = arith.index_cast %swap3A_784 : i32 to index
    %swap3A_786 = arith.constant 112 : index
    %swap3A_787 = tpu.vector_load %arg10[%swap3A_785, %swap3A_786] {strides = array<i32>} : memref<32x128xf32, #tpu.memory_space<vmem>>, vector<16xf32>,
    tpu.vector_store %arg10[%swap3A_785, %swap3A_786], %add3A_783 {strides = array<i32>} : memref<32x128xf32, #tpu.memory_space<vmem>>, vector<16xf32>,
    %get3A_788 = arith.constant 15 : i32
    %get3A_789 = arith.index_cast %get3A_788 : i32 to index
    %get3A_790 = arith.constant 0 : index
    %get3A_791 = tpu.vector_load %arg9[%get3A_789, %get3A_790] {strides = array<i32>} : memref<64x128xf32, #tpu.memory_space<vmem>>, vector<16xf32>,
    %get3A_792 = arith.constant 16 : i32
    %get3A_793 = arith.index_cast %get3A_792 : i32 to index
    %get3A_794 = arith.constant 0 : index
    %get3A_795 = tpu.vector_load %arg9[%get3A_793, %get3A_794] {strides = array<i32>} : memref<64x128xf32, #tpu.memory_space<vmem>>, vector<16xf32>,
    %add3A_796 = arith.addf %get3A_791, %get3A_795 : vector<16xf32>
    %get3A_797 = arith.constant 17 : i32
    %get3A_798 = arith.index_cast %get3A_797 : i32 to index
    %get3A_799 = arith.constant 0 : index
    %get3A_800 = tpu.vector_load %arg9[%get3A_798, %get3A_799] {strides = array<i32>} : memref<64x128xf32, #tpu.memory_space<vmem>>, vector<16xf32>,
    %add3A_801 = arith.addf %add3A_796, %get3A_800 : vector<16xf32>
    %swap3A_802 = arith.constant 5 : i32
    %swap3A_803 = arith.index_cast %swap3A_802 : i32 to index
    %swap3A_804 = arith.constant 0 : index
    %swap3A_805 = tpu.vector_load %arg10[%swap3A_803, %swap3A_804] {strides = array<i32>} : memref<32x128xf32, #tpu.memory_space<vmem>>, vector<16xf32>,
    tpu.vector_store %arg10[%swap3A_803, %swap3A_804], %add3A_801 {strides = array<i32>} : memref<32x128xf32, #tpu.memory_space<vmem>>, vector<16xf32>,
    %get3A_806 = arith.constant 15 : i32
    %get3A_807 = arith.index_cast %get3A_806 : i32 to index
    %get3A_808 = arith.constant 16 : index
    %get3A_809 = tpu.vector_load %arg9[%get3A_807, %get3A_808] {strides = array<i32>} : memref<64x128xf32, #tpu.memory_space<vmem>>, vector<16xf32>,
    %get3A_810 = arith.constant 16 : i32
    %get3A_811 = arith.index_cast %get3A_810 : i32 to index
    %get3A_812 = arith.constant 16 : index
    %get3A_813 = tpu.vector_load %arg9[%get3A_811, %get3A_812] {strides = array<i32>} : memref<64x128xf32, #tpu.memory_space<vmem>>, vector<16xf32>,
    %add3A_814 = arith.addf %get3A_809, %get3A_813 : vector<16xf32>
    %get3A_815 = arith.constant 17 : i32
    %get3A_816 = arith.index_cast %get3A_815 : i32 to index
    %get3A_817 = arith.constant 16 : index
    %get3A_818 = tpu.vector_load %arg9[%get3A_816, %get3A_817] {strides = array<i32>} : memref<64x128xf32, #tpu.memory_space<vmem>>, vector<16xf32>,
    %add3A_819 = arith.addf %add3A_814, %get3A_818 : vector<16xf32>
    %swap3A_820 = arith.constant 5 : i32
    %swap3A_821 = arith.index_cast %swap3A_820 : i32 to index
    %swap3A_822 = arith.constant 16 : index
    %swap3A_823 = tpu.vector_load %arg10[%swap3A_821, %swap3A_822] {strides = array<i32>} : memref<32x128xf32, #tpu.memory_space<vmem>>, vector<16xf32>,
    tpu.vector_store %arg10[%swap3A_821, %swap3A_822], %add3A_819 {strides = array<i32>} : memref<32x128xf32, #tpu.memory_space<vmem>>, vector<16xf32>,
    %get3A_824 = arith.constant 15 : i32
    %get3A_825 = arith.index_cast %get3A_824 : i32 to index
    %get3A_826 = arith.constant 32 : index
    %get3A_827 = tpu.vector_load %arg9[%get3A_825, %get3A_826] {strides = array<i32>} : memref<64x128xf32, #tpu.memory_space<vmem>>, vector<16xf32>,
    %get3A_828 = arith.constant 16 : i32
    %get3A_829 = arith.index_cast %get3A_828 : i32 to index
    %get3A_830 = arith.constant 32 : index
    %get3A_831 = tpu.vector_load %arg9[%get3A_829, %get3A_830] {strides = array<i32>} : memref<64x128xf32, #tpu.memory_space<vmem>>, vector<16xf32>,
    %add3A_832 = arith.addf %get3A_827, %get3A_831 : vector<16xf32>
    %get3A_833 = arith.constant 17 : i32
    %get3A_834 = arith.index_cast %get3A_833 : i32 to index
    %get3A_835 = arith.constant 32 : index
    %get3A_836 = tpu.vector_load %arg9[%get3A_834, %get3A_835] {strides = array<i32>} : memref<64x128xf32, #tpu.memory_space<vmem>>, vector<16xf32>,
    %add3A_837 = arith.addf %add3A_832, %get3A_836 : vector<16xf32>
    %swap3A_838 = arith.constant 5 : i32
    %swap3A_839 = arith.index_cast %swap3A_838 : i32 to index
    %swap3A_840 = arith.constant 32 : index
    %swap3A_841 = tpu.vector_load %arg10[%swap3A_839, %swap3A_840] {strides = array<i32>} : memref<32x128xf32, #tpu.memory_space<vmem>>, vector<16xf32>,
    tpu.vector_store %arg10[%swap3A_839, %swap3A_840], %add3A_837 {strides = array<i32>} : memref<32x128xf32, #tpu.memory_space<vmem>>, vector<16xf32>,
    %get3A_842 = arith.constant 15 : i32
    %get3A_843 = arith.index_cast %get3A_842 : i32 to index
    %get3A_844 = arith.constant 48 : index
    %get3A_845 = tpu.vector_load %arg9[%get3A_843, %get3A_844] {strides = array<i32>} : memref<64x128xf32, #tpu.memory_space<vmem>>, vector<16xf32>,
    %get3A_846 = arith.constant 16 : i32
    %get3A_847 = arith.index_cast %get3A_846 : i32 to index
    %get3A_848 = arith.constant 48 : index
    %get3A_849 = tpu.vector_load %arg9[%get3A_847, %get3A_848] {strides = array<i32>} : memref<64x128xf32, #tpu.memory_space<vmem>>, vector<16xf32>,
    %add3A_850 = arith.addf %get3A_845, %get3A_849 : vector<16xf32>
    %get3A_851 = arith.constant 17 : i32
    %get3A_852 = arith.index_cast %get3A_851 : i32 to index
    %get3A_853 = arith.constant 48 : index
    %get3A_854 = tpu.vector_load %arg9[%get3A_852, %get3A_853] {strides = array<i32>} : memref<64x128xf32, #tpu.memory_space<vmem>>, vector<16xf32>,
    %add3A_855 = arith.addf %add3A_850, %get3A_854 : vector<16xf32>
    %swap3A_856 = arith.constant 5 : i32
    %swap3A_857 = arith.index_cast %swap3A_856 : i32 to index
    %swap3A_858 = arith.constant 48 : index
    %swap3A_859 = tpu.vector_load %arg10[%swap3A_857, %swap3A_858] {strides = array<i32>} : memref<32x128xf32, #tpu.memory_space<vmem>>, vector<16xf32>,
    tpu.vector_store %arg10[%swap3A_857, %swap3A_858], %add3A_855 {strides = array<i32>} : memref<32x128xf32, #tpu.memory_space<vmem>>, vector<16xf32>,
    %get3A_860 = arith.constant 15 : i32
    %get3A_861 = arith.index_cast %get3A_860 : i32 to index
    %get3A_862 = arith.constant 64 : index
    %get3A_863 = tpu.vector_load %arg9[%get3A_861, %get3A_862] {strides = array<i32>} : memref<64x128xf32, #tpu.memory_space<vmem>>, vector<16xf32>,
    %get3A_864 = arith.constant 16 : i32
    %get3A_865 = arith.index_cast %get3A_864 : i32 to index
    %get3A_866 = arith.constant 64 : index
    %get3A_867 = tpu.vector_load %arg9[%get3A_865, %get3A_866] {strides = array<i32>} : memref<64x128xf32, #tpu.memory_space<vmem>>, vector<16xf32>,
    %add3A_868 = arith.addf %get3A_863, %get3A_867 : vector<16xf32>
    %get3A_869 = arith.constant 17 : i32
    %get3A_870 = arith.index_cast %get3A_869 : i32 to index
    %get3A_871 = arith.constant 64 : index
    %get3A_872 = tpu.vector_load %arg9[%get3A_870, %get3A_871] {strides = array<i32>} : memref<64x128xf32, #tpu.memory_space<vmem>>, vector<16xf32>,
    %add3A_873 = arith.addf %add3A_868, %get3A_872 : vector<16xf32>
    %swap3A_874 = arith.constant 5 : i32
    %swap3A_875 = arith.index_cast %swap3A_874 : i32 to index
    %swap3A_876 = arith.constant 64 : index
    %swap3A_877 = tpu.vector_load %arg10[%swap3A_875, %swap3A_876] {strides = array<i32>} : memref<32x128xf32, #tpu.memory_space<vmem>>, vector<16xf32>,
    tpu.vector_store %arg10[%swap3A_875, %swap3A_876], %add3A_873 {strides = array<i32>} : memref<32x128xf32, #tpu.memory_space<vmem>>, vector<16xf32>,
    %get3A_878 = arith.constant 15 : i32
    %get3A_879 = arith.index_cast %get3A_878 : i32 to index
    %get3A_880 = arith.constant 80 : index
    %get3A_881 = tpu.vector_load %arg9[%get3A_879, %get3A_880] {strides = array<i32>} : memref<64x128xf32, #tpu.memory_space<vmem>>, vector<16xf32>,
    %get3A_882 = arith.constant 16 : i32
    %get3A_883 = arith.index_cast %get3A_882 : i32 to index
    %get3A_884 = arith.constant 80 : index
    %get3A_885 = tpu.vector_load %arg9[%get3A_883, %get3A_884] {strides = array<i32>} : memref<64x128xf32, #tpu.memory_space<vmem>>, vector<16xf32>,
    %add3A_886 = arith.addf %get3A_881, %get3A_885 : vector<16xf32>
    %get3A_887 = arith.constant 17 : i32
    %get3A_888 = arith.index_cast %get3A_887 : i32 to index
    %get3A_889 = arith.constant 80 : index
    %get3A_890 = tpu.vector_load %arg9[%get3A_888, %get3A_889] {strides = array<i32>} : memref<64x128xf32, #tpu.memory_space<vmem>>, vector<16xf32>,
    %add3A_891 = arith.addf %add3A_886, %get3A_890 : vector<16xf32>
    %swap3A_892 = arith.constant 5 : i32
    %swap3A_893 = arith.index_cast %swap3A_892 : i32 to index
    %swap3A_894 = arith.constant 80 : index
    %swap3A_895 = tpu.vector_load %arg10[%swap3A_893, %swap3A_894] {strides = array<i32>} : memref<32x128xf32, #tpu.memory_space<vmem>>, vector<16xf32>,
    tpu.vector_store %arg10[%swap3A_893, %swap3A_894], %add3A_891 {strides = array<i32>} : memref<32x128xf32, #tpu.memory_space<vmem>>, vector<16xf32>,
    %get3A_896 = arith.constant 15 : i32
    %get3A_897 = arith.index_cast %get3A_896 : i32 to index
    %get3A_898 = arith.constant 96 : index
    %get3A_899 = tpu.vector_load %arg9[%get3A_897, %get3A_898] {strides = array<i32>} : memref<64x128xf32, #tpu.memory_space<vmem>>, vector<16xf32>,
    %get3A_900 = arith.constant 16 : i32
    %get3A_901 = arith.index_cast %get3A_900 : i32 to index
    %get3A_902 = arith.constant 96 : index
    %get3A_903 = tpu.vector_load %arg9[%get3A_901, %get3A_902] {strides = array<i32>} : memref<64x128xf32, #tpu.memory_space<vmem>>, vector<16xf32>,
    %add3A_904 = arith.addf %get3A_899, %get3A_903 : vector<16xf32>
    %get3A_905 = arith.constant 17 : i32
    %get3A_906 = arith.index_cast %get3A_905 : i32 to index
    %get3A_907 = arith.constant 96 : index
    %get3A_908 = tpu.vector_load %arg9[%get3A_906, %get3A_907] {strides = array<i32>} : memref<64x128xf32, #tpu.memory_space<vmem>>, vector<16xf32>,
    %add3A_909 = arith.addf %add3A_904, %get3A_908 : vector<16xf32>
    %swap3A_910 = arith.constant 5 : i32
    %swap3A_911 = arith.index_cast %swap3A_910 : i32 to index
    %swap3A_912 = arith.constant 96 : index
    %swap3A_913 = tpu.vector_load %arg10[%swap3A_911, %swap3A_912] {strides = array<i32>} : memref<32x128xf32, #tpu.memory_space<vmem>>, vector<16xf32>,
    tpu.vector_store %arg10[%swap3A_911, %swap3A_912], %add3A_909 {strides = array<i32>} : memref<32x128xf32, #tpu.memory_space<vmem>>, vector<16xf32>,
    %get3A_914 = arith.constant 15 : i32
    %get3A_915 = arith.index_cast %get3A_914 : i32 to index
    %get3A_916 = arith.constant 112 : index
    %get3A_917 = tpu.vector_load %arg9[%get3A_915, %get3A_916] {strides = array<i32>} : memref<64x128xf32, #tpu.memory_space<vmem>>, vector<16xf32>,
    %get3A_918 = arith.constant 16 : i32
    %get3A_919 = arith.index_cast %get3A_918 : i32 to index
    %get3A_920 = arith.constant 112 : index
    %get3A_921 = tpu.vector_load %arg9[%get3A_919, %get3A_920] {strides = array<i32>} : memref<64x128xf32, #tpu.memory_space<vmem>>, vector<16xf32>,
    %add3A_922 = arith.addf %get3A_917, %get3A_921 : vector<16xf32>
    %get3A_923 = arith.constant 17 : i32
    %get3A_924 = arith.index_cast %get3A_923 : i32 to index
    %get3A_925 = arith.constant 112 : index
    %get3A_926 = tpu.vector_load %arg9[%get3A_924, %get3A_925] {strides = array<i32>} : memref<64x128xf32, #tpu.memory_space<vmem>>, vector<16xf32>,
    %add3A_927 = arith.addf %add3A_922, %get3A_926 : vector<16xf32>
    %swap3A_928 = arith.constant 5 : i32
    %swap3A_929 = arith.index_cast %swap3A_928 : i32 to index
    %swap3A_930 = arith.constant 112 : index
    %swap3A_931 = tpu.vector_load %arg10[%swap3A_929, %swap3A_930] {strides = array<i32>} : memref<32x128xf32, #tpu.memory_space<vmem>>, vector<16xf32>,
    tpu.vector_store %arg10[%swap3A_929, %swap3A_930], %add3A_927 {strides = array<i32>} : memref<32x128xf32, #tpu.memory_space<vmem>>, vector<16xf32>,
    %get3A_932 = arith.constant 18 : i32
    %get3A_933 = arith.index_cast %get3A_932 : i32 to index
    %get3A_934 = arith.constant 0 : index
    %get3A_935 = tpu.vector_load %arg9[%get3A_933, %get3A_934] {strides = array<i32>} : memref<64x128xf32, #tpu.memory_space<vmem>>, vector<16xf32>,
    %get3A_936 = arith.constant 19 : i32
    %get3A_937 = arith.index_cast %get3A_936 : i32 to index
    %get3A_938 = arith.constant 0 : index
    %get3A_939 = tpu.vector_load %arg9[%get3A_937, %get3A_938] {strides = array<i32>} : memref<64x128xf32, #tpu.memory_space<vmem>>, vector<16xf32>,
    %add3A_940 = arith.addf %get3A_935, %get3A_939 : vector<16xf32>
    %get3A_941 = arith.constant 20 : i32
    %get3A_942 = arith.index_cast %get3A_941 : i32 to index
    %get3A_943 = arith.constant 0 : index
    %get3A_944 = tpu.vector_load %arg9[%get3A_942, %get3A_943] {strides = array<i32>} : memref<64x128xf32, #tpu.memory_space<vmem>>, vector<16xf32>,
    %add3A_945 = arith.addf %add3A_940, %get3A_944 : vector<16xf32>
    %swap3A_946 = arith.constant 6 : i32
    %swap3A_947 = arith.index_cast %swap3A_946 : i32 to index
    %swap3A_948 = arith.constant 0 : index
    %swap3A_949 = tpu.vector_load %arg10[%swap3A_947, %swap3A_948] {strides = array<i32>} : memref<32x128xf32, #tpu.memory_space<vmem>>, vector<16xf32>,
    tpu.vector_store %arg10[%swap3A_947, %swap3A_948], %add3A_945 {strides = array<i32>} : memref<32x128xf32, #tpu.memory_space<vmem>>, vector<16xf32>,
    %get3A_950 = arith.constant 18 : i32
    %get3A_951 = arith.index_cast %get3A_950 : i32 to index
    %get3A_952 = arith.constant 16 : index
    %get3A_953 = tpu.vector_load %arg9[%get3A_951, %get3A_952] {strides = array<i32>} : memref<64x128xf32, #tpu.memory_space<vmem>>, vector<16xf32>,
    %get3A_954 = arith.constant 19 : i32
    %get3A_955 = arith.index_cast %get3A_954 : i32 to index
    %get3A_956 = arith.constant 16 : index
    %get3A_957 = tpu.vector_load %arg9[%get3A_955, %get3A_956] {strides = array<i32>} : memref<64x128xf32, #tpu.memory_space<vmem>>, vector<16xf32>,
    %add3A_958 = arith.addf %get3A_953, %get3A_957 : vector<16xf32>
    %get3A_959 = arith.constant 20 : i32
    %get3A_960 = arith.index_cast %get3A_959 : i32 to index
    %get3A_961 = arith.constant 16 : index
    %get3A_962 = tpu.vector_load %arg9[%get3A_960, %get3A_961] {strides = array<i32>} : memref<64x128xf32, #tpu.memory_space<vmem>>, vector<16xf32>,
    %add3A_963 = arith.addf %add3A_958, %get3A_962 : vector<16xf32>
    %swap3A_964 = arith.constant 6 : i32
    %swap3A_965 = arith.index_cast %swap3A_964 : i32 to index
    %swap3A_966 = arith.constant 16 : index
    %swap3A_967 = tpu.vector_load %arg10[%swap3A_965, %swap3A_966] {strides = array<i32>} : memref<32x128xf32, #tpu.memory_space<vmem>>, vector<16xf32>,
    tpu.vector_store %arg10[%swap3A_965, %swap3A_966], %add3A_963 {strides = array<i32>} : memref<32x128xf32, #tpu.memory_space<vmem>>, vector<16xf32>,
    %get3A_968 = arith.constant 18 : i32
    %get3A_969 = arith.index_cast %get3A_968 : i32 to index
    %get3A_970 = arith.constant 32 : index
    %get3A_971 = tpu.vector_load %arg9[%get3A_969, %get3A_970] {strides = array<i32>} : memref<64x128xf32, #tpu.memory_space<vmem>>, vector<16xf32>,
    %get3A_972 = arith.constant 19 : i32
    %get3A_973 = arith.index_cast %get3A_972 : i32 to index
    %get3A_974 = arith.constant 32 : index
    %get3A_975 = tpu.vector_load %arg9[%get3A_973, %get3A_974] {strides = array<i32>} : memref<64x128xf32, #tpu.memory_space<vmem>>, vector<16xf32>,
    %add3A_976 = arith.addf %get3A_971, %get3A_975 : vector<16xf32>
    %get3A_977 = arith.constant 20 : i32
    %get3A_978 = arith.index_cast %get3A_977 : i32 to index
    %get3A_979 = arith.constant 32 : index
    %get3A_980 = tpu.vector_load %arg9[%get3A_978, %get3A_979] {strides = array<i32>} : memref<64x128xf32, #tpu.memory_space<vmem>>, vector<16xf32>,
    %add3A_981 = arith.addf %add3A_976, %get3A_980 : vector<16xf32>
    %swap3A_982 = arith.constant 6 : i32
    %swap3A_983 = arith.index_cast %swap3A_982 : i32 to index
    %swap3A_984 = arith.constant 32 : index
    %swap3A_985 = tpu.vector_load %arg10[%swap3A_983, %swap3A_984] {strides = array<i32>} : memref<32x128xf32, #tpu.memory_space<vmem>>, vector<16xf32>,
    tpu.vector_store %arg10[%swap3A_983, %swap3A_984], %add3A_981 {strides = array<i32>} : memref<32x128xf32, #tpu.memory_space<vmem>>, vector<16xf32>,
    %get3A_986 = arith.constant 18 : i32
    %get3A_987 = arith.index_cast %get3A_986 : i32 to index
    %get3A_988 = arith.constant 48 : index
    %get3A_989 = tpu.vector_load %arg9[%get3A_987, %get3A_988] {strides = array<i32>} : memref<64x128xf32, #tpu.memory_space<vmem>>, vector<16xf32>,
    %get3A_990 = arith.constant 19 : i32
    %get3A_991 = arith.index_cast %get3A_990 : i32 to index
    %get3A_992 = arith.constant 48 : index
    %get3A_993 = tpu.vector_load %arg9[%get3A_991, %get3A_992] {strides = array<i32>} : memref<64x128xf32, #tpu.memory_space<vmem>>, vector<16xf32>,
    %add3A_994 = arith.addf %get3A_989, %get3A_993 : vector<16xf32>
    %get3A_995 = arith.constant 20 : i32
    %get3A_996 = arith.index_cast %get3A_995 : i32 to index
    %get3A_997 = arith.constant 48 : index
    %get3A_998 = tpu.vector_load %arg9[%get3A_996, %get3A_997] {strides = array<i32>} : memref<64x128xf32, #tpu.memory_space<vmem>>, vector<16xf32>,
    %add3A_999 = arith.addf %add3A_994, %get3A_998 : vector<16xf32>
    %swap3A_1000 = arith.constant 6 : i32
    %swap3A_1001 = arith.index_cast %swap3A_1000 : i32 to index
    %swap3A_1002 = arith.constant 48 : index
    %swap3A_1003 = tpu.vector_load %arg10[%swap3A_1001, %swap3A_1002] {strides = array<i32>} : memref<32x128xf32, #tpu.memory_space<vmem>>, vector<16xf32>,
    tpu.vector_store %arg10[%swap3A_1001, %swap3A_1002], %add3A_999 {strides = array<i32>} : memref<32x128xf32, #tpu.memory_space<vmem>>, vector<16xf32>,
    %get3A_1004 = arith.constant 18 : i32
    %get3A_1005 = arith.index_cast %get3A_1004 : i32 to index
    %get3A_1006 = arith.constant 64 : index
    %get3A_1007 = tpu.vector_load %arg9[%get3A_1005, %get3A_1006] {strides = array<i32>} : memref<64x128xf32, #tpu.memory_space<vmem>>, vector<16xf32>,
    %get3A_1008 = arith.constant 19 : i32
    %get3A_1009 = arith.index_cast %get3A_1008 : i32 to index
    %get3A_1010 = arith.constant 64 : index
    %get3A_1011 = tpu.vector_load %arg9[%get3A_1009, %get3A_1010] {strides = array<i32>} : memref<64x128xf32, #tpu.memory_space<vmem>>, vector<16xf32>,
    %add3A_1012 = arith.addf %get3A_1007, %get3A_1011 : vector<16xf32>
    %get3A_1013 = arith.constant 20 : i32
    %get3A_1014 = arith.index_cast %get3A_1013 : i32 to index
    %get3A_1015 = arith.constant 64 : index
    %get3A_1016 = tpu.vector_load %arg9[%get3A_1014, %get3A_1015] {strides = array<i32>} : memref<64x128xf32, #tpu.memory_space<vmem>>, vector<16xf32>,
    %add3A_1017 = arith.addf %add3A_1012, %get3A_1016 : vector<16xf32>
    %swap3A_1018 = arith.constant 6 : i32
    %swap3A_1019 = arith.index_cast %swap3A_1018 : i32 to index
    %swap3A_1020 = arith.constant 64 : index
    %swap3A_1021 = tpu.vector_load %arg10[%swap3A_1019, %swap3A_1020] {strides = array<i32>} : memref<32x128xf32, #tpu.memory_space<vmem>>, vector<16xf32>,
    tpu.vector_store %arg10[%swap3A_1019, %swap3A_1020], %add3A_1017 {strides = array<i32>} : memref<32x128xf32, #tpu.memory_space<vmem>>, vector<16xf32>,
    %get3A_1022 = arith.constant 18 : i32
    %get3A_1023 = arith.index_cast %get3A_1022 : i32 to index
    %get3A_1024 = arith.constant 80 : index
    %get3A_1025 = tpu.vector_load %arg9[%get3A_1023, %get3A_1024] {strides = array<i32>} : memref<64x128xf32, #tpu.memory_space<vmem>>, vector<16xf32>,
    %get3A_1026 = arith.constant 19 : i32
    %get3A_1027 = arith.index_cast %get3A_1026 : i32 to index
    %get3A_1028 = arith.constant 80 : index
    %get3A_1029 = tpu.vector_load %arg9[%get3A_1027, %get3A_1028] {strides = array<i32>} : memref<64x128xf32, #tpu.memory_space<vmem>>, vector<16xf32>,
    %add3A_1030 = arith.addf %get3A_1025, %get3A_1029 : vector<16xf32>
    %get3A_1031 = arith.constant 20 : i32
    %get3A_1032 = arith.index_cast %get3A_1031 : i32 to index
    %get3A_1033 = arith.constant 80 : index
    %get3A_1034 = tpu.vector_load %arg9[%get3A_1032, %get3A_1033] {strides = array<i32>} : memref<64x128xf32, #tpu.memory_space<vmem>>, vector<16xf32>,
    %add3A_1035 = arith.addf %add3A_1030, %get3A_1034 : vector<16xf32>
    %swap3A_1036 = arith.constant 6 : i32
    %swap3A_1037 = arith.index_cast %swap3A_1036 : i32 to index
    %swap3A_1038 = arith.constant 80 : index
    %swap3A_1039 = tpu.vector_load %arg10[%swap3A_1037, %swap3A_1038] {strides = array<i32>} : memref<32x128xf32, #tpu.memory_space<vmem>>, vector<16xf32>,
    tpu.vector_store %arg10[%swap3A_1037, %swap3A_1038], %add3A_1035 {strides = array<i32>} : memref<32x128xf32, #tpu.memory_space<vmem>>, vector<16xf32>,
    %get3A_1040 = arith.constant 18 : i32
    %get3A_1041 = arith.index_cast %get3A_1040 : i32 to index
    %get3A_1042 = arith.constant 96 : index
    %get3A_1043 = tpu.vector_load %arg9[%get3A_1041, %get3A_1042] {strides = array<i32>} : memref<64x128xf32, #tpu.memory_space<vmem>>, vector<16xf32>,
    %get3A_1044 = arith.constant 19 : i32
    %get3A_1045 = arith.index_cast %get3A_1044 : i32 to index
    %get3A_1046 = arith.constant 96 : index
    %get3A_1047 = tpu.vector_load %arg9[%get3A_1045, %get3A_1046] {strides = array<i32>} : memref<64x128xf32, #tpu.memory_space<vmem>>, vector<16xf32>,
    %add3A_1048 = arith.addf %get3A_1043, %get3A_1047 : vector<16xf32>
    %get3A_1049 = arith.constant 20 : i32
    %get3A_1050 = arith.index_cast %get3A_1049 : i32 to index
    %get3A_1051 = arith.constant 96 : index
    %get3A_1052 = tpu.vector_load %arg9[%get3A_1050, %get3A_1051] {strides = array<i32>} : memref<64x128xf32, #tpu.memory_space<vmem>>, vector<16xf32>,
    %add3A_1053 = arith.addf %add3A_1048, %get3A_1052 : vector<16xf32>
    %swap3A_1054 = arith.constant 6 : i32
    %swap3A_1055 = arith.index_cast %swap3A_1054 : i32 to index
    %swap3A_1056 = arith.constant 96 : index
    %swap3A_1057 = tpu.vector_load %arg10[%swap3A_1055, %swap3A_1056] {strides = array<i32>} : memref<32x128xf32, #tpu.memory_space<vmem>>, vector<16xf32>,
    tpu.vector_store %arg10[%swap3A_1055, %swap3A_1056], %add3A_1053 {strides = array<i32>} : memref<32x128xf32, #tpu.memory_space<vmem>>, vector<16xf32>,
    %get3A_1058 = arith.constant 18 : i32
    %get3A_1059 = arith.index_cast %get3A_1058 : i32 to index
    %get3A_1060 = arith.constant 112 : index
    %get3A_1061 = tpu.vector_load %arg9[%get3A_1059, %get3A_1060] {strides = array<i32>} : memref<64x128xf32, #tpu.memory_space<vmem>>, vector<16xf32>,
    %get3A_1062 = arith.constant 19 : i32
    %get3A_1063 = arith.index_cast %get3A_1062 : i32 to index
    %get3A_1064 = arith.constant 112 : index
    %get3A_1065 = tpu.vector_load %arg9[%get3A_1063, %get3A_1064] {strides = array<i32>} : memref<64x128xf32, #tpu.memory_space<vmem>>, vector<16xf32>,
    %add3A_1066 = arith.addf %get3A_1061, %get3A_1065 : vector<16xf32>
    %get3A_1067 = arith.constant 20 : i32
    %get3A_1068 = arith.index_cast %get3A_1067 : i32 to index
    %get3A_1069 = arith.constant 112 : index
    %get3A_1070 = tpu.vector_load %arg9[%get3A_1068, %get3A_1069] {strides = array<i32>} : memref<64x128xf32, #tpu.memory_space<vmem>>, vector<16xf32>,
    %add3A_1071 = arith.addf %add3A_1066, %get3A_1070 : vector<16xf32>
    %swap3A_1072 = arith.constant 6 : i32
    %swap3A_1073 = arith.index_cast %swap3A_1072 : i32 to index
    %swap3A_1074 = arith.constant 112 : index
    %swap3A_1075 = tpu.vector_load %arg10[%swap3A_1073, %swap3A_1074] {strides = array<i32>} : memref<32x128xf32, #tpu.memory_space<vmem>>, vector<16xf32>,
    tpu.vector_store %arg10[%swap3A_1073, %swap3A_1074], %add3A_1071 {strides = array<i32>} : memref<32x128xf32, #tpu.memory_space<vmem>>, vector<16xf32>,
    %get3A_1076 = arith.constant 21 : i32
    %get3A_1077 = arith.index_cast %get3A_1076 : i32 to index
    %get3A_1078 = arith.constant 0 : index
    %get3A_1079 = tpu.vector_load %arg9[%get3A_1077, %get3A_1078] {strides = array<i32>} : memref<64x128xf32, #tpu.memory_space<vmem>>, vector<16xf32>,
    %get3A_1080 = arith.constant 22 : i32
    %get3A_1081 = arith.index_cast %get3A_1080 : i32 to index
    %get3A_1082 = arith.constant 0 : index
    %get3A_1083 = tpu.vector_load %arg9[%get3A_1081, %get3A_1082] {strides = array<i32>} : memref<64x128xf32, #tpu.memory_space<vmem>>, vector<16xf32>,
    %add3A_1084 = arith.addf %get3A_1079, %get3A_1083 : vector<16xf32>
    %get3A_1085 = arith.constant 23 : i32
    %get3A_1086 = arith.index_cast %get3A_1085 : i32 to index
    %get3A_1087 = arith.constant 0 : index
    %get3A_1088 = tpu.vector_load %arg9[%get3A_1086, %get3A_1087] {strides = array<i32>} : memref<64x128xf32, #tpu.memory_space<vmem>>, vector<16xf32>,
    %add3A_1089 = arith.addf %add3A_1084, %get3A_1088 : vector<16xf32>
    %swap3A_1090 = arith.constant 7 : i32
    %swap3A_1091 = arith.index_cast %swap3A_1090 : i32 to index
    %swap3A_1092 = arith.constant 0 : index
    %swap3A_1093 = tpu.vector_load %arg10[%swap3A_1091, %swap3A_1092] {strides = array<i32>} : memref<32x128xf32, #tpu.memory_space<vmem>>, vector<16xf32>,
    tpu.vector_store %arg10[%swap3A_1091, %swap3A_1092], %add3A_1089 {strides = array<i32>} : memref<32x128xf32, #tpu.memory_space<vmem>>, vector<16xf32>,
    %get3A_1094 = arith.constant 21 : i32
    %get3A_1095 = arith.index_cast %get3A_1094 : i32 to index
    %get3A_1096 = arith.constant 16 : index
    %get3A_1097 = tpu.vector_load %arg9[%get3A_1095, %get3A_1096] {strides = array<i32>} : memref<64x128xf32, #tpu.memory_space<vmem>>, vector<16xf32>,
    %get3A_1098 = arith.constant 22 : i32
    %get3A_1099 = arith.index_cast %get3A_1098 : i32 to index
    %get3A_1100 = arith.constant 16 : index
    %get3A_1101 = tpu.vector_load %arg9[%get3A_1099, %get3A_1100] {strides = array<i32>} : memref<64x128xf32, #tpu.memory_space<vmem>>, vector<16xf32>,
    %add3A_1102 = arith.addf %get3A_1097, %get3A_1101 : vector<16xf32>
    %get3A_1103 = arith.constant 23 : i32
    %get3A_1104 = arith.index_cast %get3A_1103 : i32 to index
    %get3A_1105 = arith.constant 16 : index
    %get3A_1106 = tpu.vector_load %arg9[%get3A_1104, %get3A_1105] {strides = array<i32>} : memref<64x128xf32, #tpu.memory_space<vmem>>, vector<16xf32>,
    %add3A_1107 = arith.addf %add3A_1102, %get3A_1106 : vector<16xf32>
    %swap3A_1108 = arith.constant 7 : i32
    %swap3A_1109 = arith.index_cast %swap3A_1108 : i32 to index
    %swap3A_1110 = arith.constant 16 : index
    %swap3A_1111 = tpu.vector_load %arg10[%swap3A_1109, %swap3A_1110] {strides = array<i32>} : memref<32x128xf32, #tpu.memory_space<vmem>>, vector<16xf32>,
    tpu.vector_store %arg10[%swap3A_1109, %swap3A_1110], %add3A_1107 {strides = array<i32>} : memref<32x128xf32, #tpu.memory_space<vmem>>, vector<16xf32>,
    %get3A_1112 = arith.constant 21 : i32
    %get3A_1113 = arith.index_cast %get3A_1112 : i32 to index
    %get3A_1114 = arith.constant 32 : index
    %get3A_1115 = tpu.vector_load %arg9[%get3A_1113, %get3A_1114] {strides = array<i32>} : memref<64x128xf32, #tpu.memory_space<vmem>>, vector<16xf32>,
    %get3A_1116 = arith.constant 22 : i32
    %get3A_1117 = arith.index_cast %get3A_1116 : i32 to index
    %get3A_1118 = arith.constant 32 : index
    %get3A_1119 = tpu.vector_load %arg9[%get3A_1117, %get3A_1118] {strides = array<i32>} : memref<64x128xf32, #tpu.memory_space<vmem>>, vector<16xf32>,
    %add3A_1120 = arith.addf %get3A_1115, %get3A_1119 : vector<16xf32>
    %get3A_1121 = arith.constant 23 : i32
    %get3A_1122 = arith.index_cast %get3A_1121 : i32 to index
    %get3A_1123 = arith.constant 32 : index
    %get3A_1124 = tpu.vector_load %arg9[%get3A_1122, %get3A_1123] {strides = array<i32>} : memref<64x128xf32, #tpu.memory_space<vmem>>, vector<16xf32>,
    %add3A_1125 = arith.addf %add3A_1120, %get3A_1124 : vector<16xf32>
    %swap3A_1126 = arith.constant 7 : i32
    %swap3A_1127 = arith.index_cast %swap3A_1126 : i32 to index
    %swap3A_1128 = arith.constant 32 : index
    %swap3A_1129 = tpu.vector_load %arg10[%swap3A_1127, %swap3A_1128] {strides = array<i32>} : memref<32x128xf32, #tpu.memory_space<vmem>>, vector<16xf32>,
    tpu.vector_store %arg10[%swap3A_1127, %swap3A_1128], %add3A_1125 {strides = array<i32>} : memref<32x128xf32, #tpu.memory_space<vmem>>, vector<16xf32>,
    %get3A_1130 = arith.constant 21 : i32
    %get3A_1131 = arith.index_cast %get3A_1130 : i32 to index
    %get3A_1132 = arith.constant 48 : index
    %get3A_1133 = tpu.vector_load %arg9[%get3A_1131, %get3A_1132] {strides = array<i32>} : memref<64x128xf32, #tpu.memory_space<vmem>>, vector<16xf32>,
    %get3A_1134 = arith.constant 22 : i32
    %get3A_1135 = arith.index_cast %get3A_1134 : i32 to index
    %get3A_1136 = arith.constant 48 : index
    %get3A_1137 = tpu.vector_load %arg9[%get3A_1135, %get3A_1136] {strides = array<i32>} : memref<64x128xf32, #tpu.memory_space<vmem>>, vector<16xf32>,
    %add3A_1138 = arith.addf %get3A_1133, %get3A_1137 : vector<16xf32>
    %get3A_1139 = arith.constant 23 : i32
    %get3A_1140 = arith.index_cast %get3A_1139 : i32 to index
    %get3A_1141 = arith.constant 48 : index
    %get3A_1142 = tpu.vector_load %arg9[%get3A_1140, %get3A_1141] {strides = array<i32>} : memref<64x128xf32, #tpu.memory_space<vmem>>, vector<16xf32>,
    %add3A_1143 = arith.addf %add3A_1138, %get3A_1142 : vector<16xf32>
    %swap3A_1144 = arith.constant 7 : i32
    %swap3A_1145 = arith.index_cast %swap3A_1144 : i32 to index
    %swap3A_1146 = arith.constant 48 : index
    %swap3A_1147 = tpu.vector_load %arg10[%swap3A_1145, %swap3A_1146] {strides = array<i32>} : memref<32x128xf32, #tpu.memory_space<vmem>>, vector<16xf32>,
    tpu.vector_store %arg10[%swap3A_1145, %swap3A_1146], %add3A_1143 {strides = array<i32>} : memref<32x128xf32, #tpu.memory_space<vmem>>, vector<16xf32>,
    %get3A_1148 = arith.constant 21 : i32
    %get3A_1149 = arith.index_cast %get3A_1148 : i32 to index
    %get3A_1150 = arith.constant 64 : index
    %get3A_1151 = tpu.vector_load %arg9[%get3A_1149, %get3A_1150] {strides = array<i32>} : memref<64x128xf32, #tpu.memory_space<vmem>>, vector<16xf32>,
    %get3A_1152 = arith.constant 22 : i32
    %get3A_1153 = arith.index_cast %get3A_1152 : i32 to index
    %get3A_1154 = arith.constant 64 : index
    %get3A_1155 = tpu.vector_load %arg9[%get3A_1153, %get3A_1154] {strides = array<i32>} : memref<64x128xf32, #tpu.memory_space<vmem>>, vector<16xf32>,
    %add3A_1156 = arith.addf %get3A_1151, %get3A_1155 : vector<16xf32>
    %get3A_1157 = arith.constant 23 : i32
    %get3A_1158 = arith.index_cast %get3A_1157 : i32 to index
    %get3A_1159 = arith.constant 64 : index
    %get3A_1160 = tpu.vector_load %arg9[%get3A_1158, %get3A_1159] {strides = array<i32>} : memref<64x128xf32, #tpu.memory_space<vmem>>, vector<16xf32>,
    %add3A_1161 = arith.addf %add3A_1156, %get3A_1160 : vector<16xf32>
    %swap3A_1162 = arith.constant 7 : i32
    %swap3A_1163 = arith.index_cast %swap3A_1162 : i32 to index
    %swap3A_1164 = arith.constant 64 : index
    %swap3A_1165 = tpu.vector_load %arg10[%swap3A_1163, %swap3A_1164] {strides = array<i32>} : memref<32x128xf32, #tpu.memory_space<vmem>>, vector<16xf32>,
    tpu.vector_store %arg10[%swap3A_1163, %swap3A_1164], %add3A_1161 {strides = array<i32>} : memref<32x128xf32, #tpu.memory_space<vmem>>, vector<16xf32>,
    %get3A_1166 = arith.constant 21 : i32
    %get3A_1167 = arith.index_cast %get3A_1166 : i32 to index
    %get3A_1168 = arith.constant 80 : index
    %get3A_1169 = tpu.vector_load %arg9[%get3A_1167, %get3A_1168] {strides = array<i32>} : memref<64x128xf32, #tpu.memory_space<vmem>>, vector<16xf32>,
    %get3A_1170 = arith.constant 22 : i32
    %get3A_1171 = arith.index_cast %get3A_1170 : i32 to index
    %get3A_1172 = arith.constant 80 : index
    %get3A_1173 = tpu.vector_load %arg9[%get3A_1171, %get3A_1172] {strides = array<i32>} : memref<64x128xf32, #tpu.memory_space<vmem>>, vector<16xf32>,
    %add3A_1174 = arith.addf %get3A_1169, %get3A_1173 : vector<16xf32>
    %get3A_1175 = arith.constant 23 : i32
    %get3A_1176 = arith.index_cast %get3A_1175 : i32 to index
    %get3A_1177 = arith.constant 80 : index
    %get3A_1178 = tpu.vector_load %arg9[%get3A_1176, %get3A_1177] {strides = array<i32>} : memref<64x128xf32, #tpu.memory_space<vmem>>, vector<16xf32>,
    %add3A_1179 = arith.addf %add3A_1174, %get3A_1178 : vector<16xf32>
    %swap3A_1180 = arith.constant 7 : i32
    %swap3A_1181 = arith.index_cast %swap3A_1180 : i32 to index
    %swap3A_1182 = arith.constant 80 : index
    %swap3A_1183 = tpu.vector_load %arg10[%swap3A_1181, %swap3A_1182] {strides = array<i32>} : memref<32x128xf32, #tpu.memory_space<vmem>>, vector<16xf32>,
    tpu.vector_store %arg10[%swap3A_1181, %swap3A_1182], %add3A_1179 {strides = array<i32>} : memref<32x128xf32, #tpu.memory_space<vmem>>, vector<16xf32>,
    %get3A_1184 = arith.constant 21 : i32
    %get3A_1185 = arith.index_cast %get3A_1184 : i32 to index
    %get3A_1186 = arith.constant 96 : index
    %get3A_1187 = tpu.vector_load %arg9[%get3A_1185, %get3A_1186] {strides = array<i32>} : memref<64x128xf32, #tpu.memory_space<vmem>>, vector<16xf32>,
    %get3A_1188 = arith.constant 22 : i32
    %get3A_1189 = arith.index_cast %get3A_1188 : i32 to index
    %get3A_1190 = arith.constant 96 : index
    %get3A_1191 = tpu.vector_load %arg9[%get3A_1189, %get3A_1190] {strides = array<i32>} : memref<64x128xf32, #tpu.memory_space<vmem>>, vector<16xf32>,
    %add3A_1192 = arith.addf %get3A_1187, %get3A_1191 : vector<16xf32>
    %get3A_1193 = arith.constant 23 : i32
    %get3A_1194 = arith.index_cast %get3A_1193 : i32 to index
    %get3A_1195 = arith.constant 96 : index
    %get3A_1196 = tpu.vector_load %arg9[%get3A_1194, %get3A_1195] {strides = array<i32>} : memref<64x128xf32, #tpu.memory_space<vmem>>, vector<16xf32>,
    %add3A_1197 = arith.addf %add3A_1192, %get3A_1196 : vector<16xf32>
    %swap3A_1198 = arith.constant 7 : i32
    %swap3A_1199 = arith.index_cast %swap3A_1198 : i32 to index
    %swap3A_1200 = arith.constant 96 : index
    %swap3A_1201 = tpu.vector_load %arg10[%swap3A_1199, %swap3A_1200] {strides = array<i32>} : memref<32x128xf32, #tpu.memory_space<vmem>>, vector<16xf32>,
    tpu.vector_store %arg10[%swap3A_1199, %swap3A_1200], %add3A_1197 {strides = array<i32>} : memref<32x128xf32, #tpu.memory_space<vmem>>, vector<16xf32>,
    %get3A_1202 = arith.constant 21 : i32
    %get3A_1203 = arith.index_cast %get3A_1202 : i32 to index
    %get3A_1204 = arith.constant 112 : index
    %get3A_1205 = tpu.vector_load %arg9[%get3A_1203, %get3A_1204] {strides = array<i32>} : memref<64x128xf32, #tpu.memory_space<vmem>>, vector<16xf32>,
    %get3A_1206 = arith.constant 22 : i32
    %get3A_1207 = arith.index_cast %get3A_1206 : i32 to index
    %get3A_1208 = arith.constant 112 : index
    %get3A_1209 = tpu.vector_load %arg9[%get3A_1207, %get3A_1208] {strides = array<i32>} : memref<64x128xf32, #tpu.memory_space<vmem>>, vector<16xf32>,
    %add3A_1210 = arith.addf %get3A_1205, %get3A_1209 : vector<16xf32>
    %get3A_1211 = arith.constant 23 : i32
    %get3A_1212 = arith.index_cast %get3A_1211 : i32 to index
    %get3A_1213 = arith.constant 112 : index
    %get3A_1214 = tpu.vector_load %arg9[%get3A_1212, %get3A_1213] {strides = array<i32>} : memref<64x128xf32, #tpu.memory_space<vmem>>, vector<16xf32>,
    %add3A_1215 = arith.addf %add3A_1210, %get3A_1214 : vector<16xf32>
    %swap3A_1216 = arith.constant 7 : i32
    %swap3A_1217 = arith.index_cast %swap3A_1216 : i32 to index
    %swap3A_1218 = arith.constant 112 : index
    %swap3A_1219 = tpu.vector_load %arg10[%swap3A_1217, %swap3A_1218] {strides = array<i32>} : memref<32x128xf32, #tpu.memory_space<vmem>>, vector<16xf32>,
    tpu.vector_store %arg10[%swap3A_1217, %swap3A_1218], %add3A_1215 {strides = array<i32>} : memref<32x128xf32, #tpu.memory_space<vmem>>, vector<16xf32>,
    %get3A_1220 = arith.constant 24 : i32
    %get3A_1221 = arith.index_cast %get3A_1220 : i32 to index
    %get3A_1222 = arith.constant 0 : index
    %get3A_1223 = tpu.vector_load %arg9[%get3A_1221, %get3A_1222] {strides = array<i32>} : memref<64x128xf32, #tpu.memory_space<vmem>>, vector<16xf32>,
    %get3A_1224 = arith.constant 25 : i32
    %get3A_1225 = arith.index_cast %get3A_1224 : i32 to index
    %get3A_1226 = arith.constant 0 : index
    %get3A_1227 = tpu.vector_load %arg9[%get3A_1225, %get3A_1226] {strides = array<i32>} : memref<64x128xf32, #tpu.memory_space<vmem>>, vector<16xf32>,
    %add3A_1228 = arith.addf %get3A_1223, %get3A_1227 : vector<16xf32>
    %get3A_1229 = arith.constant 26 : i32
    %get3A_1230 = arith.index_cast %get3A_1229 : i32 to index
    %get3A_1231 = arith.constant 0 : index
    %get3A_1232 = tpu.vector_load %arg9[%get3A_1230, %get3A_1231] {strides = array<i32>} : memref<64x128xf32, #tpu.memory_space<vmem>>, vector<16xf32>,
    %add3A_1233 = arith.addf %add3A_1228, %get3A_1232 : vector<16xf32>
    %swap3A_1234 = arith.constant 8 : i32
    %swap3A_1235 = arith.index_cast %swap3A_1234 : i32 to index
    %swap3A_1236 = arith.constant 0 : index
    %swap3A_1237 = tpu.vector_load %arg10[%swap3A_1235, %swap3A_1236] {strides = array<i32>} : memref<32x128xf32, #tpu.memory_space<vmem>>, vector<16xf32>,
    tpu.vector_store %arg10[%swap3A_1235, %swap3A_1236], %add3A_1233 {strides = array<i32>} : memref<32x128xf32, #tpu.memory_space<vmem>>, vector<16xf32>,
    %get3A_1238 = arith.constant 24 : i32
    %get3A_1239 = arith.index_cast %get3A_1238 : i32 to index
    %get3A_1240 = arith.constant 16 : index
    %get3A_1241 = tpu.vector_load %arg9[%get3A_1239, %get3A_1240] {strides = array<i32>} : memref<64x128xf32, #tpu.memory_space<vmem>>, vector<16xf32>,
    %get3A_1242 = arith.constant 25 : i32
    %get3A_1243 = arith.index_cast %get3A_1242 : i32 to index
    %get3A_1244 = arith.constant 16 : index
    %get3A_1245 = tpu.vector_load %arg9[%get3A_1243, %get3A_1244] {strides = array<i32>} : memref<64x128xf32, #tpu.memory_space<vmem>>, vector<16xf32>,
    %add3A_1246 = arith.addf %get3A_1241, %get3A_1245 : vector<16xf32>
    %get3A_1247 = arith.constant 26 : i32
    %get3A_1248 = arith.index_cast %get3A_1247 : i32 to index
    %get3A_1249 = arith.constant 16 : index
    %get3A_1250 = tpu.vector_load %arg9[%get3A_1248, %get3A_1249] {strides = array<i32>} : memref<64x128xf32, #tpu.memory_space<vmem>>, vector<16xf32>,
    %add3A_1251 = arith.addf %add3A_1246, %get3A_1250 : vector<16xf32>
    %swap3A_1252 = arith.constant 8 : i32
    %swap3A_1253 = arith.index_cast %swap3A_1252 : i32 to index
    %swap3A_1254 = arith.constant 16 : index
    %swap3A_1255 = tpu.vector_load %arg10[%swap3A_1253, %swap3A_1254] {strides = array<i32>} : memref<32x128xf32, #tpu.memory_space<vmem>>, vector<16xf32>,
    tpu.vector_store %arg10[%swap3A_1253, %swap3A_1254], %add3A_1251 {strides = array<i32>} : memref<32x128xf32, #tpu.memory_space<vmem>>, vector<16xf32>,
    %get3A_1256 = arith.constant 24 : i32
    %get3A_1257 = arith.index_cast %get3A_1256 : i32 to index
    %get3A_1258 = arith.constant 32 : index
    %get3A_1259 = tpu.vector_load %arg9[%get3A_1257, %get3A_1258] {strides = array<i32>} : memref<64x128xf32, #tpu.memory_space<vmem>>, vector<16xf32>,
    %get3A_1260 = arith.constant 25 : i32
    %get3A_1261 = arith.index_cast %get3A_1260 : i32 to index
    %get3A_1262 = arith.constant 32 : index
    %get3A_1263 = tpu.vector_load %arg9[%get3A_1261, %get3A_1262] {strides = array<i32>} : memref<64x128xf32, #tpu.memory_space<vmem>>, vector<16xf32>,
    %add3A_1264 = arith.addf %get3A_1259, %get3A_1263 : vector<16xf32>
    %get3A_1265 = arith.constant 26 : i32
    %get3A_1266 = arith.index_cast %get3A_1265 : i32 to index
    %get3A_1267 = arith.constant 32 : index
    %get3A_1268 = tpu.vector_load %arg9[%get3A_1266, %get3A_1267] {strides = array<i32>} : memref<64x128xf32, #tpu.memory_space<vmem>>, vector<16xf32>,
    %add3A_1269 = arith.addf %add3A_1264, %get3A_1268 : vector<16xf32>
    %swap3A_1270 = arith.constant 8 : i32
    %swap3A_1271 = arith.index_cast %swap3A_1270 : i32 to index
    %swap3A_1272 = arith.constant 32 : index
    %swap3A_1273 = tpu.vector_load %arg10[%swap3A_1271, %swap3A_1272] {strides = array<i32>} : memref<32x128xf32, #tpu.memory_space<vmem>>, vector<16xf32>,
    tpu.vector_store %arg10[%swap3A_1271, %swap3A_1272], %add3A_1269 {strides = array<i32>} : memref<32x128xf32, #tpu.memory_space<vmem>>, vector<16xf32>,
    %get3A_1274 = arith.constant 24 : i32
    %get3A_1275 = arith.index_cast %get3A_1274 : i32 to index
    %get3A_1276 = arith.constant 48 : index
    %get3A_1277 = tpu.vector_load %arg9[%get3A_1275, %get3A_1276] {strides = array<i32>} : memref<64x128xf32, #tpu.memory_space<vmem>>, vector<16xf32>,
    %get3A_1278 = arith.constant 25 : i32
    %get3A_1279 = arith.index_cast %get3A_1278 : i32 to index
    %get3A_1280 = arith.constant 48 : index
    %get3A_1281 = tpu.vector_load %arg9[%get3A_1279, %get3A_1280] {strides = array<i32>} : memref<64x128xf32, #tpu.memory_space<vmem>>, vector<16xf32>,
    %add3A_1282 = arith.addf %get3A_1277, %get3A_1281 : vector<16xf32>
    %get3A_1283 = arith.constant 26 : i32
    %get3A_1284 = arith.index_cast %get3A_1283 : i32 to index
    %get3A_1285 = arith.constant 48 : index
    %get3A_1286 = tpu.vector_load %arg9[%get3A_1284, %get3A_1285] {strides = array<i32>} : memref<64x128xf32, #tpu.memory_space<vmem>>, vector<16xf32>,
    %add3A_1287 = arith.addf %add3A_1282, %get3A_1286 : vector<16xf32>
    %swap3A_1288 = arith.constant 8 : i32
    %swap3A_1289 = arith.index_cast %swap3A_1288 : i32 to index
    %swap3A_1290 = arith.constant 48 : index
    %swap3A_1291 = tpu.vector_load %arg10[%swap3A_1289, %swap3A_1290] {strides = array<i32>} : memref<32x128xf32, #tpu.memory_space<vmem>>, vector<16xf32>,
    tpu.vector_store %arg10[%swap3A_1289, %swap3A_1290], %add3A_1287 {strides = array<i32>} : memref<32x128xf32, #tpu.memory_space<vmem>>, vector<16xf32>,
    %get3A_1292 = arith.constant 24 : i32
    %get3A_1293 = arith.index_cast %get3A_1292 : i32 to index
    %get3A_1294 = arith.constant 64 : index
    %get3A_1295 = tpu.vector_load %arg9[%get3A_1293, %get3A_1294] {strides = array<i32>} : memref<64x128xf32, #tpu.memory_space<vmem>>, vector<16xf32>,
    %get3A_1296 = arith.constant 25 : i32
    %get3A_1297 = arith.index_cast %get3A_1296 : i32 to index
    %get3A_1298 = arith.constant 64 : index
    %get3A_1299 = tpu.vector_load %arg9[%get3A_1297, %get3A_1298] {strides = array<i32>} : memref<64x128xf32, #tpu.memory_space<vmem>>, vector<16xf32>,
    %add3A_1300 = arith.addf %get3A_1295, %get3A_1299 : vector<16xf32>
    %get3A_1301 = arith.constant 26 : i32
    %get3A_1302 = arith.index_cast %get3A_1301 : i32 to index
    %get3A_1303 = arith.constant 64 : index
    %get3A_1304 = tpu.vector_load %arg9[%get3A_1302, %get3A_1303] {strides = array<i32>} : memref<64x128xf32, #tpu.memory_space<vmem>>, vector<16xf32>,
    %add3A_1305 = arith.addf %add3A_1300, %get3A_1304 : vector<16xf32>
    %swap3A_1306 = arith.constant 8 : i32
    %swap3A_1307 = arith.index_cast %swap3A_1306 : i32 to index
    %swap3A_1308 = arith.constant 64 : index
    %swap3A_1309 = tpu.vector_load %arg10[%swap3A_1307, %swap3A_1308] {strides = array<i32>} : memref<32x128xf32, #tpu.memory_space<vmem>>, vector<16xf32>,
    tpu.vector_store %arg10[%swap3A_1307, %swap3A_1308], %add3A_1305 {strides = array<i32>} : memref<32x128xf32, #tpu.memory_space<vmem>>, vector<16xf32>,
    %get3A_1310 = arith.constant 24 : i32
    %get3A_1311 = arith.index_cast %get3A_1310 : i32 to index
    %get3A_1312 = arith.constant 80 : index
    %get3A_1313 = tpu.vector_load %arg9[%get3A_1311, %get3A_1312] {strides = array<i32>} : memref<64x128xf32, #tpu.memory_space<vmem>>, vector<16xf32>,
    %get3A_1314 = arith.constant 25 : i32
    %get3A_1315 = arith.index_cast %get3A_1314 : i32 to index
    %get3A_1316 = arith.constant 80 : index
    %get3A_1317 = tpu.vector_load %arg9[%get3A_1315, %get3A_1316] {strides = array<i32>} : memref<64x128xf32, #tpu.memory_space<vmem>>, vector<16xf32>,
    %add3A_1318 = arith.addf %get3A_1313, %get3A_1317 : vector<16xf32>
    %get3A_1319 = arith.constant 26 : i32
    %get3A_1320 = arith.index_cast %get3A_1319 : i32 to index
    %get3A_1321 = arith.constant 80 : index
    %get3A_1322 = tpu.vector_load %arg9[%get3A_1320, %get3A_1321] {strides = array<i32>} : memref<64x128xf32, #tpu.memory_space<vmem>>, vector<16xf32>,
    %add3A_1323 = arith.addf %add3A_1318, %get3A_1322 : vector<16xf32>
    %swap3A_1324 = arith.constant 8 : i32
    %swap3A_1325 = arith.index_cast %swap3A_1324 : i32 to index
    %swap3A_1326 = arith.constant 80 : index
    %swap3A_1327 = tpu.vector_load %arg10[%swap3A_1325, %swap3A_1326] {strides = array<i32>} : memref<32x128xf32, #tpu.memory_space<vmem>>, vector<16xf32>,
    tpu.vector_store %arg10[%swap3A_1325, %swap3A_1326], %add3A_1323 {strides = array<i32>} : memref<32x128xf32, #tpu.memory_space<vmem>>, vector<16xf32>,
    %get3A_1328 = arith.constant 24 : i32
    %get3A_1329 = arith.index_cast %get3A_1328 : i32 to index
    %get3A_1330 = arith.constant 96 : index
    %get3A_1331 = tpu.vector_load %arg9[%get3A_1329, %get3A_1330] {strides = array<i32>} : memref<64x128xf32, #tpu.memory_space<vmem>>, vector<16xf32>,
    %get3A_1332 = arith.constant 25 : i32
    %get3A_1333 = arith.index_cast %get3A_1332 : i32 to index
    %get3A_1334 = arith.constant 96 : index
    %get3A_1335 = tpu.vector_load %arg9[%get3A_1333, %get3A_1334] {strides = array<i32>} : memref<64x128xf32, #tpu.memory_space<vmem>>, vector<16xf32>,
    %add3A_1336 = arith.addf %get3A_1331, %get3A_1335 : vector<16xf32>
    %get3A_1337 = arith.constant 26 : i32
    %get3A_1338 = arith.index_cast %get3A_1337 : i32 to index
    %get3A_1339 = arith.constant 96 : index
    %get3A_1340 = tpu.vector_load %arg9[%get3A_1338, %get3A_1339] {strides = array<i32>} : memref<64x128xf32, #tpu.memory_space<vmem>>, vector<16xf32>,
    %add3A_1341 = arith.addf %add3A_1336, %get3A_1340 : vector<16xf32>
    %swap3A_1342 = arith.constant 8 : i32
    %swap3A_1343 = arith.index_cast %swap3A_1342 : i32 to index
    %swap3A_1344 = arith.constant 96 : index
    %swap3A_1345 = tpu.vector_load %arg10[%swap3A_1343, %swap3A_1344] {strides = array<i32>} : memref<32x128xf32, #tpu.memory_space<vmem>>, vector<16xf32>,
    tpu.vector_store %arg10[%swap3A_1343, %swap3A_1344], %add3A_1341 {strides = array<i32>} : memref<32x128xf32, #tpu.memory_space<vmem>>, vector<16xf32>,
    %get3A_1346 = arith.constant 24 : i32
    %get3A_1347 = arith.index_cast %get3A_1346 : i32 to index
    %get3A_1348 = arith.constant 112 : index
    %get3A_1349 = tpu.vector_load %arg9[%get3A_1347, %get3A_1348] {strides = array<i32>} : memref<64x128xf32, #tpu.memory_space<vmem>>, vector<16xf32>,
    %get3A_1350 = arith.constant 25 : i32
    %get3A_1351 = arith.index_cast %get3A_1350 : i32 to index
    %get3A_1352 = arith.constant 112 : index
    %get3A_1353 = tpu.vector_load %arg9[%get3A_1351, %get3A_1352] {strides = array<i32>} : memref<64x128xf32, #tpu.memory_space<vmem>>, vector<16xf32>,
    %add3A_1354 = arith.addf %get3A_1349, %get3A_1353 : vector<16xf32>
    %get3A_1355 = arith.constant 26 : i32
    %get3A_1356 = arith.index_cast %get3A_1355 : i32 to index
    %get3A_1357 = arith.constant 112 : index
    %get3A_1358 = tpu.vector_load %arg9[%get3A_1356, %get3A_1357] {strides = array<i32>} : memref<64x128xf32, #tpu.memory_space<vmem>>, vector<16xf32>,
    %add3A_1359 = arith.addf %add3A_1354, %get3A_1358 : vector<16xf32>
    %swap3A_1360 = arith.constant 8 : i32
    %swap3A_1361 = arith.index_cast %swap3A_1360 : i32 to index
    %swap3A_1362 = arith.constant 112 : index
    %swap3A_1363 = tpu.vector_load %arg10[%swap3A_1361, %swap3A_1362] {strides = array<i32>} : memref<32x128xf32, #tpu.memory_space<vmem>>, vector<16xf32>,
    tpu.vector_store %arg10[%swap3A_1361, %swap3A_1362], %add3A_1359 {strides = array<i32>} : memref<32x128xf32, #tpu.memory_space<vmem>>, vector<16xf32>,
    %get3A_1364 = arith.constant 27 : i32
    %get3A_1365 = arith.index_cast %get3A_1364 : i32 to index
    %get3A_1366 = arith.constant 0 : index
    %get3A_1367 = tpu.vector_load %arg9[%get3A_1365, %get3A_1366] {strides = array<i32>} : memref<64x128xf32, #tpu.memory_space<vmem>>, vector<16xf32>,
    %get3A_1368 = arith.constant 28 : i32
    %get3A_1369 = arith.index_cast %get3A_1368 : i32 to index
    %get3A_1370 = arith.constant 0 : index
    %get3A_1371 = tpu.vector_load %arg9[%get3A_1369, %get3A_1370] {strides = array<i32>} : memref<64x128xf32, #tpu.memory_space<vmem>>, vector<16xf32>,
    %add3A_1372 = arith.addf %get3A_1367, %get3A_1371 : vector<16xf32>
    %get3A_1373 = arith.constant 29 : i32
    %get3A_1374 = arith.index_cast %get3A_1373 : i32 to index
    %get3A_1375 = arith.constant 0 : index
    %get3A_1376 = tpu.vector_load %arg9[%get3A_1374, %get3A_1375] {strides = array<i32>} : memref<64x128xf32, #tpu.memory_space<vmem>>, vector<16xf32>,
    %add3A_1377 = arith.addf %add3A_1372, %get3A_1376 : vector<16xf32>
    %swap3A_1378 = arith.constant 9 : i32
    %swap3A_1379 = arith.index_cast %swap3A_1378 : i32 to index
    %swap3A_1380 = arith.constant 0 : index
    %swap3A_1381 = tpu.vector_load %arg10[%swap3A_1379, %swap3A_1380] {strides = array<i32>} : memref<32x128xf32, #tpu.memory_space<vmem>>, vector<16xf32>,
    tpu.vector_store %arg10[%swap3A_1379, %swap3A_1380], %add3A_1377 {strides = array<i32>} : memref<32x128xf32, #tpu.memory_space<vmem>>, vector<16xf32>,
    %get3A_1382 = arith.constant 27 : i32
    %get3A_1383 = arith.index_cast %get3A_1382 : i32 to index
    %get3A_1384 = arith.constant 16 : index
    %get3A_1385 = tpu.vector_load %arg9[%get3A_1383, %get3A_1384] {strides = array<i32>} : memref<64x128xf32, #tpu.memory_space<vmem>>, vector<16xf32>,
    %get3A_1386 = arith.constant 28 : i32
    %get3A_1387 = arith.index_cast %get3A_1386 : i32 to index
    %get3A_1388 = arith.constant 16 : index
    %get3A_1389 = tpu.vector_load %arg9[%get3A_1387, %get3A_1388] {strides = array<i32>} : memref<64x128xf32, #tpu.memory_space<vmem>>, vector<16xf32>,
    %add3A_1390 = arith.addf %get3A_1385, %get3A_1389 : vector<16xf32>
    %get3A_1391 = arith.constant 29 : i32
    %get3A_1392 = arith.index_cast %get3A_1391 : i32 to index
    %get3A_1393 = arith.constant 16 : index
    %get3A_1394 = tpu.vector_load %arg9[%get3A_1392, %get3A_1393] {strides = array<i32>} : memref<64x128xf32, #tpu.memory_space<vmem>>, vector<16xf32>,
    %add3A_1395 = arith.addf %add3A_1390, %get3A_1394 : vector<16xf32>
    %swap3A_1396 = arith.constant 9 : i32
    %swap3A_1397 = arith.index_cast %swap3A_1396 : i32 to index
    %swap3A_1398 = arith.constant 16 : index
    %swap3A_1399 = tpu.vector_load %arg10[%swap3A_1397, %swap3A_1398] {strides = array<i32>} : memref<32x128xf32, #tpu.memory_space<vmem>>, vector<16xf32>,
    tpu.vector_store %arg10[%swap3A_1397, %swap3A_1398], %add3A_1395 {strides = array<i32>} : memref<32x128xf32, #tpu.memory_space<vmem>>, vector<16xf32>,
    %get3A_1400 = arith.constant 27 : i32
    %get3A_1401 = arith.index_cast %get3A_1400 : i32 to index
    %get3A_1402 = arith.constant 32 : index
    %get3A_1403 = tpu.vector_load %arg9[%get3A_1401, %get3A_1402] {strides = array<i32>} : memref<64x128xf32, #tpu.memory_space<vmem>>, vector<16xf32>,
    %get3A_1404 = arith.constant 28 : i32
    %get3A_1405 = arith.index_cast %get3A_1404 : i32 to index
    %get3A_1406 = arith.constant 32 : index
    %get3A_1407 = tpu.vector_load %arg9[%get3A_1405, %get3A_1406] {strides = array<i32>} : memref<64x128xf32, #tpu.memory_space<vmem>>, vector<16xf32>,
    %add3A_1408 = arith.addf %get3A_1403, %get3A_1407 : vector<16xf32>
    %get3A_1409 = arith.constant 29 : i32
    %get3A_1410 = arith.index_cast %get3A_1409 : i32 to index
    %get3A_1411 = arith.constant 32 : index
    %get3A_1412 = tpu.vector_load %arg9[%get3A_1410, %get3A_1411] {strides = array<i32>} : memref<64x128xf32, #tpu.memory_space<vmem>>, vector<16xf32>,
    %add3A_1413 = arith.addf %add3A_1408, %get3A_1412 : vector<16xf32>
    %swap3A_1414 = arith.constant 9 : i32
    %swap3A_1415 = arith.index_cast %swap3A_1414 : i32 to index
    %swap3A_1416 = arith.constant 32 : index
    %swap3A_1417 = tpu.vector_load %arg10[%swap3A_1415, %swap3A_1416] {strides = array<i32>} : memref<32x128xf32, #tpu.memory_space<vmem>>, vector<16xf32>,
    tpu.vector_store %arg10[%swap3A_1415, %swap3A_1416], %add3A_1413 {strides = array<i32>} : memref<32x128xf32, #tpu.memory_space<vmem>>, vector<16xf32>,
    %get3A_1418 = arith.constant 27 : i32
    %get3A_1419 = arith.index_cast %get3A_1418 : i32 to index
    %get3A_1420 = arith.constant 48 : index
    %get3A_1421 = tpu.vector_load %arg9[%get3A_1419, %get3A_1420] {strides = array<i32>} : memref<64x128xf32, #tpu.memory_space<vmem>>, vector<16xf32>,
    %get3A_1422 = arith.constant 28 : i32
    %get3A_1423 = arith.index_cast %get3A_1422 : i32 to index
    %get3A_1424 = arith.constant 48 : index
    %get3A_1425 = tpu.vector_load %arg9[%get3A_1423, %get3A_1424] {strides = array<i32>} : memref<64x128xf32, #tpu.memory_space<vmem>>, vector<16xf32>,
    %add3A_1426 = arith.addf %get3A_1421, %get3A_1425 : vector<16xf32>
    %get3A_1427 = arith.constant 29 : i32
    %get3A_1428 = arith.index_cast %get3A_1427 : i32 to index
    %get3A_1429 = arith.constant 48 : index
    %get3A_1430 = tpu.vector_load %arg9[%get3A_1428, %get3A_1429] {strides = array<i32>} : memref<64x128xf32, #tpu.memory_space<vmem>>, vector<16xf32>,
    %add3A_1431 = arith.addf %add3A_1426, %get3A_1430 : vector<16xf32>
    %swap3A_1432 = arith.constant 9 : i32
    %swap3A_1433 = arith.index_cast %swap3A_1432 : i32 to index
    %swap3A_1434 = arith.constant 48 : index
    %swap3A_1435 = tpu.vector_load %arg10[%swap3A_1433, %swap3A_1434] {strides = array<i32>} : memref<32x128xf32, #tpu.memory_space<vmem>>, vector<16xf32>,
    tpu.vector_store %arg10[%swap3A_1433, %swap3A_1434], %add3A_1431 {strides = array<i32>} : memref<32x128xf32, #tpu.memory_space<vmem>>, vector<16xf32>,
    %get3A_1436 = arith.constant 27 : i32
    %get3A_1437 = arith.index_cast %get3A_1436 : i32 to index
    %get3A_1438 = arith.constant 64 : index
    %get3A_1439 = tpu.vector_load %arg9[%get3A_1437, %get3A_1438] {strides = array<i32>} : memref<64x128xf32, #tpu.memory_space<vmem>>, vector<16xf32>,
    %get3A_1440 = arith.constant 28 : i32
    %get3A_1441 = arith.index_cast %get3A_1440 : i32 to index
    %get3A_1442 = arith.constant 64 : index
    %get3A_1443 = tpu.vector_load %arg9[%get3A_1441, %get3A_1442] {strides = array<i32>} : memref<64x128xf32, #tpu.memory_space<vmem>>, vector<16xf32>,
    %add3A_1444 = arith.addf %get3A_1439, %get3A_1443 : vector<16xf32>
    %get3A_1445 = arith.constant 29 : i32
    %get3A_1446 = arith.index_cast %get3A_1445 : i32 to index
    %get3A_1447 = arith.constant 64 : index
    %get3A_1448 = tpu.vector_load %arg9[%get3A_1446, %get3A_1447] {strides = array<i32>} : memref<64x128xf32, #tpu.memory_space<vmem>>, vector<16xf32>,
    %add3A_1449 = arith.addf %add3A_1444, %get3A_1448 : vector<16xf32>
    %swap3A_1450 = arith.constant 9 : i32
    %swap3A_1451 = arith.index_cast %swap3A_1450 : i32 to index
    %swap3A_1452 = arith.constant 64 : index
    %swap3A_1453 = tpu.vector_load %arg10[%swap3A_1451, %swap3A_1452] {strides = array<i32>} : memref<32x128xf32, #tpu.memory_space<vmem>>, vector<16xf32>,
    tpu.vector_store %arg10[%swap3A_1451, %swap3A_1452], %add3A_1449 {strides = array<i32>} : memref<32x128xf32, #tpu.memory_space<vmem>>, vector<16xf32>,
    %get3A_1454 = arith.constant 27 : i32
    %get3A_1455 = arith.index_cast %get3A_1454 : i32 to index
    %get3A_1456 = arith.constant 80 : index
    %get3A_1457 = tpu.vector_load %arg9[%get3A_1455, %get3A_1456] {strides = array<i32>} : memref<64x128xf32, #tpu.memory_space<vmem>>, vector<16xf32>,
    %get3A_1458 = arith.constant 28 : i32
    %get3A_1459 = arith.index_cast %get3A_1458 : i32 to index
    %get3A_1460 = arith.constant 80 : index
    %get3A_1461 = tpu.vector_load %arg9[%get3A_1459, %get3A_1460] {strides = array<i32>} : memref<64x128xf32, #tpu.memory_space<vmem>>, vector<16xf32>,
    %add3A_1462 = arith.addf %get3A_1457, %get3A_1461 : vector<16xf32>
    %get3A_1463 = arith.constant 29 : i32
    %get3A_1464 = arith.index_cast %get3A_1463 : i32 to index
    %get3A_1465 = arith.constant 80 : index
    %get3A_1466 = tpu.vector_load %arg9[%get3A_1464, %get3A_1465] {strides = array<i32>} : memref<64x128xf32, #tpu.memory_space<vmem>>, vector<16xf32>,
    %add3A_1467 = arith.addf %add3A_1462, %get3A_1466 : vector<16xf32>
    %swap3A_1468 = arith.constant 9 : i32
    %swap3A_1469 = arith.index_cast %swap3A_1468 : i32 to index
    %swap3A_1470 = arith.constant 80 : index
    %swap3A_1471 = tpu.vector_load %arg10[%swap3A_1469, %swap3A_1470] {strides = array<i32>} : memref<32x128xf32, #tpu.memory_space<vmem>>, vector<16xf32>,
    tpu.vector_store %arg10[%swap3A_1469, %swap3A_1470], %add3A_1467 {strides = array<i32>} : memref<32x128xf32, #tpu.memory_space<vmem>>, vector<16xf32>,
    %get3A_1472 = arith.constant 27 : i32
    %get3A_1473 = arith.index_cast %get3A_1472 : i32 to index
    %get3A_1474 = arith.constant 96 : index
    %get3A_1475 = tpu.vector_load %arg9[%get3A_1473, %get3A_1474] {strides = array<i32>} : memref<64x128xf32, #tpu.memory_space<vmem>>, vector<16xf32>,
    %get3A_1476 = arith.constant 28 : i32
    %get3A_1477 = arith.index_cast %get3A_1476 : i32 to index
    %get3A_1478 = arith.constant 96 : index
    %get3A_1479 = tpu.vector_load %arg9[%get3A_1477, %get3A_1478] {strides = array<i32>} : memref<64x128xf32, #tpu.memory_space<vmem>>, vector<16xf32>,
    %add3A_1480 = arith.addf %get3A_1475, %get3A_1479 : vector<16xf32>
    %get3A_1481 = arith.constant 29 : i32
    %get3A_1482 = arith.index_cast %get3A_1481 : i32 to index
    %get3A_1483 = arith.constant 96 : index
    %get3A_1484 = tpu.vector_load %arg9[%get3A_1482, %get3A_1483] {strides = array<i32>} : memref<64x128xf32, #tpu.memory_space<vmem>>, vector<16xf32>,
    %add3A_1485 = arith.addf %add3A_1480, %get3A_1484 : vector<16xf32>
    %swap3A_1486 = arith.constant 9 : i32
    %swap3A_1487 = arith.index_cast %swap3A_1486 : i32 to index
    %swap3A_1488 = arith.constant 96 : index
    %swap3A_1489 = tpu.vector_load %arg10[%swap3A_1487, %swap3A_1488] {strides = array<i32>} : memref<32x128xf32, #tpu.memory_space<vmem>>, vector<16xf32>,
    tpu.vector_store %arg10[%swap3A_1487, %swap3A_1488], %add3A_1485 {strides = array<i32>} : memref<32x128xf32, #tpu.memory_space<vmem>>, vector<16xf32>,
    %get3A_1490 = arith.constant 27 : i32
    %get3A_1491 = arith.index_cast %get3A_1490 : i32 to index
    %get3A_1492 = arith.constant 112 : index
    %get3A_1493 = tpu.vector_load %arg9[%get3A_1491, %get3A_1492] {strides = array<i32>} : memref<64x128xf32, #tpu.memory_space<vmem>>, vector<16xf32>,
    %get3A_1494 = arith.constant 28 : i32
    %get3A_1495 = arith.index_cast %get3A_1494 : i32 to index
    %get3A_1496 = arith.constant 112 : index
    %get3A_1497 = tpu.vector_load %arg9[%get3A_1495, %get3A_1496] {strides = array<i32>} : memref<64x128xf32, #tpu.memory_space<vmem>>, vector<16xf32>,
    %add3A_1498 = arith.addf %get3A_1493, %get3A_1497 : vector<16xf32>
    %get3A_1499 = arith.constant 29 : i32
    %get3A_1500 = arith.index_cast %get3A_1499 : i32 to index
    %get3A_1501 = arith.constant 112 : index
    %get3A_1502 = tpu.vector_load %arg9[%get3A_1500, %get3A_1501] {strides = array<i32>} : memref<64x128xf32, #tpu.memory_space<vmem>>, vector<16xf32>,
    %add3A_1503 = arith.addf %add3A_1498, %get3A_1502 : vector<16xf32>
    %swap3A_1504 = arith.constant 9 : i32
    %swap3A_1505 = arith.index_cast %swap3A_1504 : i32 to index
    %swap3A_1506 = arith.constant 112 : index
    %swap3A_1507 = tpu.vector_load %arg10[%swap3A_1505, %swap3A_1506] {strides = array<i32>} : memref<32x128xf32, #tpu.memory_space<vmem>>, vector<16xf32>,
    tpu.vector_store %arg10[%swap3A_1505, %swap3A_1506], %add3A_1503 {strides = array<i32>} : memref<32x128xf32, #tpu.memory_space<vmem>>, vector<16xf32>,
    %swap3A_1508 = arith.constant 10 : i32
    %swap3A_1509 = arith.index_cast %swap3A_1508 : i32 to index
    %swap3A_1510 = arith.constant 0 : index
    %swap3A_1511 = tpu.vector_load %arg10[%swap3A_1509, %swap3A_1510] {strides = array<i32>} : memref<32x128xf32, #tpu.memory_space<vmem>>, vector<16xf32>,
    tpu.vector_store %arg10[%swap3A_1509, %swap3A_1510], %broadcast_in_dim3A_67 {strides = array<i32>} : memref<32x128xf32, #tpu.memory_space<vmem>>, vector<16xf32>,
    %swap3A_1512 = arith.constant 10 : i32
    %swap3A_1513 = arith.index_cast %swap3A_1512 : i32 to index
    %swap3A_1514 = arith.constant 16 : index
    %swap3A_1515 = tpu.vector_load %arg10[%swap3A_1513, %swap3A_1514] {strides = array<i32>} : memref<32x128xf32, #tpu.memory_space<vmem>>, vector<16xf32>,
    tpu.vector_store %arg10[%swap3A_1513, %swap3A_1514], %broadcast_in_dim3A_67 {strides = array<i32>} : memref<32x128xf32, #tpu.memory_space<vmem>>, vector<16xf32>,
    %swap3A_1516 = arith.constant 10 : i32
    %swap3A_1517 = arith.index_cast %swap3A_1516 : i32 to index
    %swap3A_1518 = arith.constant 32 : index
    %swap3A_1519 = tpu.vector_load %arg10[%swap3A_1517, %swap3A_1518] {strides = array<i32>} : memref<32x128xf32, #tpu.memory_space<vmem>>, vector<16xf32>,
    tpu.vector_store %arg10[%swap3A_1517, %swap3A_1518], %broadcast_in_dim3A_67 {strides = array<i32>} : memref<32x128xf32, #tpu.memory_space<vmem>>, vector<16xf32>,
    %swap3A_1520 = arith.constant 10 : i32
    %swap3A_1521 = arith.index_cast %swap3A_1520 : i32 to index
    %swap3A_1522 = arith.constant 48 : index
    %swap3A_1523 = tpu.vector_load %arg10[%swap3A_1521, %swap3A_1522] {strides = array<i32>} : memref<32x128xf32, #tpu.memory_space<vmem>>, vector<16xf32>,
    tpu.vector_store %arg10[%swap3A_1521, %swap3A_1522], %broadcast_in_dim3A_67 {strides = array<i32>} : memref<32x128xf32, #tpu.memory_space<vmem>>, vector<16xf32>,
    %swap3A_1524 = arith.constant 10 : i32
    %swap3A_1525 = arith.index_cast %swap3A_1524 : i32 to index
    %swap3A_1526 = arith.constant 64 : index
    %swap3A_1527 = tpu.vector_load %arg10[%swap3A_1525, %swap3A_1526] {strides = array<i32>} : memref<32x128xf32, #tpu.memory_space<vmem>>, vector<16xf32>,
    tpu.vector_store %arg10[%swap3A_1525, %swap3A_1526], %broadcast_in_dim3A_67 {strides = array<i32>} : memref<32x128xf32, #tpu.memory_space<vmem>>, vector<16xf32>,
    %swap3A_1528 = arith.constant 10 : i32
    %swap3A_1529 = arith.index_cast %swap3A_1528 : i32 to index
    %swap3A_1530 = arith.constant 80 : index
    %swap3A_1531 = tpu.vector_load %arg10[%swap3A_1529, %swap3A_1530] {strides = array<i32>} : memref<32x128xf32, #tpu.memory_space<vmem>>, vector<16xf32>,
    tpu.vector_store %arg10[%swap3A_1529, %swap3A_1530], %broadcast_in_dim3A_67 {strides = array<i32>} : memref<32x128xf32, #tpu.memory_space<vmem>>, vector<16xf32>,
    %swap3A_1532 = arith.constant 10 : i32
    %swap3A_1533 = arith.index_cast %swap3A_1532 : i32 to index
    %swap3A_1534 = arith.constant 96 : index
    %swap3A_1535 = tpu.vector_load %arg10[%swap3A_1533, %swap3A_1534] {strides = array<i32>} : memref<32x128xf32, #tpu.memory_space<vmem>>, vector<16xf32>,
    tpu.vector_store %arg10[%swap3A_1533, %swap3A_1534], %broadcast_in_dim3A_67 {strides = array<i32>} : memref<32x128xf32, #tpu.memory_space<vmem>>, vector<16xf32>,
    %swap3A_1536 = arith.constant 10 : i32
    %swap3A_1537 = arith.index_cast %swap3A_1536 : i32 to index
    %swap3A_1538 = arith.constant 112 : index
    %swap3A_1539 = tpu.vector_load %arg10[%swap3A_1537, %swap3A_1538] {strides = array<i32>} : memref<32x128xf32, #tpu.memory_space<vmem>>, vector<16xf32>,
    tpu.vector_store %arg10[%swap3A_1537, %swap3A_1538], %broadcast_in_dim3A_67 {strides = array<i32>} : memref<32x128xf32, #tpu.memory_space<vmem>>, vector<16xf32>,
    %swap3A_1540 = arith.constant 11 : i32
    %swap3A_1541 = arith.index_cast %swap3A_1540 : i32 to index
    %swap3A_1542 = arith.constant 0 : index
    %swap3A_1543 = tpu.vector_load %arg10[%swap3A_1541, %swap3A_1542] {strides = array<i32>} : memref<32x128xf32, #tpu.memory_space<vmem>>, vector<16xf32>,
    tpu.vector_store %arg10[%swap3A_1541, %swap3A_1542], %broadcast_in_dim3A_67 {strides = array<i32>} : memref<32x128xf32, #tpu.memory_space<vmem>>, vector<16xf32>,
    %swap3A_1544 = arith.constant 11 : i32
    %swap3A_1545 = arith.index_cast %swap3A_1544 : i32 to index
    %swap3A_1546 = arith.constant 16 : index
    %swap3A_1547 = tpu.vector_load %arg10[%swap3A_1545, %swap3A_1546] {strides = array<i32>} : memref<32x128xf32, #tpu.memory_space<vmem>>, vector<16xf32>,
    tpu.vector_store %arg10[%swap3A_1545, %swap3A_1546], %broadcast_in_dim3A_67 {strides = array<i32>} : memref<32x128xf32, #tpu.memory_space<vmem>>, vector<16xf32>,
    %swap3A_1548 = arith.constant 11 : i32
    %swap3A_1549 = arith.index_cast %swap3A_1548 : i32 to index
    %swap3A_1550 = arith.constant 32 : index
    %swap3A_1551 = tpu.vector_load %arg10[%swap3A_1549, %swap3A_1550] {strides = array<i32>} : memref<32x128xf32, #tpu.memory_space<vmem>>, vector<16xf32>,
    tpu.vector_store %arg10[%swap3A_1549, %swap3A_1550], %broadcast_in_dim3A_67 {strides = array<i32>} : memref<32x128xf32, #tpu.memory_space<vmem>>, vector<16xf32>,
    %swap3A_1552 = arith.constant 11 : i32
    %swap3A_1553 = arith.index_cast %swap3A_1552 : i32 to index
    %swap3A_1554 = arith.constant 48 : index
    %swap3A_1555 = tpu.vector_load %arg10[%swap3A_1553, %swap3A_1554] {strides = array<i32>} : memref<32x128xf32, #tpu.memory_space<vmem>>, vector<16xf32>,
    tpu.vector_store %arg10[%swap3A_1553, %swap3A_1554], %broadcast_in_dim3A_67 {strides = array<i32>} : memref<32x128xf32, #tpu.memory_space<vmem>>, vector<16xf32>,
    %swap3A_1556 = arith.constant 11 : i32
    %swap3A_1557 = arith.index_cast %swap3A_1556 : i32 to index
    %swap3A_1558 = arith.constant 64 : index
    %swap3A_1559 = tpu.vector_load %arg10[%swap3A_1557, %swap3A_1558] {strides = array<i32>} : memref<32x128xf32, #tpu.memory_space<vmem>>, vector<16xf32>,
    tpu.vector_store %arg10[%swap3A_1557, %swap3A_1558], %broadcast_in_dim3A_67 {strides = array<i32>} : memref<32x128xf32, #tpu.memory_space<vmem>>, vector<16xf32>,
    %swap3A_1560 = arith.constant 11 : i32
    %swap3A_1561 = arith.index_cast %swap3A_1560 : i32 to index
    %swap3A_1562 = arith.constant 80 : index
    %swap3A_1563 = tpu.vector_load %arg10[%swap3A_1561, %swap3A_1562] {strides = array<i32>} : memref<32x128xf32, #tpu.memory_space<vmem>>, vector<16xf32>,
    tpu.vector_store %arg10[%swap3A_1561, %swap3A_1562], %broadcast_in_dim3A_67 {strides = array<i32>} : memref<32x128xf32, #tpu.memory_space<vmem>>, vector<16xf32>,
    %swap3A_1564 = arith.constant 11 : i32
    %swap3A_1565 = arith.index_cast %swap3A_1564 : i32 to index
    %swap3A_1566 = arith.constant 96 : index
    %swap3A_1567 = tpu.vector_load %arg10[%swap3A_1565, %swap3A_1566] {strides = array<i32>} : memref<32x128xf32, #tpu.memory_space<vmem>>, vector<16xf32>,
    tpu.vector_store %arg10[%swap3A_1565, %swap3A_1566], %broadcast_in_dim3A_67 {strides = array<i32>} : memref<32x128xf32, #tpu.memory_space<vmem>>, vector<16xf32>,
    %swap3A_1568 = arith.constant 11 : i32
    %swap3A_1569 = arith.index_cast %swap3A_1568 : i32 to index
    %swap3A_1570 = arith.constant 112 : index
    %swap3A_1571 = tpu.vector_load %arg10[%swap3A_1569, %swap3A_1570] {strides = array<i32>} : memref<32x128xf32, #tpu.memory_space<vmem>>, vector<16xf32>,
    tpu.vector_store %arg10[%swap3A_1569, %swap3A_1570], %broadcast_in_dim3A_67 {strides = array<i32>} : memref<32x128xf32, #tpu.memory_space<vmem>>, vector<16xf32>,
    %swap3A_1572 = arith.constant 12 : i32
    %swap3A_1573 = arith.index_cast %swap3A_1572 : i32 to index
    %swap3A_1574 = arith.constant 0 : index
    %swap3A_1575 = tpu.vector_load %arg10[%swap3A_1573, %swap3A_1574] {strides = array<i32>} : memref<32x128xf32, #tpu.memory_space<vmem>>, vector<16xf32>,
    tpu.vector_store %arg10[%swap3A_1573, %swap3A_1574], %broadcast_in_dim3A_67 {strides = array<i32>} : memref<32x128xf32, #tpu.memory_space<vmem>>, vector<16xf32>,
    %swap3A_1576 = arith.constant 12 : i32
    %swap3A_1577 = arith.index_cast %swap3A_1576 : i32 to index
    %swap3A_1578 = arith.constant 16 : index
    %swap3A_1579 = tpu.vector_load %arg10[%swap3A_1577, %swap3A_1578] {strides = array<i32>} : memref<32x128xf32, #tpu.memory_space<vmem>>, vector<16xf32>,
    tpu.vector_store %arg10[%swap3A_1577, %swap3A_1578], %broadcast_in_dim3A_67 {strides = array<i32>} : memref<32x128xf32, #tpu.memory_space<vmem>>, vector<16xf32>,
    %swap3A_1580 = arith.constant 12 : i32
    %swap3A_1581 = arith.index_cast %swap3A_1580 : i32 to index
    %swap3A_1582 = arith.constant 32 : index
    %swap3A_1583 = tpu.vector_load %arg10[%swap3A_1581, %swap3A_1582] {strides = array<i32>} : memref<32x128xf32, #tpu.memory_space<vmem>>, vector<16xf32>,
    tpu.vector_store %arg10[%swap3A_1581, %swap3A_1582], %broadcast_in_dim3A_67 {strides = array<i32>} : memref<32x128xf32, #tpu.memory_space<vmem>>, vector<16xf32>,
    %swap3A_1584 = arith.constant 12 : i32
    %swap3A_1585 = arith.index_cast %swap3A_1584 : i32 to index
    %swap3A_1586 = arith.constant 48 : index
    %swap3A_1587 = tpu.vector_load %arg10[%swap3A_1585, %swap3A_1586] {strides = array<i32>} : memref<32x128xf32, #tpu.memory_space<vmem>>, vector<16xf32>,
    tpu.vector_store %arg10[%swap3A_1585, %swap3A_1586], %broadcast_in_dim3A_67 {strides = array<i32>} : memref<32x128xf32, #tpu.memory_space<vmem>>, vector<16xf32>,
    %swap3A_1588 = arith.constant 12 : i32
    %swap3A_1589 = arith.index_cast %swap3A_1588 : i32 to index
    %swap3A_1590 = arith.constant 64 : index
    %swap3A_1591 = tpu.vector_load %arg10[%swap3A_1589, %swap3A_1590] {strides = array<i32>} : memref<32x128xf32, #tpu.memory_space<vmem>>, vector<16xf32>,
    tpu.vector_store %arg10[%swap3A_1589, %swap3A_1590], %broadcast_in_dim3A_67 {strides = array<i32>} : memref<32x128xf32, #tpu.memory_space<vmem>>, vector<16xf32>,
    %swap3A_1592 = arith.constant 12 : i32
    %swap3A_1593 = arith.index_cast %swap3A_1592 : i32 to index
    %swap3A_1594 = arith.constant 80 : index
    %swap3A_1595 = tpu.vector_load %arg10[%swap3A_1593, %swap3A_1594] {strides = array<i32>} : memref<32x128xf32, #tpu.memory_space<vmem>>, vector<16xf32>,
    tpu.vector_store %arg10[%swap3A_1593, %swap3A_1594], %broadcast_in_dim3A_67 {strides = array<i32>} : memref<32x128xf32, #tpu.memory_space<vmem>>, vector<16xf32>,
    %swap3A_1596 = arith.constant 12 : i32
    %swap3A_1597 = arith.index_cast %swap3A_1596 : i32 to index
    %swap3A_1598 = arith.constant 96 : index
    %swap3A_1599 = tpu.vector_load %arg10[%swap3A_1597, %swap3A_1598] {strides = array<i32>} : memref<32x128xf32, #tpu.memory_space<vmem>>, vector<16xf32>,
    tpu.vector_store %arg10[%swap3A_1597, %swap3A_1598], %broadcast_in_dim3A_67 {strides = array<i32>} : memref<32x128xf32, #tpu.memory_space<vmem>>, vector<16xf32>,
    %swap3A_1600 = arith.constant 12 : i32
    %swap3A_1601 = arith.index_cast %swap3A_1600 : i32 to index
    %swap3A_1602 = arith.constant 112 : index
    %swap3A_1603 = tpu.vector_load %arg10[%swap3A_1601, %swap3A_1602] {strides = array<i32>} : memref<32x128xf32, #tpu.memory_space<vmem>>, vector<16xf32>,
    tpu.vector_store %arg10[%swap3A_1601, %swap3A_1602], %broadcast_in_dim3A_67 {strides = array<i32>} : memref<32x128xf32, #tpu.memory_space<vmem>>, vector<16xf32>,
    %swap3A_1604 = arith.constant 13 : i32
    %swap3A_1605 = arith.index_cast %swap3A_1604 : i32 to index
    %swap3A_1606 = arith.constant 0 : index
    %swap3A_1607 = tpu.vector_load %arg10[%swap3A_1605, %swap3A_1606] {strides = array<i32>} : memref<32x128xf32, #tpu.memory_space<vmem>>, vector<16xf32>,
    tpu.vector_store %arg10[%swap3A_1605, %swap3A_1606], %broadcast_in_dim3A_67 {strides = array<i32>} : memref<32x128xf32, #tpu.memory_space<vmem>>, vector<16xf32>,
    %swap3A_1608 = arith.constant 13 : i32
    %swap3A_1609 = arith.index_cast %swap3A_1608 : i32 to index
    %swap3A_1610 = arith.constant 16 : index
    %swap3A_1611 = tpu.vector_load %arg10[%swap3A_1609, %swap3A_1610] {strides = array<i32>} : memref<32x128xf32, #tpu.memory_space<vmem>>, vector<16xf32>,
    tpu.vector_store %arg10[%swap3A_1609, %swap3A_1610], %broadcast_in_dim3A_67 {strides = array<i32>} : memref<32x128xf32, #tpu.memory_space<vmem>>, vector<16xf32>,
    %swap3A_1612 = arith.constant 13 : i32
    %swap3A_1613 = arith.index_cast %swap3A_1612 : i32 to index
    %swap3A_1614 = arith.constant 32 : index
    %swap3A_1615 = tpu.vector_load %arg10[%swap3A_1613, %swap3A_1614] {strides = array<i32>} : memref<32x128xf32, #tpu.memory_space<vmem>>, vector<16xf32>,
    tpu.vector_store %arg10[%swap3A_1613, %swap3A_1614], %broadcast_in_dim3A_67 {strides = array<i32>} : memref<32x128xf32, #tpu.memory_space<vmem>>, vector<16xf32>,
    %swap3A_1616 = arith.constant 13 : i32
    %swap3A_1617 = arith.index_cast %swap3A_1616 : i32 to index
    %swap3A_1618 = arith.constant 48 : index
    %swap3A_1619 = tpu.vector_load %arg10[%swap3A_1617, %swap3A_1618] {strides = array<i32>} : memref<32x128xf32, #tpu.memory_space<vmem>>, vector<16xf32>,
    tpu.vector_store %arg10[%swap3A_1617, %swap3A_1618], %broadcast_in_dim3A_67 {strides = array<i32>} : memref<32x128xf32, #tpu.memory_space<vmem>>, vector<16xf32>,
    %swap3A_1620 = arith.constant 13 : i32
    %swap3A_1621 = arith.index_cast %swap3A_1620 : i32 to index
    %swap3A_1622 = arith.constant 64 : index
    %swap3A_1623 = tpu.vector_load %arg10[%swap3A_1621, %swap3A_1622] {strides = array<i32>} : memref<32x128xf32, #tpu.memory_space<vmem>>, vector<16xf32>,
    tpu.vector_store %arg10[%swap3A_1621, %swap3A_1622], %broadcast_in_dim3A_67 {strides = array<i32>} : memref<32x128xf32, #tpu.memory_space<vmem>>, vector<16xf32>,
    %swap3A_1624 = arith.constant 13 : i32
    %swap3A_1625 = arith.index_cast %swap3A_1624 : i32 to index
    %swap3A_1626 = arith.constant 80 : index
    %swap3A_1627 = tpu.vector_load %arg10[%swap3A_1625, %swap3A_1626] {strides = array<i32>} : memref<32x128xf32, #tpu.memory_space<vmem>>, vector<16xf32>,
    tpu.vector_store %arg10[%swap3A_1625, %swap3A_1626], %broadcast_in_dim3A_67 {strides = array<i32>} : memref<32x128xf32, #tpu.memory_space<vmem>>, vector<16xf32>,
    %swap3A_1628 = arith.constant 13 : i32
    %swap3A_1629 = arith.index_cast %swap3A_1628 : i32 to index
    %swap3A_1630 = arith.constant 96 : index
    %swap3A_1631 = tpu.vector_load %arg10[%swap3A_1629, %swap3A_1630] {strides = array<i32>} : memref<32x128xf32, #tpu.memory_space<vmem>>, vector<16xf32>,
    tpu.vector_store %arg10[%swap3A_1629, %swap3A_1630], %broadcast_in_dim3A_67 {strides = array<i32>} : memref<32x128xf32, #tpu.memory_space<vmem>>, vector<16xf32>,
    %swap3A_1632 = arith.constant 13 : i32
    %swap3A_1633 = arith.index_cast %swap3A_1632 : i32 to index
    %swap3A_1634 = arith.constant 112 : index
    %swap3A_1635 = tpu.vector_load %arg10[%swap3A_1633, %swap3A_1634] {strides = array<i32>} : memref<32x128xf32, #tpu.memory_space<vmem>>, vector<16xf32>,
    tpu.vector_store %arg10[%swap3A_1633, %swap3A_1634], %broadcast_in_dim3A_67 {strides = array<i32>} : memref<32x128xf32, #tpu.memory_space<vmem>>, vector<16xf32>,
    %swap3A_1636 = arith.constant 14 : i32
    %swap3A_1637 = arith.index_cast %swap3A_1636 : i32 to index
    %swap3A_1638 = arith.constant 0 : index
    %swap3A_1639 = tpu.vector_load %arg10[%swap3A_1637, %swap3A_1638] {strides = array<i32>} : memref<32x128xf32, #tpu.memory_space<vmem>>, vector<16xf32>,
    tpu.vector_store %arg10[%swap3A_1637, %swap3A_1638], %broadcast_in_dim3A_67 {strides = array<i32>} : memref<32x128xf32, #tpu.memory_space<vmem>>, vector<16xf32>,
    %swap3A_1640 = arith.constant 14 : i32
    %swap3A_1641 = arith.index_cast %swap3A_1640 : i32 to index
    %swap3A_1642 = arith.constant 16 : index
    %swap3A_1643 = tpu.vector_load %arg10[%swap3A_1641, %swap3A_1642] {strides = array<i32>} : memref<32x128xf32, #tpu.memory_space<vmem>>, vector<16xf32>,
    tpu.vector_store %arg10[%swap3A_1641, %swap3A_1642], %broadcast_in_dim3A_67 {strides = array<i32>} : memref<32x128xf32, #tpu.memory_space<vmem>>, vector<16xf32>,
    %swap3A_1644 = arith.constant 14 : i32
    %swap3A_1645 = arith.index_cast %swap3A_1644 : i32 to index
    %swap3A_1646 = arith.constant 32 : index
    %swap3A_1647 = tpu.vector_load %arg10[%swap3A_1645, %swap3A_1646] {strides = array<i32>} : memref<32x128xf32, #tpu.memory_space<vmem>>, vector<16xf32>,
    tpu.vector_store %arg10[%swap3A_1645, %swap3A_1646], %broadcast_in_dim3A_67 {strides = array<i32>} : memref<32x128xf32, #tpu.memory_space<vmem>>, vector<16xf32>,
    %swap3A_1648 = arith.constant 14 : i32
    %swap3A_1649 = arith.index_cast %swap3A_1648 : i32 to index
    %swap3A_1650 = arith.constant 48 : index
    %swap3A_1651 = tpu.vector_load %arg10[%swap3A_1649, %swap3A_1650] {strides = array<i32>} : memref<32x128xf32, #tpu.memory_space<vmem>>, vector<16xf32>,
    tpu.vector_store %arg10[%swap3A_1649, %swap3A_1650], %broadcast_in_dim3A_67 {strides = array<i32>} : memref<32x128xf32, #tpu.memory_space<vmem>>, vector<16xf32>,
    %swap3A_1652 = arith.constant 14 : i32
    %swap3A_1653 = arith.index_cast %swap3A_1652 : i32 to index
    %swap3A_1654 = arith.constant 64 : index
    %swap3A_1655 = tpu.vector_load %arg10[%swap3A_1653, %swap3A_1654] {strides = array<i32>} : memref<32x128xf32, #tpu.memory_space<vmem>>, vector<16xf32>,
    tpu.vector_store %arg10[%swap3A_1653, %swap3A_1654], %broadcast_in_dim3A_67 {strides = array<i32>} : memref<32x128xf32, #tpu.memory_space<vmem>>, vector<16xf32>,
    %swap3A_1656 = arith.constant 14 : i32
    %swap3A_1657 = arith.index_cast %swap3A_1656 : i32 to index
    %swap3A_1658 = arith.constant 80 : index
    %swap3A_1659 = tpu.vector_load %arg10[%swap3A_1657, %swap3A_1658] {strides = array<i32>} : memref<32x128xf32, #tpu.memory_space<vmem>>, vector<16xf32>,
    tpu.vector_store %arg10[%swap3A_1657, %swap3A_1658], %broadcast_in_dim3A_67 {strides = array<i32>} : memref<32x128xf32, #tpu.memory_space<vmem>>, vector<16xf32>,
    %swap3A_1660 = arith.constant 14 : i32
    %swap3A_1661 = arith.index_cast %swap3A_1660 : i32 to index
    %swap3A_1662 = arith.constant 96 : index
    %swap3A_1663 = tpu.vector_load %arg10[%swap3A_1661, %swap3A_1662] {strides = array<i32>} : memref<32x128xf32, #tpu.memory_space<vmem>>, vector<16xf32>,
    tpu.vector_store %arg10[%swap3A_1661, %swap3A_1662], %broadcast_in_dim3A_67 {strides = array<i32>} : memref<32x128xf32, #tpu.memory_space<vmem>>, vector<16xf32>,
    %swap3A_1664 = arith.constant 14 : i32
    %swap3A_1665 = arith.index_cast %swap3A_1664 : i32 to index
    %swap3A_1666 = arith.constant 112 : index
    %swap3A_1667 = tpu.vector_load %arg10[%swap3A_1665, %swap3A_1666] {strides = array<i32>} : memref<32x128xf32, #tpu.memory_space<vmem>>, vector<16xf32>,
    tpu.vector_store %arg10[%swap3A_1665, %swap3A_1666], %broadcast_in_dim3A_67 {strides = array<i32>} : memref<32x128xf32, #tpu.memory_space<vmem>>, vector<16xf32>,
    %swap3A_1668 = arith.constant 15 : i32
    %swap3A_1669 = arith.index_cast %swap3A_1668 : i32 to index
    %swap3A_1670 = arith.constant 0 : index
    %swap3A_1671 = tpu.vector_load %arg10[%swap3A_1669, %swap3A_1670] {strides = array<i32>} : memref<32x128xf32, #tpu.memory_space<vmem>>, vector<16xf32>,
    tpu.vector_store %arg10[%swap3A_1669, %swap3A_1670], %broadcast_in_dim3A_67 {strides = array<i32>} : memref<32x128xf32, #tpu.memory_space<vmem>>, vector<16xf32>,
    %swap3A_1672 = arith.constant 15 : i32
    %swap3A_1673 = arith.index_cast %swap3A_1672 : i32 to index
    %swap3A_1674 = arith.constant 16 : index
    %swap3A_1675 = tpu.vector_load %arg10[%swap3A_1673, %swap3A_1674] {strides = array<i32>} : memref<32x128xf32, #tpu.memory_space<vmem>>, vector<16xf32>,
    tpu.vector_store %arg10[%swap3A_1673, %swap3A_1674], %broadcast_in_dim3A_67 {strides = array<i32>} : memref<32x128xf32, #tpu.memory_space<vmem>>, vector<16xf32>,
    %swap3A_1676 = arith.constant 15 : i32
    %swap3A_1677 = arith.index_cast %swap3A_1676 : i32 to index
    %swap3A_1678 = arith.constant 32 : index
    %swap3A_1679 = tpu.vector_load %arg10[%swap3A_1677, %swap3A_1678] {strides = array<i32>} : memref<32x128xf32, #tpu.memory_space<vmem>>, vector<16xf32>,
    tpu.vector_store %arg10[%swap3A_1677, %swap3A_1678], %broadcast_in_dim3A_67 {strides = array<i32>} : memref<32x128xf32, #tpu.memory_space<vmem>>, vector<16xf32>,
    %swap3A_1680 = arith.constant 15 : i32
    %swap3A_1681 = arith.index_cast %swap3A_1680 : i32 to index
    %swap3A_1682 = arith.constant 48 : index
    %swap3A_1683 = tpu.vector_load %arg10[%swap3A_1681, %swap3A_1682] {strides = array<i32>} : memref<32x128xf32, #tpu.memory_space<vmem>>, vector<16xf32>,
    tpu.vector_store %arg10[%swap3A_1681, %swap3A_1682], %broadcast_in_dim3A_67 {strides = array<i32>} : memref<32x128xf32, #tpu.memory_space<vmem>>, vector<16xf32>,
    %swap3A_1684 = arith.constant 15 : i32
    %swap3A_1685 = arith.index_cast %swap3A_1684 : i32 to index
    %swap3A_1686 = arith.constant 64 : index
    %swap3A_1687 = tpu.vector_load %arg10[%swap3A_1685, %swap3A_1686] {strides = array<i32>} : memref<32x128xf32, #tpu.memory_space<vmem>>, vector<16xf32>,
    tpu.vector_store %arg10[%swap3A_1685, %swap3A_1686], %broadcast_in_dim3A_67 {strides = array<i32>} : memref<32x128xf32, #tpu.memory_space<vmem>>, vector<16xf32>,
    %swap3A_1688 = arith.constant 15 : i32
    %swap3A_1689 = arith.index_cast %swap3A_1688 : i32 to index
    %swap3A_1690 = arith.constant 80 : index
    %swap3A_1691 = tpu.vector_load %arg10[%swap3A_1689, %swap3A_1690] {strides = array<i32>} : memref<32x128xf32, #tpu.memory_space<vmem>>, vector<16xf32>,
    tpu.vector_store %arg10[%swap3A_1689, %swap3A_1690], %broadcast_in_dim3A_67 {strides = array<i32>} : memref<32x128xf32, #tpu.memory_space<vmem>>, vector<16xf32>,
    %swap3A_1692 = arith.constant 15 : i32
    %swap3A_1693 = arith.index_cast %swap3A_1692 : i32 to index
    %swap3A_1694 = arith.constant 96 : index
    %swap3A_1695 = tpu.vector_load %arg10[%swap3A_1693, %swap3A_1694] {strides = array<i32>} : memref<32x128xf32, #tpu.memory_space<vmem>>, vector<16xf32>,
    tpu.vector_store %arg10[%swap3A_1693, %swap3A_1694], %broadcast_in_dim3A_67 {strides = array<i32>} : memref<32x128xf32, #tpu.memory_space<vmem>>, vector<16xf32>,
    %swap3A_1696 = arith.constant 15 : i32
    %swap3A_1697 = arith.index_cast %swap3A_1696 : i32 to index
    %swap3A_1698 = arith.constant 112 : index
    %swap3A_1699 = tpu.vector_load %arg10[%swap3A_1697, %swap3A_1698] {strides = array<i32>} : memref<32x128xf32, #tpu.memory_space<vmem>>, vector<16xf32>,
    tpu.vector_store %arg10[%swap3A_1697, %swap3A_1698], %broadcast_in_dim3A_67 {strides = array<i32>} : memref<32x128xf32, #tpu.memory_space<vmem>>, vector<16xf32>,
    %get3A_1700 = arith.constant 32 : i32
    %get3A_1701 = arith.index_cast %get3A_1700 : i32 to index
    %get3A_1702 = arith.constant 0 : index
    %get3A_1703 = tpu.vector_load %arg9[%get3A_1701, %get3A_1702] {strides = array<i32>} : memref<64x128xf32, #tpu.memory_space<vmem>>, vector<16xf32>,
    %get3A_1704 = arith.constant 33 : i32
    %get3A_1705 = arith.index_cast %get3A_1704 : i32 to index
    %get3A_1706 = arith.constant 0 : index
    %get3A_1707 = tpu.vector_load %arg9[%get3A_1705, %get3A_1706] {strides = array<i32>} : memref<64x128xf32, #tpu.memory_space<vmem>>, vector<16xf32>,
    %add3A_1708 = arith.addf %get3A_1703, %get3A_1707 : vector<16xf32>
    %get3A_1709 = arith.constant 34 : i32
    %get3A_1710 = arith.index_cast %get3A_1709 : i32 to index
    %get3A_1711 = arith.constant 0 : index
    %get3A_1712 = tpu.vector_load %arg9[%get3A_1710, %get3A_1711] {strides = array<i32>} : memref<64x128xf32, #tpu.memory_space<vmem>>, vector<16xf32>,
    %add3A_1713 = arith.addf %add3A_1708, %get3A_1712 : vector<16xf32>
    %swap3A_1714 = arith.constant 16 : i32
    %swap3A_1715 = arith.index_cast %swap3A_1714 : i32 to index
    %swap3A_1716 = arith.constant 0 : index
    %swap3A_1717 = tpu.vector_load %arg10[%swap3A_1715, %swap3A_1716] {strides = array<i32>} : memref<32x128xf32, #tpu.memory_space<vmem>>, vector<16xf32>,
    tpu.vector_store %arg10[%swap3A_1715, %swap3A_1716], %add3A_1713 {strides = array<i32>} : memref<32x128xf32, #tpu.memory_space<vmem>>, vector<16xf32>,
    %get3A_1718 = arith.constant 32 : i32
    %get3A_1719 = arith.index_cast %get3A_1718 : i32 to index
    %get3A_1720 = arith.constant 16 : index
    %get3A_1721 = tpu.vector_load %arg9[%get3A_1719, %get3A_1720] {strides = array<i32>} : memref<64x128xf32, #tpu.memory_space<vmem>>, vector<16xf32>,
    %get3A_1722 = arith.constant 33 : i32
    %get3A_1723 = arith.index_cast %get3A_1722 : i32 to index
    %get3A_1724 = arith.constant 16 : index
    %get3A_1725 = tpu.vector_load %arg9[%get3A_1723, %get3A_1724] {strides = array<i32>} : memref<64x128xf32, #tpu.memory_space<vmem>>, vector<16xf32>,
    %add3A_1726 = arith.addf %get3A_1721, %get3A_1725 : vector<16xf32>
    %get3A_1727 = arith.constant 34 : i32
    %get3A_1728 = arith.index_cast %get3A_1727 : i32 to index
    %get3A_1729 = arith.constant 16 : index
    %get3A_1730 = tpu.vector_load %arg9[%get3A_1728, %get3A_1729] {strides = array<i32>} : memref<64x128xf32, #tpu.memory_space<vmem>>, vector<16xf32>,
    %add3A_1731 = arith.addf %add3A_1726, %get3A_1730 : vector<16xf32>
    %swap3A_1732 = arith.constant 16 : i32
    %swap3A_1733 = arith.index_cast %swap3A_1732 : i32 to index
    %swap3A_1734 = arith.constant 16 : index
    %swap3A_1735 = tpu.vector_load %arg10[%swap3A_1733, %swap3A_1734] {strides = array<i32>} : memref<32x128xf32, #tpu.memory_space<vmem>>, vector<16xf32>,
    tpu.vector_store %arg10[%swap3A_1733, %swap3A_1734], %add3A_1731 {strides = array<i32>} : memref<32x128xf32, #tpu.memory_space<vmem>>, vector<16xf32>,
    %get3A_1736 = arith.constant 32 : i32
    %get3A_1737 = arith.index_cast %get3A_1736 : i32 to index
    %get3A_1738 = arith.constant 32 : index
    %get3A_1739 = tpu.vector_load %arg9[%get3A_1737, %get3A_1738] {strides = array<i32>} : memref<64x128xf32, #tpu.memory_space<vmem>>, vector<16xf32>,
    %get3A_1740 = arith.constant 33 : i32
    %get3A_1741 = arith.index_cast %get3A_1740 : i32 to index
    %get3A_1742 = arith.constant 32 : index
    %get3A_1743 = tpu.vector_load %arg9[%get3A_1741, %get3A_1742] {strides = array<i32>} : memref<64x128xf32, #tpu.memory_space<vmem>>, vector<16xf32>,
    %add3A_1744 = arith.addf %get3A_1739, %get3A_1743 : vector<16xf32>
    %get3A_1745 = arith.constant 34 : i32
    %get3A_1746 = arith.index_cast %get3A_1745 : i32 to index
    %get3A_1747 = arith.constant 32 : index
    %get3A_1748 = tpu.vector_load %arg9[%get3A_1746, %get3A_1747] {strides = array<i32>} : memref<64x128xf32, #tpu.memory_space<vmem>>, vector<16xf32>,
    %add3A_1749 = arith.addf %add3A_1744, %get3A_1748 : vector<16xf32>
    %swap3A_1750 = arith.constant 16 : i32
    %swap3A_1751 = arith.index_cast %swap3A_1750 : i32 to index
    %swap3A_1752 = arith.constant 32 : index
    %swap3A_1753 = tpu.vector_load %arg10[%swap3A_1751, %swap3A_1752] {strides = array<i32>} : memref<32x128xf32, #tpu.memory_space<vmem>>, vector<16xf32>,
    tpu.vector_store %arg10[%swap3A_1751, %swap3A_1752], %add3A_1749 {strides = array<i32>} : memref<32x128xf32, #tpu.memory_space<vmem>>, vector<16xf32>,
    %get3A_1754 = arith.constant 32 : i32
    %get3A_1755 = arith.index_cast %get3A_1754 : i32 to index
    %get3A_1756 = arith.constant 48 : index
    %get3A_1757 = tpu.vector_load %arg9[%get3A_1755, %get3A_1756] {strides = array<i32>} : memref<64x128xf32, #tpu.memory_space<vmem>>, vector<16xf32>,
    %get3A_1758 = arith.constant 33 : i32
    %get3A_1759 = arith.index_cast %get3A_1758 : i32 to index
    %get3A_1760 = arith.constant 48 : index
    %get3A_1761 = tpu.vector_load %arg9[%get3A_1759, %get3A_1760] {strides = array<i32>} : memref<64x128xf32, #tpu.memory_space<vmem>>, vector<16xf32>,
    %add3A_1762 = arith.addf %get3A_1757, %get3A_1761 : vector<16xf32>
    %get3A_1763 = arith.constant 34 : i32
    %get3A_1764 = arith.index_cast %get3A_1763 : i32 to index
    %get3A_1765 = arith.constant 48 : index
    %get3A_1766 = tpu.vector_load %arg9[%get3A_1764, %get3A_1765] {strides = array<i32>} : memref<64x128xf32, #tpu.memory_space<vmem>>, vector<16xf32>,
    %add3A_1767 = arith.addf %add3A_1762, %get3A_1766 : vector<16xf32>
    %swap3A_1768 = arith.constant 16 : i32
    %swap3A_1769 = arith.index_cast %swap3A_1768 : i32 to index
    %swap3A_1770 = arith.constant 48 : index
    %swap3A_1771 = tpu.vector_load %arg10[%swap3A_1769, %swap3A_1770] {strides = array<i32>} : memref<32x128xf32, #tpu.memory_space<vmem>>, vector<16xf32>,
    tpu.vector_store %arg10[%swap3A_1769, %swap3A_1770], %add3A_1767 {strides = array<i32>} : memref<32x128xf32, #tpu.memory_space<vmem>>, vector<16xf32>,
    %get3A_1772 = arith.constant 32 : i32
    %get3A_1773 = arith.index_cast %get3A_1772 : i32 to index
    %get3A_1774 = arith.constant 64 : index
    %get3A_1775 = tpu.vector_load %arg9[%get3A_1773, %get3A_1774] {strides = array<i32>} : memref<64x128xf32, #tpu.memory_space<vmem>>, vector<16xf32>,
    %get3A_1776 = arith.constant 33 : i32
    %get3A_1777 = arith.index_cast %get3A_1776 : i32 to index
    %get3A_1778 = arith.constant 64 : index
    %get3A_1779 = tpu.vector_load %arg9[%get3A_1777, %get3A_1778] {strides = array<i32>} : memref<64x128xf32, #tpu.memory_space<vmem>>, vector<16xf32>,
    %add3A_1780 = arith.addf %get3A_1775, %get3A_1779 : vector<16xf32>
    %get3A_1781 = arith.constant 34 : i32
    %get3A_1782 = arith.index_cast %get3A_1781 : i32 to index
    %get3A_1783 = arith.constant 64 : index
    %get3A_1784 = tpu.vector_load %arg9[%get3A_1782, %get3A_1783] {strides = array<i32>} : memref<64x128xf32, #tpu.memory_space<vmem>>, vector<16xf32>,
    %add3A_1785 = arith.addf %add3A_1780, %get3A_1784 : vector<16xf32>
    %swap3A_1786 = arith.constant 16 : i32
    %swap3A_1787 = arith.index_cast %swap3A_1786 : i32 to index
    %swap3A_1788 = arith.constant 64 : index
    %swap3A_1789 = tpu.vector_load %arg10[%swap3A_1787, %swap3A_1788] {strides = array<i32>} : memref<32x128xf32, #tpu.memory_space<vmem>>, vector<16xf32>,
    tpu.vector_store %arg10[%swap3A_1787, %swap3A_1788], %add3A_1785 {strides = array<i32>} : memref<32x128xf32, #tpu.memory_space<vmem>>, vector<16xf32>,
    %get3A_1790 = arith.constant 32 : i32
    %get3A_1791 = arith.index_cast %get3A_1790 : i32 to index
    %get3A_1792 = arith.constant 80 : index
    %get3A_1793 = tpu.vector_load %arg9[%get3A_1791, %get3A_1792] {strides = array<i32>} : memref<64x128xf32, #tpu.memory_space<vmem>>, vector<16xf32>,
    %get3A_1794 = arith.constant 33 : i32
    %get3A_1795 = arith.index_cast %get3A_1794 : i32 to index
    %get3A_1796 = arith.constant 80 : index
    %get3A_1797 = tpu.vector_load %arg9[%get3A_1795, %get3A_1796] {strides = array<i32>} : memref<64x128xf32, #tpu.memory_space<vmem>>, vector<16xf32>,
    %add3A_1798 = arith.addf %get3A_1793, %get3A_1797 : vector<16xf32>
    %get3A_1799 = arith.constant 34 : i32
    %get3A_1800 = arith.index_cast %get3A_1799 : i32 to index
    %get3A_1801 = arith.constant 80 : index
    %get3A_1802 = tpu.vector_load %arg9[%get3A_1800, %get3A_1801] {strides = array<i32>} : memref<64x128xf32, #tpu.memory_space<vmem>>, vector<16xf32>,
    %add3A_1803 = arith.addf %add3A_1798, %get3A_1802 : vector<16xf32>
    %swap3A_1804 = arith.constant 16 : i32
    %swap3A_1805 = arith.index_cast %swap3A_1804 : i32 to index
    %swap3A_1806 = arith.constant 80 : index
    %swap3A_1807 = tpu.vector_load %arg10[%swap3A_1805, %swap3A_1806] {strides = array<i32>} : memref<32x128xf32, #tpu.memory_space<vmem>>, vector<16xf32>,
    tpu.vector_store %arg10[%swap3A_1805, %swap3A_1806], %add3A_1803 {strides = array<i32>} : memref<32x128xf32, #tpu.memory_space<vmem>>, vector<16xf32>,
    %get3A_1808 = arith.constant 32 : i32
    %get3A_1809 = arith.index_cast %get3A_1808 : i32 to index
    %get3A_1810 = arith.constant 96 : index
    %get3A_1811 = tpu.vector_load %arg9[%get3A_1809, %get3A_1810] {strides = array<i32>} : memref<64x128xf32, #tpu.memory_space<vmem>>, vector<16xf32>,
    %get3A_1812 = arith.constant 33 : i32
    %get3A_1813 = arith.index_cast %get3A_1812 : i32 to index
    %get3A_1814 = arith.constant 96 : index
    %get3A_1815 = tpu.vector_load %arg9[%get3A_1813, %get3A_1814] {strides = array<i32>} : memref<64x128xf32, #tpu.memory_space<vmem>>, vector<16xf32>,
    %add3A_1816 = arith.addf %get3A_1811, %get3A_1815 : vector<16xf32>
    %get3A_1817 = arith.constant 34 : i32
    %get3A_1818 = arith.index_cast %get3A_1817 : i32 to index
    %get3A_1819 = arith.constant 96 : index
    %get3A_1820 = tpu.vector_load %arg9[%get3A_1818, %get3A_1819] {strides = array<i32>} : memref<64x128xf32, #tpu.memory_space<vmem>>, vector<16xf32>,
    %add3A_1821 = arith.addf %add3A_1816, %get3A_1820 : vector<16xf32>
    %swap3A_1822 = arith.constant 16 : i32
    %swap3A_1823 = arith.index_cast %swap3A_1822 : i32 to index
    %swap3A_1824 = arith.constant 96 : index
    %swap3A_1825 = tpu.vector_load %arg10[%swap3A_1823, %swap3A_1824] {strides = array<i32>} : memref<32x128xf32, #tpu.memory_space<vmem>>, vector<16xf32>,
    tpu.vector_store %arg10[%swap3A_1823, %swap3A_1824], %add3A_1821 {strides = array<i32>} : memref<32x128xf32, #tpu.memory_space<vmem>>, vector<16xf32>,
    %get3A_1826 = arith.constant 32 : i32
    %get3A_1827 = arith.index_cast %get3A_1826 : i32 to index
    %get3A_1828 = arith.constant 112 : index
    %get3A_1829 = tpu.vector_load %arg9[%get3A_1827, %get3A_1828] {strides = array<i32>} : memref<64x128xf32, #tpu.memory_space<vmem>>, vector<16xf32>,
    %get3A_1830 = arith.constant 33 : i32
    %get3A_1831 = arith.index_cast %get3A_1830 : i32 to index
    %get3A_1832 = arith.constant 112 : index
    %get3A_1833 = tpu.vector_load %arg9[%get3A_1831, %get3A_1832] {strides = array<i32>} : memref<64x128xf32, #tpu.memory_space<vmem>>, vector<16xf32>,
    %add3A_1834 = arith.addf %get3A_1829, %get3A_1833 : vector<16xf32>
    %get3A_1835 = arith.constant 34 : i32
    %get3A_1836 = arith.index_cast %get3A_1835 : i32 to index
    %get3A_1837 = arith.constant 112 : index
    %get3A_1838 = tpu.vector_load %arg9[%get3A_1836, %get3A_1837] {strides = array<i32>} : memref<64x128xf32, #tpu.memory_space<vmem>>, vector<16xf32>,
    %add3A_1839 = arith.addf %add3A_1834, %get3A_1838 : vector<16xf32>
    %swap3A_1840 = arith.constant 16 : i32
    %swap3A_1841 = arith.index_cast %swap3A_1840 : i32 to index
    %swap3A_1842 = arith.constant 112 : index
    %swap3A_1843 = tpu.vector_load %arg10[%swap3A_1841, %swap3A_1842] {strides = array<i32>} : memref<32x128xf32, #tpu.memory_space<vmem>>, vector<16xf32>,
    tpu.vector_store %arg10[%swap3A_1841, %swap3A_1842], %add3A_1839 {strides = array<i32>} : memref<32x128xf32, #tpu.memory_space<vmem>>, vector<16xf32>,
    %get3A_1844 = arith.constant 35 : i32
    %get3A_1845 = arith.index_cast %get3A_1844 : i32 to index
    %get3A_1846 = arith.constant 0 : index
    %get3A_1847 = tpu.vector_load %arg9[%get3A_1845, %get3A_1846] {strides = array<i32>} : memref<64x128xf32, #tpu.memory_space<vmem>>, vector<16xf32>,
    %get3A_1848 = arith.constant 36 : i32
    %get3A_1849 = arith.index_cast %get3A_1848 : i32 to index
    %get3A_1850 = arith.constant 0 : index
    %get3A_1851 = tpu.vector_load %arg9[%get3A_1849, %get3A_1850] {strides = array<i32>} : memref<64x128xf32, #tpu.memory_space<vmem>>, vector<16xf32>,
    %add3A_1852 = arith.addf %get3A_1847, %get3A_1851 : vector<16xf32>
    %get3A_1853 = arith.constant 37 : i32
    %get3A_1854 = arith.index_cast %get3A_1853 : i32 to index
    %get3A_1855 = arith.constant 0 : index
    %get3A_1856 = tpu.vector_load %arg9[%get3A_1854, %get3A_1855] {strides = array<i32>} : memref<64x128xf32, #tpu.memory_space<vmem>>, vector<16xf32>,
    %add3A_1857 = arith.addf %add3A_1852, %get3A_1856 : vector<16xf32>
    %swap3A_1858 = arith.constant 17 : i32
    %swap3A_1859 = arith.index_cast %swap3A_1858 : i32 to index
    %swap3A_1860 = arith.constant 0 : index
    %swap3A_1861 = tpu.vector_load %arg10[%swap3A_1859, %swap3A_1860] {strides = array<i32>} : memref<32x128xf32, #tpu.memory_space<vmem>>, vector<16xf32>,
    tpu.vector_store %arg10[%swap3A_1859, %swap3A_1860], %add3A_1857 {strides = array<i32>} : memref<32x128xf32, #tpu.memory_space<vmem>>, vector<16xf32>,
    %get3A_1862 = arith.constant 35 : i32
    %get3A_1863 = arith.index_cast %get3A_1862 : i32 to index
    %get3A_1864 = arith.constant 16 : index
    %get3A_1865 = tpu.vector_load %arg9[%get3A_1863, %get3A_1864] {strides = array<i32>} : memref<64x128xf32, #tpu.memory_space<vmem>>, vector<16xf32>,
    %get3A_1866 = arith.constant 36 : i32
    %get3A_1867 = arith.index_cast %get3A_1866 : i32 to index
    %get3A_1868 = arith.constant 16 : index
    %get3A_1869 = tpu.vector_load %arg9[%get3A_1867, %get3A_1868] {strides = array<i32>} : memref<64x128xf32, #tpu.memory_space<vmem>>, vector<16xf32>,
    %add3A_1870 = arith.addf %get3A_1865, %get3A_1869 : vector<16xf32>
    %get3A_1871 = arith.constant 37 : i32
    %get3A_1872 = arith.index_cast %get3A_1871 : i32 to index
    %get3A_1873 = arith.constant 16 : index
    %get3A_1874 = tpu.vector_load %arg9[%get3A_1872, %get3A_1873] {strides = array<i32>} : memref<64x128xf32, #tpu.memory_space<vmem>>, vector<16xf32>,
    %add3A_1875 = arith.addf %add3A_1870, %get3A_1874 : vector<16xf32>
    %swap3A_1876 = arith.constant 17 : i32
    %swap3A_1877 = arith.index_cast %swap3A_1876 : i32 to index
    %swap3A_1878 = arith.constant 16 : index
    %swap3A_1879 = tpu.vector_load %arg10[%swap3A_1877, %swap3A_1878] {strides = array<i32>} : memref<32x128xf32, #tpu.memory_space<vmem>>, vector<16xf32>,
    tpu.vector_store %arg10[%swap3A_1877, %swap3A_1878], %add3A_1875 {strides = array<i32>} : memref<32x128xf32, #tpu.memory_space<vmem>>, vector<16xf32>,
    %get3A_1880 = arith.constant 35 : i32
    %get3A_1881 = arith.index_cast %get3A_1880 : i32 to index
    %get3A_1882 = arith.constant 32 : index
    %get3A_1883 = tpu.vector_load %arg9[%get3A_1881, %get3A_1882] {strides = array<i32>} : memref<64x128xf32, #tpu.memory_space<vmem>>, vector<16xf32>,
    %get3A_1884 = arith.constant 36 : i32
    %get3A_1885 = arith.index_cast %get3A_1884 : i32 to index
    %get3A_1886 = arith.constant 32 : index
    %get3A_1887 = tpu.vector_load %arg9[%get3A_1885, %get3A_1886] {strides = array<i32>} : memref<64x128xf32, #tpu.memory_space<vmem>>, vector<16xf32>,
    %add3A_1888 = arith.addf %get3A_1883, %get3A_1887 : vector<16xf32>
    %get3A_1889 = arith.constant 37 : i32
    %get3A_1890 = arith.index_cast %get3A_1889 : i32 to index
    %get3A_1891 = arith.constant 32 : index
    %get3A_1892 = tpu.vector_load %arg9[%get3A_1890, %get3A_1891] {strides = array<i32>} : memref<64x128xf32, #tpu.memory_space<vmem>>, vector<16xf32>,
    %add3A_1893 = arith.addf %add3A_1888, %get3A_1892 : vector<16xf32>
    %swap3A_1894 = arith.constant 17 : i32
    %swap3A_1895 = arith.index_cast %swap3A_1894 : i32 to index
    %swap3A_1896 = arith.constant 32 : index
    %swap3A_1897 = tpu.vector_load %arg10[%swap3A_1895, %swap3A_1896] {strides = array<i32>} : memref<32x128xf32, #tpu.memory_space<vmem>>, vector<16xf32>,
    tpu.vector_store %arg10[%swap3A_1895, %swap3A_1896], %add3A_1893 {strides = array<i32>} : memref<32x128xf32, #tpu.memory_space<vmem>>, vector<16xf32>,
    %get3A_1898 = arith.constant 35 : i32
    %get3A_1899 = arith.index_cast %get3A_1898 : i32 to index
    %get3A_1900 = arith.constant 48 : index
    %get3A_1901 = tpu.vector_load %arg9[%get3A_1899, %get3A_1900] {strides = array<i32>} : memref<64x128xf32, #tpu.memory_space<vmem>>, vector<16xf32>,
    %get3A_1902 = arith.constant 36 : i32
    %get3A_1903 = arith.index_cast %get3A_1902 : i32 to index
    %get3A_1904 = arith.constant 48 : index
    %get3A_1905 = tpu.vector_load %arg9[%get3A_1903, %get3A_1904] {strides = array<i32>} : memref<64x128xf32, #tpu.memory_space<vmem>>, vector<16xf32>,
    %add3A_1906 = arith.addf %get3A_1901, %get3A_1905 : vector<16xf32>
    %get3A_1907 = arith.constant 37 : i32
    %get3A_1908 = arith.index_cast %get3A_1907 : i32 to index
    %get3A_1909 = arith.constant 48 : index
    %get3A_1910 = tpu.vector_load %arg9[%get3A_1908, %get3A_1909] {strides = array<i32>} : memref<64x128xf32, #tpu.memory_space<vmem>>, vector<16xf32>,
    %add3A_1911 = arith.addf %add3A_1906, %get3A_1910 : vector<16xf32>
    %swap3A_1912 = arith.constant 17 : i32
    %swap3A_1913 = arith.index_cast %swap3A_1912 : i32 to index
    %swap3A_1914 = arith.constant 48 : index
    %swap3A_1915 = tpu.vector_load %arg10[%swap3A_1913, %swap3A_1914] {strides = array<i32>} : memref<32x128xf32, #tpu.memory_space<vmem>>, vector<16xf32>,
    tpu.vector_store %arg10[%swap3A_1913, %swap3A_1914], %add3A_1911 {strides = array<i32>} : memref<32x128xf32, #tpu.memory_space<vmem>>, vector<16xf32>,
    %get3A_1916 = arith.constant 35 : i32
    %get3A_1917 = arith.index_cast %get3A_1916 : i32 to index
    %get3A_1918 = arith.constant 64 : index
    %get3A_1919 = tpu.vector_load %arg9[%get3A_1917, %get3A_1918] {strides = array<i32>} : memref<64x128xf32, #tpu.memory_space<vmem>>, vector<16xf32>,
    %get3A_1920 = arith.constant 36 : i32
    %get3A_1921 = arith.index_cast %get3A_1920 : i32 to index
    %get3A_1922 = arith.constant 64 : index
    %get3A_1923 = tpu.vector_load %arg9[%get3A_1921, %get3A_1922] {strides = array<i32>} : memref<64x128xf32, #tpu.memory_space<vmem>>, vector<16xf32>,
    %add3A_1924 = arith.addf %get3A_1919, %get3A_1923 : vector<16xf32>
    %get3A_1925 = arith.constant 37 : i32
    %get3A_1926 = arith.index_cast %get3A_1925 : i32 to index
    %get3A_1927 = arith.constant 64 : index
    %get3A_1928 = tpu.vector_load %arg9[%get3A_1926, %get3A_1927] {strides = array<i32>} : memref<64x128xf32, #tpu.memory_space<vmem>>, vector<16xf32>,
    %add3A_1929 = arith.addf %add3A_1924, %get3A_1928 : vector<16xf32>
    %swap3A_1930 = arith.constant 17 : i32
    %swap3A_1931 = arith.index_cast %swap3A_1930 : i32 to index
    %swap3A_1932 = arith.constant 64 : index
    %swap3A_1933 = tpu.vector_load %arg10[%swap3A_1931, %swap3A_1932] {strides = array<i32>} : memref<32x128xf32, #tpu.memory_space<vmem>>, vector<16xf32>,
    tpu.vector_store %arg10[%swap3A_1931, %swap3A_1932], %add3A_1929 {strides = array<i32>} : memref<32x128xf32, #tpu.memory_space<vmem>>, vector<16xf32>,
    %get3A_1934 = arith.constant 35 : i32
    %get3A_1935 = arith.index_cast %get3A_1934 : i32 to index
    %get3A_1936 = arith.constant 80 : index
    %get3A_1937 = tpu.vector_load %arg9[%get3A_1935, %get3A_1936] {strides = array<i32>} : memref<64x128xf32, #tpu.memory_space<vmem>>, vector<16xf32>,
    %get3A_1938 = arith.constant 36 : i32
    %get3A_1939 = arith.index_cast %get3A_1938 : i32 to index
    %get3A_1940 = arith.constant 80 : index
    %get3A_1941 = tpu.vector_load %arg9[%get3A_1939, %get3A_1940] {strides = array<i32>} : memref<64x128xf32, #tpu.memory_space<vmem>>, vector<16xf32>,
    %add3A_1942 = arith.addf %get3A_1937, %get3A_1941 : vector<16xf32>
    %get3A_1943 = arith.constant 37 : i32
    %get3A_1944 = arith.index_cast %get3A_1943 : i32 to index
    %get3A_1945 = arith.constant 80 : index
    %get3A_1946 = tpu.vector_load %arg9[%get3A_1944, %get3A_1945] {strides = array<i32>} : memref<64x128xf32, #tpu.memory_space<vmem>>, vector<16xf32>,
    %add3A_1947 = arith.addf %add3A_1942, %get3A_1946 : vector<16xf32>
    %swap3A_1948 = arith.constant 17 : i32
    %swap3A_1949 = arith.index_cast %swap3A_1948 : i32 to index
    %swap3A_1950 = arith.constant 80 : index
    %swap3A_1951 = tpu.vector_load %arg10[%swap3A_1949, %swap3A_1950] {strides = array<i32>} : memref<32x128xf32, #tpu.memory_space<vmem>>, vector<16xf32>,
    tpu.vector_store %arg10[%swap3A_1949, %swap3A_1950], %add3A_1947 {strides = array<i32>} : memref<32x128xf32, #tpu.memory_space<vmem>>, vector<16xf32>,
    %get3A_1952 = arith.constant 35 : i32
    %get3A_1953 = arith.index_cast %get3A_1952 : i32 to index
    %get3A_1954 = arith.constant 96 : index
    %get3A_1955 = tpu.vector_load %arg9[%get3A_1953, %get3A_1954] {strides = array<i32>} : memref<64x128xf32, #tpu.memory_space<vmem>>, vector<16xf32>,
    %get3A_1956 = arith.constant 36 : i32
    %get3A_1957 = arith.index_cast %get3A_1956 : i32 to index
    %get3A_1958 = arith.constant 96 : index
    %get3A_1959 = tpu.vector_load %arg9[%get3A_1957, %get3A_1958] {strides = array<i32>} : memref<64x128xf32, #tpu.memory_space<vmem>>, vector<16xf32>,
    %add3A_1960 = arith.addf %get3A_1955, %get3A_1959 : vector<16xf32>
    %get3A_1961 = arith.constant 37 : i32
    %get3A_1962 = arith.index_cast %get3A_1961 : i32 to index
    %get3A_1963 = arith.constant 96 : index
    %get3A_1964 = tpu.vector_load %arg9[%get3A_1962, %get3A_1963] {strides = array<i32>} : memref<64x128xf32, #tpu.memory_space<vmem>>, vector<16xf32>,
    %add3A_1965 = arith.addf %add3A_1960, %get3A_1964 : vector<16xf32>
    %swap3A_1966 = arith.constant 17 : i32
    %swap3A_1967 = arith.index_cast %swap3A_1966 : i32 to index
    %swap3A_1968 = arith.constant 96 : index
    %swap3A_1969 = tpu.vector_load %arg10[%swap3A_1967, %swap3A_1968] {strides = array<i32>} : memref<32x128xf32, #tpu.memory_space<vmem>>, vector<16xf32>,
    tpu.vector_store %arg10[%swap3A_1967, %swap3A_1968], %add3A_1965 {strides = array<i32>} : memref<32x128xf32, #tpu.memory_space<vmem>>, vector<16xf32>,
    %get3A_1970 = arith.constant 35 : i32
    %get3A_1971 = arith.index_cast %get3A_1970 : i32 to index
    %get3A_1972 = arith.constant 112 : index
    %get3A_1973 = tpu.vector_load %arg9[%get3A_1971, %get3A_1972] {strides = array<i32>} : memref<64x128xf32, #tpu.memory_space<vmem>>, vector<16xf32>,
    %get3A_1974 = arith.constant 36 : i32
    %get3A_1975 = arith.index_cast %get3A_1974 : i32 to index
    %get3A_1976 = arith.constant 112 : index
    %get3A_1977 = tpu.vector_load %arg9[%get3A_1975, %get3A_1976] {strides = array<i32>} : memref<64x128xf32, #tpu.memory_space<vmem>>, vector<16xf32>,
    %add3A_1978 = arith.addf %get3A_1973, %get3A_1977 : vector<16xf32>
    %get3A_1979 = arith.constant 37 : i32
    %get3A_1980 = arith.index_cast %get3A_1979 : i32 to index
    %get3A_1981 = arith.constant 112 : index
    %get3A_1982 = tpu.vector_load %arg9[%get3A_1980, %get3A_1981] {strides = array<i32>} : memref<64x128xf32, #tpu.memory_space<vmem>>, vector<16xf32>,
    %add3A_1983 = arith.addf %add3A_1978, %get3A_1982 : vector<16xf32>
    %swap3A_1984 = arith.constant 17 : i32
    %swap3A_1985 = arith.index_cast %swap3A_1984 : i32 to index
    %swap3A_1986 = arith.constant 112 : index
    %swap3A_1987 = tpu.vector_load %arg10[%swap3A_1985, %swap3A_1986] {strides = array<i32>} : memref<32x128xf32, #tpu.memory_space<vmem>>, vector<16xf32>,
    tpu.vector_store %arg10[%swap3A_1985, %swap3A_1986], %add3A_1983 {strides = array<i32>} : memref<32x128xf32, #tpu.memory_space<vmem>>, vector<16xf32>,
    %get3A_1988 = arith.constant 38 : i32
    %get3A_1989 = arith.index_cast %get3A_1988 : i32 to index
    %get3A_1990 = arith.constant 0 : index
    %get3A_1991 = tpu.vector_load %arg9[%get3A_1989, %get3A_1990] {strides = array<i32>} : memref<64x128xf32, #tpu.memory_space<vmem>>, vector<16xf32>,
    %get3A_1992 = arith.constant 39 : i32
    %get3A_1993 = arith.index_cast %get3A_1992 : i32 to index
    %get3A_1994 = arith.constant 0 : index
    %get3A_1995 = tpu.vector_load %arg9[%get3A_1993, %get3A_1994] {strides = array<i32>} : memref<64x128xf32, #tpu.memory_space<vmem>>, vector<16xf32>,
    %add3A_1996 = arith.addf %get3A_1991, %get3A_1995 : vector<16xf32>
    %get3A_1997 = arith.constant 40 : i32
    %get3A_1998 = arith.index_cast %get3A_1997 : i32 to index
    %get3A_1999 = arith.constant 0 : index
    %get3A_2000 = tpu.vector_load %arg9[%get3A_1998, %get3A_1999] {strides = array<i32>} : memref<64x128xf32, #tpu.memory_space<vmem>>, vector<16xf32>,
    %add3A_2001 = arith.addf %add3A_1996, %get3A_2000 : vector<16xf32>
    %swap3A_2002 = arith.constant 18 : i32
    %swap3A_2003 = arith.index_cast %swap3A_2002 : i32 to index
    %swap3A_2004 = arith.constant 0 : index
    %swap3A_2005 = tpu.vector_load %arg10[%swap3A_2003, %swap3A_2004] {strides = array<i32>} : memref<32x128xf32, #tpu.memory_space<vmem>>, vector<16xf32>,
    tpu.vector_store %arg10[%swap3A_2003, %swap3A_2004], %add3A_2001 {strides = array<i32>} : memref<32x128xf32, #tpu.memory_space<vmem>>, vector<16xf32>,
    %get3A_2006 = arith.constant 38 : i32
    %get3A_2007 = arith.index_cast %get3A_2006 : i32 to index
    %get3A_2008 = arith.constant 16 : index
    %get3A_2009 = tpu.vector_load %arg9[%get3A_2007, %get3A_2008] {strides = array<i32>} : memref<64x128xf32, #tpu.memory_space<vmem>>, vector<16xf32>,
    %get3A_2010 = arith.constant 39 : i32
    %get3A_2011 = arith.index_cast %get3A_2010 : i32 to index
    %get3A_2012 = arith.constant 16 : index
    %get3A_2013 = tpu.vector_load %arg9[%get3A_2011, %get3A_2012] {strides = array<i32>} : memref<64x128xf32, #tpu.memory_space<vmem>>, vector<16xf32>,
    %add3A_2014 = arith.addf %get3A_2009, %get3A_2013 : vector<16xf32>
    %get3A_2015 = arith.constant 40 : i32
    %get3A_2016 = arith.index_cast %get3A_2015 : i32 to index
    %get3A_2017 = arith.constant 16 : index
    %get3A_2018 = tpu.vector_load %arg9[%get3A_2016, %get3A_2017] {strides = array<i32>} : memref<64x128xf32, #tpu.memory_space<vmem>>, vector<16xf32>,
    %add3A_2019 = arith.addf %add3A_2014, %get3A_2018 : vector<16xf32>
    %swap3A_2020 = arith.constant 18 : i32
    %swap3A_2021 = arith.index_cast %swap3A_2020 : i32 to index
    %swap3A_2022 = arith.constant 16 : index
    %swap3A_2023 = tpu.vector_load %arg10[%swap3A_2021, %swap3A_2022] {strides = array<i32>} : memref<32x128xf32, #tpu.memory_space<vmem>>, vector<16xf32>,
    tpu.vector_store %arg10[%swap3A_2021, %swap3A_2022], %add3A_2019 {strides = array<i32>} : memref<32x128xf32, #tpu.memory_space<vmem>>, vector<16xf32>,
    %get3A_2024 = arith.constant 38 : i32
    %get3A_2025 = arith.index_cast %get3A_2024 : i32 to index
    %get3A_2026 = arith.constant 32 : index
    %get3A_2027 = tpu.vector_load %arg9[%get3A_2025, %get3A_2026] {strides = array<i32>} : memref<64x128xf32, #tpu.memory_space<vmem>>, vector<16xf32>,
    %get3A_2028 = arith.constant 39 : i32
    %get3A_2029 = arith.index_cast %get3A_2028 : i32 to index
    %get3A_2030 = arith.constant 32 : index
    %get3A_2031 = tpu.vector_load %arg9[%get3A_2029, %get3A_2030] {strides = array<i32>} : memref<64x128xf32, #tpu.memory_space<vmem>>, vector<16xf32>,
    %add3A_2032 = arith.addf %get3A_2027, %get3A_2031 : vector<16xf32>
    %get3A_2033 = arith.constant 40 : i32
    %get3A_2034 = arith.index_cast %get3A_2033 : i32 to index
    %get3A_2035 = arith.constant 32 : index
    %get3A_2036 = tpu.vector_load %arg9[%get3A_2034, %get3A_2035] {strides = array<i32>} : memref<64x128xf32, #tpu.memory_space<vmem>>, vector<16xf32>,
    %add3A_2037 = arith.addf %add3A_2032, %get3A_2036 : vector<16xf32>
    %swap3A_2038 = arith.constant 18 : i32
    %swap3A_2039 = arith.index_cast %swap3A_2038 : i32 to index
    %swap3A_2040 = arith.constant 32 : index
    %swap3A_2041 = tpu.vector_load %arg10[%swap3A_2039, %swap3A_2040] {strides = array<i32>} : memref<32x128xf32, #tpu.memory_space<vmem>>, vector<16xf32>,
    tpu.vector_store %arg10[%swap3A_2039, %swap3A_2040], %add3A_2037 {strides = array<i32>} : memref<32x128xf32, #tpu.memory_space<vmem>>, vector<16xf32>,
    %get3A_2042 = arith.constant 38 : i32
    %get3A_2043 = arith.index_cast %get3A_2042 : i32 to index
    %get3A_2044 = arith.constant 48 : index
    %get3A_2045 = tpu.vector_load %arg9[%get3A_2043, %get3A_2044] {strides = array<i32>} : memref<64x128xf32, #tpu.memory_space<vmem>>, vector<16xf32>,
    %get3A_2046 = arith.constant 39 : i32
    %get3A_2047 = arith.index_cast %get3A_2046 : i32 to index
    %get3A_2048 = arith.constant 48 : index
    %get3A_2049 = tpu.vector_load %arg9[%get3A_2047, %get3A_2048] {strides = array<i32>} : memref<64x128xf32, #tpu.memory_space<vmem>>, vector<16xf32>,
    %add3A_2050 = arith.addf %get3A_2045, %get3A_2049 : vector<16xf32>
    %get3A_2051 = arith.constant 40 : i32
    %get3A_2052 = arith.index_cast %get3A_2051 : i32 to index
    %get3A_2053 = arith.constant 48 : index
    %get3A_2054 = tpu.vector_load %arg9[%get3A_2052, %get3A_2053] {strides = array<i32>} : memref<64x128xf32, #tpu.memory_space<vmem>>, vector<16xf32>,
    %add3A_2055 = arith.addf %add3A_2050, %get3A_2054 : vector<16xf32>
    %swap3A_2056 = arith.constant 18 : i32
    %swap3A_2057 = arith.index_cast %swap3A_2056 : i32 to index
    %swap3A_2058 = arith.constant 48 : index
    %swap3A_2059 = tpu.vector_load %arg10[%swap3A_2057, %swap3A_2058] {strides = array<i32>} : memref<32x128xf32, #tpu.memory_space<vmem>>, vector<16xf32>,
    tpu.vector_store %arg10[%swap3A_2057, %swap3A_2058], %add3A_2055 {strides = array<i32>} : memref<32x128xf32, #tpu.memory_space<vmem>>, vector<16xf32>,
    %get3A_2060 = arith.constant 38 : i32
    %get3A_2061 = arith.index_cast %get3A_2060 : i32 to index
    %get3A_2062 = arith.constant 64 : index
    %get3A_2063 = tpu.vector_load %arg9[%get3A_2061, %get3A_2062] {strides = array<i32>} : memref<64x128xf32, #tpu.memory_space<vmem>>, vector<16xf32>,
    %get3A_2064 = arith.constant 39 : i32
    %get3A_2065 = arith.index_cast %get3A_2064 : i32 to index
    %get3A_2066 = arith.constant 64 : index
    %get3A_2067 = tpu.vector_load %arg9[%get3A_2065, %get3A_2066] {strides = array<i32>} : memref<64x128xf32, #tpu.memory_space<vmem>>, vector<16xf32>,
    %add3A_2068 = arith.addf %get3A_2063, %get3A_2067 : vector<16xf32>
    %get3A_2069 = arith.constant 40 : i32
    %get3A_2070 = arith.index_cast %get3A_2069 : i32 to index
    %get3A_2071 = arith.constant 64 : index
    %get3A_2072 = tpu.vector_load %arg9[%get3A_2070, %get3A_2071] {strides = array<i32>} : memref<64x128xf32, #tpu.memory_space<vmem>>, vector<16xf32>,
    %add3A_2073 = arith.addf %add3A_2068, %get3A_2072 : vector<16xf32>
    %swap3A_2074 = arith.constant 18 : i32
    %swap3A_2075 = arith.index_cast %swap3A_2074 : i32 to index
    %swap3A_2076 = arith.constant 64 : index
    %swap3A_2077 = tpu.vector_load %arg10[%swap3A_2075, %swap3A_2076] {strides = array<i32>} : memref<32x128xf32, #tpu.memory_space<vmem>>, vector<16xf32>,
    tpu.vector_store %arg10[%swap3A_2075, %swap3A_2076], %add3A_2073 {strides = array<i32>} : memref<32x128xf32, #tpu.memory_space<vmem>>, vector<16xf32>,
    %get3A_2078 = arith.constant 38 : i32
    %get3A_2079 = arith.index_cast %get3A_2078 : i32 to index
    %get3A_2080 = arith.constant 80 : index
    %get3A_2081 = tpu.vector_load %arg9[%get3A_2079, %get3A_2080] {strides = array<i32>} : memref<64x128xf32, #tpu.memory_space<vmem>>, vector<16xf32>,
    %get3A_2082 = arith.constant 39 : i32
    %get3A_2083 = arith.index_cast %get3A_2082 : i32 to index
    %get3A_2084 = arith.constant 80 : index
    %get3A_2085 = tpu.vector_load %arg9[%get3A_2083, %get3A_2084] {strides = array<i32>} : memref<64x128xf32, #tpu.memory_space<vmem>>, vector<16xf32>,
    %add3A_2086 = arith.addf %get3A_2081, %get3A_2085 : vector<16xf32>
    %get3A_2087 = arith.constant 40 : i32
    %get3A_2088 = arith.index_cast %get3A_2087 : i32 to index
    %get3A_2089 = arith.constant 80 : index
    %get3A_2090 = tpu.vector_load %arg9[%get3A_2088, %get3A_2089] {strides = array<i32>} : memref<64x128xf32, #tpu.memory_space<vmem>>, vector<16xf32>,
    %add3A_2091 = arith.addf %add3A_2086, %get3A_2090 : vector<16xf32>
    %swap3A_2092 = arith.constant 18 : i32
    %swap3A_2093 = arith.index_cast %swap3A_2092 : i32 to index
    %swap3A_2094 = arith.constant 80 : index
    %swap3A_2095 = tpu.vector_load %arg10[%swap3A_2093, %swap3A_2094] {strides = array<i32>} : memref<32x128xf32, #tpu.memory_space<vmem>>, vector<16xf32>,
    tpu.vector_store %arg10[%swap3A_2093, %swap3A_2094], %add3A_2091 {strides = array<i32>} : memref<32x128xf32, #tpu.memory_space<vmem>>, vector<16xf32>,
    %get3A_2096 = arith.constant 38 : i32
    %get3A_2097 = arith.index_cast %get3A_2096 : i32 to index
    %get3A_2098 = arith.constant 96 : index
    %get3A_2099 = tpu.vector_load %arg9[%get3A_2097, %get3A_2098] {strides = array<i32>} : memref<64x128xf32, #tpu.memory_space<vmem>>, vector<16xf32>,
    %get3A_2100 = arith.constant 39 : i32
    %get3A_2101 = arith.index_cast %get3A_2100 : i32 to index
    %get3A_2102 = arith.constant 96 : index
    %get3A_2103 = tpu.vector_load %arg9[%get3A_2101, %get3A_2102] {strides = array<i32>} : memref<64x128xf32, #tpu.memory_space<vmem>>, vector<16xf32>,
    %add3A_2104 = arith.addf %get3A_2099, %get3A_2103 : vector<16xf32>
    %get3A_2105 = arith.constant 40 : i32
    %get3A_2106 = arith.index_cast %get3A_2105 : i32 to index
    %get3A_2107 = arith.constant 96 : index
    %get3A_2108 = tpu.vector_load %arg9[%get3A_2106, %get3A_2107] {strides = array<i32>} : memref<64x128xf32, #tpu.memory_space<vmem>>, vector<16xf32>,
    %add3A_2109 = arith.addf %add3A_2104, %get3A_2108 : vector<16xf32>
    %swap3A_2110 = arith.constant 18 : i32
    %swap3A_2111 = arith.index_cast %swap3A_2110 : i32 to index
    %swap3A_2112 = arith.constant 96 : index
    %swap3A_2113 = tpu.vector_load %arg10[%swap3A_2111, %swap3A_2112] {strides = array<i32>} : memref<32x128xf32, #tpu.memory_space<vmem>>, vector<16xf32>,
    tpu.vector_store %arg10[%swap3A_2111, %swap3A_2112], %add3A_2109 {strides = array<i32>} : memref<32x128xf32, #tpu.memory_space<vmem>>, vector<16xf32>,
    %get3A_2114 = arith.constant 38 : i32
    %get3A_2115 = arith.index_cast %get3A_2114 : i32 to index
    %get3A_2116 = arith.constant 112 : index
    %get3A_2117 = tpu.vector_load %arg9[%get3A_2115, %get3A_2116] {strides = array<i32>} : memref<64x128xf32, #tpu.memory_space<vmem>>, vector<16xf32>,
    %get3A_2118 = arith.constant 39 : i32
    %get3A_2119 = arith.index_cast %get3A_2118 : i32 to index
    %get3A_2120 = arith.constant 112 : index
    %get3A_2121 = tpu.vector_load %arg9[%get3A_2119, %get3A_2120] {strides = array<i32>} : memref<64x128xf32, #tpu.memory_space<vmem>>, vector<16xf32>,
    %add3A_2122 = arith.addf %get3A_2117, %get3A_2121 : vector<16xf32>
    %get3A_2123 = arith.constant 40 : i32
    %get3A_2124 = arith.index_cast %get3A_2123 : i32 to index
    %get3A_2125 = arith.constant 112 : index
    %get3A_2126 = tpu.vector_load %arg9[%get3A_2124, %get3A_2125] {strides = array<i32>} : memref<64x128xf32, #tpu.memory_space<vmem>>, vector<16xf32>,
    %add3A_2127 = arith.addf %add3A_2122, %get3A_2126 : vector<16xf32>
    %swap3A_2128 = arith.constant 18 : i32
    %swap3A_2129 = arith.index_cast %swap3A_2128 : i32 to index
    %swap3A_2130 = arith.constant 112 : index
    %swap3A_2131 = tpu.vector_load %arg10[%swap3A_2129, %swap3A_2130] {strides = array<i32>} : memref<32x128xf32, #tpu.memory_space<vmem>>, vector<16xf32>,
    tpu.vector_store %arg10[%swap3A_2129, %swap3A_2130], %add3A_2127 {strides = array<i32>} : memref<32x128xf32, #tpu.memory_space<vmem>>, vector<16xf32>,
    %get3A_2132 = arith.constant 41 : i32
    %get3A_2133 = arith.index_cast %get3A_2132 : i32 to index
    %get3A_2134 = arith.constant 0 : index
    %get3A_2135 = tpu.vector_load %arg9[%get3A_2133, %get3A_2134] {strides = array<i32>} : memref<64x128xf32, #tpu.memory_space<vmem>>, vector<16xf32>,
    %get3A_2136 = arith.constant 42 : i32
    %get3A_2137 = arith.index_cast %get3A_2136 : i32 to index
    %get3A_2138 = arith.constant 0 : index
    %get3A_2139 = tpu.vector_load %arg9[%get3A_2137, %get3A_2138] {strides = array<i32>} : memref<64x128xf32, #tpu.memory_space<vmem>>, vector<16xf32>,
    %add3A_2140 = arith.addf %get3A_2135, %get3A_2139 : vector<16xf32>
    %get3A_2141 = arith.constant 43 : i32
    %get3A_2142 = arith.index_cast %get3A_2141 : i32 to index
    %get3A_2143 = arith.constant 0 : index
    %get3A_2144 = tpu.vector_load %arg9[%get3A_2142, %get3A_2143] {strides = array<i32>} : memref<64x128xf32, #tpu.memory_space<vmem>>, vector<16xf32>,
    %add3A_2145 = arith.addf %add3A_2140, %get3A_2144 : vector<16xf32>
    %swap3A_2146 = arith.constant 19 : i32
    %swap3A_2147 = arith.index_cast %swap3A_2146 : i32 to index
    %swap3A_2148 = arith.constant 0 : index
    %swap3A_2149 = tpu.vector_load %arg10[%swap3A_2147, %swap3A_2148] {strides = array<i32>} : memref<32x128xf32, #tpu.memory_space<vmem>>, vector<16xf32>,
    tpu.vector_store %arg10[%swap3A_2147, %swap3A_2148], %add3A_2145 {strides = array<i32>} : memref<32x128xf32, #tpu.memory_space<vmem>>, vector<16xf32>,
    %get3A_2150 = arith.constant 41 : i32
    %get3A_2151 = arith.index_cast %get3A_2150 : i32 to index
    %get3A_2152 = arith.constant 16 : index
    %get3A_2153 = tpu.vector_load %arg9[%get3A_2151, %get3A_2152] {strides = array<i32>} : memref<64x128xf32, #tpu.memory_space<vmem>>, vector<16xf32>,
    %get3A_2154 = arith.constant 42 : i32
    %get3A_2155 = arith.index_cast %get3A_2154 : i32 to index
    %get3A_2156 = arith.constant 16 : index
    %get3A_2157 = tpu.vector_load %arg9[%get3A_2155, %get3A_2156] {strides = array<i32>} : memref<64x128xf32, #tpu.memory_space<vmem>>, vector<16xf32>,
    %add3A_2158 = arith.addf %get3A_2153, %get3A_2157 : vector<16xf32>
    %get3A_2159 = arith.constant 43 : i32
    %get3A_2160 = arith.index_cast %get3A_2159 : i32 to index
    %get3A_2161 = arith.constant 16 : index
    %get3A_2162 = tpu.vector_load %arg9[%get3A_2160, %get3A_2161] {strides = array<i32>} : memref<64x128xf32, #tpu.memory_space<vmem>>, vector<16xf32>,
    %add3A_2163 = arith.addf %add3A_2158, %get3A_2162 : vector<16xf32>
    %swap3A_2164 = arith.constant 19 : i32
    %swap3A_2165 = arith.index_cast %swap3A_2164 : i32 to index
    %swap3A_2166 = arith.constant 16 : index
    %swap3A_2167 = tpu.vector_load %arg10[%swap3A_2165, %swap3A_2166] {strides = array<i32>} : memref<32x128xf32, #tpu.memory_space<vmem>>, vector<16xf32>,
    tpu.vector_store %arg10[%swap3A_2165, %swap3A_2166], %add3A_2163 {strides = array<i32>} : memref<32x128xf32, #tpu.memory_space<vmem>>, vector<16xf32>,
    %get3A_2168 = arith.constant 41 : i32
    %get3A_2169 = arith.index_cast %get3A_2168 : i32 to index
    %get3A_2170 = arith.constant 32 : index
    %get3A_2171 = tpu.vector_load %arg9[%get3A_2169, %get3A_2170] {strides = array<i32>} : memref<64x128xf32, #tpu.memory_space<vmem>>, vector<16xf32>,
    %get3A_2172 = arith.constant 42 : i32
    %get3A_2173 = arith.index_cast %get3A_2172 : i32 to index
    %get3A_2174 = arith.constant 32 : index
    %get3A_2175 = tpu.vector_load %arg9[%get3A_2173, %get3A_2174] {strides = array<i32>} : memref<64x128xf32, #tpu.memory_space<vmem>>, vector<16xf32>,
    %add3A_2176 = arith.addf %get3A_2171, %get3A_2175 : vector<16xf32>
    %get3A_2177 = arith.constant 43 : i32
    %get3A_2178 = arith.index_cast %get3A_2177 : i32 to index
    %get3A_2179 = arith.constant 32 : index
    %get3A_2180 = tpu.vector_load %arg9[%get3A_2178, %get3A_2179] {strides = array<i32>} : memref<64x128xf32, #tpu.memory_space<vmem>>, vector<16xf32>,
    %add3A_2181 = arith.addf %add3A_2176, %get3A_2180 : vector<16xf32>
    %swap3A_2182 = arith.constant 19 : i32
    %swap3A_2183 = arith.index_cast %swap3A_2182 : i32 to index
    %swap3A_2184 = arith.constant 32 : index
    %swap3A_2185 = tpu.vector_load %arg10[%swap3A_2183, %swap3A_2184] {strides = array<i32>} : memref<32x128xf32, #tpu.memory_space<vmem>>, vector<16xf32>,
    tpu.vector_store %arg10[%swap3A_2183, %swap3A_2184], %add3A_2181 {strides = array<i32>} : memref<32x128xf32, #tpu.memory_space<vmem>>, vector<16xf32>,
    %get3A_2186 = arith.constant 41 : i32
    %get3A_2187 = arith.index_cast %get3A_2186 : i32 to index
    %get3A_2188 = arith.constant 48 : index
    %get3A_2189 = tpu.vector_load %arg9[%get3A_2187, %get3A_2188] {strides = array<i32>} : memref<64x128xf32, #tpu.memory_space<vmem>>, vector<16xf32>,
    %get3A_2190 = arith.constant 42 : i32
    %get3A_2191 = arith.index_cast %get3A_2190 : i32 to index
    %get3A_2192 = arith.constant 48 : index
    %get3A_2193 = tpu.vector_load %arg9[%get3A_2191, %get3A_2192] {strides = array<i32>} : memref<64x128xf32, #tpu.memory_space<vmem>>, vector<16xf32>,
    %add3A_2194 = arith.addf %get3A_2189, %get3A_2193 : vector<16xf32>
    %get3A_2195 = arith.constant 43 : i32
    %get3A_2196 = arith.index_cast %get3A_2195 : i32 to index
    %get3A_2197 = arith.constant 48 : index
    %get3A_2198 = tpu.vector_load %arg9[%get3A_2196, %get3A_2197] {strides = array<i32>} : memref<64x128xf32, #tpu.memory_space<vmem>>, vector<16xf32>,
    %add3A_2199 = arith.addf %add3A_2194, %get3A_2198 : vector<16xf32>
    %swap3A_2200 = arith.constant 19 : i32
    %swap3A_2201 = arith.index_cast %swap3A_2200 : i32 to index
    %swap3A_2202 = arith.constant 48 : index
    %swap3A_2203 = tpu.vector_load %arg10[%swap3A_2201, %swap3A_2202] {strides = array<i32>} : memref<32x128xf32, #tpu.memory_space<vmem>>, vector<16xf32>,
    tpu.vector_store %arg10[%swap3A_2201, %swap3A_2202], %add3A_2199 {strides = array<i32>} : memref<32x128xf32, #tpu.memory_space<vmem>>, vector<16xf32>,
    %get3A_2204 = arith.constant 41 : i32
    %get3A_2205 = arith.index_cast %get3A_2204 : i32 to index
    %get3A_2206 = arith.constant 64 : index
    %get3A_2207 = tpu.vector_load %arg9[%get3A_2205, %get3A_2206] {strides = array<i32>} : memref<64x128xf32, #tpu.memory_space<vmem>>, vector<16xf32>,
    %get3A_2208 = arith.constant 42 : i32
    %get3A_2209 = arith.index_cast %get3A_2208 : i32 to index
    %get3A_2210 = arith.constant 64 : index
    %get3A_2211 = tpu.vector_load %arg9[%get3A_2209, %get3A_2210] {strides = array<i32>} : memref<64x128xf32, #tpu.memory_space<vmem>>, vector<16xf32>,
    %add3A_2212 = arith.addf %get3A_2207, %get3A_2211 : vector<16xf32>
    %get3A_2213 = arith.constant 43 : i32
    %get3A_2214 = arith.index_cast %get3A_2213 : i32 to index
    %get3A_2215 = arith.constant 64 : index
    %get3A_2216 = tpu.vector_load %arg9[%get3A_2214, %get3A_2215] {strides = array<i32>} : memref<64x128xf32, #tpu.memory_space<vmem>>, vector<16xf32>,
    %add3A_2217 = arith.addf %add3A_2212, %get3A_2216 : vector<16xf32>
    %swap3A_2218 = arith.constant 19 : i32
    %swap3A_2219 = arith.index_cast %swap3A_2218 : i32 to index
    %swap3A_2220 = arith.constant 64 : index
    %swap3A_2221 = tpu.vector_load %arg10[%swap3A_2219, %swap3A_2220] {strides = array<i32>} : memref<32x128xf32, #tpu.memory_space<vmem>>, vector<16xf32>,
    tpu.vector_store %arg10[%swap3A_2219, %swap3A_2220], %add3A_2217 {strides = array<i32>} : memref<32x128xf32, #tpu.memory_space<vmem>>, vector<16xf32>,
    %get3A_2222 = arith.constant 41 : i32
    %get3A_2223 = arith.index_cast %get3A_2222 : i32 to index
    %get3A_2224 = arith.constant 80 : index
    %get3A_2225 = tpu.vector_load %arg9[%get3A_2223, %get3A_2224] {strides = array<i32>} : memref<64x128xf32, #tpu.memory_space<vmem>>, vector<16xf32>,
    %get3A_2226 = arith.constant 42 : i32
    %get3A_2227 = arith.index_cast %get3A_2226 : i32 to index
    %get3A_2228 = arith.constant 80 : index
    %get3A_2229 = tpu.vector_load %arg9[%get3A_2227, %get3A_2228] {strides = array<i32>} : memref<64x128xf32, #tpu.memory_space<vmem>>, vector<16xf32>,
    %add3A_2230 = arith.addf %get3A_2225, %get3A_2229 : vector<16xf32>
    %get3A_2231 = arith.constant 43 : i32
    %get3A_2232 = arith.index_cast %get3A_2231 : i32 to index
    %get3A_2233 = arith.constant 80 : index
    %get3A_2234 = tpu.vector_load %arg9[%get3A_2232, %get3A_2233] {strides = array<i32>} : memref<64x128xf32, #tpu.memory_space<vmem>>, vector<16xf32>,
    %add3A_2235 = arith.addf %add3A_2230, %get3A_2234 : vector<16xf32>
    %swap3A_2236 = arith.constant 19 : i32
    %swap3A_2237 = arith.index_cast %swap3A_2236 : i32 to index
    %swap3A_2238 = arith.constant 80 : index
    %swap3A_2239 = tpu.vector_load %arg10[%swap3A_2237, %swap3A_2238] {strides = array<i32>} : memref<32x128xf32, #tpu.memory_space<vmem>>, vector<16xf32>,
    tpu.vector_store %arg10[%swap3A_2237, %swap3A_2238], %add3A_2235 {strides = array<i32>} : memref<32x128xf32, #tpu.memory_space<vmem>>, vector<16xf32>,
    %get3A_2240 = arith.constant 41 : i32
    %get3A_2241 = arith.index_cast %get3A_2240 : i32 to index
    %get3A_2242 = arith.constant 96 : index
    %get3A_2243 = tpu.vector_load %arg9[%get3A_2241, %get3A_2242] {strides = array<i32>} : memref<64x128xf32, #tpu.memory_space<vmem>>, vector<16xf32>,
    %get3A_2244 = arith.constant 42 : i32
    %get3A_2245 = arith.index_cast %get3A_2244 : i32 to index
    %get3A_2246 = arith.constant 96 : index
    %get3A_2247 = tpu.vector_load %arg9[%get3A_2245, %get3A_2246] {strides = array<i32>} : memref<64x128xf32, #tpu.memory_space<vmem>>, vector<16xf32>,
    %add3A_2248 = arith.addf %get3A_2243, %get3A_2247 : vector<16xf32>
    %get3A_2249 = arith.constant 43 : i32
    %get3A_2250 = arith.index_cast %get3A_2249 : i32 to index
    %get3A_2251 = arith.constant 96 : index
    %get3A_2252 = tpu.vector_load %arg9[%get3A_2250, %get3A_2251] {strides = array<i32>} : memref<64x128xf32, #tpu.memory_space<vmem>>, vector<16xf32>,
    %add3A_2253 = arith.addf %add3A_2248, %get3A_2252 : vector<16xf32>
    %swap3A_2254 = arith.constant 19 : i32
    %swap3A_2255 = arith.index_cast %swap3A_2254 : i32 to index
    %swap3A_2256 = arith.constant 96 : index
    %swap3A_2257 = tpu.vector_load %arg10[%swap3A_2255, %swap3A_2256] {strides = array<i32>} : memref<32x128xf32, #tpu.memory_space<vmem>>, vector<16xf32>,
    tpu.vector_store %arg10[%swap3A_2255, %swap3A_2256], %add3A_2253 {strides = array<i32>} : memref<32x128xf32, #tpu.memory_space<vmem>>, vector<16xf32>,
    %get3A_2258 = arith.constant 41 : i32
    %get3A_2259 = arith.index_cast %get3A_2258 : i32 to index
    %get3A_2260 = arith.constant 112 : index
    %get3A_2261 = tpu.vector_load %arg9[%get3A_2259, %get3A_2260] {strides = array<i32>} : memref<64x128xf32, #tpu.memory_space<vmem>>, vector<16xf32>,
    %get3A_2262 = arith.constant 42 : i32
    %get3A_2263 = arith.index_cast %get3A_2262 : i32 to index
    %get3A_2264 = arith.constant 112 : index
    %get3A_2265 = tpu.vector_load %arg9[%get3A_2263, %get3A_2264] {strides = array<i32>} : memref<64x128xf32, #tpu.memory_space<vmem>>, vector<16xf32>,
    %add3A_2266 = arith.addf %get3A_2261, %get3A_2265 : vector<16xf32>
    %get3A_2267 = arith.constant 43 : i32
    %get3A_2268 = arith.index_cast %get3A_2267 : i32 to index
    %get3A_2269 = arith.constant 112 : index
    %get3A_2270 = tpu.vector_load %arg9[%get3A_2268, %get3A_2269] {strides = array<i32>} : memref<64x128xf32, #tpu.memory_space<vmem>>, vector<16xf32>,
    %add3A_2271 = arith.addf %add3A_2266, %get3A_2270 : vector<16xf32>
    %swap3A_2272 = arith.constant 19 : i32
    %swap3A_2273 = arith.index_cast %swap3A_2272 : i32 to index
    %swap3A_2274 = arith.constant 112 : index
    %swap3A_2275 = tpu.vector_load %arg10[%swap3A_2273, %swap3A_2274] {strides = array<i32>} : memref<32x128xf32, #tpu.memory_space<vmem>>, vector<16xf32>,
    tpu.vector_store %arg10[%swap3A_2273, %swap3A_2274], %add3A_2271 {strides = array<i32>} : memref<32x128xf32, #tpu.memory_space<vmem>>, vector<16xf32>,
    %get3A_2276 = arith.constant 44 : i32
    %get3A_2277 = arith.index_cast %get3A_2276 : i32 to index
    %get3A_2278 = arith.constant 0 : index
    %get3A_2279 = tpu.vector_load %arg9[%get3A_2277, %get3A_2278] {strides = array<i32>} : memref<64x128xf32, #tpu.memory_space<vmem>>, vector<16xf32>,
    %get3A_2280 = arith.constant 45 : i32
    %get3A_2281 = arith.index_cast %get3A_2280 : i32 to index
    %get3A_2282 = arith.constant 0 : index
    %get3A_2283 = tpu.vector_load %arg9[%get3A_2281, %get3A_2282] {strides = array<i32>} : memref<64x128xf32, #tpu.memory_space<vmem>>, vector<16xf32>,
    %add3A_2284 = arith.addf %get3A_2279, %get3A_2283 : vector<16xf32>
    %get3A_2285 = arith.constant 46 : i32
    %get3A_2286 = arith.index_cast %get3A_2285 : i32 to index
    %get3A_2287 = arith.constant 0 : index
    %get3A_2288 = tpu.vector_load %arg9[%get3A_2286, %get3A_2287] {strides = array<i32>} : memref<64x128xf32, #tpu.memory_space<vmem>>, vector<16xf32>,
    %add3A_2289 = arith.addf %add3A_2284, %get3A_2288 : vector<16xf32>
    %swap3A_2290 = arith.constant 20 : i32
    %swap3A_2291 = arith.index_cast %swap3A_2290 : i32 to index
    %swap3A_2292 = arith.constant 0 : index
    %swap3A_2293 = tpu.vector_load %arg10[%swap3A_2291, %swap3A_2292] {strides = array<i32>} : memref<32x128xf32, #tpu.memory_space<vmem>>, vector<16xf32>,
    tpu.vector_store %arg10[%swap3A_2291, %swap3A_2292], %add3A_2289 {strides = array<i32>} : memref<32x128xf32, #tpu.memory_space<vmem>>, vector<16xf32>,
    %get3A_2294 = arith.constant 44 : i32
    %get3A_2295 = arith.index_cast %get3A_2294 : i32 to index
    %get3A_2296 = arith.constant 16 : index
    %get3A_2297 = tpu.vector_load %arg9[%get3A_2295, %get3A_2296] {strides = array<i32>} : memref<64x128xf32, #tpu.memory_space<vmem>>, vector<16xf32>,
    %get3A_2298 = arith.constant 45 : i32
    %get3A_2299 = arith.index_cast %get3A_2298 : i32 to index
    %get3A_2300 = arith.constant 16 : index
    %get3A_2301 = tpu.vector_load %arg9[%get3A_2299, %get3A_2300] {strides = array<i32>} : memref<64x128xf32, #tpu.memory_space<vmem>>, vector<16xf32>,
    %add3A_2302 = arith.addf %get3A_2297, %get3A_2301 : vector<16xf32>
    %get3A_2303 = arith.constant 46 : i32
    %get3A_2304 = arith.index_cast %get3A_2303 : i32 to index
    %get3A_2305 = arith.constant 16 : index
    %get3A_2306 = tpu.vector_load %arg9[%get3A_2304, %get3A_2305] {strides = array<i32>} : memref<64x128xf32, #tpu.memory_space<vmem>>, vector<16xf32>,
    %add3A_2307 = arith.addf %add3A_2302, %get3A_2306 : vector<16xf32>
    %swap3A_2308 = arith.constant 20 : i32
    %swap3A_2309 = arith.index_cast %swap3A_2308 : i32 to index
    %swap3A_2310 = arith.constant 16 : index
    %swap3A_2311 = tpu.vector_load %arg10[%swap3A_2309, %swap3A_2310] {strides = array<i32>} : memref<32x128xf32, #tpu.memory_space<vmem>>, vector<16xf32>,
    tpu.vector_store %arg10[%swap3A_2309, %swap3A_2310], %add3A_2307 {strides = array<i32>} : memref<32x128xf32, #tpu.memory_space<vmem>>, vector<16xf32>,
    %get3A_2312 = arith.constant 44 : i32
    %get3A_2313 = arith.index_cast %get3A_2312 : i32 to index
    %get3A_2314 = arith.constant 32 : index
    %get3A_2315 = tpu.vector_load %arg9[%get3A_2313, %get3A_2314] {strides = array<i32>} : memref<64x128xf32, #tpu.memory_space<vmem>>, vector<16xf32>,
    %get3A_2316 = arith.constant 45 : i32
    %get3A_2317 = arith.index_cast %get3A_2316 : i32 to index
    %get3A_2318 = arith.constant 32 : index
    %get3A_2319 = tpu.vector_load %arg9[%get3A_2317, %get3A_2318] {strides = array<i32>} : memref<64x128xf32, #tpu.memory_space<vmem>>, vector<16xf32>,
    %add3A_2320 = arith.addf %get3A_2315, %get3A_2319 : vector<16xf32>
    %get3A_2321 = arith.constant 46 : i32
    %get3A_2322 = arith.index_cast %get3A_2321 : i32 to index
    %get3A_2323 = arith.constant 32 : index
    %get3A_2324 = tpu.vector_load %arg9[%get3A_2322, %get3A_2323] {strides = array<i32>} : memref<64x128xf32, #tpu.memory_space<vmem>>, vector<16xf32>,
    %add3A_2325 = arith.addf %add3A_2320, %get3A_2324 : vector<16xf32>
    %swap3A_2326 = arith.constant 20 : i32
    %swap3A_2327 = arith.index_cast %swap3A_2326 : i32 to index
    %swap3A_2328 = arith.constant 32 : index
    %swap3A_2329 = tpu.vector_load %arg10[%swap3A_2327, %swap3A_2328] {strides = array<i32>} : memref<32x128xf32, #tpu.memory_space<vmem>>, vector<16xf32>,
    tpu.vector_store %arg10[%swap3A_2327, %swap3A_2328], %add3A_2325 {strides = array<i32>} : memref<32x128xf32, #tpu.memory_space<vmem>>, vector<16xf32>,
    %get3A_2330 = arith.constant 44 : i32
    %get3A_2331 = arith.index_cast %get3A_2330 : i32 to index
    %get3A_2332 = arith.constant 48 : index
    %get3A_2333 = tpu.vector_load %arg9[%get3A_2331, %get3A_2332] {strides = array<i32>} : memref<64x128xf32, #tpu.memory_space<vmem>>, vector<16xf32>,
    %get3A_2334 = arith.constant 45 : i32
    %get3A_2335 = arith.index_cast %get3A_2334 : i32 to index
    %get3A_2336 = arith.constant 48 : index
    %get3A_2337 = tpu.vector_load %arg9[%get3A_2335, %get3A_2336] {strides = array<i32>} : memref<64x128xf32, #tpu.memory_space<vmem>>, vector<16xf32>,
    %add3A_2338 = arith.addf %get3A_2333, %get3A_2337 : vector<16xf32>
    %get3A_2339 = arith.constant 46 : i32
    %get3A_2340 = arith.index_cast %get3A_2339 : i32 to index
    %get3A_2341 = arith.constant 48 : index
    %get3A_2342 = tpu.vector_load %arg9[%get3A_2340, %get3A_2341] {strides = array<i32>} : memref<64x128xf32, #tpu.memory_space<vmem>>, vector<16xf32>,
    %add3A_2343 = arith.addf %add3A_2338, %get3A_2342 : vector<16xf32>
    %swap3A_2344 = arith.constant 20 : i32
    %swap3A_2345 = arith.index_cast %swap3A_2344 : i32 to index
    %swap3A_2346 = arith.constant 48 : index
    %swap3A_2347 = tpu.vector_load %arg10[%swap3A_2345, %swap3A_2346] {strides = array<i32>} : memref<32x128xf32, #tpu.memory_space<vmem>>, vector<16xf32>,
    tpu.vector_store %arg10[%swap3A_2345, %swap3A_2346], %add3A_2343 {strides = array<i32>} : memref<32x128xf32, #tpu.memory_space<vmem>>, vector<16xf32>,
    %get3A_2348 = arith.constant 44 : i32
    %get3A_2349 = arith.index_cast %get3A_2348 : i32 to index
    %get3A_2350 = arith.constant 64 : index
    %get3A_2351 = tpu.vector_load %arg9[%get3A_2349, %get3A_2350] {strides = array<i32>} : memref<64x128xf32, #tpu.memory_space<vmem>>, vector<16xf32>,
    %get3A_2352 = arith.constant 45 : i32
    %get3A_2353 = arith.index_cast %get3A_2352 : i32 to index
    %get3A_2354 = arith.constant 64 : index
    %get3A_2355 = tpu.vector_load %arg9[%get3A_2353, %get3A_2354] {strides = array<i32>} : memref<64x128xf32, #tpu.memory_space<vmem>>, vector<16xf32>,
    %add3A_2356 = arith.addf %get3A_2351, %get3A_2355 : vector<16xf32>
    %get3A_2357 = arith.constant 46 : i32
    %get3A_2358 = arith.index_cast %get3A_2357 : i32 to index
    %get3A_2359 = arith.constant 64 : index
    %get3A_2360 = tpu.vector_load %arg9[%get3A_2358, %get3A_2359] {strides = array<i32>} : memref<64x128xf32, #tpu.memory_space<vmem>>, vector<16xf32>,
    %add3A_2361 = arith.addf %add3A_2356, %get3A_2360 : vector<16xf32>
    %swap3A_2362 = arith.constant 20 : i32
    %swap3A_2363 = arith.index_cast %swap3A_2362 : i32 to index
    %swap3A_2364 = arith.constant 64 : index
    %swap3A_2365 = tpu.vector_load %arg10[%swap3A_2363, %swap3A_2364] {strides = array<i32>} : memref<32x128xf32, #tpu.memory_space<vmem>>, vector<16xf32>,
    tpu.vector_store %arg10[%swap3A_2363, %swap3A_2364], %add3A_2361 {strides = array<i32>} : memref<32x128xf32, #tpu.memory_space<vmem>>, vector<16xf32>,
    %get3A_2366 = arith.constant 44 : i32
    %get3A_2367 = arith.index_cast %get3A_2366 : i32 to index
    %get3A_2368 = arith.constant 80 : index
    %get3A_2369 = tpu.vector_load %arg9[%get3A_2367, %get3A_2368] {strides = array<i32>} : memref<64x128xf32, #tpu.memory_space<vmem>>, vector<16xf32>,
    %get3A_2370 = arith.constant 45 : i32
    %get3A_2371 = arith.index_cast %get3A_2370 : i32 to index
    %get3A_2372 = arith.constant 80 : index
    %get3A_2373 = tpu.vector_load %arg9[%get3A_2371, %get3A_2372] {strides = array<i32>} : memref<64x128xf32, #tpu.memory_space<vmem>>, vector<16xf32>,
    %add3A_2374 = arith.addf %get3A_2369, %get3A_2373 : vector<16xf32>
    %get3A_2375 = arith.constant 46 : i32
    %get3A_2376 = arith.index_cast %get3A_2375 : i32 to index
    %get3A_2377 = arith.constant 80 : index
    %get3A_2378 = tpu.vector_load %arg9[%get3A_2376, %get3A_2377] {strides = array<i32>} : memref<64x128xf32, #tpu.memory_space<vmem>>, vector<16xf32>,
    %add3A_2379 = arith.addf %add3A_2374, %get3A_2378 : vector<16xf32>
    %swap3A_2380 = arith.constant 20 : i32
    %swap3A_2381 = arith.index_cast %swap3A_2380 : i32 to index
    %swap3A_2382 = arith.constant 80 : index
    %swap3A_2383 = tpu.vector_load %arg10[%swap3A_2381, %swap3A_2382] {strides = array<i32>} : memref<32x128xf32, #tpu.memory_space<vmem>>, vector<16xf32>,
    tpu.vector_store %arg10[%swap3A_2381, %swap3A_2382], %add3A_2379 {strides = array<i32>} : memref<32x128xf32, #tpu.memory_space<vmem>>, vector<16xf32>,
    %get3A_2384 = arith.constant 44 : i32
    %get3A_2385 = arith.index_cast %get3A_2384 : i32 to index
    %get3A_2386 = arith.constant 96 : index
    %get3A_2387 = tpu.vector_load %arg9[%get3A_2385, %get3A_2386] {strides = array<i32>} : memref<64x128xf32, #tpu.memory_space<vmem>>, vector<16xf32>,
    %get3A_2388 = arith.constant 45 : i32
    %get3A_2389 = arith.index_cast %get3A_2388 : i32 to index
    %get3A_2390 = arith.constant 96 : index
    %get3A_2391 = tpu.vector_load %arg9[%get3A_2389, %get3A_2390] {strides = array<i32>} : memref<64x128xf32, #tpu.memory_space<vmem>>, vector<16xf32>,
    %add3A_2392 = arith.addf %get3A_2387, %get3A_2391 : vector<16xf32>
    %get3A_2393 = arith.constant 46 : i32
    %get3A_2394 = arith.index_cast %get3A_2393 : i32 to index
    %get3A_2395 = arith.constant 96 : index
    %get3A_2396 = tpu.vector_load %arg9[%get3A_2394, %get3A_2395] {strides = array<i32>} : memref<64x128xf32, #tpu.memory_space<vmem>>, vector<16xf32>,
    %add3A_2397 = arith.addf %add3A_2392, %get3A_2396 : vector<16xf32>
    %swap3A_2398 = arith.constant 20 : i32
    %swap3A_2399 = arith.index_cast %swap3A_2398 : i32 to index
    %swap3A_2400 = arith.constant 96 : index
    %swap3A_2401 = tpu.vector_load %arg10[%swap3A_2399, %swap3A_2400] {strides = array<i32>} : memref<32x128xf32, #tpu.memory_space<vmem>>, vector<16xf32>,
    tpu.vector_store %arg10[%swap3A_2399, %swap3A_2400], %add3A_2397 {strides = array<i32>} : memref<32x128xf32, #tpu.memory_space<vmem>>, vector<16xf32>,
    %get3A_2402 = arith.constant 44 : i32
    %get3A_2403 = arith.index_cast %get3A_2402 : i32 to index
    %get3A_2404 = arith.constant 112 : index
    %get3A_2405 = tpu.vector_load %arg9[%get3A_2403, %get3A_2404] {strides = array<i32>} : memref<64x128xf32, #tpu.memory_space<vmem>>, vector<16xf32>,
    %get3A_2406 = arith.constant 45 : i32
    %get3A_2407 = arith.index_cast %get3A_2406 : i32 to index
    %get3A_2408 = arith.constant 112 : index
    %get3A_2409 = tpu.vector_load %arg9[%get3A_2407, %get3A_2408] {strides = array<i32>} : memref<64x128xf32, #tpu.memory_space<vmem>>, vector<16xf32>,
    %add3A_2410 = arith.addf %get3A_2405, %get3A_2409 : vector<16xf32>
    %get3A_2411 = arith.constant 46 : i32
    %get3A_2412 = arith.index_cast %get3A_2411 : i32 to index
    %get3A_2413 = arith.constant 112 : index
    %get3A_2414 = tpu.vector_load %arg9[%get3A_2412, %get3A_2413] {strides = array<i32>} : memref<64x128xf32, #tpu.memory_space<vmem>>, vector<16xf32>,
    %add3A_2415 = arith.addf %add3A_2410, %get3A_2414 : vector<16xf32>
    %swap3A_2416 = arith.constant 20 : i32
    %swap3A_2417 = arith.index_cast %swap3A_2416 : i32 to index
    %swap3A_2418 = arith.constant 112 : index
    %swap3A_2419 = tpu.vector_load %arg10[%swap3A_2417, %swap3A_2418] {strides = array<i32>} : memref<32x128xf32, #tpu.memory_space<vmem>>, vector<16xf32>,
    tpu.vector_store %arg10[%swap3A_2417, %swap3A_2418], %add3A_2415 {strides = array<i32>} : memref<32x128xf32, #tpu.memory_space<vmem>>, vector<16xf32>,
    %get3A_2420 = arith.constant 47 : i32
    %get3A_2421 = arith.index_cast %get3A_2420 : i32 to index
    %get3A_2422 = arith.constant 0 : index
    %get3A_2423 = tpu.vector_load %arg9[%get3A_2421, %get3A_2422] {strides = array<i32>} : memref<64x128xf32, #tpu.memory_space<vmem>>, vector<16xf32>,
    %get3A_2424 = arith.constant 48 : i32
    %get3A_2425 = arith.index_cast %get3A_2424 : i32 to index
    %get3A_2426 = arith.constant 0 : index
    %get3A_2427 = tpu.vector_load %arg9[%get3A_2425, %get3A_2426] {strides = array<i32>} : memref<64x128xf32, #tpu.memory_space<vmem>>, vector<16xf32>,
    %add3A_2428 = arith.addf %get3A_2423, %get3A_2427 : vector<16xf32>
    %get3A_2429 = arith.constant 49 : i32
    %get3A_2430 = arith.index_cast %get3A_2429 : i32 to index
    %get3A_2431 = arith.constant 0 : index
    %get3A_2432 = tpu.vector_load %arg9[%get3A_2430, %get3A_2431] {strides = array<i32>} : memref<64x128xf32, #tpu.memory_space<vmem>>, vector<16xf32>,
    %add3A_2433 = arith.addf %add3A_2428, %get3A_2432 : vector<16xf32>
    %swap3A_2434 = arith.constant 21 : i32
    %swap3A_2435 = arith.index_cast %swap3A_2434 : i32 to index
    %swap3A_2436 = arith.constant 0 : index
    %swap3A_2437 = tpu.vector_load %arg10[%swap3A_2435, %swap3A_2436] {strides = array<i32>} : memref<32x128xf32, #tpu.memory_space<vmem>>, vector<16xf32>,
    tpu.vector_store %arg10[%swap3A_2435, %swap3A_2436], %add3A_2433 {strides = array<i32>} : memref<32x128xf32, #tpu.memory_space<vmem>>, vector<16xf32>,
    %get3A_2438 = arith.constant 47 : i32
    %get3A_2439 = arith.index_cast %get3A_2438 : i32 to index
    %get3A_2440 = arith.constant 16 : index
    %get3A_2441 = tpu.vector_load %arg9[%get3A_2439, %get3A_2440] {strides = array<i32>} : memref<64x128xf32, #tpu.memory_space<vmem>>, vector<16xf32>,
    %get3A_2442 = arith.constant 48 : i32
    %get3A_2443 = arith.index_cast %get3A_2442 : i32 to index
    %get3A_2444 = arith.constant 16 : index
    %get3A_2445 = tpu.vector_load %arg9[%get3A_2443, %get3A_2444] {strides = array<i32>} : memref<64x128xf32, #tpu.memory_space<vmem>>, vector<16xf32>,
    %add3A_2446 = arith.addf %get3A_2441, %get3A_2445 : vector<16xf32>
    %get3A_2447 = arith.constant 49 : i32
    %get3A_2448 = arith.index_cast %get3A_2447 : i32 to index
    %get3A_2449 = arith.constant 16 : index
    %get3A_2450 = tpu.vector_load %arg9[%get3A_2448, %get3A_2449] {strides = array<i32>} : memref<64x128xf32, #tpu.memory_space<vmem>>, vector<16xf32>,
    %add3A_2451 = arith.addf %add3A_2446, %get3A_2450 : vector<16xf32>
    %swap3A_2452 = arith.constant 21 : i32
    %swap3A_2453 = arith.index_cast %swap3A_2452 : i32 to index
    %swap3A_2454 = arith.constant 16 : index
    %swap3A_2455 = tpu.vector_load %arg10[%swap3A_2453, %swap3A_2454] {strides = array<i32>} : memref<32x128xf32, #tpu.memory_space<vmem>>, vector<16xf32>,
    tpu.vector_store %arg10[%swap3A_2453, %swap3A_2454], %add3A_2451 {strides = array<i32>} : memref<32x128xf32, #tpu.memory_space<vmem>>, vector<16xf32>,
    %get3A_2456 = arith.constant 47 : i32
    %get3A_2457 = arith.index_cast %get3A_2456 : i32 to index
    %get3A_2458 = arith.constant 32 : index
    %get3A_2459 = tpu.vector_load %arg9[%get3A_2457, %get3A_2458] {strides = array<i32>} : memref<64x128xf32, #tpu.memory_space<vmem>>, vector<16xf32>,
    %get3A_2460 = arith.constant 48 : i32
    %get3A_2461 = arith.index_cast %get3A_2460 : i32 to index
    %get3A_2462 = arith.constant 32 : index
    %get3A_2463 = tpu.vector_load %arg9[%get3A_2461, %get3A_2462] {strides = array<i32>} : memref<64x128xf32, #tpu.memory_space<vmem>>, vector<16xf32>,
    %add3A_2464 = arith.addf %get3A_2459, %get3A_2463 : vector<16xf32>
    %get3A_2465 = arith.constant 49 : i32
    %get3A_2466 = arith.index_cast %get3A_2465 : i32 to index
    %get3A_2467 = arith.constant 32 : index
    %get3A_2468 = tpu.vector_load %arg9[%get3A_2466, %get3A_2467] {strides = array<i32>} : memref<64x128xf32, #tpu.memory_space<vmem>>, vector<16xf32>,
    %add3A_2469 = arith.addf %add3A_2464, %get3A_2468 : vector<16xf32>
    %swap3A_2470 = arith.constant 21 : i32
    %swap3A_2471 = arith.index_cast %swap3A_2470 : i32 to index
    %swap3A_2472 = arith.constant 32 : index
    %swap3A_2473 = tpu.vector_load %arg10[%swap3A_2471, %swap3A_2472] {strides = array<i32>} : memref<32x128xf32, #tpu.memory_space<vmem>>, vector<16xf32>,
    tpu.vector_store %arg10[%swap3A_2471, %swap3A_2472], %add3A_2469 {strides = array<i32>} : memref<32x128xf32, #tpu.memory_space<vmem>>, vector<16xf32>,
    %get3A_2474 = arith.constant 47 : i32
    %get3A_2475 = arith.index_cast %get3A_2474 : i32 to index
    %get3A_2476 = arith.constant 48 : index
    %get3A_2477 = tpu.vector_load %arg9[%get3A_2475, %get3A_2476] {strides = array<i32>} : memref<64x128xf32, #tpu.memory_space<vmem>>, vector<16xf32>,
    %get3A_2478 = arith.constant 48 : i32
    %get3A_2479 = arith.index_cast %get3A_2478 : i32 to index
    %get3A_2480 = arith.constant 48 : index
    %get3A_2481 = tpu.vector_load %arg9[%get3A_2479, %get3A_2480] {strides = array<i32>} : memref<64x128xf32, #tpu.memory_space<vmem>>, vector<16xf32>,
    %add3A_2482 = arith.addf %get3A_2477, %get3A_2481 : vector<16xf32>
    %get3A_2483 = arith.constant 49 : i32
    %get3A_2484 = arith.index_cast %get3A_2483 : i32 to index
    %get3A_2485 = arith.constant 48 : index
    %get3A_2486 = tpu.vector_load %arg9[%get3A_2484, %get3A_2485] {strides = array<i32>} : memref<64x128xf32, #tpu.memory_space<vmem>>, vector<16xf32>,
    %add3A_2487 = arith.addf %add3A_2482, %get3A_2486 : vector<16xf32>
    %swap3A_2488 = arith.constant 21 : i32
    %swap3A_2489 = arith.index_cast %swap3A_2488 : i32 to index
    %swap3A_2490 = arith.constant 48 : index
    %swap3A_2491 = tpu.vector_load %arg10[%swap3A_2489, %swap3A_2490] {strides = array<i32>} : memref<32x128xf32, #tpu.memory_space<vmem>>, vector<16xf32>,
    tpu.vector_store %arg10[%swap3A_2489, %swap3A_2490], %add3A_2487 {strides = array<i32>} : memref<32x128xf32, #tpu.memory_space<vmem>>, vector<16xf32>,
    %get3A_2492 = arith.constant 47 : i32
    %get3A_2493 = arith.index_cast %get3A_2492 : i32 to index
    %get3A_2494 = arith.constant 64 : index
    %get3A_2495 = tpu.vector_load %arg9[%get3A_2493, %get3A_2494] {strides = array<i32>} : memref<64x128xf32, #tpu.memory_space<vmem>>, vector<16xf32>,
    %get3A_2496 = arith.constant 48 : i32
    %get3A_2497 = arith.index_cast %get3A_2496 : i32 to index
    %get3A_2498 = arith.constant 64 : index
    %get3A_2499 = tpu.vector_load %arg9[%get3A_2497, %get3A_2498] {strides = array<i32>} : memref<64x128xf32, #tpu.memory_space<vmem>>, vector<16xf32>,
    %add3A_2500 = arith.addf %get3A_2495, %get3A_2499 : vector<16xf32>
    %get3A_2501 = arith.constant 49 : i32
    %get3A_2502 = arith.index_cast %get3A_2501 : i32 to index
    %get3A_2503 = arith.constant 64 : index
    %get3A_2504 = tpu.vector_load %arg9[%get3A_2502, %get3A_2503] {strides = array<i32>} : memref<64x128xf32, #tpu.memory_space<vmem>>, vector<16xf32>,
    %add3A_2505 = arith.addf %add3A_2500, %get3A_2504 : vector<16xf32>
    %swap3A_2506 = arith.constant 21 : i32
    %swap3A_2507 = arith.index_cast %swap3A_2506 : i32 to index
    %swap3A_2508 = arith.constant 64 : index
    %swap3A_2509 = tpu.vector_load %arg10[%swap3A_2507, %swap3A_2508] {strides = array<i32>} : memref<32x128xf32, #tpu.memory_space<vmem>>, vector<16xf32>,
    tpu.vector_store %arg10[%swap3A_2507, %swap3A_2508], %add3A_2505 {strides = array<i32>} : memref<32x128xf32, #tpu.memory_space<vmem>>, vector<16xf32>,
    %get3A_2510 = arith.constant 47 : i32
    %get3A_2511 = arith.index_cast %get3A_2510 : i32 to index
    %get3A_2512 = arith.constant 80 : index
    %get3A_2513 = tpu.vector_load %arg9[%get3A_2511, %get3A_2512] {strides = array<i32>} : memref<64x128xf32, #tpu.memory_space<vmem>>, vector<16xf32>,
    %get3A_2514 = arith.constant 48 : i32
    %get3A_2515 = arith.index_cast %get3A_2514 : i32 to index
    %get3A_2516 = arith.constant 80 : index
    %get3A_2517 = tpu.vector_load %arg9[%get3A_2515, %get3A_2516] {strides = array<i32>} : memref<64x128xf32, #tpu.memory_space<vmem>>, vector<16xf32>,
    %add3A_2518 = arith.addf %get3A_2513, %get3A_2517 : vector<16xf32>
    %get3A_2519 = arith.constant 49 : i32
    %get3A_2520 = arith.index_cast %get3A_2519 : i32 to index
    %get3A_2521 = arith.constant 80 : index
    %get3A_2522 = tpu.vector_load %arg9[%get3A_2520, %get3A_2521] {strides = array<i32>} : memref<64x128xf32, #tpu.memory_space<vmem>>, vector<16xf32>,
    %add3A_2523 = arith.addf %add3A_2518, %get3A_2522 : vector<16xf32>
    %swap3A_2524 = arith.constant 21 : i32
    %swap3A_2525 = arith.index_cast %swap3A_2524 : i32 to index
    %swap3A_2526 = arith.constant 80 : index
    %swap3A_2527 = tpu.vector_load %arg10[%swap3A_2525, %swap3A_2526] {strides = array<i32>} : memref<32x128xf32, #tpu.memory_space<vmem>>, vector<16xf32>,
    tpu.vector_store %arg10[%swap3A_2525, %swap3A_2526], %add3A_2523 {strides = array<i32>} : memref<32x128xf32, #tpu.memory_space<vmem>>, vector<16xf32>,
    %get3A_2528 = arith.constant 47 : i32
    %get3A_2529 = arith.index_cast %get3A_2528 : i32 to index
    %get3A_2530 = arith.constant 96 : index
    %get3A_2531 = tpu.vector_load %arg9[%get3A_2529, %get3A_2530] {strides = array<i32>} : memref<64x128xf32, #tpu.memory_space<vmem>>, vector<16xf32>,
    %get3A_2532 = arith.constant 48 : i32
    %get3A_2533 = arith.index_cast %get3A_2532 : i32 to index
    %get3A_2534 = arith.constant 96 : index
    %get3A_2535 = tpu.vector_load %arg9[%get3A_2533, %get3A_2534] {strides = array<i32>} : memref<64x128xf32, #tpu.memory_space<vmem>>, vector<16xf32>,
    %add3A_2536 = arith.addf %get3A_2531, %get3A_2535 : vector<16xf32>
    %get3A_2537 = arith.constant 49 : i32
    %get3A_2538 = arith.index_cast %get3A_2537 : i32 to index
    %get3A_2539 = arith.constant 96 : index
    %get3A_2540 = tpu.vector_load %arg9[%get3A_2538, %get3A_2539] {strides = array<i32>} : memref<64x128xf32, #tpu.memory_space<vmem>>, vector<16xf32>,
    %add3A_2541 = arith.addf %add3A_2536, %get3A_2540 : vector<16xf32>
    %swap3A_2542 = arith.constant 21 : i32
    %swap3A_2543 = arith.index_cast %swap3A_2542 : i32 to index
    %swap3A_2544 = arith.constant 96 : index
    %swap3A_2545 = tpu.vector_load %arg10[%swap3A_2543, %swap3A_2544] {strides = array<i32>} : memref<32x128xf32, #tpu.memory_space<vmem>>, vector<16xf32>,
    tpu.vector_store %arg10[%swap3A_2543, %swap3A_2544], %add3A_2541 {strides = array<i32>} : memref<32x128xf32, #tpu.memory_space<vmem>>, vector<16xf32>,
    %get3A_2546 = arith.constant 47 : i32
    %get3A_2547 = arith.index_cast %get3A_2546 : i32 to index
    %get3A_2548 = arith.constant 112 : index
    %get3A_2549 = tpu.vector_load %arg9[%get3A_2547, %get3A_2548] {strides = array<i32>} : memref<64x128xf32, #tpu.memory_space<vmem>>, vector<16xf32>,
    %get3A_2550 = arith.constant 48 : i32
    %get3A_2551 = arith.index_cast %get3A_2550 : i32 to index
    %get3A_2552 = arith.constant 112 : index
    %get3A_2553 = tpu.vector_load %arg9[%get3A_2551, %get3A_2552] {strides = array<i32>} : memref<64x128xf32, #tpu.memory_space<vmem>>, vector<16xf32>,
    %add3A_2554 = arith.addf %get3A_2549, %get3A_2553 : vector<16xf32>
    %get3A_2555 = arith.constant 49 : i32
    %get3A_2556 = arith.index_cast %get3A_2555 : i32 to index
    %get3A_2557 = arith.constant 112 : index
    %get3A_2558 = tpu.vector_load %arg9[%get3A_2556, %get3A_2557] {strides = array<i32>} : memref<64x128xf32, #tpu.memory_space<vmem>>, vector<16xf32>,
    %add3A_2559 = arith.addf %add3A_2554, %get3A_2558 : vector<16xf32>
    %swap3A_2560 = arith.constant 21 : i32
    %swap3A_2561 = arith.index_cast %swap3A_2560 : i32 to index
    %swap3A_2562 = arith.constant 112 : index
    %swap3A_2563 = tpu.vector_load %arg10[%swap3A_2561, %swap3A_2562] {strides = array<i32>} : memref<32x128xf32, #tpu.memory_space<vmem>>, vector<16xf32>,
    tpu.vector_store %arg10[%swap3A_2561, %swap3A_2562], %add3A_2559 {strides = array<i32>} : memref<32x128xf32, #tpu.memory_space<vmem>>, vector<16xf32>,
    %get3A_2564 = arith.constant 50 : i32
    %get3A_2565 = arith.index_cast %get3A_2564 : i32 to index
    %get3A_2566 = arith.constant 0 : index
    %get3A_2567 = tpu.vector_load %arg9[%get3A_2565, %get3A_2566] {strides = array<i32>} : memref<64x128xf32, #tpu.memory_space<vmem>>, vector<16xf32>,
    %get3A_2568 = arith.constant 51 : i32
    %get3A_2569 = arith.index_cast %get3A_2568 : i32 to index
    %get3A_2570 = arith.constant 0 : index
    %get3A_2571 = tpu.vector_load %arg9[%get3A_2569, %get3A_2570] {strides = array<i32>} : memref<64x128xf32, #tpu.memory_space<vmem>>, vector<16xf32>,
    %add3A_2572 = arith.addf %get3A_2567, %get3A_2571 : vector<16xf32>
    %get3A_2573 = arith.constant 52 : i32
    %get3A_2574 = arith.index_cast %get3A_2573 : i32 to index
    %get3A_2575 = arith.constant 0 : index
    %get3A_2576 = tpu.vector_load %arg9[%get3A_2574, %get3A_2575] {strides = array<i32>} : memref<64x128xf32, #tpu.memory_space<vmem>>, vector<16xf32>,
    %add3A_2577 = arith.addf %add3A_2572, %get3A_2576 : vector<16xf32>
    %swap3A_2578 = arith.constant 22 : i32
    %swap3A_2579 = arith.index_cast %swap3A_2578 : i32 to index
    %swap3A_2580 = arith.constant 0 : index
    %swap3A_2581 = tpu.vector_load %arg10[%swap3A_2579, %swap3A_2580] {strides = array<i32>} : memref<32x128xf32, #tpu.memory_space<vmem>>, vector<16xf32>,
    tpu.vector_store %arg10[%swap3A_2579, %swap3A_2580], %add3A_2577 {strides = array<i32>} : memref<32x128xf32, #tpu.memory_space<vmem>>, vector<16xf32>,
    %get3A_2582 = arith.constant 50 : i32
    %get3A_2583 = arith.index_cast %get3A_2582 : i32 to index
    %get3A_2584 = arith.constant 16 : index
    %get3A_2585 = tpu.vector_load %arg9[%get3A_2583, %get3A_2584] {strides = array<i32>} : memref<64x128xf32, #tpu.memory_space<vmem>>, vector<16xf32>,
    %get3A_2586 = arith.constant 51 : i32
    %get3A_2587 = arith.index_cast %get3A_2586 : i32 to index
    %get3A_2588 = arith.constant 16 : index
    %get3A_2589 = tpu.vector_load %arg9[%get3A_2587, %get3A_2588] {strides = array<i32>} : memref<64x128xf32, #tpu.memory_space<vmem>>, vector<16xf32>,
    %add3A_2590 = arith.addf %get3A_2585, %get3A_2589 : vector<16xf32>
    %get3A_2591 = arith.constant 52 : i32
    %get3A_2592 = arith.index_cast %get3A_2591 : i32 to index
    %get3A_2593 = arith.constant 16 : index
    %get3A_2594 = tpu.vector_load %arg9[%get3A_2592, %get3A_2593] {strides = array<i32>} : memref<64x128xf32, #tpu.memory_space<vmem>>, vector<16xf32>,
    %add3A_2595 = arith.addf %add3A_2590, %get3A_2594 : vector<16xf32>
    %swap3A_2596 = arith.constant 22 : i32
    %swap3A_2597 = arith.index_cast %swap3A_2596 : i32 to index
    %swap3A_2598 = arith.constant 16 : index
    %swap3A_2599 = tpu.vector_load %arg10[%swap3A_2597, %swap3A_2598] {strides = array<i32>} : memref<32x128xf32, #tpu.memory_space<vmem>>, vector<16xf32>,
    tpu.vector_store %arg10[%swap3A_2597, %swap3A_2598], %add3A_2595 {strides = array<i32>} : memref<32x128xf32, #tpu.memory_space<vmem>>, vector<16xf32>,
    %get3A_2600 = arith.constant 50 : i32
    %get3A_2601 = arith.index_cast %get3A_2600 : i32 to index
    %get3A_2602 = arith.constant 32 : index
    %get3A_2603 = tpu.vector_load %arg9[%get3A_2601, %get3A_2602] {strides = array<i32>} : memref<64x128xf32, #tpu.memory_space<vmem>>, vector<16xf32>,
    %get3A_2604 = arith.constant 51 : i32
    %get3A_2605 = arith.index_cast %get3A_2604 : i32 to index
    %get3A_2606 = arith.constant 32 : index
    %get3A_2607 = tpu.vector_load %arg9[%get3A_2605, %get3A_2606] {strides = array<i32>} : memref<64x128xf32, #tpu.memory_space<vmem>>, vector<16xf32>,
    %add3A_2608 = arith.addf %get3A_2603, %get3A_2607 : vector<16xf32>
    %get3A_2609 = arith.constant 52 : i32
    %get3A_2610 = arith.index_cast %get3A_2609 : i32 to index
    %get3A_2611 = arith.constant 32 : index
    %get3A_2612 = tpu.vector_load %arg9[%get3A_2610, %get3A_2611] {strides = array<i32>} : memref<64x128xf32, #tpu.memory_space<vmem>>, vector<16xf32>,
    %add3A_2613 = arith.addf %add3A_2608, %get3A_2612 : vector<16xf32>
    %swap3A_2614 = arith.constant 22 : i32
    %swap3A_2615 = arith.index_cast %swap3A_2614 : i32 to index
    %swap3A_2616 = arith.constant 32 : index
    %swap3A_2617 = tpu.vector_load %arg10[%swap3A_2615, %swap3A_2616] {strides = array<i32>} : memref<32x128xf32, #tpu.memory_space<vmem>>, vector<16xf32>,
    tpu.vector_store %arg10[%swap3A_2615, %swap3A_2616], %add3A_2613 {strides = array<i32>} : memref<32x128xf32, #tpu.memory_space<vmem>>, vector<16xf32>,
    %get3A_2618 = arith.constant 50 : i32
    %get3A_2619 = arith.index_cast %get3A_2618 : i32 to index
    %get3A_2620 = arith.constant 48 : index
    %get3A_2621 = tpu.vector_load %arg9[%get3A_2619, %get3A_2620] {strides = array<i32>} : memref<64x128xf32, #tpu.memory_space<vmem>>, vector<16xf32>,
    %get3A_2622 = arith.constant 51 : i32
    %get3A_2623 = arith.index_cast %get3A_2622 : i32 to index
    %get3A_2624 = arith.constant 48 : index
    %get3A_2625 = tpu.vector_load %arg9[%get3A_2623, %get3A_2624] {strides = array<i32>} : memref<64x128xf32, #tpu.memory_space<vmem>>, vector<16xf32>,
    %add3A_2626 = arith.addf %get3A_2621, %get3A_2625 : vector<16xf32>
    %get3A_2627 = arith.constant 52 : i32
    %get3A_2628 = arith.index_cast %get3A_2627 : i32 to index
    %get3A_2629 = arith.constant 48 : index
    %get3A_2630 = tpu.vector_load %arg9[%get3A_2628, %get3A_2629] {strides = array<i32>} : memref<64x128xf32, #tpu.memory_space<vmem>>, vector<16xf32>,
    %add3A_2631 = arith.addf %add3A_2626, %get3A_2630 : vector<16xf32>
    %swap3A_2632 = arith.constant 22 : i32
    %swap3A_2633 = arith.index_cast %swap3A_2632 : i32 to index
    %swap3A_2634 = arith.constant 48 : index
    %swap3A_2635 = tpu.vector_load %arg10[%swap3A_2633, %swap3A_2634] {strides = array<i32>} : memref<32x128xf32, #tpu.memory_space<vmem>>, vector<16xf32>,
    tpu.vector_store %arg10[%swap3A_2633, %swap3A_2634], %add3A_2631 {strides = array<i32>} : memref<32x128xf32, #tpu.memory_space<vmem>>, vector<16xf32>,
    %get3A_2636 = arith.constant 50 : i32
    %get3A_2637 = arith.index_cast %get3A_2636 : i32 to index
    %get3A_2638 = arith.constant 64 : index
    %get3A_2639 = tpu.vector_load %arg9[%get3A_2637, %get3A_2638] {strides = array<i32>} : memref<64x128xf32, #tpu.memory_space<vmem>>, vector<16xf32>,
    %get3A_2640 = arith.constant 51 : i32
    %get3A_2641 = arith.index_cast %get3A_2640 : i32 to index
    %get3A_2642 = arith.constant 64 : index
    %get3A_2643 = tpu.vector_load %arg9[%get3A_2641, %get3A_2642] {strides = array<i32>} : memref<64x128xf32, #tpu.memory_space<vmem>>, vector<16xf32>,
    %add3A_2644 = arith.addf %get3A_2639, %get3A_2643 : vector<16xf32>
    %get3A_2645 = arith.constant 52 : i32
    %get3A_2646 = arith.index_cast %get3A_2645 : i32 to index
    %get3A_2647 = arith.constant 64 : index
    %get3A_2648 = tpu.vector_load %arg9[%get3A_2646, %get3A_2647] {strides = array<i32>} : memref<64x128xf32, #tpu.memory_space<vmem>>, vector<16xf32>,
    %add3A_2649 = arith.addf %add3A_2644, %get3A_2648 : vector<16xf32>
    %swap3A_2650 = arith.constant 22 : i32
    %swap3A_2651 = arith.index_cast %swap3A_2650 : i32 to index
    %swap3A_2652 = arith.constant 64 : index
    %swap3A_2653 = tpu.vector_load %arg10[%swap3A_2651, %swap3A_2652] {strides = array<i32>} : memref<32x128xf32, #tpu.memory_space<vmem>>, vector<16xf32>,
    tpu.vector_store %arg10[%swap3A_2651, %swap3A_2652], %add3A_2649 {strides = array<i32>} : memref<32x128xf32, #tpu.memory_space<vmem>>, vector<16xf32>,
    %get3A_2654 = arith.constant 50 : i32
    %get3A_2655 = arith.index_cast %get3A_2654 : i32 to index
    %get3A_2656 = arith.constant 80 : index
    %get3A_2657 = tpu.vector_load %arg9[%get3A_2655, %get3A_2656] {strides = array<i32>} : memref<64x128xf32, #tpu.memory_space<vmem>>, vector<16xf32>,
    %get3A_2658 = arith.constant 51 : i32
    %get3A_2659 = arith.index_cast %get3A_2658 : i32 to index
    %get3A_2660 = arith.constant 80 : index
    %get3A_2661 = tpu.vector_load %arg9[%get3A_2659, %get3A_2660] {strides = array<i32>} : memref<64x128xf32, #tpu.memory_space<vmem>>, vector<16xf32>,
    %add3A_2662 = arith.addf %get3A_2657, %get3A_2661 : vector<16xf32>
    %get3A_2663 = arith.constant 52 : i32
    %get3A_2664 = arith.index_cast %get3A_2663 : i32 to index
    %get3A_2665 = arith.constant 80 : index
    %get3A_2666 = tpu.vector_load %arg9[%get3A_2664, %get3A_2665] {strides = array<i32>} : memref<64x128xf32, #tpu.memory_space<vmem>>, vector<16xf32>,
    %add3A_2667 = arith.addf %add3A_2662, %get3A_2666 : vector<16xf32>
    %swap3A_2668 = arith.constant 22 : i32
    %swap3A_2669 = arith.index_cast %swap3A_2668 : i32 to index
    %swap3A_2670 = arith.constant 80 : index
    %swap3A_2671 = tpu.vector_load %arg10[%swap3A_2669, %swap3A_2670] {strides = array<i32>} : memref<32x128xf32, #tpu.memory_space<vmem>>, vector<16xf32>,
    tpu.vector_store %arg10[%swap3A_2669, %swap3A_2670], %add3A_2667 {strides = array<i32>} : memref<32x128xf32, #tpu.memory_space<vmem>>, vector<16xf32>,
    %get3A_2672 = arith.constant 50 : i32
    %get3A_2673 = arith.index_cast %get3A_2672 : i32 to index
    %get3A_2674 = arith.constant 96 : index
    %get3A_2675 = tpu.vector_load %arg9[%get3A_2673, %get3A_2674] {strides = array<i32>} : memref<64x128xf32, #tpu.memory_space<vmem>>, vector<16xf32>,
    %get3A_2676 = arith.constant 51 : i32
    %get3A_2677 = arith.index_cast %get3A_2676 : i32 to index
    %get3A_2678 = arith.constant 96 : index
    %get3A_2679 = tpu.vector_load %arg9[%get3A_2677, %get3A_2678] {strides = array<i32>} : memref<64x128xf32, #tpu.memory_space<vmem>>, vector<16xf32>,
    %add3A_2680 = arith.addf %get3A_2675, %get3A_2679 : vector<16xf32>
    %get3A_2681 = arith.constant 52 : i32
    %get3A_2682 = arith.index_cast %get3A_2681 : i32 to index
    %get3A_2683 = arith.constant 96 : index
    %get3A_2684 = tpu.vector_load %arg9[%get3A_2682, %get3A_2683] {strides = array<i32>} : memref<64x128xf32, #tpu.memory_space<vmem>>, vector<16xf32>,
    %add3A_2685 = arith.addf %add3A_2680, %get3A_2684 : vector<16xf32>
    %swap3A_2686 = arith.constant 22 : i32
    %swap3A_2687 = arith.index_cast %swap3A_2686 : i32 to index
    %swap3A_2688 = arith.constant 96 : index
    %swap3A_2689 = tpu.vector_load %arg10[%swap3A_2687, %swap3A_2688] {strides = array<i32>} : memref<32x128xf32, #tpu.memory_space<vmem>>, vector<16xf32>,
    tpu.vector_store %arg10[%swap3A_2687, %swap3A_2688], %add3A_2685 {strides = array<i32>} : memref<32x128xf32, #tpu.memory_space<vmem>>, vector<16xf32>,
    %get3A_2690 = arith.constant 50 : i32
    %get3A_2691 = arith.index_cast %get3A_2690 : i32 to index
    %get3A_2692 = arith.constant 112 : index
    %get3A_2693 = tpu.vector_load %arg9[%get3A_2691, %get3A_2692] {strides = array<i32>} : memref<64x128xf32, #tpu.memory_space<vmem>>, vector<16xf32>,
    %get3A_2694 = arith.constant 51 : i32
    %get3A_2695 = arith.index_cast %get3A_2694 : i32 to index
    %get3A_2696 = arith.constant 112 : index
    %get3A_2697 = tpu.vector_load %arg9[%get3A_2695, %get3A_2696] {strides = array<i32>} : memref<64x128xf32, #tpu.memory_space<vmem>>, vector<16xf32>,
    %add3A_2698 = arith.addf %get3A_2693, %get3A_2697 : vector<16xf32>
    %get3A_2699 = arith.constant 52 : i32
    %get3A_2700 = arith.index_cast %get3A_2699 : i32 to index
    %get3A_2701 = arith.constant 112 : index
    %get3A_2702 = tpu.vector_load %arg9[%get3A_2700, %get3A_2701] {strides = array<i32>} : memref<64x128xf32, #tpu.memory_space<vmem>>, vector<16xf32>,
    %add3A_2703 = arith.addf %add3A_2698, %get3A_2702 : vector<16xf32>
    %swap3A_2704 = arith.constant 22 : i32
    %swap3A_2705 = arith.index_cast %swap3A_2704 : i32 to index
    %swap3A_2706 = arith.constant 112 : index
    %swap3A_2707 = tpu.vector_load %arg10[%swap3A_2705, %swap3A_2706] {strides = array<i32>} : memref<32x128xf32, #tpu.memory_space<vmem>>, vector<16xf32>,
    tpu.vector_store %arg10[%swap3A_2705, %swap3A_2706], %add3A_2703 {strides = array<i32>} : memref<32x128xf32, #tpu.memory_space<vmem>>, vector<16xf32>,
    %get3A_2708 = arith.constant 53 : i32
    %get3A_2709 = arith.index_cast %get3A_2708 : i32 to index
    %get3A_2710 = arith.constant 0 : index
    %get3A_2711 = tpu.vector_load %arg9[%get3A_2709, %get3A_2710] {strides = array<i32>} : memref<64x128xf32, #tpu.memory_space<vmem>>, vector<16xf32>,
    %get3A_2712 = arith.constant 54 : i32
    %get3A_2713 = arith.index_cast %get3A_2712 : i32 to index
    %get3A_2714 = arith.constant 0 : index
    %get3A_2715 = tpu.vector_load %arg9[%get3A_2713, %get3A_2714] {strides = array<i32>} : memref<64x128xf32, #tpu.memory_space<vmem>>, vector<16xf32>,
    %add3A_2716 = arith.addf %get3A_2711, %get3A_2715 : vector<16xf32>
    %get3A_2717 = arith.constant 55 : i32
    %get3A_2718 = arith.index_cast %get3A_2717 : i32 to index
    %get3A_2719 = arith.constant 0 : index
    %get3A_2720 = tpu.vector_load %arg9[%get3A_2718, %get3A_2719] {strides = array<i32>} : memref<64x128xf32, #tpu.memory_space<vmem>>, vector<16xf32>,
    %add3A_2721 = arith.addf %add3A_2716, %get3A_2720 : vector<16xf32>
    %swap3A_2722 = arith.constant 23 : i32
    %swap3A_2723 = arith.index_cast %swap3A_2722 : i32 to index
    %swap3A_2724 = arith.constant 0 : index
    %swap3A_2725 = tpu.vector_load %arg10[%swap3A_2723, %swap3A_2724] {strides = array<i32>} : memref<32x128xf32, #tpu.memory_space<vmem>>, vector<16xf32>,
    tpu.vector_store %arg10[%swap3A_2723, %swap3A_2724], %add3A_2721 {strides = array<i32>} : memref<32x128xf32, #tpu.memory_space<vmem>>, vector<16xf32>,
    %get3A_2726 = arith.constant 53 : i32
    %get3A_2727 = arith.index_cast %get3A_2726 : i32 to index
    %get3A_2728 = arith.constant 16 : index
    %get3A_2729 = tpu.vector_load %arg9[%get3A_2727, %get3A_2728] {strides = array<i32>} : memref<64x128xf32, #tpu.memory_space<vmem>>, vector<16xf32>,
    %get3A_2730 = arith.constant 54 : i32
    %get3A_2731 = arith.index_cast %get3A_2730 : i32 to index
    %get3A_2732 = arith.constant 16 : index
    %get3A_2733 = tpu.vector_load %arg9[%get3A_2731, %get3A_2732] {strides = array<i32>} : memref<64x128xf32, #tpu.memory_space<vmem>>, vector<16xf32>,
    %add3A_2734 = arith.addf %get3A_2729, %get3A_2733 : vector<16xf32>
    %get3A_2735 = arith.constant 55 : i32
    %get3A_2736 = arith.index_cast %get3A_2735 : i32 to index
    %get3A_2737 = arith.constant 16 : index
    %get3A_2738 = tpu.vector_load %arg9[%get3A_2736, %get3A_2737] {strides = array<i32>} : memref<64x128xf32, #tpu.memory_space<vmem>>, vector<16xf32>,
    %add3A_2739 = arith.addf %add3A_2734, %get3A_2738 : vector<16xf32>
    %swap3A_2740 = arith.constant 23 : i32
    %swap3A_2741 = arith.index_cast %swap3A_2740 : i32 to index
    %swap3A_2742 = arith.constant 16 : index
    %swap3A_2743 = tpu.vector_load %arg10[%swap3A_2741, %swap3A_2742] {strides = array<i32>} : memref<32x128xf32, #tpu.memory_space<vmem>>, vector<16xf32>,
    tpu.vector_store %arg10[%swap3A_2741, %swap3A_2742], %add3A_2739 {strides = array<i32>} : memref<32x128xf32, #tpu.memory_space<vmem>>, vector<16xf32>,
    %get3A_2744 = arith.constant 53 : i32
    %get3A_2745 = arith.index_cast %get3A_2744 : i32 to index
    %get3A_2746 = arith.constant 32 : index
    %get3A_2747 = tpu.vector_load %arg9[%get3A_2745, %get3A_2746] {strides = array<i32>} : memref<64x128xf32, #tpu.memory_space<vmem>>, vector<16xf32>,
    %get3A_2748 = arith.constant 54 : i32
    %get3A_2749 = arith.index_cast %get3A_2748 : i32 to index
    %get3A_2750 = arith.constant 32 : index
    %get3A_2751 = tpu.vector_load %arg9[%get3A_2749, %get3A_2750] {strides = array<i32>} : memref<64x128xf32, #tpu.memory_space<vmem>>, vector<16xf32>,
    %add3A_2752 = arith.addf %get3A_2747, %get3A_2751 : vector<16xf32>
    %get3A_2753 = arith.constant 55 : i32
    %get3A_2754 = arith.index_cast %get3A_2753 : i32 to index
    %get3A_2755 = arith.constant 32 : index
    %get3A_2756 = tpu.vector_load %arg9[%get3A_2754, %get3A_2755] {strides = array<i32>} : memref<64x128xf32, #tpu.memory_space<vmem>>, vector<16xf32>,
    %add3A_2757 = arith.addf %add3A_2752, %get3A_2756 : vector<16xf32>
    %swap3A_2758 = arith.constant 23 : i32
    %swap3A_2759 = arith.index_cast %swap3A_2758 : i32 to index
    %swap3A_2760 = arith.constant 32 : index
    %swap3A_2761 = tpu.vector_load %arg10[%swap3A_2759, %swap3A_2760] {strides = array<i32>} : memref<32x128xf32, #tpu.memory_space<vmem>>, vector<16xf32>,
    tpu.vector_store %arg10[%swap3A_2759, %swap3A_2760], %add3A_2757 {strides = array<i32>} : memref<32x128xf32, #tpu.memory_space<vmem>>, vector<16xf32>,
    %get3A_2762 = arith.constant 53 : i32
    %get3A_2763 = arith.index_cast %get3A_2762 : i32 to index
    %get3A_2764 = arith.constant 48 : index
    %get3A_2765 = tpu.vector_load %arg9[%get3A_2763, %get3A_2764] {strides = array<i32>} : memref<64x128xf32, #tpu.memory_space<vmem>>, vector<16xf32>,
    %get3A_2766 = arith.constant 54 : i32
    %get3A_2767 = arith.index_cast %get3A_2766 : i32 to index
    %get3A_2768 = arith.constant 48 : index
    %get3A_2769 = tpu.vector_load %arg9[%get3A_2767, %get3A_2768] {strides = array<i32>} : memref<64x128xf32, #tpu.memory_space<vmem>>, vector<16xf32>,
    %add3A_2770 = arith.addf %get3A_2765, %get3A_2769 : vector<16xf32>
    %get3A_2771 = arith.constant 55 : i32
    %get3A_2772 = arith.index_cast %get3A_2771 : i32 to index
    %get3A_2773 = arith.constant 48 : index
    %get3A_2774 = tpu.vector_load %arg9[%get3A_2772, %get3A_2773] {strides = array<i32>} : memref<64x128xf32, #tpu.memory_space<vmem>>, vector<16xf32>,
    %add3A_2775 = arith.addf %add3A_2770, %get3A_2774 : vector<16xf32>
    %swap3A_2776 = arith.constant 23 : i32
    %swap3A_2777 = arith.index_cast %swap3A_2776 : i32 to index
    %swap3A_2778 = arith.constant 48 : index
    %swap3A_2779 = tpu.vector_load %arg10[%swap3A_2777, %swap3A_2778] {strides = array<i32>} : memref<32x128xf32, #tpu.memory_space<vmem>>, vector<16xf32>,
    tpu.vector_store %arg10[%swap3A_2777, %swap3A_2778], %add3A_2775 {strides = array<i32>} : memref<32x128xf32, #tpu.memory_space<vmem>>, vector<16xf32>,
    %get3A_2780 = arith.constant 53 : i32
    %get3A_2781 = arith.index_cast %get3A_2780 : i32 to index
    %get3A_2782 = arith.constant 64 : index
    %get3A_2783 = tpu.vector_load %arg9[%get3A_2781, %get3A_2782] {strides = array<i32>} : memref<64x128xf32, #tpu.memory_space<vmem>>, vector<16xf32>,
    %get3A_2784 = arith.constant 54 : i32
    %get3A_2785 = arith.index_cast %get3A_2784 : i32 to index
    %get3A_2786 = arith.constant 64 : index
    %get3A_2787 = tpu.vector_load %arg9[%get3A_2785, %get3A_2786] {strides = array<i32>} : memref<64x128xf32, #tpu.memory_space<vmem>>, vector<16xf32>,
    %add3A_2788 = arith.addf %get3A_2783, %get3A_2787 : vector<16xf32>
    %get3A_2789 = arith.constant 55 : i32
    %get3A_2790 = arith.index_cast %get3A_2789 : i32 to index
    %get3A_2791 = arith.constant 64 : index
    %get3A_2792 = tpu.vector_load %arg9[%get3A_2790, %get3A_2791] {strides = array<i32>} : memref<64x128xf32, #tpu.memory_space<vmem>>, vector<16xf32>,
    %add3A_2793 = arith.addf %add3A_2788, %get3A_2792 : vector<16xf32>
    %swap3A_2794 = arith.constant 23 : i32
    %swap3A_2795 = arith.index_cast %swap3A_2794 : i32 to index
    %swap3A_2796 = arith.constant 64 : index
    %swap3A_2797 = tpu.vector_load %arg10[%swap3A_2795, %swap3A_2796] {strides = array<i32>} : memref<32x128xf32, #tpu.memory_space<vmem>>, vector<16xf32>,
    tpu.vector_store %arg10[%swap3A_2795, %swap3A_2796], %add3A_2793 {strides = array<i32>} : memref<32x128xf32, #tpu.memory_space<vmem>>, vector<16xf32>,
    %get3A_2798 = arith.constant 53 : i32
    %get3A_2799 = arith.index_cast %get3A_2798 : i32 to index
    %get3A_2800 = arith.constant 80 : index
    %get3A_2801 = tpu.vector_load %arg9[%get3A_2799, %get3A_2800] {strides = array<i32>} : memref<64x128xf32, #tpu.memory_space<vmem>>, vector<16xf32>,
    %get3A_2802 = arith.constant 54 : i32
    %get3A_2803 = arith.index_cast %get3A_2802 : i32 to index
    %get3A_2804 = arith.constant 80 : index
    %get3A_2805 = tpu.vector_load %arg9[%get3A_2803, %get3A_2804] {strides = array<i32>} : memref<64x128xf32, #tpu.memory_space<vmem>>, vector<16xf32>,
    %add3A_2806 = arith.addf %get3A_2801, %get3A_2805 : vector<16xf32>
    %get3A_2807 = arith.constant 55 : i32
    %get3A_2808 = arith.index_cast %get3A_2807 : i32 to index
    %get3A_2809 = arith.constant 80 : index
    %get3A_2810 = tpu.vector_load %arg9[%get3A_2808, %get3A_2809] {strides = array<i32>} : memref<64x128xf32, #tpu.memory_space<vmem>>, vector<16xf32>,
    %add3A_2811 = arith.addf %add3A_2806, %get3A_2810 : vector<16xf32>
    %swap3A_2812 = arith.constant 23 : i32
    %swap3A_2813 = arith.index_cast %swap3A_2812 : i32 to index
    %swap3A_2814 = arith.constant 80 : index
    %swap3A_2815 = tpu.vector_load %arg10[%swap3A_2813, %swap3A_2814] {strides = array<i32>} : memref<32x128xf32, #tpu.memory_space<vmem>>, vector<16xf32>,
    tpu.vector_store %arg10[%swap3A_2813, %swap3A_2814], %add3A_2811 {strides = array<i32>} : memref<32x128xf32, #tpu.memory_space<vmem>>, vector<16xf32>,
    %get3A_2816 = arith.constant 53 : i32
    %get3A_2817 = arith.index_cast %get3A_2816 : i32 to index
    %get3A_2818 = arith.constant 96 : index
    %get3A_2819 = tpu.vector_load %arg9[%get3A_2817, %get3A_2818] {strides = array<i32>} : memref<64x128xf32, #tpu.memory_space<vmem>>, vector<16xf32>,
    %get3A_2820 = arith.constant 54 : i32
    %get3A_2821 = arith.index_cast %get3A_2820 : i32 to index
    %get3A_2822 = arith.constant 96 : index
    %get3A_2823 = tpu.vector_load %arg9[%get3A_2821, %get3A_2822] {strides = array<i32>} : memref<64x128xf32, #tpu.memory_space<vmem>>, vector<16xf32>,
    %add3A_2824 = arith.addf %get3A_2819, %get3A_2823 : vector<16xf32>
    %get3A_2825 = arith.constant 55 : i32
    %get3A_2826 = arith.index_cast %get3A_2825 : i32 to index
    %get3A_2827 = arith.constant 96 : index
    %get3A_2828 = tpu.vector_load %arg9[%get3A_2826, %get3A_2827] {strides = array<i32>} : memref<64x128xf32, #tpu.memory_space<vmem>>, vector<16xf32>,
    %add3A_2829 = arith.addf %add3A_2824, %get3A_2828 : vector<16xf32>
    %swap3A_2830 = arith.constant 23 : i32
    %swap3A_2831 = arith.index_cast %swap3A_2830 : i32 to index
    %swap3A_2832 = arith.constant 96 : index
    %swap3A_2833 = tpu.vector_load %arg10[%swap3A_2831, %swap3A_2832] {strides = array<i32>} : memref<32x128xf32, #tpu.memory_space<vmem>>, vector<16xf32>,
    tpu.vector_store %arg10[%swap3A_2831, %swap3A_2832], %add3A_2829 {strides = array<i32>} : memref<32x128xf32, #tpu.memory_space<vmem>>, vector<16xf32>,
    %get3A_2834 = arith.constant 53 : i32
    %get3A_2835 = arith.index_cast %get3A_2834 : i32 to index
    %get3A_2836 = arith.constant 112 : index
    %get3A_2837 = tpu.vector_load %arg9[%get3A_2835, %get3A_2836] {strides = array<i32>} : memref<64x128xf32, #tpu.memory_space<vmem>>, vector<16xf32>,
    %get3A_2838 = arith.constant 54 : i32
    %get3A_2839 = arith.index_cast %get3A_2838 : i32 to index
    %get3A_2840 = arith.constant 112 : index
    %get3A_2841 = tpu.vector_load %arg9[%get3A_2839, %get3A_2840] {strides = array<i32>} : memref<64x128xf32, #tpu.memory_space<vmem>>, vector<16xf32>,
    %add3A_2842 = arith.addf %get3A_2837, %get3A_2841 : vector<16xf32>
    %get3A_2843 = arith.constant 55 : i32
    %get3A_2844 = arith.index_cast %get3A_2843 : i32 to index
    %get3A_2845 = arith.constant 112 : index
    %get3A_2846 = tpu.vector_load %arg9[%get3A_2844, %get3A_2845] {strides = array<i32>} : memref<64x128xf32, #tpu.memory_space<vmem>>, vector<16xf32>,
    %add3A_2847 = arith.addf %add3A_2842, %get3A_2846 : vector<16xf32>
    %swap3A_2848 = arith.constant 23 : i32
    %swap3A_2849 = arith.index_cast %swap3A_2848 : i32 to index
    %swap3A_2850 = arith.constant 112 : index
    %swap3A_2851 = tpu.vector_load %arg10[%swap3A_2849, %swap3A_2850] {strides = array<i32>} : memref<32x128xf32, #tpu.memory_space<vmem>>, vector<16xf32>,
    tpu.vector_store %arg10[%swap3A_2849, %swap3A_2850], %add3A_2847 {strides = array<i32>} : memref<32x128xf32, #tpu.memory_space<vmem>>, vector<16xf32>,
    %get3A_2852 = arith.constant 56 : i32
    %get3A_2853 = arith.index_cast %get3A_2852 : i32 to index
    %get3A_2854 = arith.constant 0 : index
    %get3A_2855 = tpu.vector_load %arg9[%get3A_2853, %get3A_2854] {strides = array<i32>} : memref<64x128xf32, #tpu.memory_space<vmem>>, vector<16xf32>,
    %get3A_2856 = arith.constant 57 : i32
    %get3A_2857 = arith.index_cast %get3A_2856 : i32 to index
    %get3A_2858 = arith.constant 0 : index
    %get3A_2859 = tpu.vector_load %arg9[%get3A_2857, %get3A_2858] {strides = array<i32>} : memref<64x128xf32, #tpu.memory_space<vmem>>, vector<16xf32>,
    %add3A_2860 = arith.addf %get3A_2855, %get3A_2859 : vector<16xf32>
    %get3A_2861 = arith.constant 58 : i32
    %get3A_2862 = arith.index_cast %get3A_2861 : i32 to index
    %get3A_2863 = arith.constant 0 : index
    %get3A_2864 = tpu.vector_load %arg9[%get3A_2862, %get3A_2863] {strides = array<i32>} : memref<64x128xf32, #tpu.memory_space<vmem>>, vector<16xf32>,
    %add3A_2865 = arith.addf %add3A_2860, %get3A_2864 : vector<16xf32>
    %swap3A_2866 = arith.constant 24 : i32
    %swap3A_2867 = arith.index_cast %swap3A_2866 : i32 to index
    %swap3A_2868 = arith.constant 0 : index
    %swap3A_2869 = tpu.vector_load %arg10[%swap3A_2867, %swap3A_2868] {strides = array<i32>} : memref<32x128xf32, #tpu.memory_space<vmem>>, vector<16xf32>,
    tpu.vector_store %arg10[%swap3A_2867, %swap3A_2868], %add3A_2865 {strides = array<i32>} : memref<32x128xf32, #tpu.memory_space<vmem>>, vector<16xf32>,
    %get3A_2870 = arith.constant 56 : i32
    %get3A_2871 = arith.index_cast %get3A_2870 : i32 to index
    %get3A_2872 = arith.constant 16 : index
    %get3A_2873 = tpu.vector_load %arg9[%get3A_2871, %get3A_2872] {strides = array<i32>} : memref<64x128xf32, #tpu.memory_space<vmem>>, vector<16xf32>,
    %get3A_2874 = arith.constant 57 : i32
    %get3A_2875 = arith.index_cast %get3A_2874 : i32 to index
    %get3A_2876 = arith.constant 16 : index
    %get3A_2877 = tpu.vector_load %arg9[%get3A_2875, %get3A_2876] {strides = array<i32>} : memref<64x128xf32, #tpu.memory_space<vmem>>, vector<16xf32>,
    %add3A_2878 = arith.addf %get3A_2873, %get3A_2877 : vector<16xf32>
    %get3A_2879 = arith.constant 58 : i32
    %get3A_2880 = arith.index_cast %get3A_2879 : i32 to index
    %get3A_2881 = arith.constant 16 : index
    %get3A_2882 = tpu.vector_load %arg9[%get3A_2880, %get3A_2881] {strides = array<i32>} : memref<64x128xf32, #tpu.memory_space<vmem>>, vector<16xf32>,
    %add3A_2883 = arith.addf %add3A_2878, %get3A_2882 : vector<16xf32>
    %swap3A_2884 = arith.constant 24 : i32
    %swap3A_2885 = arith.index_cast %swap3A_2884 : i32 to index
    %swap3A_2886 = arith.constant 16 : index
    %swap3A_2887 = tpu.vector_load %arg10[%swap3A_2885, %swap3A_2886] {strides = array<i32>} : memref<32x128xf32, #tpu.memory_space<vmem>>, vector<16xf32>,
    tpu.vector_store %arg10[%swap3A_2885, %swap3A_2886], %add3A_2883 {strides = array<i32>} : memref<32x128xf32, #tpu.memory_space<vmem>>, vector<16xf32>,
    %get3A_2888 = arith.constant 56 : i32
    %get3A_2889 = arith.index_cast %get3A_2888 : i32 to index
    %get3A_2890 = arith.constant 32 : index
    %get3A_2891 = tpu.vector_load %arg9[%get3A_2889, %get3A_2890] {strides = array<i32>} : memref<64x128xf32, #tpu.memory_space<vmem>>, vector<16xf32>,
    %get3A_2892 = arith.constant 57 : i32
    %get3A_2893 = arith.index_cast %get3A_2892 : i32 to index
    %get3A_2894 = arith.constant 32 : index
    %get3A_2895 = tpu.vector_load %arg9[%get3A_2893, %get3A_2894] {strides = array<i32>} : memref<64x128xf32, #tpu.memory_space<vmem>>, vector<16xf32>,
    %add3A_2896 = arith.addf %get3A_2891, %get3A_2895 : vector<16xf32>
    %get3A_2897 = arith.constant 58 : i32
    %get3A_2898 = arith.index_cast %get3A_2897 : i32 to index
    %get3A_2899 = arith.constant 32 : index
    %get3A_2900 = tpu.vector_load %arg9[%get3A_2898, %get3A_2899] {strides = array<i32>} : memref<64x128xf32, #tpu.memory_space<vmem>>, vector<16xf32>,
    %add3A_2901 = arith.addf %add3A_2896, %get3A_2900 : vector<16xf32>
    %swap3A_2902 = arith.constant 24 : i32
    %swap3A_2903 = arith.index_cast %swap3A_2902 : i32 to index
    %swap3A_2904 = arith.constant 32 : index
    %swap3A_2905 = tpu.vector_load %arg10[%swap3A_2903, %swap3A_2904] {strides = array<i32>} : memref<32x128xf32, #tpu.memory_space<vmem>>, vector<16xf32>,
    tpu.vector_store %arg10[%swap3A_2903, %swap3A_2904], %add3A_2901 {strides = array<i32>} : memref<32x128xf32, #tpu.memory_space<vmem>>, vector<16xf32>,
    %get3A_2906 = arith.constant 56 : i32
    %get3A_2907 = arith.index_cast %get3A_2906 : i32 to index
    %get3A_2908 = arith.constant 48 : index
    %get3A_2909 = tpu.vector_load %arg9[%get3A_2907, %get3A_2908] {strides = array<i32>} : memref<64x128xf32, #tpu.memory_space<vmem>>, vector<16xf32>,
    %get3A_2910 = arith.constant 57 : i32
    %get3A_2911 = arith.index_cast %get3A_2910 : i32 to index
    %get3A_2912 = arith.constant 48 : index
    %get3A_2913 = tpu.vector_load %arg9[%get3A_2911, %get3A_2912] {strides = array<i32>} : memref<64x128xf32, #tpu.memory_space<vmem>>, vector<16xf32>,
    %add3A_2914 = arith.addf %get3A_2909, %get3A_2913 : vector<16xf32>
    %get3A_2915 = arith.constant 58 : i32
    %get3A_2916 = arith.index_cast %get3A_2915 : i32 to index
    %get3A_2917 = arith.constant 48 : index
    %get3A_2918 = tpu.vector_load %arg9[%get3A_2916, %get3A_2917] {strides = array<i32>} : memref<64x128xf32, #tpu.memory_space<vmem>>, vector<16xf32>,
    %add3A_2919 = arith.addf %add3A_2914, %get3A_2918 : vector<16xf32>
    %swap3A_2920 = arith.constant 24 : i32
    %swap3A_2921 = arith.index_cast %swap3A_2920 : i32 to index
    %swap3A_2922 = arith.constant 48 : index
    %swap3A_2923 = tpu.vector_load %arg10[%swap3A_2921, %swap3A_2922] {strides = array<i32>} : memref<32x128xf32, #tpu.memory_space<vmem>>, vector<16xf32>,
    tpu.vector_store %arg10[%swap3A_2921, %swap3A_2922], %add3A_2919 {strides = array<i32>} : memref<32x128xf32, #tpu.memory_space<vmem>>, vector<16xf32>,
    %get3A_2924 = arith.constant 56 : i32
    %get3A_2925 = arith.index_cast %get3A_2924 : i32 to index
    %get3A_2926 = arith.constant 64 : index
    %get3A_2927 = tpu.vector_load %arg9[%get3A_2925, %get3A_2926] {strides = array<i32>} : memref<64x128xf32, #tpu.memory_space<vmem>>, vector<16xf32>,
    %get3A_2928 = arith.constant 57 : i32
    %get3A_2929 = arith.index_cast %get3A_2928 : i32 to index
    %get3A_2930 = arith.constant 64 : index
    %get3A_2931 = tpu.vector_load %arg9[%get3A_2929, %get3A_2930] {strides = array<i32>} : memref<64x128xf32, #tpu.memory_space<vmem>>, vector<16xf32>,
    %add3A_2932 = arith.addf %get3A_2927, %get3A_2931 : vector<16xf32>
    %get3A_2933 = arith.constant 58 : i32
    %get3A_2934 = arith.index_cast %get3A_2933 : i32 to index
    %get3A_2935 = arith.constant 64 : index
    %get3A_2936 = tpu.vector_load %arg9[%get3A_2934, %get3A_2935] {strides = array<i32>} : memref<64x128xf32, #tpu.memory_space<vmem>>, vector<16xf32>,
    %add3A_2937 = arith.addf %add3A_2932, %get3A_2936 : vector<16xf32>
    %swap3A_2938 = arith.constant 24 : i32
    %swap3A_2939 = arith.index_cast %swap3A_2938 : i32 to index
    %swap3A_2940 = arith.constant 64 : index
    %swap3A_2941 = tpu.vector_load %arg10[%swap3A_2939, %swap3A_2940] {strides = array<i32>} : memref<32x128xf32, #tpu.memory_space<vmem>>, vector<16xf32>,
    tpu.vector_store %arg10[%swap3A_2939, %swap3A_2940], %add3A_2937 {strides = array<i32>} : memref<32x128xf32, #tpu.memory_space<vmem>>, vector<16xf32>,
    %get3A_2942 = arith.constant 56 : i32
    %get3A_2943 = arith.index_cast %get3A_2942 : i32 to index
    %get3A_2944 = arith.constant 80 : index
    %get3A_2945 = tpu.vector_load %arg9[%get3A_2943, %get3A_2944] {strides = array<i32>} : memref<64x128xf32, #tpu.memory_space<vmem>>, vector<16xf32>,
    %get3A_2946 = arith.constant 57 : i32
    %get3A_2947 = arith.index_cast %get3A_2946 : i32 to index
    %get3A_2948 = arith.constant 80 : index
    %get3A_2949 = tpu.vector_load %arg9[%get3A_2947, %get3A_2948] {strides = array<i32>} : memref<64x128xf32, #tpu.memory_space<vmem>>, vector<16xf32>,
    %add3A_2950 = arith.addf %get3A_2945, %get3A_2949 : vector<16xf32>
    %get3A_2951 = arith.constant 58 : i32
    %get3A_2952 = arith.index_cast %get3A_2951 : i32 to index
    %get3A_2953 = arith.constant 80 : index
    %get3A_2954 = tpu.vector_load %arg9[%get3A_2952, %get3A_2953] {strides = array<i32>} : memref<64x128xf32, #tpu.memory_space<vmem>>, vector<16xf32>,
    %add3A_2955 = arith.addf %add3A_2950, %get3A_2954 : vector<16xf32>
    %swap3A_2956 = arith.constant 24 : i32
    %swap3A_2957 = arith.index_cast %swap3A_2956 : i32 to index
    %swap3A_2958 = arith.constant 80 : index
    %swap3A_2959 = tpu.vector_load %arg10[%swap3A_2957, %swap3A_2958] {strides = array<i32>} : memref<32x128xf32, #tpu.memory_space<vmem>>, vector<16xf32>,
    tpu.vector_store %arg10[%swap3A_2957, %swap3A_2958], %add3A_2955 {strides = array<i32>} : memref<32x128xf32, #tpu.memory_space<vmem>>, vector<16xf32>,
    %get3A_2960 = arith.constant 56 : i32
    %get3A_2961 = arith.index_cast %get3A_2960 : i32 to index
    %get3A_2962 = arith.constant 96 : index
    %get3A_2963 = tpu.vector_load %arg9[%get3A_2961, %get3A_2962] {strides = array<i32>} : memref<64x128xf32, #tpu.memory_space<vmem>>, vector<16xf32>,
    %get3A_2964 = arith.constant 57 : i32
    %get3A_2965 = arith.index_cast %get3A_2964 : i32 to index
    %get3A_2966 = arith.constant 96 : index
    %get3A_2967 = tpu.vector_load %arg9[%get3A_2965, %get3A_2966] {strides = array<i32>} : memref<64x128xf32, #tpu.memory_space<vmem>>, vector<16xf32>,
    %add3A_2968 = arith.addf %get3A_2963, %get3A_2967 : vector<16xf32>
    %get3A_2969 = arith.constant 58 : i32
    %get3A_2970 = arith.index_cast %get3A_2969 : i32 to index
    %get3A_2971 = arith.constant 96 : index
    %get3A_2972 = tpu.vector_load %arg9[%get3A_2970, %get3A_2971] {strides = array<i32>} : memref<64x128xf32, #tpu.memory_space<vmem>>, vector<16xf32>,
    %add3A_2973 = arith.addf %add3A_2968, %get3A_2972 : vector<16xf32>
    %swap3A_2974 = arith.constant 24 : i32
    %swap3A_2975 = arith.index_cast %swap3A_2974 : i32 to index
    %swap3A_2976 = arith.constant 96 : index
    %swap3A_2977 = tpu.vector_load %arg10[%swap3A_2975, %swap3A_2976] {strides = array<i32>} : memref<32x128xf32, #tpu.memory_space<vmem>>, vector<16xf32>,
    tpu.vector_store %arg10[%swap3A_2975, %swap3A_2976], %add3A_2973 {strides = array<i32>} : memref<32x128xf32, #tpu.memory_space<vmem>>, vector<16xf32>,
    %get3A_2978 = arith.constant 56 : i32
    %get3A_2979 = arith.index_cast %get3A_2978 : i32 to index
    %get3A_2980 = arith.constant 112 : index
    %get3A_2981 = tpu.vector_load %arg9[%get3A_2979, %get3A_2980] {strides = array<i32>} : memref<64x128xf32, #tpu.memory_space<vmem>>, vector<16xf32>,
    %get3A_2982 = arith.constant 57 : i32
    %get3A_2983 = arith.index_cast %get3A_2982 : i32 to index
    %get3A_2984 = arith.constant 112 : index
    %get3A_2985 = tpu.vector_load %arg9[%get3A_2983, %get3A_2984] {strides = array<i32>} : memref<64x128xf32, #tpu.memory_space<vmem>>, vector<16xf32>,
    %add3A_2986 = arith.addf %get3A_2981, %get3A_2985 : vector<16xf32>
    %get3A_2987 = arith.constant 58 : i32
    %get3A_2988 = arith.index_cast %get3A_2987 : i32 to index
    %get3A_2989 = arith.constant 112 : index
    %get3A_2990 = tpu.vector_load %arg9[%get3A_2988, %get3A_2989] {strides = array<i32>} : memref<64x128xf32, #tpu.memory_space<vmem>>, vector<16xf32>,
    %add3A_2991 = arith.addf %add3A_2986, %get3A_2990 : vector<16xf32>
    %swap3A_2992 = arith.constant 24 : i32
    %swap3A_2993 = arith.index_cast %swap3A_2992 : i32 to index
    %swap3A_2994 = arith.constant 112 : index
    %swap3A_2995 = tpu.vector_load %arg10[%swap3A_2993, %swap3A_2994] {strides = array<i32>} : memref<32x128xf32, #tpu.memory_space<vmem>>, vector<16xf32>,
    tpu.vector_store %arg10[%swap3A_2993, %swap3A_2994], %add3A_2991 {strides = array<i32>} : memref<32x128xf32, #tpu.memory_space<vmem>>, vector<16xf32>,
    %get3A_2996 = arith.constant 59 : i32
    %get3A_2997 = arith.index_cast %get3A_2996 : i32 to index
    %get3A_2998 = arith.constant 0 : index
    %get3A_2999 = tpu.vector_load %arg9[%get3A_2997, %get3A_2998] {strides = array<i32>} : memref<64x128xf32, #tpu.memory_space<vmem>>, vector<16xf32>,
    %get3A_3000 = arith.constant 60 : i32
    %get3A_3001 = arith.index_cast %get3A_3000 : i32 to index
    %get3A_3002 = arith.constant 0 : index
    %get3A_3003 = tpu.vector_load %arg9[%get3A_3001, %get3A_3002] {strides = array<i32>} : memref<64x128xf32, #tpu.memory_space<vmem>>, vector<16xf32>,
    %add3A_3004 = arith.addf %get3A_2999, %get3A_3003 : vector<16xf32>
    %get3A_3005 = arith.constant 61 : i32
    %get3A_3006 = arith.index_cast %get3A_3005 : i32 to index
    %get3A_3007 = arith.constant 0 : index
    %get3A_3008 = tpu.vector_load %arg9[%get3A_3006, %get3A_3007] {strides = array<i32>} : memref<64x128xf32, #tpu.memory_space<vmem>>, vector<16xf32>,
    %add3A_3009 = arith.addf %add3A_3004, %get3A_3008 : vector<16xf32>
    %swap3A_3010 = arith.constant 25 : i32
    %swap3A_3011 = arith.index_cast %swap3A_3010 : i32 to index
    %swap3A_3012 = arith.constant 0 : index
    %swap3A_3013 = tpu.vector_load %arg10[%swap3A_3011, %swap3A_3012] {strides = array<i32>} : memref<32x128xf32, #tpu.memory_space<vmem>>, vector<16xf32>,
    tpu.vector_store %arg10[%swap3A_3011, %swap3A_3012], %add3A_3009 {strides = array<i32>} : memref<32x128xf32, #tpu.memory_space<vmem>>, vector<16xf32>,
    %get3A_3014 = arith.constant 59 : i32
    %get3A_3015 = arith.index_cast %get3A_3014 : i32 to index
    %get3A_3016 = arith.constant 16 : index
    %get3A_3017 = tpu.vector_load %arg9[%get3A_3015, %get3A_3016] {strides = array<i32>} : memref<64x128xf32, #tpu.memory_space<vmem>>, vector<16xf32>,
    %get3A_3018 = arith.constant 60 : i32
    %get3A_3019 = arith.index_cast %get3A_3018 : i32 to index
    %get3A_3020 = arith.constant 16 : index
    %get3A_3021 = tpu.vector_load %arg9[%get3A_3019, %get3A_3020] {strides = array<i32>} : memref<64x128xf32, #tpu.memory_space<vmem>>, vector<16xf32>,
    %add3A_3022 = arith.addf %get3A_3017, %get3A_3021 : vector<16xf32>
    %get3A_3023 = arith.constant 61 : i32
    %get3A_3024 = arith.index_cast %get3A_3023 : i32 to index
    %get3A_3025 = arith.constant 16 : index
    %get3A_3026 = tpu.vector_load %arg9[%get3A_3024, %get3A_3025] {strides = array<i32>} : memref<64x128xf32, #tpu.memory_space<vmem>>, vector<16xf32>,
    %add3A_3027 = arith.addf %add3A_3022, %get3A_3026 : vector<16xf32>
    %swap3A_3028 = arith.constant 25 : i32
    %swap3A_3029 = arith.index_cast %swap3A_3028 : i32 to index
    %swap3A_3030 = arith.constant 16 : index
    %swap3A_3031 = tpu.vector_load %arg10[%swap3A_3029, %swap3A_3030] {strides = array<i32>} : memref<32x128xf32, #tpu.memory_space<vmem>>, vector<16xf32>,
    tpu.vector_store %arg10[%swap3A_3029, %swap3A_3030], %add3A_3027 {strides = array<i32>} : memref<32x128xf32, #tpu.memory_space<vmem>>, vector<16xf32>,
    %get3A_3032 = arith.constant 59 : i32
    %get3A_3033 = arith.index_cast %get3A_3032 : i32 to index
    %get3A_3034 = arith.constant 32 : index
    %get3A_3035 = tpu.vector_load %arg9[%get3A_3033, %get3A_3034] {strides = array<i32>} : memref<64x128xf32, #tpu.memory_space<vmem>>, vector<16xf32>,
    %get3A_3036 = arith.constant 60 : i32
    %get3A_3037 = arith.index_cast %get3A_3036 : i32 to index
    %get3A_3038 = arith.constant 32 : index
    %get3A_3039 = tpu.vector_load %arg9[%get3A_3037, %get3A_3038] {strides = array<i32>} : memref<64x128xf32, #tpu.memory_space<vmem>>, vector<16xf32>,
    %add3A_3040 = arith.addf %get3A_3035, %get3A_3039 : vector<16xf32>
    %get3A_3041 = arith.constant 61 : i32
    %get3A_3042 = arith.index_cast %get3A_3041 : i32 to index
    %get3A_3043 = arith.constant 32 : index
    %get3A_3044 = tpu.vector_load %arg9[%get3A_3042, %get3A_3043] {strides = array<i32>} : memref<64x128xf32, #tpu.memory_space<vmem>>, vector<16xf32>,
    %add3A_3045 = arith.addf %add3A_3040, %get3A_3044 : vector<16xf32>
    %swap3A_3046 = arith.constant 25 : i32
    %swap3A_3047 = arith.index_cast %swap3A_3046 : i32 to index
    %swap3A_3048 = arith.constant 32 : index
    %swap3A_3049 = tpu.vector_load %arg10[%swap3A_3047, %swap3A_3048] {strides = array<i32>} : memref<32x128xf32, #tpu.memory_space<vmem>>, vector<16xf32>,
    tpu.vector_store %arg10[%swap3A_3047, %swap3A_3048], %add3A_3045 {strides = array<i32>} : memref<32x128xf32, #tpu.memory_space<vmem>>, vector<16xf32>,
    %get3A_3050 = arith.constant 59 : i32
    %get3A_3051 = arith.index_cast %get3A_3050 : i32 to index
    %get3A_3052 = arith.constant 48 : index
    %get3A_3053 = tpu.vector_load %arg9[%get3A_3051, %get3A_3052] {strides = array<i32>} : memref<64x128xf32, #tpu.memory_space<vmem>>, vector<16xf32>,
    %get3A_3054 = arith.constant 60 : i32
    %get3A_3055 = arith.index_cast %get3A_3054 : i32 to index
    %get3A_3056 = arith.constant 48 : index
    %get3A_3057 = tpu.vector_load %arg9[%get3A_3055, %get3A_3056] {strides = array<i32>} : memref<64x128xf32, #tpu.memory_space<vmem>>, vector<16xf32>,
    %add3A_3058 = arith.addf %get3A_3053, %get3A_3057 : vector<16xf32>
    %get3A_3059 = arith.constant 61 : i32
    %get3A_3060 = arith.index_cast %get3A_3059 : i32 to index
    %get3A_3061 = arith.constant 48 : index
    %get3A_3062 = tpu.vector_load %arg9[%get3A_3060, %get3A_3061] {strides = array<i32>} : memref<64x128xf32, #tpu.memory_space<vmem>>, vector<16xf32>,
    %add3A_3063 = arith.addf %add3A_3058, %get3A_3062 : vector<16xf32>
    %swap3A_3064 = arith.constant 25 : i32
    %swap3A_3065 = arith.index_cast %swap3A_3064 : i32 to index
    %swap3A_3066 = arith.constant 48 : index
    %swap3A_3067 = tpu.vector_load %arg10[%swap3A_3065, %swap3A_3066] {strides = array<i32>} : memref<32x128xf32, #tpu.memory_space<vmem>>, vector<16xf32>,
    tpu.vector_store %arg10[%swap3A_3065, %swap3A_3066], %add3A_3063 {strides = array<i32>} : memref<32x128xf32, #tpu.memory_space<vmem>>, vector<16xf32>,
    %get3A_3068 = arith.constant 59 : i32
    %get3A_3069 = arith.index_cast %get3A_3068 : i32 to index
    %get3A_3070 = arith.constant 64 : index
    %get3A_3071 = tpu.vector_load %arg9[%get3A_3069, %get3A_3070] {strides = array<i32>} : memref<64x128xf32, #tpu.memory_space<vmem>>, vector<16xf32>,
    %get3A_3072 = arith.constant 60 : i32
    %get3A_3073 = arith.index_cast %get3A_3072 : i32 to index
    %get3A_3074 = arith.constant 64 : index
    %get3A_3075 = tpu.vector_load %arg9[%get3A_3073, %get3A_3074] {strides = array<i32>} : memref<64x128xf32, #tpu.memory_space<vmem>>, vector<16xf32>,
    %add3A_3076 = arith.addf %get3A_3071, %get3A_3075 : vector<16xf32>
    %get3A_3077 = arith.constant 61 : i32
    %get3A_3078 = arith.index_cast %get3A_3077 : i32 to index
    %get3A_3079 = arith.constant 64 : index
    %get3A_3080 = tpu.vector_load %arg9[%get3A_3078, %get3A_3079] {strides = array<i32>} : memref<64x128xf32, #tpu.memory_space<vmem>>, vector<16xf32>,
    %add3A_3081 = arith.addf %add3A_3076, %get3A_3080 : vector<16xf32>
    %swap3A_3082 = arith.constant 25 : i32
    %swap3A_3083 = arith.index_cast %swap3A_3082 : i32 to index
    %swap3A_3084 = arith.constant 64 : index
    %swap3A_3085 = tpu.vector_load %arg10[%swap3A_3083, %swap3A_3084] {strides = array<i32>} : memref<32x128xf32, #tpu.memory_space<vmem>>, vector<16xf32>,
    tpu.vector_store %arg10[%swap3A_3083, %swap3A_3084], %add3A_3081 {strides = array<i32>} : memref<32x128xf32, #tpu.memory_space<vmem>>, vector<16xf32>,
    %get3A_3086 = arith.constant 59 : i32
    %get3A_3087 = arith.index_cast %get3A_3086 : i32 to index
    %get3A_3088 = arith.constant 80 : index
    %get3A_3089 = tpu.vector_load %arg9[%get3A_3087, %get3A_3088] {strides = array<i32>} : memref<64x128xf32, #tpu.memory_space<vmem>>, vector<16xf32>,
    %get3A_3090 = arith.constant 60 : i32
    %get3A_3091 = arith.index_cast %get3A_3090 : i32 to index
    %get3A_3092 = arith.constant 80 : index
    %get3A_3093 = tpu.vector_load %arg9[%get3A_3091, %get3A_3092] {strides = array<i32>} : memref<64x128xf32, #tpu.memory_space<vmem>>, vector<16xf32>,
    %add3A_3094 = arith.addf %get3A_3089, %get3A_3093 : vector<16xf32>
    %get3A_3095 = arith.constant 61 : i32
    %get3A_3096 = arith.index_cast %get3A_3095 : i32 to index
    %get3A_3097 = arith.constant 80 : index
    %get3A_3098 = tpu.vector_load %arg9[%get3A_3096, %get3A_3097] {strides = array<i32>} : memref<64x128xf32, #tpu.memory_space<vmem>>, vector<16xf32>,
    %add3A_3099 = arith.addf %add3A_3094, %get3A_3098 : vector<16xf32>
    %swap3A_3100 = arith.constant 25 : i32
    %swap3A_3101 = arith.index_cast %swap3A_3100 : i32 to index
    %swap3A_3102 = arith.constant 80 : index
    %swap3A_3103 = tpu.vector_load %arg10[%swap3A_3101, %swap3A_3102] {strides = array<i32>} : memref<32x128xf32, #tpu.memory_space<vmem>>, vector<16xf32>,
    tpu.vector_store %arg10[%swap3A_3101, %swap3A_3102], %add3A_3099 {strides = array<i32>} : memref<32x128xf32, #tpu.memory_space<vmem>>, vector<16xf32>,
    %get3A_3104 = arith.constant 59 : i32
    %get3A_3105 = arith.index_cast %get3A_3104 : i32 to index
    %get3A_3106 = arith.constant 96 : index
    %get3A_3107 = tpu.vector_load %arg9[%get3A_3105, %get3A_3106] {strides = array<i32>} : memref<64x128xf32, #tpu.memory_space<vmem>>, vector<16xf32>,
    %get3A_3108 = arith.constant 60 : i32
    %get3A_3109 = arith.index_cast %get3A_3108 : i32 to index
    %get3A_3110 = arith.constant 96 : index
    %get3A_3111 = tpu.vector_load %arg9[%get3A_3109, %get3A_3110] {strides = array<i32>} : memref<64x128xf32, #tpu.memory_space<vmem>>, vector<16xf32>,
    %add3A_3112 = arith.addf %get3A_3107, %get3A_3111 : vector<16xf32>
    %get3A_3113 = arith.constant 61 : i32
    %get3A_3114 = arith.index_cast %get3A_3113 : i32 to index
    %get3A_3115 = arith.constant 96 : index
    %get3A_3116 = tpu.vector_load %arg9[%get3A_3114, %get3A_3115] {strides = array<i32>} : memref<64x128xf32, #tpu.memory_space<vmem>>, vector<16xf32>,
    %add3A_3117 = arith.addf %add3A_3112, %get3A_3116 : vector<16xf32>
    %swap3A_3118 = arith.constant 25 : i32
    %swap3A_3119 = arith.index_cast %swap3A_3118 : i32 to index
    %swap3A_3120 = arith.constant 96 : index
    %swap3A_3121 = tpu.vector_load %arg10[%swap3A_3119, %swap3A_3120] {strides = array<i32>} : memref<32x128xf32, #tpu.memory_space<vmem>>, vector<16xf32>,
    tpu.vector_store %arg10[%swap3A_3119, %swap3A_3120], %add3A_3117 {strides = array<i32>} : memref<32x128xf32, #tpu.memory_space<vmem>>, vector<16xf32>,
    %get3A_3122 = arith.constant 59 : i32
    %get3A_3123 = arith.index_cast %get3A_3122 : i32 to index
    %get3A_3124 = arith.constant 112 : index
    %get3A_3125 = tpu.vector_load %arg9[%get3A_3123, %get3A_3124] {strides = array<i32>} : memref<64x128xf32, #tpu.memory_space<vmem>>, vector<16xf32>,
    %get3A_3126 = arith.constant 60 : i32
    %get3A_3127 = arith.index_cast %get3A_3126 : i32 to index
    %get3A_3128 = arith.constant 112 : index
    %get3A_3129 = tpu.vector_load %arg9[%get3A_3127, %get3A_3128] {strides = array<i32>} : memref<64x128xf32, #tpu.memory_space<vmem>>, vector<16xf32>,
    %add3A_3130 = arith.addf %get3A_3125, %get3A_3129 : vector<16xf32>
    %get3A_3131 = arith.constant 61 : i32
    %get3A_3132 = arith.index_cast %get3A_3131 : i32 to index
    %get3A_3133 = arith.constant 112 : index
    %get3A_3134 = tpu.vector_load %arg9[%get3A_3132, %get3A_3133] {strides = array<i32>} : memref<64x128xf32, #tpu.memory_space<vmem>>, vector<16xf32>,
    %add3A_3135 = arith.addf %add3A_3130, %get3A_3134 : vector<16xf32>
    %swap3A_3136 = arith.constant 25 : i32
    %swap3A_3137 = arith.index_cast %swap3A_3136 : i32 to index
    %swap3A_3138 = arith.constant 112 : index
    %swap3A_3139 = tpu.vector_load %arg10[%swap3A_3137, %swap3A_3138] {strides = array<i32>} : memref<32x128xf32, #tpu.memory_space<vmem>>, vector<16xf32>,
    tpu.vector_store %arg10[%swap3A_3137, %swap3A_3138], %add3A_3135 {strides = array<i32>} : memref<32x128xf32, #tpu.memory_space<vmem>>, vector<16xf32>,
    %swap3A_3140 = arith.constant 26 : i32
    %swap3A_3141 = arith.index_cast %swap3A_3140 : i32 to index
    %swap3A_3142 = arith.constant 0 : index
    %swap3A_3143 = tpu.vector_load %arg10[%swap3A_3141, %swap3A_3142] {strides = array<i32>} : memref<32x128xf32, #tpu.memory_space<vmem>>, vector<16xf32>,
    tpu.vector_store %arg10[%swap3A_3141, %swap3A_3142], %broadcast_in_dim3A_67 {strides = array<i32>} : memref<32x128xf32, #tpu.memory_space<vmem>>, vector<16xf32>,
    %swap3A_3144 = arith.constant 26 : i32
    %swap3A_3145 = arith.index_cast %swap3A_3144 : i32 to index
    %swap3A_3146 = arith.constant 16 : index
    %swap3A_3147 = tpu.vector_load %arg10[%swap3A_3145, %swap3A_3146] {strides = array<i32>} : memref<32x128xf32, #tpu.memory_space<vmem>>, vector<16xf32>,
    tpu.vector_store %arg10[%swap3A_3145, %swap3A_3146], %broadcast_in_dim3A_67 {strides = array<i32>} : memref<32x128xf32, #tpu.memory_space<vmem>>, vector<16xf32>,
    %swap3A_3148 = arith.constant 26 : i32
    %swap3A_3149 = arith.index_cast %swap3A_3148 : i32 to index
    %swap3A_3150 = arith.constant 32 : index
    %swap3A_3151 = tpu.vector_load %arg10[%swap3A_3149, %swap3A_3150] {strides = array<i32>} : memref<32x128xf32, #tpu.memory_space<vmem>>, vector<16xf32>,
    tpu.vector_store %arg10[%swap3A_3149, %swap3A_3150], %broadcast_in_dim3A_67 {strides = array<i32>} : memref<32x128xf32, #tpu.memory_space<vmem>>, vector<16xf32>,
    %swap3A_3152 = arith.constant 26 : i32
    %swap3A_3153 = arith.index_cast %swap3A_3152 : i32 to index
    %swap3A_3154 = arith.constant 48 : index
    %swap3A_3155 = tpu.vector_load %arg10[%swap3A_3153, %swap3A_3154] {strides = array<i32>} : memref<32x128xf32, #tpu.memory_space<vmem>>, vector<16xf32>,
    tpu.vector_store %arg10[%swap3A_3153, %swap3A_3154], %broadcast_in_dim3A_67 {strides = array<i32>} : memref<32x128xf32, #tpu.memory_space<vmem>>, vector<16xf32>,
    %swap3A_3156 = arith.constant 26 : i32
    %swap3A_3157 = arith.index_cast %swap3A_3156 : i32 to index
    %swap3A_3158 = arith.constant 64 : index
    %swap3A_3159 = tpu.vector_load %arg10[%swap3A_3157, %swap3A_3158] {strides = array<i32>} : memref<32x128xf32, #tpu.memory_space<vmem>>, vector<16xf32>,
    tpu.vector_store %arg10[%swap3A_3157, %swap3A_3158], %broadcast_in_dim3A_67 {strides = array<i32>} : memref<32x128xf32, #tpu.memory_space<vmem>>, vector<16xf32>,
    %swap3A_3160 = arith.constant 26 : i32
    %swap3A_3161 = arith.index_cast %swap3A_3160 : i32 to index
    %swap3A_3162 = arith.constant 80 : index
    %swap3A_3163 = tpu.vector_load %arg10[%swap3A_3161, %swap3A_3162] {strides = array<i32>} : memref<32x128xf32, #tpu.memory_space<vmem>>, vector<16xf32>,
    tpu.vector_store %arg10[%swap3A_3161, %swap3A_3162], %broadcast_in_dim3A_67 {strides = array<i32>} : memref<32x128xf32, #tpu.memory_space<vmem>>, vector<16xf32>,
    %swap3A_3164 = arith.constant 26 : i32
    %swap3A_3165 = arith.index_cast %swap3A_3164 : i32 to index
    %swap3A_3166 = arith.constant 96 : index
    %swap3A_3167 = tpu.vector_load %arg10[%swap3A_3165, %swap3A_3166] {strides = array<i32>} : memref<32x128xf32, #tpu.memory_space<vmem>>, vector<16xf32>,
    tpu.vector_store %arg10[%swap3A_3165, %swap3A_3166], %broadcast_in_dim3A_67 {strides = array<i32>} : memref<32x128xf32, #tpu.memory_space<vmem>>, vector<16xf32>,
    %swap3A_3168 = arith.constant 26 : i32
    %swap3A_3169 = arith.index_cast %swap3A_3168 : i32 to index
    %swap3A_3170 = arith.constant 112 : index
    %swap3A_3171 = tpu.vector_load %arg10[%swap3A_3169, %swap3A_3170] {strides = array<i32>} : memref<32x128xf32, #tpu.memory_space<vmem>>, vector<16xf32>,
    tpu.vector_store %arg10[%swap3A_3169, %swap3A_3170], %broadcast_in_dim3A_67 {strides = array<i32>} : memref<32x128xf32, #tpu.memory_space<vmem>>, vector<16xf32>,
    %swap3A_3172 = arith.constant 27 : i32
    %swap3A_3173 = arith.index_cast %swap3A_3172 : i32 to index
    %swap3A_3174 = arith.constant 0 : index
    %swap3A_3175 = tpu.vector_load %arg10[%swap3A_3173, %swap3A_3174] {strides = array<i32>} : memref<32x128xf32, #tpu.memory_space<vmem>>, vector<16xf32>,
    tpu.vector_store %arg10[%swap3A_3173, %swap3A_3174], %broadcast_in_dim3A_67 {strides = array<i32>} : memref<32x128xf32, #tpu.memory_space<vmem>>, vector<16xf32>,
    %swap3A_3176 = arith.constant 27 : i32
    %swap3A_3177 = arith.index_cast %swap3A_3176 : i32 to index
    %swap3A_3178 = arith.constant 16 : index
    %swap3A_3179 = tpu.vector_load %arg10[%swap3A_3177, %swap3A_3178] {strides = array<i32>} : memref<32x128xf32, #tpu.memory_space<vmem>>, vector<16xf32>,
    tpu.vector_store %arg10[%swap3A_3177, %swap3A_3178], %broadcast_in_dim3A_67 {strides = array<i32>} : memref<32x128xf32, #tpu.memory_space<vmem>>, vector<16xf32>,
    %swap3A_3180 = arith.constant 27 : i32
    %swap3A_3181 = arith.index_cast %swap3A_3180 : i32 to index
    %swap3A_3182 = arith.constant 32 : index
    %swap3A_3183 = tpu.vector_load %arg10[%swap3A_3181, %swap3A_3182] {strides = array<i32>} : memref<32x128xf32, #tpu.memory_space<vmem>>, vector<16xf32>,
    tpu.vector_store %arg10[%swap3A_3181, %swap3A_3182], %broadcast_in_dim3A_67 {strides = array<i32>} : memref<32x128xf32, #tpu.memory_space<vmem>>, vector<16xf32>,
    %swap3A_3184 = arith.constant 27 : i32
    %swap3A_3185 = arith.index_cast %swap3A_3184 : i32 to index
    %swap3A_3186 = arith.constant 48 : index
    %swap3A_3187 = tpu.vector_load %arg10[%swap3A_3185, %swap3A_3186] {strides = array<i32>} : memref<32x128xf32, #tpu.memory_space<vmem>>, vector<16xf32>,
    tpu.vector_store %arg10[%swap3A_3185, %swap3A_3186], %broadcast_in_dim3A_67 {strides = array<i32>} : memref<32x128xf32, #tpu.memory_space<vmem>>, vector<16xf32>,
    %swap3A_3188 = arith.constant 27 : i32
    %swap3A_3189 = arith.index_cast %swap3A_3188 : i32 to index
    %swap3A_3190 = arith.constant 64 : index
    %swap3A_3191 = tpu.vector_load %arg10[%swap3A_3189, %swap3A_3190] {strides = array<i32>} : memref<32x128xf32, #tpu.memory_space<vmem>>, vector<16xf32>,
    tpu.vector_store %arg10[%swap3A_3189, %swap3A_3190], %broadcast_in_dim3A_67 {strides = array<i32>} : memref<32x128xf32, #tpu.memory_space<vmem>>, vector<16xf32>,
    %swap3A_3192 = arith.constant 27 : i32
    %swap3A_3193 = arith.index_cast %swap3A_3192 : i32 to index
    %swap3A_3194 = arith.constant 80 : index
    %swap3A_3195 = tpu.vector_load %arg10[%swap3A_3193, %swap3A_3194] {strides = array<i32>} : memref<32x128xf32, #tpu.memory_space<vmem>>, vector<16xf32>,
    tpu.vector_store %arg10[%swap3A_3193, %swap3A_3194], %broadcast_in_dim3A_67 {strides = array<i32>} : memref<32x128xf32, #tpu.memory_space<vmem>>, vector<16xf32>,
    %swap3A_3196 = arith.constant 27 : i32
    %swap3A_3197 = arith.index_cast %swap3A_3196 : i32 to index
    %swap3A_3198 = arith.constant 96 : index
    %swap3A_3199 = tpu.vector_load %arg10[%swap3A_3197, %swap3A_3198] {strides = array<i32>} : memref<32x128xf32, #tpu.memory_space<vmem>>, vector<16xf32>,
    tpu.vector_store %arg10[%swap3A_3197, %swap3A_3198], %broadcast_in_dim3A_67 {strides = array<i32>} : memref<32x128xf32, #tpu.memory_space<vmem>>, vector<16xf32>,
    %swap3A_3200 = arith.constant 27 : i32
    %swap3A_3201 = arith.index_cast %swap3A_3200 : i32 to index
    %swap3A_3202 = arith.constant 112 : index
    %swap3A_3203 = tpu.vector_load %arg10[%swap3A_3201, %swap3A_3202] {strides = array<i32>} : memref<32x128xf32, #tpu.memory_space<vmem>>, vector<16xf32>,
    tpu.vector_store %arg10[%swap3A_3201, %swap3A_3202], %broadcast_in_dim3A_67 {strides = array<i32>} : memref<32x128xf32, #tpu.memory_space<vmem>>, vector<16xf32>,
    %swap3A_3204 = arith.constant 28 : i32
    %swap3A_3205 = arith.index_cast %swap3A_3204 : i32 to index
    %swap3A_3206 = arith.constant 0 : index
    %swap3A_3207 = tpu.vector_load %arg10[%swap3A_3205, %swap3A_3206] {strides = array<i32>} : memref<32x128xf32, #tpu.memory_space<vmem>>, vector<16xf32>,
    tpu.vector_store %arg10[%swap3A_3205, %swap3A_3206], %broadcast_in_dim3A_67 {strides = array<i32>} : memref<32x128xf32, #tpu.memory_space<vmem>>, vector<16xf32>,
    %swap3A_3208 = arith.constant 28 : i32
    %swap3A_3209 = arith.index_cast %swap3A_3208 : i32 to index
    %swap3A_3210 = arith.constant 16 : index
    %swap3A_3211 = tpu.vector_load %arg10[%swap3A_3209, %swap3A_3210] {strides = array<i32>} : memref<32x128xf32, #tpu.memory_space<vmem>>, vector<16xf32>,
    tpu.vector_store %arg10[%swap3A_3209, %swap3A_3210], %broadcast_in_dim3A_67 {strides = array<i32>} : memref<32x128xf32, #tpu.memory_space<vmem>>, vector<16xf32>,
    %swap3A_3212 = arith.constant 28 : i32
    %swap3A_3213 = arith.index_cast %swap3A_3212 : i32 to index
    %swap3A_3214 = arith.constant 32 : index
    %swap3A_3215 = tpu.vector_load %arg10[%swap3A_3213, %swap3A_3214] {strides = array<i32>} : memref<32x128xf32, #tpu.memory_space<vmem>>, vector<16xf32>,
    tpu.vector_store %arg10[%swap3A_3213, %swap3A_3214], %broadcast_in_dim3A_67 {strides = array<i32>} : memref<32x128xf32, #tpu.memory_space<vmem>>, vector<16xf32>,
    %swap3A_3216 = arith.constant 28 : i32
    %swap3A_3217 = arith.index_cast %swap3A_3216 : i32 to index
    %swap3A_3218 = arith.constant 48 : index
    %swap3A_3219 = tpu.vector_load %arg10[%swap3A_3217, %swap3A_3218] {strides = array<i32>} : memref<32x128xf32, #tpu.memory_space<vmem>>, vector<16xf32>,
    tpu.vector_store %arg10[%swap3A_3217, %swap3A_3218], %broadcast_in_dim3A_67 {strides = array<i32>} : memref<32x128xf32, #tpu.memory_space<vmem>>, vector<16xf32>,
    %swap3A_3220 = arith.constant 28 : i32
    %swap3A_3221 = arith.index_cast %swap3A_3220 : i32 to index
    %swap3A_3222 = arith.constant 64 : index
    %swap3A_3223 = tpu.vector_load %arg10[%swap3A_3221, %swap3A_3222] {strides = array<i32>} : memref<32x128xf32, #tpu.memory_space<vmem>>, vector<16xf32>,
    tpu.vector_store %arg10[%swap3A_3221, %swap3A_3222], %broadcast_in_dim3A_67 {strides = array<i32>} : memref<32x128xf32, #tpu.memory_space<vmem>>, vector<16xf32>,
    %swap3A_3224 = arith.constant 28 : i32
    %swap3A_3225 = arith.index_cast %swap3A_3224 : i32 to index
    %swap3A_3226 = arith.constant 80 : index
    %swap3A_3227 = tpu.vector_load %arg10[%swap3A_3225, %swap3A_3226] {strides = array<i32>} : memref<32x128xf32, #tpu.memory_space<vmem>>, vector<16xf32>,
    tpu.vector_store %arg10[%swap3A_3225, %swap3A_3226], %broadcast_in_dim3A_67 {strides = array<i32>} : memref<32x128xf32, #tpu.memory_space<vmem>>, vector<16xf32>,
    %swap3A_3228 = arith.constant 28 : i32
    %swap3A_3229 = arith.index_cast %swap3A_3228 : i32 to index
    %swap3A_3230 = arith.constant 96 : index
    %swap3A_3231 = tpu.vector_load %arg10[%swap3A_3229, %swap3A_3230] {strides = array<i32>} : memref<32x128xf32, #tpu.memory_space<vmem>>, vector<16xf32>,
    tpu.vector_store %arg10[%swap3A_3229, %swap3A_3230], %broadcast_in_dim3A_67 {strides = array<i32>} : memref<32x128xf32, #tpu.memory_space<vmem>>, vector<16xf32>,
    %swap3A_3232 = arith.constant 28 : i32
    %swap3A_3233 = arith.index_cast %swap3A_3232 : i32 to index
    %swap3A_3234 = arith.constant 112 : index
    %swap3A_3235 = tpu.vector_load %arg10[%swap3A_3233, %swap3A_3234] {strides = array<i32>} : memref<32x128xf32, #tpu.memory_space<vmem>>, vector<16xf32>,
    tpu.vector_store %arg10[%swap3A_3233, %swap3A_3234], %broadcast_in_dim3A_67 {strides = array<i32>} : memref<32x128xf32, #tpu.memory_space<vmem>>, vector<16xf32>,
    %swap3A_3236 = arith.constant 29 : i32
    %swap3A_3237 = arith.index_cast %swap3A_3236 : i32 to index
    %swap3A_3238 = arith.constant 0 : index
    %swap3A_3239 = tpu.vector_load %arg10[%swap3A_3237, %swap3A_3238] {strides = array<i32>} : memref<32x128xf32, #tpu.memory_space<vmem>>, vector<16xf32>,
    tpu.vector_store %arg10[%swap3A_3237, %swap3A_3238], %broadcast_in_dim3A_67 {strides = array<i32>} : memref<32x128xf32, #tpu.memory_space<vmem>>, vector<16xf32>,
    %swap3A_3240 = arith.constant 29 : i32
    %swap3A_3241 = arith.index_cast %swap3A_3240 : i32 to index
    %swap3A_3242 = arith.constant 16 : index
    %swap3A_3243 = tpu.vector_load %arg10[%swap3A_3241, %swap3A_3242] {strides = array<i32>} : memref<32x128xf32, #tpu.memory_space<vmem>>, vector<16xf32>,
    tpu.vector_store %arg10[%swap3A_3241, %swap3A_3242], %broadcast_in_dim3A_67 {strides = array<i32>} : memref<32x128xf32, #tpu.memory_space<vmem>>, vector<16xf32>,
    %swap3A_3244 = arith.constant 29 : i32
    %swap3A_3245 = arith.index_cast %swap3A_3244 : i32 to index
    %swap3A_3246 = arith.constant 32 : index
    %swap3A_3247 = tpu.vector_load %arg10[%swap3A_3245, %swap3A_3246] {strides = array<i32>} : memref<32x128xf32, #tpu.memory_space<vmem>>, vector<16xf32>,
    tpu.vector_store %arg10[%swap3A_3245, %swap3A_3246], %broadcast_in_dim3A_67 {strides = array<i32>} : memref<32x128xf32, #tpu.memory_space<vmem>>, vector<16xf32>,
    %swap3A_3248 = arith.constant 29 : i32
    %swap3A_3249 = arith.index_cast %swap3A_3248 : i32 to index
    %swap3A_3250 = arith.constant 48 : index
    %swap3A_3251 = tpu.vector_load %arg10[%swap3A_3249, %swap3A_3250] {strides = array<i32>} : memref<32x128xf32, #tpu.memory_space<vmem>>, vector<16xf32>,
    tpu.vector_store %arg10[%swap3A_3249, %swap3A_3250], %broadcast_in_dim3A_67 {strides = array<i32>} : memref<32x128xf32, #tpu.memory_space<vmem>>, vector<16xf32>,
    %swap3A_3252 = arith.constant 29 : i32
    %swap3A_3253 = arith.index_cast %swap3A_3252 : i32 to index
    %swap3A_3254 = arith.constant 64 : index
    %swap3A_3255 = tpu.vector_load %arg10[%swap3A_3253, %swap3A_3254] {strides = array<i32>} : memref<32x128xf32, #tpu.memory_space<vmem>>, vector<16xf32>,
    tpu.vector_store %arg10[%swap3A_3253, %swap3A_3254], %broadcast_in_dim3A_67 {strides = array<i32>} : memref<32x128xf32, #tpu.memory_space<vmem>>, vector<16xf32>,
    %swap3A_3256 = arith.constant 29 : i32
    %swap3A_3257 = arith.index_cast %swap3A_3256 : i32 to index
    %swap3A_3258 = arith.constant 80 : index
    %swap3A_3259 = tpu.vector_load %arg10[%swap3A_3257, %swap3A_3258] {strides = array<i32>} : memref<32x128xf32, #tpu.memory_space<vmem>>, vector<16xf32>,
    tpu.vector_store %arg10[%swap3A_3257, %swap3A_3258], %broadcast_in_dim3A_67 {strides = array<i32>} : memref<32x128xf32, #tpu.memory_space<vmem>>, vector<16xf32>,
    %swap3A_3260 = arith.constant 29 : i32
    %swap3A_3261 = arith.index_cast %swap3A_3260 : i32 to index
    %swap3A_3262 = arith.constant 96 : index
    %swap3A_3263 = tpu.vector_load %arg10[%swap3A_3261, %swap3A_3262] {strides = array<i32>} : memref<32x128xf32, #tpu.memory_space<vmem>>, vector<16xf32>,
    tpu.vector_store %arg10[%swap3A_3261, %swap3A_3262], %broadcast_in_dim3A_67 {strides = array<i32>} : memref<32x128xf32, #tpu.memory_space<vmem>>, vector<16xf32>,
    %swap3A_3264 = arith.constant 29 : i32
    %swap3A_3265 = arith.index_cast %swap3A_3264 : i32 to index
    %swap3A_3266 = arith.constant 112 : index
    %swap3A_3267 = tpu.vector_load %arg10[%swap3A_3265, %swap3A_3266] {strides = array<i32>} : memref<32x128xf32, #tpu.memory_space<vmem>>, vector<16xf32>,
    tpu.vector_store %arg10[%swap3A_3265, %swap3A_3266], %broadcast_in_dim3A_67 {strides = array<i32>} : memref<32x128xf32, #tpu.memory_space<vmem>>, vector<16xf32>,
    %swap3A_3268 = arith.constant 30 : i32
    %swap3A_3269 = arith.index_cast %swap3A_3268 : i32 to index
    %swap3A_3270 = arith.constant 0 : index
    %swap3A_3271 = tpu.vector_load %arg10[%swap3A_3269, %swap3A_3270] {strides = array<i32>} : memref<32x128xf32, #tpu.memory_space<vmem>>, vector<16xf32>,
    tpu.vector_store %arg10[%swap3A_3269, %swap3A_3270], %broadcast_in_dim3A_67 {strides = array<i32>} : memref<32x128xf32, #tpu.memory_space<vmem>>, vector<16xf32>,
    %swap3A_3272 = arith.constant 30 : i32
    %swap3A_3273 = arith.index_cast %swap3A_3272 : i32 to index
    %swap3A_3274 = arith.constant 16 : index
    %swap3A_3275 = tpu.vector_load %arg10[%swap3A_3273, %swap3A_3274] {strides = array<i32>} : memref<32x128xf32, #tpu.memory_space<vmem>>, vector<16xf32>,
    tpu.vector_store %arg10[%swap3A_3273, %swap3A_3274], %broadcast_in_dim3A_67 {strides = array<i32>} : memref<32x128xf32, #tpu.memory_space<vmem>>, vector<16xf32>,
    %swap3A_3276 = arith.constant 30 : i32
    %swap3A_3277 = arith.index_cast %swap3A_3276 : i32 to index
    %swap3A_3278 = arith.constant 32 : index
    %swap3A_3279 = tpu.vector_load %arg10[%swap3A_3277, %swap3A_3278] {strides = array<i32>} : memref<32x128xf32, #tpu.memory_space<vmem>>, vector<16xf32>,
    tpu.vector_store %arg10[%swap3A_3277, %swap3A_3278], %broadcast_in_dim3A_67 {strides = array<i32>} : memref<32x128xf32, #tpu.memory_space<vmem>>, vector<16xf32>,
    %swap3A_3280 = arith.constant 30 : i32
    %swap3A_3281 = arith.index_cast %swap3A_3280 : i32 to index
    %swap3A_3282 = arith.constant 48 : index
    %swap3A_3283 = tpu.vector_load %arg10[%swap3A_3281, %swap3A_3282] {strides = array<i32>} : memref<32x128xf32, #tpu.memory_space<vmem>>, vector<16xf32>,
    tpu.vector_store %arg10[%swap3A_3281, %swap3A_3282], %broadcast_in_dim3A_67 {strides = array<i32>} : memref<32x128xf32, #tpu.memory_space<vmem>>, vector<16xf32>,
    %swap3A_3284 = arith.constant 30 : i32
    %swap3A_3285 = arith.index_cast %swap3A_3284 : i32 to index
    %swap3A_3286 = arith.constant 64 : index
    %swap3A_3287 = tpu.vector_load %arg10[%swap3A_3285, %swap3A_3286] {strides = array<i32>} : memref<32x128xf32, #tpu.memory_space<vmem>>, vector<16xf32>,
    tpu.vector_store %arg10[%swap3A_3285, %swap3A_3286], %broadcast_in_dim3A_67 {strides = array<i32>} : memref<32x128xf32, #tpu.memory_space<vmem>>, vector<16xf32>,
    %swap3A_3288 = arith.constant 30 : i32
    %swap3A_3289 = arith.index_cast %swap3A_3288 : i32 to index
    %swap3A_3290 = arith.constant 80 : index
    %swap3A_3291 = tpu.vector_load %arg10[%swap3A_3289, %swap3A_3290] {strides = array<i32>} : memref<32x128xf32, #tpu.memory_space<vmem>>, vector<16xf32>,
    tpu.vector_store %arg10[%swap3A_3289, %swap3A_3290], %broadcast_in_dim3A_67 {strides = array<i32>} : memref<32x128xf32, #tpu.memory_space<vmem>>, vector<16xf32>,
    %swap3A_3292 = arith.constant 30 : i32
    %swap3A_3293 = arith.index_cast %swap3A_3292 : i32 to index
    %swap3A_3294 = arith.constant 96 : index
    %swap3A_3295 = tpu.vector_load %arg10[%swap3A_3293, %swap3A_3294] {strides = array<i32>} : memref<32x128xf32, #tpu.memory_space<vmem>>, vector<16xf32>,
    tpu.vector_store %arg10[%swap3A_3293, %swap3A_3294], %broadcast_in_dim3A_67 {strides = array<i32>} : memref<32x128xf32, #tpu.memory_space<vmem>>, vector<16xf32>,
    %swap3A_3296 = arith.constant 30 : i32
    %swap3A_3297 = arith.index_cast %swap3A_3296 : i32 to index
    %swap3A_3298 = arith.constant 112 : index
    %swap3A_3299 = tpu.vector_load %arg10[%swap3A_3297, %swap3A_3298] {strides = array<i32>} : memref<32x128xf32, #tpu.memory_space<vmem>>, vector<16xf32>,
    tpu.vector_store %arg10[%swap3A_3297, %swap3A_3298], %broadcast_in_dim3A_67 {strides = array<i32>} : memref<32x128xf32, #tpu.memory_space<vmem>>, vector<16xf32>,
    %swap3A_3300 = arith.constant 31 : i32
    %swap3A_3301 = arith.index_cast %swap3A_3300 : i32 to index
    %swap3A_3302 = arith.constant 0 : index
    %swap3A_3303 = tpu.vector_load %arg10[%swap3A_3301, %swap3A_3302] {strides = array<i32>} : memref<32x128xf32, #tpu.memory_space<vmem>>, vector<16xf32>,
    tpu.vector_store %arg10[%swap3A_3301, %swap3A_3302], %broadcast_in_dim3A_67 {strides = array<i32>} : memref<32x128xf32, #tpu.memory_space<vmem>>, vector<16xf32>,
    %swap3A_3304 = arith.constant 31 : i32
    %swap3A_3305 = arith.index_cast %swap3A_3304 : i32 to index
    %swap3A_3306 = arith.constant 16 : index
    %swap3A_3307 = tpu.vector_load %arg10[%swap3A_3305, %swap3A_3306] {strides = array<i32>} : memref<32x128xf32, #tpu.memory_space<vmem>>, vector<16xf32>,
    tpu.vector_store %arg10[%swap3A_3305, %swap3A_3306], %broadcast_in_dim3A_67 {strides = array<i32>} : memref<32x128xf32, #tpu.memory_space<vmem>>, vector<16xf32>,
    %swap3A_3308 = arith.constant 31 : i32
    %swap3A_3309 = arith.index_cast %swap3A_3308 : i32 to index
    %swap3A_3310 = arith.constant 32 : index
    %swap3A_3311 = tpu.vector_load %arg10[%swap3A_3309, %swap3A_3310] {strides = array<i32>} : memref<32x128xf32, #tpu.memory_space<vmem>>, vector<16xf32>,
    tpu.vector_store %arg10[%swap3A_3309, %swap3A_3310], %broadcast_in_dim3A_67 {strides = array<i32>} : memref<32x128xf32, #tpu.memory_space<vmem>>, vector<16xf32>,
    %swap3A_3312 = arith.constant 31 : i32
    %swap3A_3313 = arith.index_cast %swap3A_3312 : i32 to index
    %swap3A_3314 = arith.constant 48 : index
    %swap3A_3315 = tpu.vector_load %arg10[%swap3A_3313, %swap3A_3314] {strides = array<i32>} : memref<32x128xf32, #tpu.memory_space<vmem>>, vector<16xf32>,
    tpu.vector_store %arg10[%swap3A_3313, %swap3A_3314], %broadcast_in_dim3A_67 {strides = array<i32>} : memref<32x128xf32, #tpu.memory_space<vmem>>, vector<16xf32>,
    %swap3A_3316 = arith.constant 31 : i32
    %swap3A_3317 = arith.index_cast %swap3A_3316 : i32 to index
    %swap3A_3318 = arith.constant 64 : index
    %swap3A_3319 = tpu.vector_load %arg10[%swap3A_3317, %swap3A_3318] {strides = array<i32>} : memref<32x128xf32, #tpu.memory_space<vmem>>, vector<16xf32>,
    tpu.vector_store %arg10[%swap3A_3317, %swap3A_3318], %broadcast_in_dim3A_67 {strides = array<i32>} : memref<32x128xf32, #tpu.memory_space<vmem>>, vector<16xf32>,
    %swap3A_3320 = arith.constant 31 : i32
    %swap3A_3321 = arith.index_cast %swap3A_3320 : i32 to index
    %swap3A_3322 = arith.constant 80 : index
    %swap3A_3323 = tpu.vector_load %arg10[%swap3A_3321, %swap3A_3322] {strides = array<i32>} : memref<32x128xf32, #tpu.memory_space<vmem>>, vector<16xf32>,
    tpu.vector_store %arg10[%swap3A_3321, %swap3A_3322], %broadcast_in_dim3A_67 {strides = array<i32>} : memref<32x128xf32, #tpu.memory_space<vmem>>, vector<16xf32>,
    %swap3A_3324 = arith.constant 31 : i32
    %swap3A_3325 = arith.index_cast %swap3A_3324 : i32 to index
    %swap3A_3326 = arith.constant 96 : index
    %swap3A_3327 = tpu.vector_load %arg10[%swap3A_3325, %swap3A_3326] {strides = array<i32>} : memref<32x128xf32, #tpu.memory_space<vmem>>, vector<16xf32>,
    tpu.vector_store %arg10[%swap3A_3325, %swap3A_3326], %broadcast_in_dim3A_67 {strides = array<i32>} : memref<32x128xf32, #tpu.memory_space<vmem>>, vector<16xf32>,
    %swap3A_3328 = arith.constant 31 : i32
    %swap3A_3329 = arith.index_cast %swap3A_3328 : i32 to index
    %swap3A_3330 = arith.constant 112 : index
    %swap3A_3331 = tpu.vector_load %arg10[%swap3A_3329, %swap3A_3330] {strides = array<i32>} : memref<32x128xf32, #tpu.memory_space<vmem>>, vector<16xf32>,
    tpu.vector_store %arg10[%swap3A_3329, %swap3A_3330], %broadcast_in_dim3A_67 {strides = array<i32>} : memref<32x128xf32, #tpu.memory_space<vmem>>, vector<16xf32>,
    "tpu.region"() ({
      %run_scoped3A = tpu.sem_alloc : memref<!tpu.dma_semaphore, #tpu.memory_space<semaphore_mem>>
      %dma_start3A_3332 = arith.constant 0 : i32
      %dma_start3A_3333 = arith.constant 0 : i32
      %dma_start3A_3334 = tpu.memref_slice %arg5[%arg1, %dma_start3A_3332, %dma_start3A_3333] : memref<16x32x128xf32, #tpu.memory_space<hbm>> -> memref<1x32x128xf32, #tpu.memory_space<hbm>>
      %dma_start3A_3335 = tpu.memref_squeeze %dma_start3A_3334 : memref<1x32x128xf32, #tpu.memory_space<hbm>> -> memref<32x128xf32, #tpu.memory_space<hbm>>
      %dma_start3A_3336 = arith.constant 0 : i32
      %dma_start3A_3337 = arith.constant 0 : i32
      %dma_start3A_3338 = tpu.memref_slice %arg5[%arg1, %dma_start3A_3336, %dma_start3A_3337] : memref<16x32x128xf32, #tpu.memory_space<hbm>> -> memref<1x32x128xf32, #tpu.memory_space<hbm>>
      %dma_start3A_3339 = tpu.memref_squeeze %dma_start3A_3338 : memref<1x32x128xf32, #tpu.memory_space<hbm>> -> memref<32x128xf32, #tpu.memory_space<hbm>>
      tpu.enqueue_dma source(%arg10 : memref<32x128xf32, #tpu.memory_space<vmem>>) target(%dma_start3A_3339 : memref<32x128xf32, #tpu.memory_space<hbm>>) target_semaphore(%run_scoped3A : memref<!tpu.dma_semaphore, #tpu.memory_space<semaphore_mem>>)
      %dma_wait3A_3340 = arith.constant 0 : i32
      %dma_wait3A_3341 = arith.constant 0 : i32
      %dma_wait3A_3342 = tpu.memref_slice %arg5[%arg1, %dma_wait3A_3340, %dma_wait3A_3341] : memref<16x32x128xf32, #tpu.memory_space<hbm>> -> memref<1x32x128xf32, #tpu.memory_space<hbm>>
      %dma_wait3A_3343 = tpu.memref_squeeze %dma_wait3A_3342 : memref<1x32x128xf32, #tpu.memory_space<hbm>> -> memref<32x128xf32, #tpu.memory_space<hbm>>
      %dma_wait3A_3344 = arith.constant 0 : i32
      %dma_wait3A_3345 = arith.constant 0 : i32
      %dma_wait3A_3346 = tpu.memref_slice %arg5[%arg1, %dma_wait3A_3344, %dma_wait3A_3345] : memref<16x32x128xf32, #tpu.memory_space<hbm>> -> memref<1x32x128xf32, #tpu.memory_space<hbm>>
      %dma_wait3A_3347 = tpu.memref_squeeze %dma_wait3A_3346 : memref<1x32x128xf32, #tpu.memory_space<hbm>> -> memref<32x128xf32, #tpu.memory_space<hbm>>
      tpu.wait_dma2 semaphore(%run_scoped3A : memref<!tpu.dma_semaphore, #tpu.memory_space<semaphore_mem>>) src(%arg10 : memref<32x128xf32, #tpu.memory_space<vmem>>) dst(%dma_wait3A_3347 : memref<32x128xf32, #tpu.memory_space<hbm>>)
      tpu.yield
    }) : () -> ()
    return
  }
}

module attributes {stable_mosaic.version = 14 : i64} {
  func.func @_tc_sample_body(%arg0: memref<32x16x128xf32, #tpu.memory_space<vmem>>, %arg1: memref<1x128xf32, #tpu.memory_space<vmem>>, %arg2: memref<32x2048xi32, #tpu.memory_space<vmem>>) attributes {dimension_semantics = [], scalar_prefetch = 0 : i64, scratch_operands = 0 : i64, tpu.core_type = #tpu.core_type<tc>} {
    %get3A = arith.constant 0 : index
    %get3A_0 = arith.constant 0 : index
    %get3A_1 = arith.constant 0 : index
    %get3A_2 = vector.load %arg0[%get3A, %get3A_0, %get3A_1] : memref<32x16x128xf32, #tpu.memory_space<vmem>>, vector<32x16x128xf32>
    %get3A_3 = arith.constant 0 : index
    %get3A_4 = arith.constant 0 : index
    %get3A_5 = vector.load %arg1[%get3A_3, %get3A_4] : memref<1x128xf32, #tpu.memory_space<vmem>>, vector<1x128xf32>
    %broadcast_in_dim3A = vector.shape_cast %get3A_5 : vector<1x128xf32> to vector<1x1x128xf32>
    %add3A = vector.broadcast %broadcast_in_dim3A : vector<1x1x128xf32> to vector<32x16x128xf32>
    %add3A_6 = arith.addf %get3A_2, %add3A : vector<32x16x128xf32>
    %reduce_max3A = arith.constant dense<0xFF800000> : vector<32x16xf32>
    %reduce_max3A_7 = vector.multi_reduction <maximumf>, %add3A_6, %reduce_max3A [2] : vector<32x16x128xf32> to vector<32x16xf32>
    %broadcast_in_dim3A_8 = vector.shape_cast %reduce_max3A_7 : vector<32x16xf32> to vector<32x16x1xf32>
    %sub3A = vector.broadcast %broadcast_in_dim3A_8 : vector<32x16x1xf32> to vector<32x16x128xf32>
    %sub3A_9 = arith.subf %add3A_6, %sub3A : vector<32x16x128xf32>
    %exp3A = math.exp %sub3A_9 : vector<32x16x128xf32>
    %reduce_sum3A = arith.constant dense<0.000000e+00> : vector<32x16xf32>
    %reduce_sum3A_10 = vector.multi_reduction <add>, %exp3A, %reduce_sum3A [2] : vector<32x16x128xf32> to vector<32x16xf32>
    %broadcast_in_dim3A_11 = vector.shape_cast %reduce_sum3A_10 : vector<32x16xf32> to vector<32x16x1xf32>
    %div3A = vector.broadcast %broadcast_in_dim3A_11 : vector<32x16x1xf32> to vector<32x16x128xf32>
    %div3A_12 = arith.divf %exp3A, %div3A : vector<32x16x128xf32>
    %add3A_13 = arith.constant 9.99999968E-21 : f32
    %add3A_14 = vector.broadcast %add3A_13 : f32 to vector<32x16x128xf32>
    %add3A_15 = arith.addf %div3A_12, %add3A_14 : vector<32x16x128xf32>
    %log3A = math.log %add3A_15 : vector<32x16x128xf32>
    %iota3A = tpu.iota {dimensions = array<i32: 0>} : vector<32x16x128xi32>
    %iota3A_16 = tpu.iota {dimensions = array<i32: 1>} : vector<32x16x128xi32>
    %iota3A_17 = tpu.iota {dimensions = array<i32: 2>} : vector<32x16x128xi32>
    %mul3A = arith.constant 2048 : i32
    %mul3A_18 = vector.broadcast %mul3A : i32 to vector<32x16x128xi32>
    %mul3A_19 = arith.muli %iota3A, %mul3A_18 : vector<32x16x128xi32>
    %add3A_20 = arith.addi %mul3A_19, %iota3A_16 : vector<32x16x128xi32>
    %mul3A_21 = arith.constant 128 : i32
    %mul3A_22 = vector.broadcast %mul3A_21 : i32 to vector<32x16x128xi32>
    %mul3A_23 = arith.muli %add3A_20, %mul3A_22 : vector<32x16x128xi32>
    %add3A_24 = arith.addi %mul3A_23, %iota3A_17 : vector<32x16x128xi32>
    %broadcast_in_dim3A_25 = arith.constant 0 : i32
    %broadcast_in_dim3A_26 = vector.broadcast %broadcast_in_dim3A_25 : i32 to vector<32x16x128xi32>
    %add3A_27 = arith.constant 0 : i32
    %add3A_28 = vector.broadcast %add3A_27 : i32 to vector<32x16x128xi32>
    %add3A_29 = arith.addi %broadcast_in_dim3A_26, %add3A_28 : vector<32x16x128xi32>
    %add3A_30 = arith.constant 42 : i32
    %add3A_31 = vector.broadcast %add3A_30 : i32 to vector<32x16x128xi32>
    %add3A_32 = arith.addi %add3A_24, %add3A_31 : vector<32x16x128xi32>
    %add3A_33 = arith.addi %add3A_29, %add3A_32 : vector<32x16x128xi32>
    %shift_left3A = arith.constant 13 : i32
    %shift_left3A_34 = vector.broadcast %shift_left3A : i32 to vector<32x16x128xi32>
    %shift_left3A_35 = arith.shli %add3A_32, %shift_left3A_34 : vector<32x16x128xi32>
    %shift_right_logical3A = arith.constant 19 : i32
    %shift_right_logical3A_36 = vector.broadcast %shift_right_logical3A : i32 to vector<32x16x128xi32>
    %shift_right_logical3A_37 = arith.shrui %add3A_32, %shift_right_logical3A_36 : vector<32x16x128xi32>
    %or3A = arith.ori %shift_left3A_35, %shift_right_logical3A_37 : vector<32x16x128xi32>
    %xor3A = arith.xori %add3A_33, %or3A : vector<32x16x128xi32>
    %add3A_38 = arith.addi %add3A_33, %xor3A : vector<32x16x128xi32>
    %shift_left3A_39 = arith.constant 15 : i32
    %shift_left3A_40 = vector.broadcast %shift_left3A_39 : i32 to vector<32x16x128xi32>
    %shift_left3A_41 = arith.shli %xor3A, %shift_left3A_40 : vector<32x16x128xi32>
    %shift_right_logical3A_42 = arith.constant 17 : i32
    %shift_right_logical3A_43 = vector.broadcast %shift_right_logical3A_42 : i32 to vector<32x16x128xi32>
    %shift_right_logical3A_44 = arith.shrui %xor3A, %shift_right_logical3A_43 : vector<32x16x128xi32>
    %or3A_45 = arith.ori %shift_left3A_41, %shift_right_logical3A_44 : vector<32x16x128xi32>
    %xor3A_46 = arith.xori %add3A_38, %or3A_45 : vector<32x16x128xi32>
    %add3A_47 = arith.addi %add3A_38, %xor3A_46 : vector<32x16x128xi32>
    %shift_left3A_48 = arith.constant 26 : i32
    %shift_left3A_49 = vector.broadcast %shift_left3A_48 : i32 to vector<32x16x128xi32>
    %shift_left3A_50 = arith.shli %xor3A_46, %shift_left3A_49 : vector<32x16x128xi32>
    %shift_right_logical3A_51 = arith.constant 6 : i32
    %shift_right_logical3A_52 = vector.broadcast %shift_right_logical3A_51 : i32 to vector<32x16x128xi32>
    %shift_right_logical3A_53 = arith.shrui %xor3A_46, %shift_right_logical3A_52 : vector<32x16x128xi32>
    %or3A_54 = arith.ori %shift_left3A_50, %shift_right_logical3A_53 : vector<32x16x128xi32>
    %xor3A_55 = arith.xori %add3A_47, %or3A_54 : vector<32x16x128xi32>
    %add3A_56 = arith.addi %add3A_47, %xor3A_55 : vector<32x16x128xi32>
    %shift_left3A_57 = arith.constant 6 : i32
    %shift_left3A_58 = vector.broadcast %shift_left3A_57 : i32 to vector<32x16x128xi32>
    %shift_left3A_59 = arith.shli %xor3A_55, %shift_left3A_58 : vector<32x16x128xi32>
    %shift_right_logical3A_60 = arith.constant 26 : i32
    %shift_right_logical3A_61 = vector.broadcast %shift_right_logical3A_60 : i32 to vector<32x16x128xi32>
    %shift_right_logical3A_62 = arith.shrui %xor3A_55, %shift_right_logical3A_61 : vector<32x16x128xi32>
    %or3A_63 = arith.ori %shift_left3A_59, %shift_right_logical3A_62 : vector<32x16x128xi32>
    %xor3A_64 = arith.xori %add3A_56, %or3A_63 : vector<32x16x128xi32>
    %add3A_65 = arith.constant 42 : i32
    %add3A_66 = vector.broadcast %add3A_65 : i32 to vector<32x16x128xi32>
    %add3A_67 = arith.addi %add3A_56, %add3A_66 : vector<32x16x128xi32>
    %add3A_68 = arith.constant 466689008 : i32
    %add3A_69 = vector.broadcast %add3A_68 : i32 to vector<32x16x128xi32>
    %add3A_70 = arith.addi %xor3A_64, %add3A_69 : vector<32x16x128xi32>
    %add3A_71 = arith.constant 1 : i32
    %add3A_72 = vector.broadcast %add3A_71 : i32 to vector<32x16x128xi32>
    %add3A_73 = arith.addi %add3A_70, %add3A_72 : vector<32x16x128xi32>
    %add3A_74 = arith.addi %add3A_67, %add3A_73 : vector<32x16x128xi32>
    %shift_left3A_75 = arith.constant 17 : i32
    %shift_left3A_76 = vector.broadcast %shift_left3A_75 : i32 to vector<32x16x128xi32>
    %shift_left3A_77 = arith.shli %add3A_73, %shift_left3A_76 : vector<32x16x128xi32>
    %shift_right_logical3A_78 = arith.constant 15 : i32
    %shift_right_logical3A_79 = vector.broadcast %shift_right_logical3A_78 : i32 to vector<32x16x128xi32>
    %shift_right_logical3A_80 = arith.shrui %add3A_73, %shift_right_logical3A_79 : vector<32x16x128xi32>
    %or3A_81 = arith.ori %shift_left3A_77, %shift_right_logical3A_80 : vector<32x16x128xi32>
    %xor3A_82 = arith.xori %add3A_74, %or3A_81 : vector<32x16x128xi32>
    %add3A_83 = arith.addi %add3A_74, %xor3A_82 : vector<32x16x128xi32>
    %shift_left3A_84 = arith.constant 29 : i32
    %shift_left3A_85 = vector.broadcast %shift_left3A_84 : i32 to vector<32x16x128xi32>
    %shift_left3A_86 = arith.shli %xor3A_82, %shift_left3A_85 : vector<32x16x128xi32>
    %shift_right_logical3A_87 = arith.constant 3 : i32
    %shift_right_logical3A_88 = vector.broadcast %shift_right_logical3A_87 : i32 to vector<32x16x128xi32>
    %shift_right_logical3A_89 = arith.shrui %xor3A_82, %shift_right_logical3A_88 : vector<32x16x128xi32>
    %or3A_90 = arith.ori %shift_left3A_86, %shift_right_logical3A_89 : vector<32x16x128xi32>
    %xor3A_91 = arith.xori %add3A_83, %or3A_90 : vector<32x16x128xi32>
    %add3A_92 = arith.addi %add3A_83, %xor3A_91 : vector<32x16x128xi32>
    %shift_left3A_93 = arith.constant 16 : i32
    %shift_left3A_94 = vector.broadcast %shift_left3A_93 : i32 to vector<32x16x128xi32>
    %shift_left3A_95 = arith.shli %xor3A_91, %shift_left3A_94 : vector<32x16x128xi32>
    %shift_right_logical3A_96 = arith.constant 16 : i32
    %shift_right_logical3A_97 = vector.broadcast %shift_right_logical3A_96 : i32 to vector<32x16x128xi32>
    %shift_right_logical3A_98 = arith.shrui %xor3A_91, %shift_right_logical3A_97 : vector<32x16x128xi32>
    %or3A_99 = arith.ori %shift_left3A_95, %shift_right_logical3A_98 : vector<32x16x128xi32>
    %xor3A_100 = arith.xori %add3A_92, %or3A_99 : vector<32x16x128xi32>
    %add3A_101 = arith.addi %add3A_92, %xor3A_100 : vector<32x16x128xi32>
    %shift_left3A_102 = arith.constant 24 : i32
    %shift_left3A_103 = vector.broadcast %shift_left3A_102 : i32 to vector<32x16x128xi32>
    %shift_left3A_104 = arith.shli %xor3A_100, %shift_left3A_103 : vector<32x16x128xi32>
    %shift_right_logical3A_105 = arith.constant 8 : i32
    %shift_right_logical3A_106 = vector.broadcast %shift_right_logical3A_105 : i32 to vector<32x16x128xi32>
    %shift_right_logical3A_107 = arith.shrui %xor3A_100, %shift_right_logical3A_106 : vector<32x16x128xi32>
    %or3A_108 = arith.ori %shift_left3A_104, %shift_right_logical3A_107 : vector<32x16x128xi32>
    %xor3A_109 = arith.xori %add3A_101, %or3A_108 : vector<32x16x128xi32>
    %add3A_110 = arith.constant 466689008 : i32
    %add3A_111 = vector.broadcast %add3A_110 : i32 to vector<32x16x128xi32>
    %add3A_112 = arith.addi %add3A_101, %add3A_111 : vector<32x16x128xi32>
    %add3A_113 = arith.constant 0 : i32
    %add3A_114 = vector.broadcast %add3A_113 : i32 to vector<32x16x128xi32>
    %add3A_115 = arith.addi %xor3A_109, %add3A_114 : vector<32x16x128xi32>
    %add3A_116 = arith.constant 2 : i32
    %add3A_117 = vector.broadcast %add3A_116 : i32 to vector<32x16x128xi32>
    %add3A_118 = arith.addi %add3A_115, %add3A_117 : vector<32x16x128xi32>
    %add3A_119 = arith.addi %add3A_112, %add3A_118 : vector<32x16x128xi32>
    %shift_left3A_120 = arith.constant 13 : i32
    %shift_left3A_121 = vector.broadcast %shift_left3A_120 : i32 to vector<32x16x128xi32>
    %shift_left3A_122 = arith.shli %add3A_118, %shift_left3A_121 : vector<32x16x128xi32>
    %shift_right_logical3A_123 = arith.constant 19 : i32
    %shift_right_logical3A_124 = vector.broadcast %shift_right_logical3A_123 : i32 to vector<32x16x128xi32>
    %shift_right_logical3A_125 = arith.shrui %add3A_118, %shift_right_logical3A_124 : vector<32x16x128xi32>
    %or3A_126 = arith.ori %shift_left3A_122, %shift_right_logical3A_125 : vector<32x16x128xi32>
    %xor3A_127 = arith.xori %add3A_119, %or3A_126 : vector<32x16x128xi32>
    %add3A_128 = arith.addi %add3A_119, %xor3A_127 : vector<32x16x128xi32>
    %shift_left3A_129 = arith.constant 15 : i32
    %shift_left3A_130 = vector.broadcast %shift_left3A_129 : i32 to vector<32x16x128xi32>
    %shift_left3A_131 = arith.shli %xor3A_127, %shift_left3A_130 : vector<32x16x128xi32>
    %shift_right_logical3A_132 = arith.constant 17 : i32
    %shift_right_logical3A_133 = vector.broadcast %shift_right_logical3A_132 : i32 to vector<32x16x128xi32>
    %shift_right_logical3A_134 = arith.shrui %xor3A_127, %shift_right_logical3A_133 : vector<32x16x128xi32>
    %or3A_135 = arith.ori %shift_left3A_131, %shift_right_logical3A_134 : vector<32x16x128xi32>
    %xor3A_136 = arith.xori %add3A_128, %or3A_135 : vector<32x16x128xi32>
    %add3A_137 = arith.addi %add3A_128, %xor3A_136 : vector<32x16x128xi32>
    %shift_left3A_138 = arith.constant 26 : i32
    %shift_left3A_139 = vector.broadcast %shift_left3A_138 : i32 to vector<32x16x128xi32>
    %shift_left3A_140 = arith.shli %xor3A_136, %shift_left3A_139 : vector<32x16x128xi32>
    %shift_right_logical3A_141 = arith.constant 6 : i32
    %shift_right_logical3A_142 = vector.broadcast %shift_right_logical3A_141 : i32 to vector<32x16x128xi32>
    %shift_right_logical3A_143 = arith.shrui %xor3A_136, %shift_right_logical3A_142 : vector<32x16x128xi32>
    %or3A_144 = arith.ori %shift_left3A_140, %shift_right_logical3A_143 : vector<32x16x128xi32>
    %xor3A_145 = arith.xori %add3A_137, %or3A_144 : vector<32x16x128xi32>
    %add3A_146 = arith.addi %add3A_137, %xor3A_145 : vector<32x16x128xi32>
    %shift_left3A_147 = arith.constant 6 : i32
    %shift_left3A_148 = vector.broadcast %shift_left3A_147 : i32 to vector<32x16x128xi32>
    %shift_left3A_149 = arith.shli %xor3A_145, %shift_left3A_148 : vector<32x16x128xi32>
    %shift_right_logical3A_150 = arith.constant 26 : i32
    %shift_right_logical3A_151 = vector.broadcast %shift_right_logical3A_150 : i32 to vector<32x16x128xi32>
    %shift_right_logical3A_152 = arith.shrui %xor3A_145, %shift_right_logical3A_151 : vector<32x16x128xi32>
    %or3A_153 = arith.ori %shift_left3A_149, %shift_right_logical3A_152 : vector<32x16x128xi32>
    %xor3A_154 = arith.xori %add3A_146, %or3A_153 : vector<32x16x128xi32>
    %add3A_155 = arith.constant 0 : i32
    %add3A_156 = vector.broadcast %add3A_155 : i32 to vector<32x16x128xi32>
    %add3A_157 = arith.addi %add3A_146, %add3A_156 : vector<32x16x128xi32>
    %add3A_158 = arith.constant 42 : i32
    %add3A_159 = vector.broadcast %add3A_158 : i32 to vector<32x16x128xi32>
    %add3A_160 = arith.addi %xor3A_154, %add3A_159 : vector<32x16x128xi32>
    %add3A_161 = arith.constant 3 : i32
    %add3A_162 = vector.broadcast %add3A_161 : i32 to vector<32x16x128xi32>
    %add3A_163 = arith.addi %add3A_160, %add3A_162 : vector<32x16x128xi32>
    %add3A_164 = arith.addi %add3A_157, %add3A_163 : vector<32x16x128xi32>
    %shift_left3A_165 = arith.constant 17 : i32
    %shift_left3A_166 = vector.broadcast %shift_left3A_165 : i32 to vector<32x16x128xi32>
    %shift_left3A_167 = arith.shli %add3A_163, %shift_left3A_166 : vector<32x16x128xi32>
    %shift_right_logical3A_168 = arith.constant 15 : i32
    %shift_right_logical3A_169 = vector.broadcast %shift_right_logical3A_168 : i32 to vector<32x16x128xi32>
    %shift_right_logical3A_170 = arith.shrui %add3A_163, %shift_right_logical3A_169 : vector<32x16x128xi32>
    %or3A_171 = arith.ori %shift_left3A_167, %shift_right_logical3A_170 : vector<32x16x128xi32>
    %xor3A_172 = arith.xori %add3A_164, %or3A_171 : vector<32x16x128xi32>
    %add3A_173 = arith.addi %add3A_164, %xor3A_172 : vector<32x16x128xi32>
    %shift_left3A_174 = arith.constant 29 : i32
    %shift_left3A_175 = vector.broadcast %shift_left3A_174 : i32 to vector<32x16x128xi32>
    %shift_left3A_176 = arith.shli %xor3A_172, %shift_left3A_175 : vector<32x16x128xi32>
    %shift_right_logical3A_177 = arith.constant 3 : i32
    %shift_right_logical3A_178 = vector.broadcast %shift_right_logical3A_177 : i32 to vector<32x16x128xi32>
    %shift_right_logical3A_179 = arith.shrui %xor3A_172, %shift_right_logical3A_178 : vector<32x16x128xi32>
    %or3A_180 = arith.ori %shift_left3A_176, %shift_right_logical3A_179 : vector<32x16x128xi32>
    %xor3A_181 = arith.xori %add3A_173, %or3A_180 : vector<32x16x128xi32>
    %add3A_182 = arith.addi %add3A_173, %xor3A_181 : vector<32x16x128xi32>
    %shift_left3A_183 = arith.constant 16 : i32
    %shift_left3A_184 = vector.broadcast %shift_left3A_183 : i32 to vector<32x16x128xi32>
    %shift_left3A_185 = arith.shli %xor3A_181, %shift_left3A_184 : vector<32x16x128xi32>
    %shift_right_logical3A_186 = arith.constant 16 : i32
    %shift_right_logical3A_187 = vector.broadcast %shift_right_logical3A_186 : i32 to vector<32x16x128xi32>
    %shift_right_logical3A_188 = arith.shrui %xor3A_181, %shift_right_logical3A_187 : vector<32x16x128xi32>
    %or3A_189 = arith.ori %shift_left3A_185, %shift_right_logical3A_188 : vector<32x16x128xi32>
    %xor3A_190 = arith.xori %add3A_182, %or3A_189 : vector<32x16x128xi32>
    %add3A_191 = arith.addi %add3A_182, %xor3A_190 : vector<32x16x128xi32>
    %shift_left3A_192 = arith.constant 24 : i32
    %shift_left3A_193 = vector.broadcast %shift_left3A_192 : i32 to vector<32x16x128xi32>
    %shift_left3A_194 = arith.shli %xor3A_190, %shift_left3A_193 : vector<32x16x128xi32>
    %shift_right_logical3A_195 = arith.constant 8 : i32
    %shift_right_logical3A_196 = vector.broadcast %shift_right_logical3A_195 : i32 to vector<32x16x128xi32>
    %shift_right_logical3A_197 = arith.shrui %xor3A_190, %shift_right_logical3A_196 : vector<32x16x128xi32>
    %or3A_198 = arith.ori %shift_left3A_194, %shift_right_logical3A_197 : vector<32x16x128xi32>
    %xor3A_199 = arith.xori %add3A_191, %or3A_198 : vector<32x16x128xi32>
    %add3A_200 = arith.constant 42 : i32
    %add3A_201 = vector.broadcast %add3A_200 : i32 to vector<32x16x128xi32>
    %add3A_202 = arith.addi %add3A_191, %add3A_201 : vector<32x16x128xi32>
    %add3A_203 = arith.constant 466689008 : i32
    %add3A_204 = vector.broadcast %add3A_203 : i32 to vector<32x16x128xi32>
    %add3A_205 = arith.addi %xor3A_199, %add3A_204 : vector<32x16x128xi32>
    %add3A_206 = arith.constant 4 : i32
    %add3A_207 = vector.broadcast %add3A_206 : i32 to vector<32x16x128xi32>
    %add3A_208 = arith.addi %add3A_205, %add3A_207 : vector<32x16x128xi32>
    %add3A_209 = arith.addi %add3A_202, %add3A_208 : vector<32x16x128xi32>
    %shift_left3A_210 = arith.constant 13 : i32
    %shift_left3A_211 = vector.broadcast %shift_left3A_210 : i32 to vector<32x16x128xi32>
    %shift_left3A_212 = arith.shli %add3A_208, %shift_left3A_211 : vector<32x16x128xi32>
    %shift_right_logical3A_213 = arith.constant 19 : i32
    %shift_right_logical3A_214 = vector.broadcast %shift_right_logical3A_213 : i32 to vector<32x16x128xi32>
    %shift_right_logical3A_215 = arith.shrui %add3A_208, %shift_right_logical3A_214 : vector<32x16x128xi32>
    %or3A_216 = arith.ori %shift_left3A_212, %shift_right_logical3A_215 : vector<32x16x128xi32>
    %xor3A_217 = arith.xori %add3A_209, %or3A_216 : vector<32x16x128xi32>
    %add3A_218 = arith.addi %add3A_209, %xor3A_217 : vector<32x16x128xi32>
    %shift_left3A_219 = arith.constant 15 : i32
    %shift_left3A_220 = vector.broadcast %shift_left3A_219 : i32 to vector<32x16x128xi32>
    %shift_left3A_221 = arith.shli %xor3A_217, %shift_left3A_220 : vector<32x16x128xi32>
    %shift_right_logical3A_222 = arith.constant 17 : i32
    %shift_right_logical3A_223 = vector.broadcast %shift_right_logical3A_222 : i32 to vector<32x16x128xi32>
    %shift_right_logical3A_224 = arith.shrui %xor3A_217, %shift_right_logical3A_223 : vector<32x16x128xi32>
    %or3A_225 = arith.ori %shift_left3A_221, %shift_right_logical3A_224 : vector<32x16x128xi32>
    %xor3A_226 = arith.xori %add3A_218, %or3A_225 : vector<32x16x128xi32>
    %add3A_227 = arith.addi %add3A_218, %xor3A_226 : vector<32x16x128xi32>
    %shift_left3A_228 = arith.constant 26 : i32
    %shift_left3A_229 = vector.broadcast %shift_left3A_228 : i32 to vector<32x16x128xi32>
    %shift_left3A_230 = arith.shli %xor3A_226, %shift_left3A_229 : vector<32x16x128xi32>
    %shift_right_logical3A_231 = arith.constant 6 : i32
    %shift_right_logical3A_232 = vector.broadcast %shift_right_logical3A_231 : i32 to vector<32x16x128xi32>
    %shift_right_logical3A_233 = arith.shrui %xor3A_226, %shift_right_logical3A_232 : vector<32x16x128xi32>
    %or3A_234 = arith.ori %shift_left3A_230, %shift_right_logical3A_233 : vector<32x16x128xi32>
    %xor3A_235 = arith.xori %add3A_227, %or3A_234 : vector<32x16x128xi32>
    %add3A_236 = arith.addi %add3A_227, %xor3A_235 : vector<32x16x128xi32>
    %shift_left3A_237 = arith.constant 6 : i32
    %shift_left3A_238 = vector.broadcast %shift_left3A_237 : i32 to vector<32x16x128xi32>
    %shift_left3A_239 = arith.shli %xor3A_235, %shift_left3A_238 : vector<32x16x128xi32>
    %shift_right_logical3A_240 = arith.constant 26 : i32
    %shift_right_logical3A_241 = vector.broadcast %shift_right_logical3A_240 : i32 to vector<32x16x128xi32>
    %shift_right_logical3A_242 = arith.shrui %xor3A_235, %shift_right_logical3A_241 : vector<32x16x128xi32>
    %or3A_243 = arith.ori %shift_left3A_239, %shift_right_logical3A_242 : vector<32x16x128xi32>
    %xor3A_244 = arith.xori %add3A_236, %or3A_243 : vector<32x16x128xi32>
    %add3A_245 = arith.constant 466689008 : i32
    %add3A_246 = vector.broadcast %add3A_245 : i32 to vector<32x16x128xi32>
    %add3A_247 = arith.addi %add3A_236, %add3A_246 : vector<32x16x128xi32>
    %add3A_248 = arith.constant 0 : i32
    %add3A_249 = vector.broadcast %add3A_248 : i32 to vector<32x16x128xi32>
    %add3A_250 = arith.addi %xor3A_244, %add3A_249 : vector<32x16x128xi32>
    %add3A_251 = arith.constant 5 : i32
    %add3A_252 = vector.broadcast %add3A_251 : i32 to vector<32x16x128xi32>
    %add3A_253 = arith.addi %add3A_250, %add3A_252 : vector<32x16x128xi32>
    %xor3A_254 = arith.xori %add3A_247, %add3A_253 : vector<32x16x128xi32>
    %shift_right_logical3A_255 = arith.constant 9 : i32
    %shift_right_logical3A_256 = vector.broadcast %shift_right_logical3A_255 : i32 to vector<32x16x128xi32>
    %shift_right_logical3A_257 = arith.shrui %xor3A_254, %shift_right_logical3A_256 : vector<32x16x128xi32>
    %or3A_258 = arith.constant 1065353216 : i32
    %or3A_259 = vector.broadcast %or3A_258 : i32 to vector<32x16x128xi32>
    %or3A_260 = arith.ori %shift_right_logical3A_257, %or3A_259 : vector<32x16x128xi32>
    %bitcast_convert_type3A = tpu.bitcast %or3A_260 : vector<32x16x128xi32> -> vector<32x16x128xf32>
    %sub3A_261 = arith.constant 1.000000e+00 : f32
    %sub3A_262 = vector.broadcast %sub3A_261 : f32 to vector<32x16x128xf32>
    %sub3A_263 = arith.subf %bitcast_convert_type3A, %sub3A_262 : vector<32x16x128xf32>
    %mul3A_264 = arith.constant 1.000000e+00 : f32
    %mul3A_265 = vector.broadcast %mul3A_264 : f32 to vector<32x16x128xf32>
    %mul3A_266 = arith.mulf %sub3A_263, %mul3A_265 : vector<32x16x128xf32>
    %add3A_267 = arith.constant 1.17549435E-38 : f32
    %add3A_268 = vector.broadcast %add3A_267 : f32 to vector<32x16x128xf32>
    %add3A_269 = arith.addf %mul3A_266, %add3A_268 : vector<32x16x128xf32>
    %max3A = arith.constant 1.17549435E-38 : f32
    %max3A_270 = vector.broadcast %max3A : f32 to vector<32x16x128xf32>
    %max3A_271 = arith.maximumf %max3A_270, %add3A_269 : vector<32x16x128xf32>
    %log3A_272 = math.log %max3A_271 : vector<32x16x128xf32>
    %neg3A = arith.constant 0.000000e+00 : f32
    %neg3A_273 = vector.broadcast %neg3A : f32 to vector<32x16x128xf32>
    %neg3A_274 = arith.subf %neg3A_273, %log3A_272 : vector<32x16x128xf32>
    %log3A_275 = math.log %neg3A_274 : vector<32x16x128xf32>
    %neg3A_276 = arith.constant 0.000000e+00 : f32
    %neg3A_277 = vector.broadcast %neg3A_276 : f32 to vector<32x16x128xf32>
    %neg3A_278 = arith.subf %neg3A_277, %log3A_275 : vector<32x16x128xf32>
    %add3A_279 = arith.addf %log3A, %neg3A_278 : vector<32x16x128xf32>
    %reduce_max3A_280 = arith.constant dense<0xFF800000> : vector<32x16xf32>
    %reduce_max3A_281 = vector.multi_reduction <maximumf>, %add3A_279, %reduce_max3A_280 [2] : vector<32x16x128xf32> to vector<32x16xf32>
    %broadcast_in_dim3A_282 = vector.shape_cast %reduce_max3A_281 : vector<32x16xf32> to vector<32x16x1xf32>
    %eq3A = vector.broadcast %broadcast_in_dim3A_282 : vector<32x16x1xf32> to vector<32x16x128xf32>
    %eq3A_283 = arith.cmpf oeq, %add3A_279, %eq3A : vector<32x16x128xf32>
    %jit3A = arith.constant 128 : i32
    %broadcast_in_dim3A_284 = vector.broadcast %jit3A : i32 to vector<32x16x128xi32>
    %select_n3A = arith.select %eq3A_283, %iota3A_17, %broadcast_in_dim3A_284 : vector<32x16x128xi1>, vector<32x16x128xi32>
    %reduce_min3A = arith.constant dense<2147483647> : vector<32x16xi32>
    %reduce_min3A_285 = vector.multi_reduction <minsi>, %select_n3A, %reduce_min3A [2] : vector<32x16x128xi32> to vector<32x16xi32>
    %iota3A_286 = tpu.iota {dimensions = array<i32: 1>} : vector<32x16xi32>
    %lt3A = arith.constant 10 : i32
    %lt3A_287 = vector.broadcast %lt3A : i32 to vector<32x16xi32>
    %lt3A_288 = arith.cmpi slt, %iota3A_286, %lt3A_287 : vector<32x16xi32>
    %jit3A_289 = arith.constant 0 : i32
    %broadcast_in_dim3A_290 = vector.broadcast %jit3A_289 : i32 to vector<32x16xi32>
    %select_n3A_291 = arith.select %lt3A_288, %reduce_min3A_285, %broadcast_in_dim3A_290 : vector<32x16xi1>, vector<32x16xi32>
    %broadcast_in_dim3A_292 = arith.constant 0 : i32
    %broadcast_in_dim3A_293 = vector.broadcast %broadcast_in_dim3A_292 : i32 to vector<32x2032xi32>
    %concatenate3A = tpu.concatenate %select_n3A_291, %broadcast_in_dim3A_293 in 1 : vector<32x16xi32>, vector<32x2032xi32> -> vector<32x2048xi32>
    %swap3A = arith.constant 0 : index
    %swap3A_294 = arith.constant 0 : index
    %swap3A_295 = vector.load %arg2[%swap3A, %swap3A_294] : memref<32x2048xi32, #tpu.memory_space<vmem>>, vector<32x2048xi32>
    tpu.vector_store %arg2[%swap3A, %swap3A_294], %concatenate3A {strides = array<i32>} : memref<32x2048xi32, #tpu.memory_space<vmem>>, vector<32x2048xi32>,
    return
  }
}

</mosaic_0001>

<sc_bundles>
// kernel: kernel.4.cloned.1.call-start
scs
__scs_entry_jumppad:
0x0: {  	(pc) =	sbr.rel $0x88, $3  }
0x1: {  	(tag) =	ssettag $0x0;
	lr =	simm.s32 $0x1  }
0x2: {  	[smem:$0x3F9E] =	sst lr;
	_ =	strace $0xD0000000  }
0x3: {  	_ = 	snop  }
0x4: {  	_ = 	snop  }
0x5: {  	_ = 	snop  }
0x6: {  	_ = 	snop  }
0x7: {  	_ = 	snop  }
__scs_overlays_trampoline_lowered:
0x8: {  	[smem:$0x3FAD] =	sst s0  }
0x9: {  	[smem:$0x3FAE] =	sst s1  }
0xa: {  	[smem:$0x3FAF] =	sst s2  }
0xb: {  	[smem:$0x3FB0] =	sst s3  }
0xc: {  	[smem:$0x3FB1] =	sst s4  }
0xd: {  	[smem:$0x3FB2] =	sst s5  }
0xe: {  	[smem:$0x3FB3] =	sst s6  }
0xf: {  	[smem:$0x3FB4] =	sst s7  }
0x10: {  	[smem:$0x3FB5] =	sst s8  }
0x11: {  	[smem:$0x3FB6] =	sst s9;
	s0 =	simm.s32 @!p0 $0x0  }
0x12: {  	s1 =	sld [smem:$0x3F9C];
	s0 =	simm.s32 @p0 $0x1  }
0x13: {  	[smem:$0x3FB7] =	sst s0;
	s0 =	simm.s32 @!p1 $0x0  }
0x14: {  	s2 =	sld [smem:$0x3F9B];
	s0 =	simm.s32 @p1 $0x1  }
0x15: {  	[smem:$0x3FB8] =	sst s0;
	s0 =	simm.s32 @!p2 $0x0  }
0x16: {  	s3 =	sld [smem:$0x3FDB];
	s0 =	simm.s32 @p2 $0x1  }
0x17: {  	s4 =	simm.s32 $0x1BF5;
	[smem:$0x3FBA] =	sst s0  }
0x18: {  	s0 =	sld [smem:$0x3F9D];
	_ =	swait.ge [sflag:s4], $0x0  }
0x19: {  	s7 =	sld [smem:$0x3F9E]  }
0x1a: {  	s8 =	sadd.s32 $0xFFFFE003, lr  }
0x1b: {  	s9 =	sadd.s32 $0xFFFFFEF7, lr;
	s5 =	simm.s32 $0xFFFFFFFF;
	p2 =	slt.u32 s8, $0xFFFFF086  }
0x1c: {  	p1 =	slt.u32 s9, $0xF7A;
	s5 =	simm.s32 @!p2 $0x0  }
0x1d: {  	s5 =	simm.s32 @p1 $0x1;
	p0 =	seq.s32 s7, s2  }
0x1e: {  	s7 =	smul.u32 @!p0 $0xF7A, s2;
	p2 =	seq.s32 @!p0 s5, $0x0  }
0x1f: {  	s9 =	smul.u32 $0xF7A, s1;
	s8 =	simm.s32 @!p0 $0x1BF5;
	p2 =	por !p2, p0  }
0x20: {  	[sflag:s8] =	ssyncset.s32 @!p0 $0xFFFFF086;
	s6 =	sadd.s32 @!p0 s3, s7;
	s7 =	simm.s32 @!p0 $0x108  }
0x21: {  	s3 =	sadd.s32 s3, s9;
	s6 =	sadd.s32 @!p0 $0x88, s6;
	s7 =	simm.s32 @p2 $0x1082  }
0x22: {  	[simem:s7], [sflag:s8] =	dma.local @!p0 [hbm:s6], $0xF7A  }
0x23: {  	s9 =	sor.u32 $0xD0000000, s2;
	s6 =	simm.s32 $0x108;
	_ =	swait.ge @!p0 [sflag:s8], $0x0  }
0x24: {  	s3 =	sadd.s32 $0x88, s3;
	s6 =	simm.s32 @!p1 $0x1082;
	[sflag:s4] =	ssyncset.s32 $0xFFFFF086  }
0x25: {  	[simem:s6], [sflag:s4] =	dma.local [hbm:s3], $0xF7A  }
0x26: {  	[smem:$0x3F9E] =	sst s1;
	(tag) =	ssettag s2;
	_ =	strace s9  }
0x27: {  	s1 =	sld [smem:$0x3FAE]  }
0x28: {  	s2 =	sld [smem:$0x3FAF]  }
0x29: {  	s4 =	sld [smem:$0x3FB1]  }
0x2a: {  	p0 =	seq.s32 s5, $0x0;
	s5 =	sld [smem:$0x3FB2]  }
0x2b: {  	s6 =	sld [smem:$0x3FB3]  }
0x2c: {  	s7 =	sld [smem:$0x3FB4]  }
0x2d: {  	s3 =	simm.s32 $0x108;
	s8 =	sld [smem:$0x3FB5]  }
0x2e: {  	s3 =	simm.s32 @!p0 $0x1082;
	s9 =	sld [smem:$0x3FB6]  }
0x2f: {  	lr =	sadd.s32 s0, s3;
	s0 =	sld [smem:$0x3FAD]  }
0x30: {  	s3 =	sld [smem:$0x3FB0]  }
0x31: {  	[smem:$0x3FB9] =	sst s10  }
0x32: {  	s10 =	sld [smem:$0x3FB7];
	_ =	sdelay $0x3  }
0x33: {  	p0 =	seq.s32 s10, $0x1;
	s10 =	sld [smem:$0x3FB9];
	_ =	sdelay $0x3  }
0x34: {  	[smem:$0x3FB9] =	sst s10  }
0x35: {  	s10 =	sld [smem:$0x3FB8];
	_ =	sdelay $0x3  }
0x36: {  	p1 =	seq.s32 s10, $0x1;
	s10 =	sld [smem:$0x3FB9];
	_ =	sdelay $0x3  }
0x37: {  	[smem:$0x3FB9] =	sst s10  }
0x38: {  	s10 =	sld [smem:$0x3FBA]  }
0x39: {  	_ = 	snop;
	(pc) =	sbr.ind lr, $3  }
0x3a: {  	_ = 	snop  }
0x3b: {  	_ = 	snop  }
0x3c: {  	p2 =	seq.s32 s10, $0x1;
	s10 =	sld [smem:$0x3FB9]  }
0x3d: {  	_ =	shalt  }
0x3e: {  	_ =	shalt  }
0x3f: {  	_ =	shalt  }
0x40: {  	_ =	shalt  }
0x41: {  	_ =	shalt  }
0x42: {  	_ =	shalt  }
0x43: {  	_ =	shalt  }
0x44: {  	_ =	shalt  }
0x45: {  	_ =	shalt  }
0x46: {  	_ =	shalt  }
0x47: {  	_ =	shalt  }
0x48: {  	_ =	shalt  }
0x49: {  	_ =	shalt  }
0x4a: {  	_ =	shalt  }
0x4b: {  	_ =	shalt  }
0x4c: {  	_ =	shalt  }
0x4d: {  	_ =	shalt  }
0x4e: {  	_ =	shalt  }
0x4f: {  	_ =	shalt  }
0x50: {  	_ =	shalt  }
0x51: {  	_ =	shalt  }
0x52: {  	_ =	shalt  }
0x53: {  	_ =	shalt  }
0x54: {  	_ =	shalt  }
0x55: {  	_ =	shalt  }
0x56: {  	_ =	shalt  }
0x57: {  	_ =	shalt  }
0x58: {  	_ =	shalt  }
0x59: {  	_ =	shalt  }
0x5a: {  	_ =	shalt  }
0x5b: {  	_ =	shalt  }
0x5c: {  	_ =	shalt  }
0x5d: {  	_ =	shalt  }
0x5e: {  	_ =	shalt  }
0x5f: {  	_ =	shalt  }
0x60: {  	_ =	shalt  }
0x61: {  	_ =	shalt  }
0x62: {  	_ =	shalt  }
0x63: {  	_ =	shalt  }
0x64: {  	_ =	shalt  }
0x65: {  	_ =	shalt  }
0x66: {  	_ =	shalt  }
0x67: {  	_ =	shalt  }
0x68: {  	_ =	shalt  }
0x69: {  	_ =	shalt  }
0x6a: {  	_ =	shalt  }
0x6b: {  	_ =	shalt  }
0x6c: {  	_ =	shalt  }
0x6d: {  	_ =	shalt  }
0x6e: {  	_ =	shalt  }
0x6f: {  	_ =	shalt  }
0x70: {  	_ =	shalt  }
0x71: {  	_ =	shalt  }
0x72: {  	_ =	shalt  }
0x73: {  	_ =	shalt  }
0x74: {  	_ =	shalt  }
0x75: {  	_ =	shalt  }
0x76: {  	_ =	shalt  }
0x77: {  	_ =	shalt  }
0x78: {  	_ =	shalt  }
0x79: {  	_ =	shalt  }
0x7a: {  	_ =	shalt  }
0x7b: {  	_ =	shalt  }
0x7c: {  	_ =	shalt  }
0x7d: {  	_ =	shalt  }
0x7e: {  	_ =	shalt  }
0x7f: {  	_ =	shalt  }
0x80: {  	_ =	shalt  }
0x81: {  	_ =	shalt  }
0x82: {  	_ =	shalt  }
0x83: {  	_ =	shalt  }
0x84: {  	_ =	shalt  }
0x85: {  	_ =	shalt  }
0x86: {  	_ =	shalt  }
0x87: {  	_ =	shalt  }
.Lfunc_end0:
.L_simem_size_0:
called_computation_lowered:
.L_overlay_start_0:
0x88: {  	s0 =	sld [smem:$0x3FD9]  }
0x89: {  	s1 =	sld [smem:$0x3FFE];
	_ =	sdelay $0x3  }
0x8a: {  	s0 =	sadd.s32 s1, s0  }
0x8b: {  	[smem:$0x3FC5] =	sst s0  }
0x8c: {  	_ = 	snop  }
0x8d: {  	s0 =	sld [smem:$0x3FD0];
	(tm) =	ssettm $0x1  }
0x8e: {  	s16 =	sld [smem:$0x3FFB];
	_ =	sdelay $0x3  }
0x8f: {  	_ =	strace s16  }
0x90: {  	s1 =	sld [smem:$0x3FFC];
	_ =	sdelay $0x3  }
0x91: {  	_ =	strace s1  }
0x92: {  	s1 =	sld [smem:$0x3FFD];
	_ =	sdelay $0x3  }
0x93: {  	_ =	strace s1  }
0x94: {  	_ =	strace $0x8FFFFFFF  }
0x95: {  	s17 =	sld [smem:$0x3FDB];
	_ =	sdelay $0x1  }
0x96: {  	s2 =	simm.s32 $_scs_section_size  }
0x97: {  	s3 =	simm.s32 $_size__tile_overlayer_lowered;
	s4 =	simm.s32 $_tile_overlayer_lowered  }
0x98: {  	s20 =	simm.s32 $0x1BFF;
	s19 =	sshll.u32 s4, $0x1;
	s1 =	sadd.s32 s2, s17  }
0x99: {  	s5 =	simm.s32 $0x0;
	s18 =	sshll.u32 s3, $0x1;
	s3 =	sadd.s32 s19, s1  }
0x9a: {  	[timem:s5], [sflag:s20] =	dma.local [hbm:s3], s18  }
0x9b: {  	_ =	swait.ge [sflag:s20], s18  }
0x9c: {  	s2 =	ssub.s32 $0x0, s18;
	[sflag:s20] =	ssyncset.done $0x0  }
0x9d: {  	[sflag:s20] =	ssyncadd.s32 s2;
	_ =	sdelay $0x1  }
0x9e: {  	s21 =	simm.s32 $0x1B8B  }
0x9f: {  	_ =	swait.ge [sflag:s21], $0x1  }
0xa0: {  	[sflag:s21] =	ssyncset.done $0x0  }
0xa1: {  	s23 =	simm.s32 $0x1B8E;
	s22 =	sld [smem:$0x3FFE];
	[sflag:s21] =	ssyncadd.s32 $0xFFFFFFFF  }
0xa2: {  	s24 =	simm.s32 $execute0_lowered;
	[smem:$0x3FD2] =	sst s23  }
0xa3: {  	s3 =	sshll.u32 s24, $0x1;
	_ =	strace $0x80000046;
	[dreg:$0x1] =	wrdreg $0xFFFFFFFF  }
0xa4: {  	s25 =	simm.s32 $_size_execute0_lowered;
	s1 =	sadd.s32 s1, s3;
	[dreg:$0x0] =	wrdreg $0x0  }
0xa5: {  	s3 =	sshll.u32 s25, $0x1;
	[dreg:$0x2] =	wrdreg s1  }
0xa6: {  	[dreg:$0x3] =	wrdreg s3  }
0xa7: {  	[dreg:$0x4] =	wrdreg $0xC0  }
0xa8: {  	_ =	task [dreg:s5], $0x5FFFF  }
0xa9: {  	[dreg:$0x1] =	wrdreg $0xFFFFFFFF  }
0xaa: {  	[dreg:$0x0] =	wrdreg $0x60  }
0xab: {  	[dreg:$0x2] =	wrdreg s22  }
0xac: {  	[dreg:$0x3] =	wrdreg s0  }
0xad: {  	[dreg:$0x4] =	wrdreg $0x9  }
0xae: {  	_ =	task.clear_ibuf [dreg:s5], $0x5FFFF;
	_ =	strace $0x90000046  }
0xaf: {  	s26 =	simm.s32 $0x9;
	_ =	strace $0x80000048  }
0xb0: {  	_ =	swait.ge [sflag:s26], $0x1  }
0xb1: {  	[sflag:s26] =	ssyncadd.s32 $0xFFFFFFFF  }
0xb2: {  	_ =	strace $0x90000048  }
0xb3: {  	_ =	sfence  }
0xb4: {  	s28 =	sld [smem:$0x0];
	_ =	sdelay $0x1  }
0xb5: {  	s29 =	srdreg.scid  }
0xb6: {  	s30 =	sshll.u32 s29, $0xD;
	s31 =	sshrl.u32 s29, $0x2  }
0xb7: {  	s2 =	sand.u32 $0x4000, s30;
	s1 =	sand.u32 $0x1, s29;
	s0 =	sadd.s32 s31, s28  }
0xb8: {  	s1 =	sor.u32 s2, s1;
	s0 =	sshll.u32 s0, $0x11  }
0xb9: {  	s0 =	sor.u32 s0, s1  }
0xba: {  	s0 =	sadd.s32 $0x8F2B, s0  }
0xbb: {  	[sflag:s0] =	ssyncadd.remote.s32 $0x1  }
0xbc: {  	_ =	sfence.sel $0xFFFF  }
0xbd: {  	[dreg:$0x0] =	wrdreg $0xFFFFFFFF;
	(pc) =	sbr.abs _section_cstart, $3  }
0xbe: {  	[dreg:$0x1] =	wrdreg $0xFFFFFFFF  }
0xbf: {  	_ =	task.clear_ibuf [dreg:s5], $0x2FFFF;
	_ =	strace $0x9FFFFFFF  }
0xc0: {  	(tm) =	ssettm $0x7FFFFFFF  }
0xc1: {  	_ =	shalt  }
tec
execute0_lowered:
.L_overlay_start_1:
0x0: {  	(tag) =	ssettag $0x1  }
0x1: {  	s5 =	rddreg [dreg:$0x0]  }
0x2: {  	s2 =	rddreg [dreg:$0x1];
	s1 =	stileid.u32  }
0x3: {  	s0 =	rddreg [dreg:$0x2];
	s3 =	simm.s32 $0x0;
	s4 =	sshll.u32 s1, $0x4  }
0x4: {  	[smem:$0x7FF] =	sst s3;
	s4 =	sadd.s32 s4, s5  }
0x5: {  	s25 =	simm.s32 $0x2;
	_ =	strace $0x80000047;
	s4 =	sadd.s32 $0xA00, s4  }
0x6: {  	[tilespmem:s3], [sflag:$0x2] =	stream.linear.gather [hbm4b:s4+s3], $0x80, $0x38;
	[tilespmem:$0x3300] =	vst v63  }
0x7: {  	_ =	swait.ge [sflag:s25], $0x80  }
0x8: {  	[sflag:s25] =	ssyncset.done $0x0  }
0x9: {  	s7 =	simm.s32 $0x80;
	s6 =	sadd.s32 $0xC800, s5;
	[sflag:s25] =	ssyncadd.s32 $0xFFFFFF80  }
0xa: {  	[tilespmem:s7], [sflag:$0x2] =	stream.linear.gather [hbm4b:s6+s3], $0x180, $0x38;
	[tilespmem:$0x3300] =	vst v63  }
0xb: {  	_ =	swait.ge [sflag:s25], $0x180  }
0xc: {  	[sflag:s25] =	ssyncset.done $0x0  }
0xd: {  	[sflag:s25] =	ssyncadd.s32 $0xFFFFFE80  }
0xe: {  	v0 =	vld [tilespmem:$0x80];
	_ =	sdelay $0x6  }
0xf: {  	v1 =	vld [tilespmem:$0x180]  }
0x10: {  	v0 =	vld.idx.msk [tilespmem:v0+s3+$0x0], $0xffff  }
0x11: {  	v2 =	vld [tilespmem:$0x90]  }
0x12: {  	v3 =	vld [tilespmem:$0x100];
	_ =	sdelay $0x2  }
0x13: {  	v0 =	vmul.u32 v0, v1;
	_ =	sdelay $0x1  }
0x14: {  	v0 =	vadd.s32 v3, v0  }
0x15: {  	v53 =	vld [tilespmem:$0x190];
	[tilespmem:$0x280] =	vst v0  }
0x16: {  	v0 =	vld.idx.msk [tilespmem:v2+s3+$0x0], $0xffff  }
0x17: {  	v54 =	vld [tilespmem:$0xA0]  }
0x18: {  	v55 =	vld [tilespmem:$0x110];
	_ =	sdelay $0x2  }
0x19: {  	v0 =	vmul.u32 v0, v53;
	_ =	sdelay $0x1  }
0x1a: {  	v0 =	vadd.s32 v55, v0  }
0x1b: {  	v56 =	vld [tilespmem:$0x1A0];
	[tilespmem:$0x290] =	vst v0  }
0x1c: {  	v0 =	vld.idx.msk [tilespmem:v54+s3+$0x0], $0xffff  }
0x1d: {  	v57 =	vld [tilespmem:$0xB0]  }
0x1e: {  	v58 =	vld [tilespmem:$0x120];
	_ =	sdelay $0x2  }
0x1f: {  	v0 =	vmul.u32 v0, v56;
	_ =	sdelay $0x1  }
0x20: {  	v0 =	vadd.s32 v58, v0  }
0x21: {  	v59 =	vld [tilespmem:$0x1B0];
	[tilespmem:$0x2A0] =	vst v0  }
0x22: {  	v0 =	vld.idx.msk [tilespmem:v57+s3+$0x0], $0xffff;
	_ =	sdelay $0x1  }
0x23: {  	v60 =	vld [tilespmem:$0x130];
	_ =	sdelay $0x2  }
0x24: {  	v0 =	vmul.u32 v0, v59;
	_ =	sdelay $0x1  }
0x25: {  	s26 =	simm.s32 $0x40;
	s28 =	simm.s32 $0x280;
	v0 =	vadd.s32 v60, v0  }
0x26: {  	s8 =	simm.s32 $0x300;
	s29 =	simm.s32 $0x1;
	s5 =	sadd.s32 $0xC00, s5;
	[tilespmem:$0x2B0] =	vst v0  }
0x27: {  	[tilespmem:s8], [sflag:$0x1] =	stream.indirect.gather [hbm4b:s5+s26], $0x80, s28, s26, $0xb8;
	[tilespmem:$0x3300] =	vst v63  }
0x28: {  	_ =	swait.ge [sflag:s29], $0x2000  }
0x29: {  	[sflag:s29] =	ssyncset.done $0x0  }
0x2a: {  	[sflag:s29] =	ssyncadd.s32 $0xFFFFE000  }
0x2b: {  	v49 =	vld [tilespmem:$0x300]  }
0x2c: {  	v6 =	vld [tilespmem:$0x380]  }
0x2d: {  	v14 =	vld [tilespmem:$0x400]  }
0x2e: {  	v4 =	vld [tilespmem:$0x310]  }
0x2f: {  	v0 =	vld [tilespmem:$0x390]  }
0x30: {  	v12 =	vld [tilespmem:$0x410]  }
0x31: {  	v3 =	vld [tilespmem:$0x320]  }
0x32: {  	v1 =	vld [tilespmem:$0x3A0]  }
0x33: {  	v17 =	vld [tilespmem:$0x420]  }
0x34: {  	v5 =	vld [tilespmem:$0x330]  }
0x35: {  	v2 =	vld [tilespmem:$0x3B0]  }
0x36: {  	v20 =	vld [tilespmem:$0x430]  }
0x37: {  	v8 =	vld [tilespmem:$0x340]  }
0x38: {  	v7 =	vld [tilespmem:$0x3C0]  }
0x39: {  	v23 =	vld [tilespmem:$0x440]  }
0x3a: {  	v10 =	vld [tilespmem:$0x350]  }
0x3b: {  	v9 =	vld [tilespmem:$0x3D0]  }
0x3c: {  	v63 =	vld [tilespmem:$0x450]  }
0x3d: {  	v13 =	vld [tilespmem:$0x360]  }
0x3e: {  	v11 =	vld [tilespmem:$0x3E0]  }
0x3f: {  	v53 =	vld [tilespmem:$0x460]  }
0x40: {  	v16 =	vld [tilespmem:$0x370]  }
0x41: {  	v15 =	vld [tilespmem:$0x3F0]  }
0x42: {  	v29 =	vld [tilespmem:$0x470]  }
0x43: {  	v19 =	vld [tilespmem:$0x480]  }
0x44: {  	v18 =	vld [tilespmem:$0x500]  }
0x45: {  	v61 =	vld [tilespmem:$0x660]  }
0x46: {  	v32 =	vld [tilespmem:$0x580]  }
0x47: {  	v22 =	vld [tilespmem:$0x490]  }
0x48: {  	v21 =	vld [tilespmem:$0x510]  }
0x49: {  	v37 =	vld [tilespmem:$0x590]  }
0x4a: {  	[tilespmem:$0x1F540] =	vst v61;
	v61 =	vld [tilespmem:$0x760]  }
0x4b: {  	v26 =	vld [tilespmem:$0x4A0]  }
0x4c: {  	v24 =	vld [tilespmem:$0x520]  }
0x4d: {  	v39 =	vld [tilespmem:$0x5A0]  }
0x4e: {  	v28 =	vld [tilespmem:$0x4B0]  }
0x4f: {  	[tilespmem:$0x1F580] =	vst v61;
	v61 =	vld [tilespmem:$0x670]  }
0x50: {  	v25 =	vld [tilespmem:$0x530]  }
0x51: {  	v43 =	vld [tilespmem:$0x5B0]  }
0x52: {  	v31 =	vld [tilespmem:$0x4C0]  }
0x53: {  	v27 =	vld [tilespmem:$0x540]  }
0x54: {  	[tilespmem:$0x1F560] =	vst v61;
	v61 =	vld [tilespmem:$0x6F0]  }
0x55: {  	v44 =	vld [tilespmem:$0x5C0]  }
0x56: {  	v34 =	vld [tilespmem:$0x4D0]  }
0x57: {  	v30 =	vld [tilespmem:$0x550]  }
0x58: {  	v47 =	vld [tilespmem:$0x5D0]  }
0x59: {  	[tilespmem:$0x1F570] =	vst v61;
	v61 =	vld [tilespmem:$0x770]  }
0x5a: {  	v35 =	vld [tilespmem:$0x4E0]  }
0x5b: {  	v33 =	vld [tilespmem:$0x560]  }
0x5c: {  	v51 =	vld [tilespmem:$0x5E0]  }
0x5d: {  	v40 =	vld [tilespmem:$0x4F0]  }
0x5e: {  	[tilespmem:$0x1F5B0] =	vst v61;
	v61 =	vld [tilespmem:$0x780]  }
0x5f: {  	v36 =	vld [tilespmem:$0x570]  }
0x60: {  	v56 =	vld [tilespmem:$0x5F0]  }
0x61: {  	v41 =	vld [tilespmem:$0x600]  }
0x62: {  	v38 =	vld [tilespmem:$0x680]  }
0x63: {  	[tilespmem:$0x1F590] =	vst v61;
	v61 =	vld [tilespmem:$0x800]  }
0x64: {  	v59 =	vld [tilespmem:$0x700]  }
0x65: {  	v45 =	vld [tilespmem:$0x610]  }
0x66: {  	v42 =	vld [tilespmem:$0x690]  }
0x67: {  	v62 =	vld [tilespmem:$0x710]  }
0x68: {  	[tilespmem:$0x1F5A0] =	vst v61;
	v61 =	vld [tilespmem:$0x880]  }
0x69: {  	v48 =	vld [tilespmem:$0x620]  }
0x6a: {  	v46 =	vld [tilespmem:$0x6A0]  }
0x6b: {  	v50 =	vld [tilespmem:$0x720]  }
0x6c: {  	v52 =	vld [tilespmem:$0x630]  }
0x6d: {  	[tilespmem:$0x1F5E0] =	vst v61;
	v61 =	vld [tilespmem:$0x790]  }
0x6e: {  	v54 =	vld [tilespmem:$0x730]  }
0x6f: {  	v57 =	vld [tilespmem:$0x640]  }
0x70: {  	v55 =	vld [tilespmem:$0x740]  }
0x71: {  	v58 =	vld [tilespmem:$0x750]  }
0x72: {  	[tilespmem:$0x1F5C0] =	vst v61;
	v61 =	vld [tilespmem:$0x810]  }
0x73: {  	v60 =	vld [tilespmem:$0x650];
	[tilespmem:$0x1F510] =	vst v50  }
0x74: {  	v50 =	vld [tilespmem:$0x6B0];
	[tilespmem:$0x1F520] =	vst v54  }
0x75: {  	v54 =	vld [tilespmem:$0x6C0];
	[tilespmem:$0x1F530] =	vst v55  }
0x76: {  	v55 =	vld [tilespmem:$0x6D0];
	[tilespmem:$0x1F550] =	vst v58  }
0x77: {  	v58 =	vld [tilespmem:$0x6E0];
	[tilespmem:$0x1F5D0] =	vst v61  }
0x78: {  	v61 =	vld [tilespmem:$0x890];
	_ =	sdelay $0x4  }
0x79: {  	[tilespmem:$0x1F610] =	vst v61;
	v61 =	vld [tilespmem:$0x7A0];
	_ =	sdelay $0x4  }
0x7a: {  	[tilespmem:$0x1F5F0] =	vst v61;
	v61 =	vld [tilespmem:$0x820];
	_ =	sdelay $0x4  }
0x7b: {  	[tilespmem:$0x1F600] =	vst v61;
	v61 =	vld [tilespmem:$0x8A0];
	_ =	sdelay $0x4  }
0x7c: {  	[tilespmem:$0x1F640] =	vst v61;
	v61 =	vld [tilespmem:$0x7B0];
	_ =	sdelay $0x4  }
0x7d: {  	[tilespmem:$0x1F620] =	vst v61;
	v61 =	vld [tilespmem:$0x830];
	_ =	sdelay $0x4  }
0x7e: {  	[tilespmem:$0x1F630] =	vst v61;
	v61 =	vld [tilespmem:$0x8B0];
	_ =	sdelay $0x4  }
0x7f: {  	[tilespmem:$0x1F670] =	vst v61;
	v61 =	vld [tilespmem:$0x7C0];
	_ =	sdelay $0x4  }
0x80: {  	[tilespmem:$0x1F650] =	vst v61;
	v61 =	vld [tilespmem:$0x840];
	_ =	sdelay $0x4  }
0x81: {  	[tilespmem:$0x1F660] =	vst v61;
	v61 =	vld [tilespmem:$0x8C0];
	_ =	sdelay $0x4  }
0x82: {  	[tilespmem:$0x1F6A0] =	vst v61;
	v61 =	vld [tilespmem:$0x7D0];
	_ =	sdelay $0x4  }
0x83: {  	[tilespmem:$0x1F680] =	vst v61;
	v61 =	vld [tilespmem:$0x850];
	_ =	sdelay $0x4  }
0x84: {  	[tilespmem:$0x1F690] =	vst v61;
	v61 =	vld [tilespmem:$0x8D0];
	_ =	sdelay $0x4  }
0x85: {  	[tilespmem:$0x1F6D0] =	vst v61;
	v61 =	vld [tilespmem:$0x7E0];
	_ =	sdelay $0x4  }
0x86: {  	[tilespmem:$0x1F6B0] =	vst v61;
	v61 =	vld [tilespmem:$0x860];
	_ =	sdelay $0x4  }
0x87: {  	[tilespmem:$0x1F6C0] =	vst v61;
	v61 =	vld [tilespmem:$0x8E0];
	_ =	sdelay $0x4  }
0x88: {  	[tilespmem:$0x1F700] =	vst v61;
	v61 =	vld [tilespmem:$0x7F0];
	_ =	sdelay $0x4  }
0x89: {  	[tilespmem:$0x1F6E0] =	vst v61;
	v61 =	vld [tilespmem:$0x870];
	_ =	sdelay $0x4  }
0x8a: {  	[tilespmem:$0x1F6F0] =	vst v61;
	v61 =	vld [tilespmem:$0x8F0];
	_ =	sdelay $0x4  }
0x8b: {  	[tilespmem:$0x1F730] =	vst v61;
	v61 =	vld [tilespmem:$0x900];
	_ =	sdelay $0x4  }
0x8c: {  	[tilespmem:$0x1F710] =	vst v61;
	v61 =	vld [tilespmem:$0x980];
	_ =	sdelay $0x4  }
0x8d: {  	[tilespmem:$0x1F720] =	vst v61;
	v61 =	vld [tilespmem:$0xA00];
	_ =	sdelay $0x4  }
0x8e: {  	[tilespmem:$0x1F760] =	vst v61;
	v61 =	vld [tilespmem:$0x910];
	_ =	sdelay $0x4  }
0x8f: {  	[tilespmem:$0x1F740] =	vst v61;
	v61 =	vld [tilespmem:$0x990];
	_ =	sdelay $0x4  }
0x90: {  	[tilespmem:$0x1F750] =	vst v61;
	v61 =	vld [tilespmem:$0xA10];
	_ =	sdelay $0x4  }
0x91: {  	[tilespmem:$0x1F790] =	vst v61;
	v61 =	vld [tilespmem:$0x920];
	_ =	sdelay $0x4  }
0x92: {  	[tilespmem:$0x1F770] =	vst v61;
	v61 =	vld [tilespmem:$0x9A0];
	_ =	sdelay $0x4  }
0x93: {  	[tilespmem:$0x1F780] =	vst v61;
	v61 =	vld [tilespmem:$0xA20];
	_ =	sdelay $0x4  }
0x94: {  	[tilespmem:$0x1F7C0] =	vst v61;
	v61 =	vld [tilespmem:$0x930];
	_ =	sdelay $0x4  }
0x95: {  	[tilespmem:$0x1F7A0] =	vst v61;
	v61 =	vld [tilespmem:$0x9B0];
	_ =	sdelay $0x4  }
0x96: {  	[tilespmem:$0x1F7B0] =	vst v61;
	v61 =	vld [tilespmem:$0xA30];
	_ =	sdelay $0x1  }
0x97: {  	v6 =	vadd.f32 v6, v49;
	v0 =	vadd.f32 v0, v4  }
0x98: {  	v1 =	vadd.f32 v1, v3;
	v2 =	vadd.f32 v2, v5  }
0x99: {  	v19 =	vadd.f32 v18, v19;
	v22 =	vadd.f32 v21, v22  }
0x9a: {  	v24 =	vadd.f32 v24, v26;
	v25 =	vadd.f32 v25, v28;
	[tilespmem:$0x1F7F0] =	vst v61;
	v61 =	vld [tilespmem:$0x940]  }
0x9b: {  	v28 =	vadd.f32 v27, v31;
	v30 =	vadd.f32 v30, v34  }
0x9c: {  	v49 =	vadd.f32 v14, v6;
	v1 =	vadd.f32 v17, v1;
	v14 =	vld [tilespmem:$0xAA0]  }
0x9d: {  	v5 =	vadd.f32 v37, v22;
	v37 =	vadd.f32 v42, v45;
	v42 =	vld [tilespmem:$0x1F510]  }
0x9e: {  	v17 =	vadd.f32 v7, v8;
	v6 =	vadd.f32 v44, v28;
	v44 =	vld [tilespmem:$0x1F520]  }
0x9f: {  	v0 =	vadd.f32 v12, v0;
	v26 =	vadd.f32 v39, v24;
	[tilespmem:$0x1F7D0] =	vst v61;
	v61 =	vld [tilespmem:$0x9C0]  }
0xa0: {  	v39 =	vadd.f32 v46, v48;
	v12 =	vadd.f32 v23, v17;
	v46 =	vld [tilespmem:$0x1F530]  }
0xa1: {  	v23 =	vadd.f32 v32, v19;
	v32 =	vadd.f32 v47, v30;
	v47 =	vld [tilespmem:$0x1F540]  }
0xa2: {  	v16 =	vadd.f32 v15, v16;
	v31 =	vadd.f32 v33, v35;
	v48 =	vld [tilespmem:$0x1F550]  }
0xa3: {  	v35 =	vadd.f32 v38, v41;
	v41 =	vadd.f32 v50, v52;
	v52 =	vld [tilespmem:$0x1F580]  }
0xa4: {  	v8 =	vadd.f32 v20, v2;
	v20 =	vadd.f32 v29, v16;
	[tilespmem:$0x1F7E0] =	vst v61;
	v61 =	vld [tilespmem:$0xA40]  }
0xa5: {  	v29 =	vadd.f32 v43, v25;
	v43 =	vadd.f32 v54, v57;
	v54 =	vld [tilespmem:$0x1F590]  }
0xa6: {  	v45 =	vadd.f32 v55, v60;
	v55 =	vld [tilespmem:$0x1F5A0]  }
0xa7: {  	v19 =	vld [tilespmem:$0xC10]  }
0xa8: {  	[tilespmem:$0x2370] =	vst v20;
	v20 =	vld [tilespmem:$0xC90]  }
0xa9: {  	[tilespmem:$0x1F820] =	vst v61;
	v61 =	vld [tilespmem:$0x950]  }
0xaa: {  	v38 =	vadd.f32 v59, v35;
	v59 =	vld [tilespmem:$0x1F5E0]  }
0xab: {  	v21 =	vld [tilespmem:$0xD10]  }
0xac: {  	v60 =	vld [tilespmem:$0x1F5F0]  }
0xad: {  	v33 =	vadd.f32 v36, v40;
	v40 =	vadd.f32 v62, v37;
	v62 =	vld [tilespmem:$0x1F600]  }
0xae: {  	[tilespmem:$0x1F800] =	vst v61;
	v61 =	vld [tilespmem:$0x9D0]  }
0xaf: {  	[tilespmem:$0x2390] =	vst v5;
	v27 =	vld [tilespmem:$0x1F640]  }
0xb0: {  	v34 =	vadd.f32 v51, v31;
	[tilespmem:$0x23B0] =	vst v29;
	v28 =	vld [tilespmem:$0x1F650]  }
0xb1: {  	[tilespmem:$0x23C0] =	vst v6;
	v29 =	vld [tilespmem:$0x1F660]  }
0xb2: {  	v36 =	vadd.f32 v56, v33;
	[tilespmem:$0x23E0] =	vst v34;
	v33 =	vld [tilespmem:$0x1F6A0]  }
0xb3: {  	v6 =	vadd.f32 v42, v39;
	[tilespmem:$0x1F810] =	vst v61;
	v61 =	vld [tilespmem:$0xA50]  }
0xb4: {  	v9 =	vadd.f32 v9, v10;
	[tilespmem:$0x2410] =	vst v40;
	v34 =	vld [tilespmem:$0x1F6B0]  }
0xb5: {  	[tilespmem:$0x2420] =	vst v6;
	v6 =	vadd.f32 v46, v43;
	v35 =	vld [tilespmem:$0x1F6C0]  }
0xb6: {  	[tilespmem:$0x1F8F0] =	vst v14;
	v14 =	vadd.f32 v63, v9;
	v9 =	vadd.f32 v58, v47;
	v39 =	vld [tilespmem:$0x1F700]  }
0xb7: {  	v5 =	vadd.f32 v44, v41;
	[tilespmem:$0x2440] =	vst v6;
	v40 =	vld [tilespmem:$0x1F710]  }
0xb8: {  	v6 =	vadd.f32 v52, v9;
	v9 =	vadd.f32 v55, v54;
	[tilespmem:$0x1F850] =	vst v61;
	v61 =	vld [tilespmem:$0x960]  }
0xb9: {  	[tilespmem:$0x2430] =	vst v5;
	v41 =	vld [tilespmem:$0x1F720]  }
0xba: {  	v5 =	vadd.f32 v48, v45;
	[tilespmem:$0x2460] =	vst v6;
	v6 =	vadd.f32 v59, v9;
	v45 =	vld [tilespmem:$0x1F760]  }
0xbb: {  	v9 =	vadd.f32 v62, v60;
	v46 =	vld [tilespmem:$0x1F770]  }
0xbc: {  	[tilespmem:$0x2480] =	vst v6;
	v47 =	vld [tilespmem:$0x1F780]  }
0xbd: {  	v6 =	vadd.f32 v27, v9;
	v9 =	vadd.f32 v29, v28;
	[tilespmem:$0x1F830] =	vst v61;
	v61 =	vld [tilespmem:$0x9E0]  }
0xbe: {  	v52 =	vld [tilespmem:$0x1F7C0]  }
0xbf: {  	[tilespmem:$0x24A0] =	vst v6;
	v6 =	vadd.f32 v33, v9;
	v9 =	vadd.f32 v35, v34;
	v54 =	vld [tilespmem:$0x1F7D0]  }
0xc0: {  	v55 =	vld [tilespmem:$0x1F7E0]  }
0xc1: {  	[tilespmem:$0x24C0] =	vst v6;
	v6 =	vadd.f32 v39, v9;
	v9 =	vadd.f32 v41, v40;
	v59 =	vld [tilespmem:$0x1F820]  }
0xc2: {  	v60 =	vld [tilespmem:$0x1F830];
	[tilespmem:$0x1F840] =	vst v61  }
0xc3: {  	[tilespmem:$0x24E0] =	vst v6;
	v6 =	vadd.f32 v45, v9;
	v9 =	vadd.f32 v47, v46;
	v62 =	vld [tilespmem:$0x1F840]  }
0xc4: {  	[tilespmem:$0x2380] =	vst v23;
	v22 =	vld [tilespmem:$0xC20]  }
0xc5: {  	v23 =	vld [tilespmem:$0xCA0];
	[tilespmem:$0x2500] =	vst v6;
	v6 =	vadd.f32 v52, v9;
	v9 =	vadd.f32 v55, v54;
	_ =	sdelay $0x1  }
0xc6: {  	[tilespmem:$0x2520] =	vst v6;
	v6 =	vadd.f32 v59, v9  }
0xc7: {  	v9 =	vadd.f32 v62, v60;
	v62 =	vadd.f32 v20, v19;
	_ =	sdelay $0x1  }
0xc8: {  	v19 =	vadd.f32 v23, v22;
	v22 =	vadd.f32 v21, v62;
	v62 =	vld [tilespmem:$0x11F0];
	_ =	sdelay $0x4  }
0xc9: {  	[tilespmem:$0x1F940] =	vst v62;
	v62 =	vld [tilespmem:$0x1420];
	_ =	sdelay $0x4  }
0xca: {  	[tilespmem:$0x1F990] =	vst v62;
	v62 =	vld [tilespmem:$0x1330];
	_ =	sdelay $0x4  }
0xcb: {  	[tilespmem:$0x1F980] =	vst v62;
	v62 =	vld [tilespmem:$0x1430];
	_ =	sdelay $0x4  }
0xcc: {  	[tilespmem:$0x1F9C0] =	vst v62;
	v62 =	vld [tilespmem:$0x1340];
	_ =	sdelay $0x4  }
0xcd: {  	[tilespmem:$0x1F9A0] =	vst v62;
	v62 =	vld [tilespmem:$0x13C0];
	_ =	sdelay $0x4  }
0xce: {  	[tilespmem:$0x1F9B0] =	vst v62;
	v62 =	vld [tilespmem:$0x1440];
	_ =	sdelay $0x4  }
0xcf: {  	[tilespmem:$0x1F9F0] =	vst v62;
	v62 =	vld [tilespmem:$0x1350];
	_ =	sdelay $0x4  }
0xd0: {  	[tilespmem:$0x1F9D0] =	vst v62;
	v62 =	vld [tilespmem:$0x13D0];
	_ =	sdelay $0x4  }
0xd1: {  	[tilespmem:$0x1F9E0] =	vst v62;
	v62 =	vld [tilespmem:$0x1450];
	_ =	sdelay $0x4  }
0xd2: {  	[tilespmem:$0x1FA20] =	vst v62;
	v62 =	vld [tilespmem:$0x1360];
	_ =	sdelay $0x4  }
0xd3: {  	[tilespmem:$0x1FA00] =	vst v62;
	v62 =	vld [tilespmem:$0x13E0];
	_ =	sdelay $0x4  }
0xd4: {  	[tilespmem:$0x1FA10] =	vst v62;
	v62 =	vld [tilespmem:$0x1460];
	_ =	sdelay $0x4  }
0xd5: {  	[tilespmem:$0x1FA50] =	vst v62;
	v62 =	vld [tilespmem:$0x1370];
	_ =	sdelay $0x4  }
0xd6: {  	[tilespmem:$0x1FA30] =	vst v62;
	v62 =	vld [tilespmem:$0x13F0];
	_ =	sdelay $0x4  }
0xd7: {  	[tilespmem:$0x1FA40] =	vst v62;
	v62 =	vld [tilespmem:$0x1470];
	_ =	sdelay $0x4  }
0xd8: {  	[tilespmem:$0x1FA80] =	vst v62;
	v62 =	vld [tilespmem:$0x1480];
	_ =	sdelay $0x4  }
0xd9: {  	[tilespmem:$0x1FA60] =	vst v62;
	v62 =	vld [tilespmem:$0x1500];
	_ =	sdelay $0x4  }
0xda: {  	[tilespmem:$0x1FA70] =	vst v62;
	v62 =	vld [tilespmem:$0x1580];
	_ =	sdelay $0x4  }
0xdb: {  	[tilespmem:$0x1FAB0] =	vst v62;
	v62 =	vld [tilespmem:$0x1490];
	_ =	sdelay $0x4  }
0xdc: {  	[tilespmem:$0x1FA90] =	vst v62;
	v62 =	vld [tilespmem:$0x1510];
	_ =	sdelay $0x4  }
0xdd: {  	[tilespmem:$0x1FAA0] =	vst v62;
	v62 =	vld [tilespmem:$0x1590];
	_ =	sdelay $0x4  }
0xde: {  	[tilespmem:$0x1FAE0] =	vst v62;
	v62 =	vld [tilespmem:$0x14A0];
	_ =	sdelay $0x4  }
0xdf: {  	[tilespmem:$0x1FAC0] =	vst v62;
	v62 =	vld [tilespmem:$0x1520];
	_ =	sdelay $0x4  }
0xe0: {  	[tilespmem:$0x1FAD0] =	vst v62;
	v62 =	vld [tilespmem:$0x15A0];
	_ =	sdelay $0x4  }
0xe1: {  	[tilespmem:$0x1FB10] =	vst v62;
	v62 =	vld [tilespmem:$0x14B0];
	_ =	sdelay $0x4  }
0xe2: {  	[tilespmem:$0x1FAF0] =	vst v62;
	v62 =	vld [tilespmem:$0x1530];
	_ =	sdelay $0x4  }
0xe3: {  	[tilespmem:$0x1FB00] =	vst v62;
	v62 =	vld [tilespmem:$0x15B0];
	_ =	sdelay $0x4  }
0xe4: {  	[tilespmem:$0x1FB40] =	vst v62;
	v62 =	vld [tilespmem:$0x14C0];
	_ =	sdelay $0x4  }
0xe5: {  	[tilespmem:$0x1FB20] =	vst v62;
	v62 =	vld [tilespmem:$0x1540];
	_ =	sdelay $0x4  }
0xe6: {  	[tilespmem:$0x1FB30] =	vst v62;
	v62 =	vld [tilespmem:$0x15C0];
	_ =	sdelay $0x4  }
0xe7: {  	[tilespmem:$0x1FB70] =	vst v62;
	v62 =	vld [tilespmem:$0x14D0];
	_ =	sdelay $0x4  }
0xe8: {  	[tilespmem:$0x1FB50] =	vst v62;
	v62 =	vld [tilespmem:$0x1550];
	_ =	sdelay $0x4  }
0xe9: {  	[tilespmem:$0x1FB60] =	vst v62;
	v62 =	vld [tilespmem:$0x15D0];
	_ =	sdelay $0x3  }
0xea: {  	[tilespmem:$0x2300] =	vst v49;
	v49 =	vld [tilespmem:$0xB20]  }
0xeb: {  	v13 =	vadd.f32 v11, v13;
	[tilespmem:$0x1FBA0] =	vst v62;
	v62 =	vld [tilespmem:$0x14E0]  }
0xec: {  	v10 =	vld [tilespmem:$0xBA0]  }
0xed: {  	v17 =	vadd.f32 v53, v13;
	v53 =	vld [tilespmem:$0xBB0]  }
0xee: {  	v4 =	vld [tilespmem:$0xAC0]  }
0xef: {  	v2 =	vld [tilespmem:$0xB40]  }
0xf0: {  	[tilespmem:$0x1FB80] =	vst v62;
	v62 =	vld [tilespmem:$0x1560]  }
0xf1: {  	v3 =	vld [tilespmem:$0xBC0]  }
0xf2: {  	[tilespmem:$0x2310] =	vst v0;
	v0 =	vld [tilespmem:$0xAD0]  }
0xf3: {  	[tilespmem:$0x2330] =	vst v8;
	v8 =	vld [tilespmem:$0xB50]  }
0xf4: {  	[tilespmem:$0x2320] =	vst v1;
	v1 =	vld [tilespmem:$0xBD0]  }
0xf5: {  	[tilespmem:$0x1FB90] =	vst v62;
	v62 =	vld [tilespmem:$0x15E0]  }
0xf6: {  	v11 =	vld [tilespmem:$0xB60]  }
0xf7: {  	[tilespmem:$0x2340] =	vst v12;
	v12 =	vld [tilespmem:$0xBE0]  }
0xf8: {  	v13 =	vld [tilespmem:$0xAF0]  }
0xf9: {  	v15 =	vld [tilespmem:$0xBF0]  }
0xfa: {  	[tilespmem:$0x1FBD0] =	vst v62;
	v62 =	vld [tilespmem:$0x14F0]  }
0xfb: {  	v16 =	vld [tilespmem:$0xC00]  }
0xfc: {  	[tilespmem:$0x2360] =	vst v17;
	v17 =	vld [tilespmem:$0xC80]  }
0xfd: {  	v50 =	vld [tilespmem:$0x1F560]  }
0xfe: {  	v51 =	vld [tilespmem:$0x1F570]  }
0xff: {  	[tilespmem:$0x1FBB0] =	vst v62;
	v62 =	vld [tilespmem:$0x1570]  }
0x100: {  	v18 =	vld [tilespmem:$0xD00]  }
0x101: {  	v56 =	vld [tilespmem:$0x1F5B0]  }
0x102: {  	v57 =	vld [tilespmem:$0x1F5C0]  }
0x103: {  	[tilespmem:$0x1F900] =	vst v49;
	v49 =	vld [tilespmem:$0xAB0]  }
0x104: {  	[tilespmem:$0x1FBC0] =	vst v62;
	v62 =	vld [tilespmem:$0x15F0]  }
0x105: {  	v63 =	vld [tilespmem:$0xB30]  }
0x106: {  	[tilespmem:$0x1F910] =	vst v10;
	v10 =	vld [tilespmem:$0xAE0]  }
0x107: {  	v58 =	vld [tilespmem:$0x1F5D0]  }
0x108: {  	v2 =	vadd.f32 v2, v4;
	v4 =	vld [tilespmem:$0xD70]  }
0x109: {  	[tilespmem:$0x1FC00] =	vst v62;
	v62 =	vld [tilespmem:$0x1600]  }
0x10a: {  	v0 =	vadd.f32 v8, v0;
	v8 =	vld [tilespmem:$0xF90]  }
0x10b: {  	v24 =	vld [tilespmem:$0x1F610]  }
0x10c: {  	[tilespmem:$0x2350] =	vst v14;
	v14 =	vld [tilespmem:$0xB70]  }
0x10d: {  	v0 =	vadd.f32 v1, v0;
	v1 =	vld [tilespmem:$0xE60]  }
0x10e: {  	[tilespmem:$0x1FBE0] =	vst v62;
	v62 =	vld [tilespmem:$0x1680]  }
0x10f: {  	v2 =	vadd.f32 v3, v2;
	v3 =	vld [tilespmem:$0xDF0]  }
0x110: {  	[tilespmem:$0x25D0] =	vst v0;
	v0 =	vld [tilespmem:$0xE50]  }
0x111: {  	[tilespmem:$0x25C0] =	vst v2;
	v2 =	vld [tilespmem:$0xE70]  }
0x112: {  	v7 =	vadd.f32 v51, v50;
	v49 =	vadd.f32 v63, v49;
	v63 =	vld [tilespmem:$0xE10]  }
0x113: {  	[tilespmem:$0x1FBF0] =	vst v62;
	v62 =	vld [tilespmem:$0x1700]  }
0x114: {  	[tilespmem:$0x2450] =	vst v5;
	v5 =	vadd.f32 v56, v7;
	v7 =	vadd.f32 v58, v57;
	v25 =	vld [tilespmem:$0x1F620]  }
0x115: {  	[tilespmem:$0x23A0] =	vst v26;
	v26 =	vld [tilespmem:$0x1F630]  }
0x116: {  	[tilespmem:$0x2470] =	vst v5;
	v5 =	vadd.f32 v24, v7;
	v24 =	vld [tilespmem:$0xD20]  }
0x117: {  	v30 =	vld [tilespmem:$0x1F670]  }
0x118: {  	[tilespmem:$0x1FC30] =	vst v62;
	v62 =	vld [tilespmem:$0x1610]  }
0x119: {  	v27 =	vld [tilespmem:$0xD30]  }
0x11a: {  	v7 =	vadd.f32 v26, v25;
	v25 =	vld [tilespmem:$0xC30]  }
0x11b: {  	v26 =	vld [tilespmem:$0xCB0]  }
0x11c: {  	[tilespmem:$0x2490] =	vst v5;
	v5 =	vadd.f32 v30, v7;
	v30 =	vld [tilespmem:$0xD40]  }
0x11d: {  	[tilespmem:$0x1FC10] =	vst v62;
	v62 =	vld [tilespmem:$0x1690]  }
0x11e: {  	v28 =	vld [tilespmem:$0xC40]  }
0x11f: {  	v29 =	vld [tilespmem:$0xCC0]  }
0x120: {  	v31 =	vld [tilespmem:$0x1F680]  }
0x121: {  	[tilespmem:$0x23D0] =	vst v32;
	v32 =	vld [tilespmem:$0x1F690]  }
0x122: {  	[tilespmem:$0x1FC20] =	vst v62;
	v62 =	vld [tilespmem:$0x1710]  }
0x123: {  	v33 =	vld [tilespmem:$0xD50]  }
0x124: {  	v29 =	vadd.f32 v29, v28;
	v28 =	vld [tilespmem:$0xF60]  }
0x125: {  	[tilespmem:$0x23F0] =	vst v36;
	v36 =	vld [tilespmem:$0x1F6D0]  }
0x126: {  	v7 =	vadd.f32 v32, v31;
	v31 =	vld [tilespmem:$0xC50]  }
0x127: {  	[tilespmem:$0x1FC60] =	vst v62;
	v62 =	vld [tilespmem:$0x1620]  }
0x128: {  	v32 =	vld [tilespmem:$0xCD0]  }
0x129: {  	v34 =	vld [tilespmem:$0xC60]  }
0x12a: {  	v37 =	vld [tilespmem:$0x1F6E0]  }
0x12b: {  	[tilespmem:$0x2400] =	vst v38;
	v38 =	vld [tilespmem:$0x1F6F0]  }
0x12c: {  	[tilespmem:$0x1FC40] =	vst v62;
	v62 =	vld [tilespmem:$0x16A0]  }
0x12d: {  	v42 =	vld [tilespmem:$0x1F730]  }
0x12e: {  	v43 =	vld [tilespmem:$0x1F740]  }
0x12f: {  	v44 =	vld [tilespmem:$0x1F750]  }
0x130: {  	v48 =	vld [tilespmem:$0x1F790]  }
0x131: {  	[tilespmem:$0x1FC50] =	vst v62;
	v62 =	vld [tilespmem:$0x1720]  }
0x132: {  	v50 =	vld [tilespmem:$0x1F7A0]  }
0x133: {  	[tilespmem:$0x24B0] =	vst v5;
	v5 =	vadd.f32 v36, v7;
	v51 =	vld [tilespmem:$0x1F7B0]  }
0x134: {  	v7 =	vadd.f32 v38, v37;
	v45 =	vld [tilespmem:$0x1F8F0]  }
0x135: {  	[tilespmem:$0x24D0] =	vst v5;
	v47 =	vld [tilespmem:$0xC70]  }
0x136: {  	v5 =	vadd.f32 v42, v7;
	v7 =	vadd.f32 v44, v43;
	[tilespmem:$0x1FC90] =	vst v62;
	v62 =	vld [tilespmem:$0x1630]  }
0x137: {  	v56 =	vld [tilespmem:$0x1F7F0]  }
0x138: {  	[tilespmem:$0x24F0] =	vst v5;
	v5 =	vadd.f32 v48, v7;
	v7 =	vadd.f32 v51, v50;
	v50 =	vld [tilespmem:$0xCF0]  }
0x139: {  	v46 =	vld [tilespmem:$0x1F900]  }
0x13a: {  	v52 =	vadd.f32 v53, v49;
	v53 =	vld [tilespmem:$0xD80]  }
0x13b: {  	[tilespmem:$0x1FC70] =	vst v62;
	v62 =	vld [tilespmem:$0x16B0]  }
0x13c: {  	[tilespmem:$0x2510] =	vst v5;
	v51 =	vld [tilespmem:$0x1F910];
	v5 =	vadd.f32 v56, v7  }
0x13d: {  	v56 =	vadd.f32 v14, v13;
	v47 =	vadd.f32 v50, v47;
	v13 =	vld [tilespmem:$0xED0]  }
0x13e: {  	v14 =	vld [tilespmem:$0xF20]  }
0x13f: {  	[tilespmem:$0x25B0] =	vst v52;
	v52 =	vadd.f32 v4, v47;
	v4 =	vld [tilespmem:$0xF80]  }
0x140: {  	[tilespmem:$0x1FC80] =	vst v62;
	v62 =	vld [tilespmem:$0x1730]  }
0x141: {  	v47 =	vld [tilespmem:$0x10D0]  }
0x142: {  	[tilespmem:$0x2670] =	vst v52;
	v52 =	vld [tilespmem:$0x1190]  }
0x143: {  	v55 =	vld [tilespmem:$0xE00]  }
0x144: {  	v54 =	vadd.f32 v11, v10;
	v10 =	vld [tilespmem:$0xF00]  }
0x145: {  	[tilespmem:$0x1FCC0] =	vst v62;
	v62 =	vld [tilespmem:$0x1640]  }
0x146: {  	v11 =	vld [tilespmem:$0xFA0]  }
0x147: {  	v57 =	vld [tilespmem:$0x1F800]  }
0x148: {  	v59 =	vadd.f32 v17, v16;
	v16 =	vld [tilespmem:$0xEC0]  }
0x149: {  	v58 =	vld [tilespmem:$0x1F810]  }
0x14a: {  	v18 =	vadd.f32 v18, v59;
	[tilespmem:$0x1FCA0] =	vst v62;
	v62 =	vld [tilespmem:$0x16C0]  }
0x14b: {  	v17 =	vld [tilespmem:$0xFC0]  }
0x14c: {  	[tilespmem:$0x2600] =	vst v18;
	v18 =	vld [tilespmem:$0xEE0]  }
0x14d: {  	v35 =	vld [tilespmem:$0x1F850]  }
0x14e: {  	v7 =	vadd.f32 v58, v57;
	v57 =	vld [tilespmem:$0xE80]  }
0x14f: {  	[tilespmem:$0x1FCB0] =	vst v62;
	v62 =	vld [tilespmem:$0x1740]  }
0x150: {  	v58 =	vadd.f32 v12, v54;
	v12 =	vld [tilespmem:$0xF10]  }
0x151: {  	v50 =	vadd.f32 v55, v53;
	v61 =	vld [tilespmem:$0xA60]  }
0x152: {  	[tilespmem:$0x2530] =	vst v5;
	v5 =	vadd.f32 v35, v7;
	v35 =	vld [tilespmem:$0xCE0]  }
0x153: {  	v54 =	vadd.f32 v57, v50;
	v50 =	vld [tilespmem:$0x1170]  }
0x154: {  	[tilespmem:$0x1FCF0] =	vst v62;
	v62 =	vld [tilespmem:$0x1650]  }
0x155: {  	[tilespmem:$0x2680] =	vst v54;
	v54 =	vld [tilespmem:$0x1380]  }
0x156: {  	[tilespmem:$0x1F880] =	vst v61;
	v61 =	vld [tilespmem:$0x970]  }
0x157: {  	v38 =	vld [tilespmem:$0x1F880]  }
0x158: {  	v60 =	vld [tilespmem:$0xD90]  }
0x159: {  	[tilespmem:$0x1FCD0] =	vst v62;
	v62 =	vld [tilespmem:$0x16D0]  }
0x15a: {  	v20 =	vld [tilespmem:$0xE90]  }
0x15b: {  	v23 =	vadd.f32 v26, v25;
	v25 =	vld [tilespmem:$0xDA0]  }
0x15c: {  	v21 =	vld [tilespmem:$0xEF0]  }
0x15d: {  	v26 =	vadd.f32 v24, v19;
	v24 =	vld [tilespmem:$0x1000]  }
0x15e: {  	[tilespmem:$0x1FCE0] =	vst v62;
	v62 =	vld [tilespmem:$0x1750]  }
0x15f: {  	v19 =	vld [tilespmem:$0xF30]  }
0x160: {  	[tilespmem:$0x1F860] =	vst v61;
	v61 =	vld [tilespmem:$0x9F0]  }
0x161: {  	[tilespmem:$0x2610] =	vst v22;
	v22 =	vld [tilespmem:$0xF40]  }
0x162: {  	[tilespmem:$0x2620] =	vst v26;
	v26 =	vld [tilespmem:$0xFF0]  }
0x163: {  	[tilespmem:$0x1FD20] =	vst v62;
	v62 =	vld [tilespmem:$0x1660]  }
0x164: {  	v36 =	vld [tilespmem:$0x1F860]  }
0x165: {  	[tilespmem:$0x2540] =	vst v6;
	v6 =	vadd.f32 v38, v9;
	v38 =	vld [tilespmem:$0x1050]  }
0x166: {  	v53 =	vadd.f32 v63, v60;
	v60 =	vld [tilespmem:$0x11D0]  }
0x167: {  	[tilespmem:$0x1F870] =	vst v61;
	v61 =	vld [tilespmem:$0xA70]  }
0x168: {  	[tilespmem:$0x1FD00] =	vst v62;
	v62 =	vld [tilespmem:$0x16E0]  }
0x169: {  	v63 =	vld [tilespmem:$0x1400]  }
0x16a: {  	v37 =	vld [tilespmem:$0x1F870]  }
0x16b: {  	[tilespmem:$0x1F920] =	vst v60;
	v60 =	vld [tilespmem:$0x1310]  }
0x16c: {  	[tilespmem:$0x1F8B0] =	vst v61;
	v61 =	vld [tilespmem:$0xA80]  }
0x16d: {  	[tilespmem:$0x1FD10] =	vst v62;
	v62 =	vld [tilespmem:$0x1760]  }
0x16e: {  	[tilespmem:$0x1F950] =	vst v63;
	v63 =	vld [tilespmem:$0x13B0]  }
0x16f: {  	v41 =	vld [tilespmem:$0x1F8B0]  }
0x170: {  	v7 =	vadd.f32 v37, v36;
	v36 =	vld [tilespmem:$0xD60]  }
0x171: {  	[tilespmem:$0x1F890] =	vst v61;
	v61 =	vld [tilespmem:$0xB00]  }
0x172: {  	[tilespmem:$0x1FD50] =	vst v62;
	v62 =	vld [tilespmem:$0x1670]  }
0x173: {  	v37 =	vld [tilespmem:$0x10A0]  }
0x174: {  	v39 =	vld [tilespmem:$0x1F890]  }
0x175: {  	[tilespmem:$0x2550] =	vst v5;
	v5 =	vadd.f32 v41, v7;
	v41 =	vadd.f32 v32, v31;
	v31 =	vld [tilespmem:$0xF70]  }
0x176: {  	[tilespmem:$0x1F8A0] =	vst v61;
	v61 =	vld [tilespmem:$0xB80]  }
0x177: {  	[tilespmem:$0x1FD30] =	vst v62;
	v62 =	vld [tilespmem:$0x16F0]  }
0x178: {  	v32 =	vld [tilespmem:$0x1110]  }
0x179: {  	v40 =	vld [tilespmem:$0x1F8A0]  }
0x17a: {  	[tilespmem:$0x2570] =	vst v5;
	v5 =	vld [tilespmem:$0xE40]  }
0x17b: {  	[tilespmem:$0x1F8E0] =	vst v61;
	v61 =	vld [tilespmem:$0xA90]  }
0x17c: {  	[tilespmem:$0x1FD40] =	vst v62;
	v62 =	vld [tilespmem:$0x1770]  }
0x17d: {  	v44 =	vld [tilespmem:$0x1F8E0]  }
0x17e: {  	v9 =	vadd.f32 v40, v39;
	v39 =	vld [tilespmem:$0xE20]  }
0x17f: {  	v40 =	vadd.f32 v27, v23;
	v27 =	vld [tilespmem:$0x1010]  }
0x180: {  	v23 =	vld [tilespmem:$0xFE0]  }
0x181: {  	[tilespmem:$0x1FD80] =	vst v62;
	v62 =	vld [tilespmem:$0x1780]  }
0x182: {  	[tilespmem:$0x2630] =	vst v40;
	v40 =	vld [tilespmem:$0x1140]  }
0x183: {  	[tilespmem:$0x1F8C0] =	vst v61;
	v61 =	vld [tilespmem:$0xB10]  }
0x184: {  	v42 =	vld [tilespmem:$0x1F8C0]  }
0x185: {  	[tilespmem:$0x2560] =	vst v6;
	v6 =	vadd.f32 v44, v9;
	v9 =	vadd.f32 v46, v45;
	v45 =	vld [tilespmem:$0xE30]  }
0x186: {  	[tilespmem:$0x1FD60] =	vst v62;
	v62 =	vld [tilespmem:$0x1800]  }
0x187: {  	v46 =	vadd.f32 v33, v41;
	v33 =	vld [tilespmem:$0x1030]  }
0x188: {  	v55 =	vadd.f32 v39, v25;
	v25 =	vld [tilespmem:$0xF50]  }
0x189: {  	v44 =	vadd.f32 v35, v34;
	v34 =	vld [tilespmem:$0x1080]  }
0x18a: {  	v35 =	vld [tilespmem:$0x1120]  }
0x18b: {  	[tilespmem:$0x1FD70] =	vst v62;
	v62 =	vld [tilespmem:$0x1880]  }
0x18c: {  	v41 =	vld [tilespmem:$0x10B0]  }
0x18d: {  	v39 =	vld [tilespmem:$0x1130]  }
0x18e: {  	[tilespmem:$0x2580] =	vst v6;
	v6 =	vadd.f32 v51, v9;
	v51 =	vld [tilespmem:$0xEB0]  }
0x18f: {  	v9 =	vld [tilespmem:$0xDC0]  }
0x190: {  	[tilespmem:$0x1FDB0] =	vst v62;
	v62 =	vld [tilespmem:$0x1790]  }
0x191: {  	v49 =	vadd.f32 v36, v44;
	v36 =	vld [tilespmem:$0x1090]  }
0x192: {  	[tilespmem:$0x2650] =	vst v46;
	v44 =	vld [tilespmem:$0x10C0]  }
0x193: {  	v46 =	vld [tilespmem:$0x1160];
	[tilespmem:$0x1F8D0] =	vst v61  }
0x194: {  	v43 =	vld [tilespmem:$0x1F8D0]  }
0x195: {  	[tilespmem:$0x1FD90] =	vst v62;
	v62 =	vld [tilespmem:$0x1810]  }
0x196: {  	v61 =	vld [tilespmem:$0xB90]  }
0x197: {  	[tilespmem:$0x25A0] =	vst v6;
	v6 =	vld [tilespmem:$0xDD0]  }
0x198: {  	[tilespmem:$0x2660] =	vst v49;
	v49 =	vld [tilespmem:$0x10E0]  }
0x199: {  	v7 =	vadd.f32 v43, v42;
	v42 =	vld [tilespmem:$0xDB0]  }
0x19a: {  	[tilespmem:$0x1FDA0] =	vst v62;
	v62 =	vld [tilespmem:$0x1890]  }
0x19b: {  	v43 =	vadd.f32 v30, v29;
	v30 =	vld [tilespmem:$0x1020]  }
0x19c: {  	v29 =	vld [tilespmem:$0x1100]  }
0x19d: {  	v48 =	vadd.f32 v61, v7;
	v7 =	vld [tilespmem:$0xDE0]  }
0x19e: {  	v61 =	vadd.f32 v15, v56;
	v15 =	vld [tilespmem:$0xFB0]  }
0x19f: {  	[tilespmem:$0x1FDE0] =	vst v62;
	v62 =	vld [tilespmem:$0x17A0]  }
0x1a0: {  	v56 =	vadd.f32 v20, v53;
	v20 =	vld [tilespmem:$0xFD0]  }
0x1a1: {  	[tilespmem:$0x2640] =	vst v43;
	v43 =	vld [tilespmem:$0x1060]  }
0x1a2: {  	v53 =	vld [tilespmem:$0x10F0]  }
0x1a3: {  	[tilespmem:$0x25F0] =	vst v61;
	v61 =	vld [tilespmem:$0x11E0]  }
0x1a4: {  	[tilespmem:$0x1FDC0] =	vst v62;
	v62 =	vld [tilespmem:$0x1820]  }
0x1a5: {  	[tilespmem:$0x2590] =	vst v48;
	v48 =	vld [tilespmem:$0xEA0]  }
0x1a6: {  	[tilespmem:$0x2690] =	vst v56;
	v56 =	vld [tilespmem:$0x11B0]  }
0x1a7: {  	v57 =	vadd.f32 v45, v42;
	v45 =	vld [tilespmem:$0x1070]  }
0x1a8: {  	[tilespmem:$0x1F930] =	vst v61;
	v61 =	vld [tilespmem:$0x1410]  }
0x1a9: {  	[tilespmem:$0x1FDD0] =	vst v62;
	v62 =	vld [tilespmem:$0x18A0]  }
0x1aa: {  	v42 =	vld [tilespmem:$0x1150]  }
0x1ab: {  	v59 =	vadd.f32 v51, v57;
	v51 =	vld [tilespmem:$0x1040]  }
0x1ac: {  	v57 =	vld [tilespmem:$0x1300]  }
0x1ad: {  	[tilespmem:$0x1F970] =	vst v61;
	v61 =	vld [tilespmem:$0x1320]  }
0x1ae: {  	[tilespmem:$0x1FE10] =	vst v62;
	v62 =	vld [tilespmem:$0x17B0]  }
0x1af: {  	[tilespmem:$0x25E0] =	vst v58;
	v58 =	vadd.f32 v48, v55;
	v48 =	vld [tilespmem:$0x1180]  }
0x1b0: {  	[tilespmem:$0x26B0] =	vst v59;
	v55 =	vld [tilespmem:$0x11A0]  }
0x1b1: {  	v59 =	vld [tilespmem:$0x11C0];
	[tilespmem:$0x26A0] =	vst v58  }
0x1b2: {  	v58 =	vld [tilespmem:$0x1390];
	[tilespmem:$0x1F960] =	vst v61  }
0x1b3: {  	v61 =	vld [tilespmem:$0x13A0];
	[tilespmem:$0x1FDF0] =	vst v62  }
0x1b4: {  	v0 =	vadd.f32 v0, v6;
	v62 =	vld [tilespmem:$0x1830]  }
0x1b5: {  	v5 =	vadd.f32 v5, v9;
	v1 =	vadd.f32 v1, v7;
	v9 =	vld [tilespmem:$0x1930]  }
0x1b6: {  	v2 =	vadd.f32 v2, v3;
	v0 =	vadd.f32 v13, v0;
	v13 =	vld [tilespmem:$0x1A30]  }
0x1b7: {  	v11 =	vadd.f32 v11, v14;
	v1 =	vadd.f32 v18, v1;
	v18 =	vld [tilespmem:$0x1940]  }
0x1b8: {  	v8 =	vadd.f32 v8, v12;
	v21 =	vadd.f32 v21, v2;
	v12 =	vld [tilespmem:$0x1A40]  }
0x1b9: {  	v17 =	vadd.f32 v17, v22;
	v14 =	vadd.f32 v15, v19;
	v15 =	vld [tilespmem:$0x1950]  }
0x1ba: {  	v23 =	vadd.f32 v23, v28;
	v5 =	vadd.f32 v16, v5;
	[tilespmem:$0x26F0] =	vst v21;
	v21 =	vld [tilespmem:$0x1A50]  }
0x1bb: {  	v20 =	vadd.f32 v20, v25;
	v22 =	vadd.f32 v51, v17;
	v51 =	vld [tilespmem:$0x1960]  }
0x1bc: {  	v25 =	vadd.f32 v26, v31;
	v26 =	vadd.f32 v43, v23;
	v43 =	vld [tilespmem:$0x1A60]  }
0x1bd: {  	[tilespmem:$0x26C0] =	vst v5;
	v5 =	vld [tilespmem:$0x1970]  }
0x1be: {  	v3 =	vld [tilespmem:$0x19F0]  }
0x1bf: {  	v2 =	vld [tilespmem:$0x1A70]  }
0x1c0: {  	[tilespmem:$0x26D0] =	vst v0;
	v0 =	vld [tilespmem:$0x1A80]  }
0x1c1: {  	v16 =	vadd.f32 v4, v10;
	v4 =	vld [tilespmem:$0x1B00]  }
0x1c2: {  	[tilespmem:$0x26E0] =	vst v1;
	v1 =	vld [tilespmem:$0x1B80]  }
0x1c3: {  	v19 =	vadd.f32 v33, v14;
	v33 =	vadd.f32 v39, v41;
	v39 =	vld [tilespmem:$0x1F920]  }
0x1c4: {  	v6 =	vld [tilespmem:$0x1A90]  }
0x1c5: {  	v10 =	vadd.f32 v24, v16;
	v41 =	vld [tilespmem:$0x1F930]  }
0x1c6: {  	v31 =	vadd.f32 v35, v37;
	v35 =	vadd.f32 v40, v44;
	v44 =	vld [tilespmem:$0x1F940]  }
0x1c7: {  	v24 =	vadd.f32 v38, v20;
	v38 =	vadd.f32 v46, v49;
	v46 =	vld [tilespmem:$0x1F950]  }
0x1c8: {  	v40 =	vadd.f32 v50, v53;
	v50 =	vld [tilespmem:$0x1F970]  }
0x1c9: {  	v37 =	vadd.f32 v42, v47;
	v42 =	vadd.f32 v54, v57;
	v54 =	vld [tilespmem:$0x1F990]  }
0x1ca: {  	v57 =	vld [tilespmem:$0x1F9B0]  }
0x1cb: {  	v28 =	vadd.f32 v45, v25;
	v45 =	vadd.f32 v58, v60;
	v58 =	vld [tilespmem:$0x1F9C0]  }
0x1cc: {  	v60 =	vld [tilespmem:$0x1F9E0]  }
0x1cd: {  	v23 =	vld [tilespmem:$0x1FA00]  }
0x1ce: {  	[tilespmem:$0x2750] =	vst v24;
	v24 =	vld [tilespmem:$0x1FA10]  }
0x1cf: {  	[tilespmem:$0x2760] =	vst v26;
	v26 =	vld [tilespmem:$0x1FA20]  }
0x1d0: {  	[tilespmem:$0x2770] =	vst v28;
	v28 =	vld [tilespmem:$0x1FA40]  }
0x1d1: {  	v14 =	vld [tilespmem:$0x1BB0];
	[tilespmem:$0x1FE00] =	vst v62  }
0x1d2: {  	v62 =	vld [tilespmem:$0x18B0];
	[tilespmem:$0x1FF70] =	vst v9  }
0x1d3: {  	v9 =	vld [tilespmem:$0x19B0];
	[tilespmem:$0x1FFB0] =	vst v13  }
0x1d4: {  	[tilespmem:$0x1FF90] =	vst v18;
	v18 =	vld [tilespmem:$0x19D0]  }
0x1d5: {  	[tilespmem:$0x1FFE0] =	vst v12;
	v13 =	vadd.f32 v27, v8;
	v27 =	vadd.f32 v29, v34;
	v12 =	vld [tilespmem:$0x1B20]  }
0x1d6: {  	v29 =	vadd.f32 v32, v36;
	v36 =	vadd.f32 v56, v33;
	v56 =	vld [tilespmem:$0x1F9A0]  }
0x1d7: {  	v8 =	vadd.f32 v59, v35;
	v59 =	vld [tilespmem:$0x1F9D0]  }
0x1d8: {  	v34 =	vadd.f32 v55, v31;
	v31 =	vld [tilespmem:$0x1FA60]  }
0x1d9: {  	v35 =	vld [tilespmem:$0x1FA90]  }
0x1da: {  	[tilespmem:$0x2700] =	vst v10;
	v10 =	vadd.f32 v41, v38;
	v38 =	vld [tilespmem:$0x1FAB0]  }
0x1db: {  	v7 =	vadd.f32 v39, v37;
	v39 =	vld [tilespmem:$0x1FAC0]  }
0x1dc: {  	v16 =	vadd.f32 v30, v11;
	v11 =	vadd.f32 v44, v40;
	v40 =	vld [tilespmem:$0x1FAD0]  }
0x1dd: {  	v47 =	vadd.f32 v46, v42;
	v42 =	vld [tilespmem:$0x1FAE0]  }
0x1de: {  	v46 =	vld [tilespmem:$0x1FB00]  }
0x1df: {  	v3 =	vadd.f32 v3, v5;
	v5 =	vld [tilespmem:$0x1CE0]  }
0x1e0: {  	v0 =	vadd.f32 v4, v0;
	v4 =	vld [tilespmem:$0x1D60]  }
0x1e1: {  	[tilespmem:$0x27C0] =	vst v8;
	v8 =	vld [tilespmem:$0x1B10]  }
0x1e2: {  	[tilespmem:$0x27D0] =	vst v7;
	v7 =	vld [tilespmem:$0x1B90]  }
0x1e3: {  	v30 =	vadd.f32 v48, v27;
	v48 =	vld [tilespmem:$0x1F960]  }
0x1e4: {  	[tilespmem:$0x27E0] =	vst v10;
	v10 =	vld [tilespmem:$0x1AA0]  }
0x1e5: {  	v32 =	vadd.f32 v52, v29;
	v52 =	vld [tilespmem:$0x1F980]  }
0x1e6: {  	[tilespmem:$0x27F0] =	vst v11;
	v11 =	vld [tilespmem:$0x1BA0]  }
0x1e7: {  	v27 =	vld [tilespmem:$0x1FA30]  }
0x1e8: {  	[tilespmem:$0x27A0] =	vst v34;
	v34 =	vld [tilespmem:$0x1FA80]  }
0x1e9: {  	[tilespmem:$0x27B0] =	vst v36;
	v36 =	vld [tilespmem:$0x1FAA0]  }
0x1ea: {  	[tilespmem:$0x2710] =	vst v13;
	v13 =	vadd.f32 v50, v45;
	v45 =	vld [tilespmem:$0x1FAF0]  }
0x1eb: {  	[tilespmem:$0x2B00] =	vst v47;
	v47 =	vld [tilespmem:$0x1FB10]  }
0x1ec: {  	v50 =	vld [tilespmem:$0x1FB40]  }
0x1ed: {  	[tilespmem:$0x2B10] =	vst v13;
	v13 =	vld [tilespmem:$0x1AB0]  }
0x1ee: {  	[tilespmem:$0x2780] =	vst v30;
	v30 =	vld [tilespmem:$0x1FA50]  }
0x1ef: {  	[tilespmem:$0x2790] =	vst v32;
	v32 =	vld [tilespmem:$0x1FA70]  }
0x1f0: {  	[tilespmem:$0x1FE40] =	vst v62;
	v62 =	vld [tilespmem:$0x17C0]  }
0x1f1: {  	[tilespmem:$0x1FF80] =	vst v9;
	v9 =	vld [tilespmem:$0x19C0]  }
0x1f2: {  	[tilespmem:$0x1FFD0] =	vst v18;
	v18 =	vld [tilespmem:$0x1B40]  }
0x1f3: {  	[tilespmem:$0x1FFC0] =	vst v15;
	v15 =	vadd.f32 v57, v56;
	v56 =	vld [tilespmem:$0x1FB90]  }
0x1f4: {  	v57 =	vld [tilespmem:$0x1FBA0]  }
0x1f5: {  	v17 =	vadd.f32 v60, v59;
	v59 =	vld [tilespmem:$0x1FBC0]  }
0x1f6: {  	v60 =	vld [tilespmem:$0x1FBD0]  }
0x1f7: {  	v41 =	vadd.f32 v40, v39;
	v39 =	vld [tilespmem:$0x1FC70]  }
0x1f8: {  	v40 =	vld [tilespmem:$0x1FC80]  }
0x1f9: {  	v49 =	vadd.f32 v61, v48;
	v61 =	vld [tilespmem:$0x1F9F0]  }
0x1fa: {  	v48 =	vld [tilespmem:$0x1FB20]  }
0x1fb: {  	v53 =	vadd.f32 v63, v52;
	v52 =	vld [tilespmem:$0x1FB50]  }
0x1fc: {  	v17 =	vadd.f32 v26, v17;
	v26 =	vld [tilespmem:$0x1AE0]  }
0x1fd: {  	v29 =	vadd.f32 v28, v27;
	v27 =	vld [tilespmem:$0x1B60]  }
0x1fe: {  	v28 =	vld [tilespmem:$0x1BE0]  }
0x1ff: {  	v37 =	vadd.f32 v36, v35;
	v35 =	vld [tilespmem:$0x1FC30]  }
0x200: {  	[tilespmem:$0x2720] =	vst v16;
	v36 =	vld [tilespmem:$0x1FC40]  }
0x201: {  	[tilespmem:$0x2730] =	vst v19;
	v25 =	vadd.f32 v24, v23;
	v23 =	vadd.f32 v47, v41;
	v41 =	vld [tilespmem:$0x1FC90]  }
0x202: {  	[tilespmem:$0x2740] =	vst v22;
	v2 =	vadd.f32 v2, v3;
	v22 =	vadd.f32 v46, v45;
	v45 =	vld [tilespmem:$0x1FCC0]  }
0x203: {  	[tilespmem:$0x1FFF0] =	vst v21;
	v46 =	vld [tilespmem:$0x1FCD0]  }
0x204: {  	v0 =	vadd.f32 v1, v0;
	[tilespmem:$0x2D70] =	vst v2;
	v47 =	vld [tilespmem:$0x1FCE0]  }
0x205: {  	[tilespmem:$0x2B50] =	vst v17;
	v17 =	vld [tilespmem:$0x1BC0]  }
0x206: {  	[tilespmem:$0x2D80] =	vst v0;
	v0 =	vimm.f32 $0.0e+00;
	v55 =	vadd.f32 v54, v49;
	v49 =	vld [tilespmem:$0x1FB30]  }
0x207: {  	[tilespmem:$0x2800] =	vst v0;
	v16 =	vadd.f32 v58, v53;
	v53 =	vld [tilespmem:$0x1FB60]  }
0x208: {  	[tilespmem:$0x2810] =	vst v0;
	v54 =	vld [tilespmem:$0x1FB70]  }
0x209: {  	[tilespmem:$0x2820] =	vst v0;
	v58 =	vld [tilespmem:$0x1FBB0]  }
0x20a: {  	[tilespmem:$0x2830] =	vst v0;
	v33 =	vadd.f32 v32, v31;
	v32 =	vld [tilespmem:$0x1FC00]  }
0x20b: {  	[tilespmem:$0x2840] =	vst v0;
	v20 =	vadd.f32 v34, v29;
	v34 =	vld [tilespmem:$0x1FC20]  }
0x20c: {  	[tilespmem:$0x2850] =	vst v0;
	v29 =	vld [tilespmem:$0x1AF0]  }
0x20d: {  	[tilespmem:$0x2860] =	vst v0;
	v44 =	vadd.f32 v42, v37;
	v37 =	vld [tilespmem:$0x1FC50]  }
0x20e: {  	[tilespmem:$0x2870] =	vst v0;
	v19 =	vadd.f32 v30, v25;
	v30 =	vld [tilespmem:$0x1B70]  }
0x20f: {  	[tilespmem:$0x2880] =	vst v0;
	v31 =	vld [tilespmem:$0x1BF0]  }
0x210: {  	[tilespmem:$0x2890] =	vst v0;
	v42 =	vld [tilespmem:$0x1FCA0]  }
0x211: {  	[tilespmem:$0x28A0] =	vst v0;
	v22 =	vadd.f32 v50, v22;
	v50 =	vld [tilespmem:$0x1FD10]  }
0x212: {  	[tilespmem:$0x1FE20] =	vst v62;
	v62 =	vld [tilespmem:$0x1840]  }
0x213: {  	[tilespmem:$0x1FFA0] =	vst v9;
	v9 =	vld [tilespmem:$0x19E0]  }
0x214: {  	[tilespmem:$0x2B30] =	vst v16;
	v16 =	vld [tilespmem:$0x1AC0]  }
0x215: {  	[tilespmem:$0x2B60] =	vst v19;
	v19 =	vld [tilespmem:$0x1AD0]  }
0x216: {  	[tilespmem:$0x2B70] =	vst v20;
	v20 =	vld [tilespmem:$0x1BD0]  }
0x217: {  	[tilespmem:$0x2B20] =	vst v55;
	v55 =	vld [tilespmem:$0x1FB80]  }
0x218: {  	[tilespmem:$0x28B0] =	vst v0;
	v21 =	vadd.f32 v38, v33;
	v33 =	vld [tilespmem:$0x1FC10]  }
0x219: {  	[tilespmem:$0x28C0] =	vst v0;
	v38 =	vld [tilespmem:$0x1FC60]  }
0x21a: {  	[tilespmem:$0x2B90] =	vst v44;
	v44 =	vld [tilespmem:$0x1FCB0]  }
0x21b: {  	[tilespmem:$0x28D0] =	vst v0;
	v63 =	vadd.f32 v61, v15;
	v15 =	vld [tilespmem:$0x1B30]  }
0x21c: {  	[tilespmem:$0x1FE30] =	vst v62;
	v62 =	vld [tilespmem:$0x18C0]  }
0x21d: {  	[tilespmem:$0x28E0] =	vst v0;
	v61 =	vld [tilespmem:$0x1FBE0]  }
0x21e: {  	[tilespmem:$0x2B80] =	vst v21;
	v21 =	vld [tilespmem:$0x1B50]  }
0x21f: {  	[tilespmem:$0x2B40] =	vst v63;
	v63 =	vld [tilespmem:$0x1FBF0]  }
0x220: {  	[tilespmem:$0x28F0] =	vst v0;
	v24 =	vadd.f32 v49, v48;
	v48 =	vld [tilespmem:$0x1FCF0]  }
0x221: {  	[tilespmem:$0x1FE70] =	vst v62;
	v62 =	vld [tilespmem:$0x17D0]  }
0x222: {  	[tilespmem:$0x2900] =	vst v0;
	v49 =	vld [tilespmem:$0x1FD00]  }
0x223: {  	[tilespmem:$0x2910] =	vst v0;
	v25 =	vadd.f32 v53, v52;
	v52 =	vld [tilespmem:$0x1FD20]  }
0x224: {  	[tilespmem:$0x2920] =	vst v0;
	v53 =	vld [tilespmem:$0x1FD30]  }
0x225: {  	[tilespmem:$0x2930] =	vst v0;
	v9 =	vadd.f32 v9, v51;
	v51 =	vld [tilespmem:$0x1CF0]  }
0x226: {  	[tilespmem:$0x1FE50] =	vst v62;
	v62 =	vld [tilespmem:$0x1850]  }
0x227: {  	[tilespmem:$0x2BA0] =	vst v23;
	v23 =	vadd.f32 v54, v24;
	v54 =	vld [tilespmem:$0x1FD40]  }
0x228: {  	[tilespmem:$0x2940] =	vst v0;
	v24 =	vadd.f32 v56, v55;
	v55 =	vld [tilespmem:$0x1FD50]  }
0x229: {  	[tilespmem:$0x2950] =	vst v0;
	v56 =	vld [tilespmem:$0x1FD60]  }
0x22a: {  	[tilespmem:$0x2BB0] =	vst v22;
	v22 =	vadd.f32 v57, v25;
	v57 =	vld [tilespmem:$0x1FD70]  }
0x22b: {  	[tilespmem:$0x1FE60] =	vst v62;
	v62 =	vld [tilespmem:$0x18D0]  }
0x22c: {  	[tilespmem:$0x2960] =	vst v0;
	v25 =	vadd.f32 v59, v58;
	v58 =	vld [tilespmem:$0x1FD80]  }
0x22d: {  	[tilespmem:$0x2970] =	vst v0;
	v59 =	vld [tilespmem:$0x1FD90]  }
0x22e: {  	[tilespmem:$0x2980] =	vst v0;
	v9 =	vadd.f32 v43, v9;
	v43 =	vadd.f32 v12, v10;
	v10 =	vld [tilespmem:$0x1DE0]  }
0x22f: {  	[tilespmem:$0x2990] =	vst v0;
	v12 =	vld [tilespmem:$0x1DF0]  }
0x230: {  	[tilespmem:$0x1FEA0] =	vst v62;
	v62 =	vld [tilespmem:$0x17E0]  }
0x231: {  	[tilespmem:$0x2BD0] =	vst v22;
	v22 =	vadd.f32 v32, v25;
	v32 =	vld [tilespmem:$0x1C00]  }
0x232: {  	[tilespmem:$0x29A0] =	vst v0;
	v25 =	vadd.f32 v34, v33;
	v33 =	vld [tilespmem:$0x1C80]  }
0x233: {  	[tilespmem:$0x29B0] =	vst v0;
	v34 =	vld [tilespmem:$0x1D00]  }
0x234: {  	[tilespmem:$0x2BC0] =	vst v23;
	v23 =	vadd.f32 v60, v24;
	v60 =	vld [tilespmem:$0x1FDA0]  }
0x235: {  	[tilespmem:$0x1FE80] =	vst v62;
	v62 =	vld [tilespmem:$0x1860]  }
0x236: {  	[tilespmem:$0x29C0] =	vst v0;
	v24 =	vadd.f32 v63, v61;
	v61 =	vld [tilespmem:$0x1FDB0]  }
0x237: {  	[tilespmem:$0x29D0] =	vst v0;
	v63 =	vld [tilespmem:$0x1FDC0]  }
0x238: {  	[tilespmem:$0x2BF0] =	vst v22;
	v22 =	vadd.f32 v38, v25;
	v25 =	vadd.f32 v40, v39;
	v40 =	vld [tilespmem:$0x1FDD0]  }
0x239: {  	[tilespmem:$0x29E0] =	vst v0;
	v38 =	vld [tilespmem:$0x1C20]  }
0x23a: {  	[tilespmem:$0x1FE90] =	vst v62;
	v62 =	vld [tilespmem:$0x18E0]  }
0x23b: {  	[tilespmem:$0x29F0] =	vst v0;
	v39 =	vld [tilespmem:$0x1CA0]  }
0x23c: {  	[tilespmem:$0x2BE0] =	vst v23;
	v23 =	vadd.f32 v35, v24;
	v35 =	vld [tilespmem:$0x1C10]  }
0x23d: {  	[tilespmem:$0x2A00] =	vst v0;
	v24 =	vadd.f32 v37, v36;
	v36 =	vld [tilespmem:$0x1C90]  }
0x23e: {  	[tilespmem:$0x2A10] =	vst v0;
	v37 =	vld [tilespmem:$0x1D10]  }
0x23f: {  	[tilespmem:$0x1FED0] =	vst v62;
	v62 =	vld [tilespmem:$0x17F0]  }
0x240: {  	[tilespmem:$0x2C10] =	vst v22;
	v22 =	vadd.f32 v45, v25;
	v45 =	vld [tilespmem:$0x1FE10]  }
0x241: {  	[tilespmem:$0x2A20] =	vst v0;
	v25 =	vadd.f32 v47, v46;
	v46 =	vld [tilespmem:$0x1FE20]  }
0x242: {  	[tilespmem:$0x2A30] =	vst v0;
	v47 =	vld [tilespmem:$0x1FE30]  }
0x243: {  	[tilespmem:$0x2C00] =	vst v23;
	v23 =	vadd.f32 v41, v24;
	v41 =	vld [tilespmem:$0x1FDE0]  }
0x244: {  	[tilespmem:$0x1FEB0] =	vst v62;
	v62 =	vld [tilespmem:$0x1870]  }
0x245: {  	[tilespmem:$0x2A40] =	vst v0;
	v24 =	vadd.f32 v44, v42;
	v42 =	vld [tilespmem:$0x1FDF0]  }
0x246: {  	v44 =	vld [tilespmem:$0x1FE00];
	[tilespmem:$0x2C30] =	vst v22;
	v22 =	vadd.f32 v52, v25  }
0x247: {  	v25 =	vadd.f32 v54, v53;
	v52 =	vld [tilespmem:$0x1FE70];
	[tilespmem:$0x2C20] =	vst v23  }
0x248: {  	v23 =	vadd.f32 v48, v24;
	v48 =	vld [tilespmem:$0x1FE40];
	[tilespmem:$0x2C50] =	vst v22  }
0x249: {  	v22 =	vadd.f32 v58, v25;
	v25 =	vadd.f32 v60, v59;
	[tilespmem:$0x1FEC0] =	vst v62;
	v62 =	vld [tilespmem:$0x18F0]  }
0x24a: {  	[tilespmem:$0x2A50] =	vst v0;
	v24 =	vadd.f32 v50, v49;
	v49 =	vld [tilespmem:$0x1FE50]  }
0x24b: {  	[tilespmem:$0x2C70] =	vst v22;
	v22 =	vadd.f32 v41, v25;
	v41 =	vld [tilespmem:$0x1C30]  }
0x24c: {  	[tilespmem:$0x2A60] =	vst v0;
	v25 =	vadd.f32 v44, v42;
	v42 =	vld [tilespmem:$0x1CB0]  }
0x24d: {  	[tilespmem:$0x2C40] =	vst v23;
	v23 =	vadd.f32 v55, v24;
	v24 =	vadd.f32 v57, v56;
	v44 =	vld [tilespmem:$0x1D30]  }
0x24e: {  	[tilespmem:$0x1FF00] =	vst v62;
	v62 =	vld [tilespmem:$0x1900]  }
0x24f: {  	[tilespmem:$0x2C60] =	vst v23;
	v23 =	vadd.f32 v61, v24;
	v24 =	vadd.f32 v40, v63;
	v40 =	vld [tilespmem:$0x1D20]  }
0x250: {  	[tilespmem:$0x2A70] =	vst v0;
	v50 =	vld [tilespmem:$0x1FE60]  }
0x251: {  	[tilespmem:$0x2C80] =	vst v23;
	v23 =	vadd.f32 v45, v24;
	v45 =	vld [tilespmem:$0x1C40]  }
0x252: {  	[tilespmem:$0x2A80] =	vst v0;
	v24 =	vadd.f32 v47, v46;
	v46 =	vld [tilespmem:$0x1CC0]  }
0x253: {  	[tilespmem:$0x1FEE0] =	vst v62;
	v62 =	vld [tilespmem:$0x1980]  }
0x254: {  	[tilespmem:$0x2A90] =	vst v0;
	v55 =	vld [tilespmem:$0x1FEA0]  }
0x255: {  	[tilespmem:$0x2AA0] =	vst v0;
	v53 =	vld [tilespmem:$0x1FE80]  }
0x256: {  	[tilespmem:$0x2AB0] =	vst v0;
	v54 =	vld [tilespmem:$0x1FE90]  }
0x257: {  	[tilespmem:$0x2C90] =	vst v22;
	v22 =	vadd.f32 v48, v25;
	v47 =	vld [tilespmem:$0x1D40];
	v25 =	vadd.f32 v50, v49  }
0x258: {  	[tilespmem:$0x1FEF0] =	vst v62;
	v62 =	vld [tilespmem:$0x1A00]  }
0x259: {  	[tilespmem:$0x2CB0] =	vst v22;
	v22 =	vadd.f32 v55, v25;
	v55 =	vld [tilespmem:$0x1FF80]  }
0x25a: {  	[tilespmem:$0x2AC0] =	vst v0;
	v58 =	vld [tilespmem:$0x1FED0]  }
0x25b: {  	[tilespmem:$0x2CA0] =	vst v23;
	v23 =	vadd.f32 v52, v24;
	v24 =	vadd.f32 v54, v53;
	v54 =	vld [tilespmem:$0x1FF70]  }
0x25c: {  	[tilespmem:$0x2AD0] =	vst v0;
	v56 =	vld [tilespmem:$0x1FEB0]  }
0x25d: {  	[tilespmem:$0x1FF30] =	vst v62;
	v62 =	vld [tilespmem:$0x1910]  }
0x25e: {  	[tilespmem:$0x2AE0] =	vst v0;
	v57 =	vld [tilespmem:$0x1FEC0]  }
0x25f: {  	[tilespmem:$0x2CC0] =	vst v23;
	v23 =	vadd.f32 v58, v24;
	v58 =	vld [tilespmem:$0x1FFA0]  }
0x260: {  	[tilespmem:$0x2AF0] =	vst v0;
	v61 =	vld [tilespmem:$0x1FF00]  }
0x261: {  	[tilespmem:$0x3000] =	vst v0;
	v59 =	vld [tilespmem:$0x1FEE0]  }
0x262: {  	[tilespmem:$0x1FF10] =	vst v62;
	v62 =	vld [tilespmem:$0x1990]  }
0x263: {  	[tilespmem:$0x3010] =	vst v0;
	v25 =	vadd.f32 v57, v56;
	v60 =	vld [tilespmem:$0x1FEF0]  }
0x264: {  	[tilespmem:$0x3020] =	vst v0;
	v57 =	vld [tilespmem:$0x1FF90]  }
0x265: {  	[tilespmem:$0x2CD0] =	vst v22;
	v22 =	vadd.f32 v61, v25;
	v61 =	vld [tilespmem:$0x1FFD0]  }
0x266: {  	[tilespmem:$0x3030] =	vst v0;
	v49 =	vld [tilespmem:$0x1FF30]  }
0x267: {  	[tilespmem:$0x1FF20] =	vst v62;
	v62 =	vld [tilespmem:$0x1A10]  }
0x268: {  	[tilespmem:$0x3040] =	vst v0;
	v24 =	vadd.f32 v60, v59;
	v59 =	vld [tilespmem:$0x1FFB0]  }
0x269: {  	[tilespmem:$0x3050] =	vst v0;
	v63 =	vld [tilespmem:$0x1FF10]  }
0x26a: {  	[tilespmem:$0x3060] =	vst v0;
	v48 =	vld [tilespmem:$0x1FF20]  }
0x26b: {  	[tilespmem:$0x3070] =	vst v0;
	v60 =	vld [tilespmem:$0x1FFC0]  }
0x26c: {  	[tilespmem:$0x1FF60] =	vst v62;
	v62 =	vld [tilespmem:$0x1920]  }
0x26d: {  	[tilespmem:$0x2CE0] =	vst v23;
	v23 =	vadd.f32 v49, v24;
	v49 =	vld [tilespmem:$0x1CD0]  }
0x26e: {  	[tilespmem:$0x3080] =	vst v0;
	v53 =	vld [tilespmem:$0x1FF60]  }
0x26f: {  	[tilespmem:$0x3090] =	vst v0;
	v25 =	vadd.f32 v48, v63;
	v48 =	vld [tilespmem:$0x1C50]  }
0x270: {  	[tilespmem:$0x30A0] =	vst v0;
	v63 =	vld [tilespmem:$0x1FFF0]  }
0x271: {  	[tilespmem:$0x1FF40] =	vst v62;
	v62 =	vld [tilespmem:$0x19A0]  }
0x272: {  	[tilespmem:$0x30B0] =	vst v0;
	v50 =	vld [tilespmem:$0x1FF40]  }
0x273: {  	[tilespmem:$0x2CF0] =	vst v22;
	v22 =	vadd.f32 v53, v25;
	v25 =	vadd.f32 v55, v54;
	v54 =	vld [tilespmem:$0x1D70]  }
0x274: {  	[tilespmem:$0x30C0] =	vst v0;
	v55 =	vadd.f32 v11, v43;
	v11 =	vld [tilespmem:$0x1E60]  }
0x275: {  	[tilespmem:$0x30D0] =	vst v0;
	v53 =	vadd.f32 v15, v13;
	v13 =	vld [tilespmem:$0x1E70]  }
0x276: {  	[tilespmem:$0x30E0] =	vst v0;
	v15 =	vld [tilespmem:$0x1EF0]  }
0x277: {  	[tilespmem:$0x2D10] =	vst v22;
	v22 =	vadd.f32 v59, v25;
	v25 =	vadd.f32 v61, v60;
	v60 =	vld [tilespmem:$0x1E00]  }
0x278: {  	[tilespmem:$0x30F0] =	vst v0;
	v59 =	vadd.f32 v21, v19;
	v21 =	vadd.f32 v30, v29;
	v29 =	vld [tilespmem:$0x1E90]  }
0x279: {  	[tilespmem:$0x3100] =	vst v0;
	v19 =	vld [tilespmem:$0x1F90]  }
0x27a: {  	[tilespmem:$0x1FF50] =	vst v62;
	v62 =	vld [tilespmem:$0x1A20]  }
0x27b: {  	[tilespmem:$0x2D30] =	vst v22;
	v22 =	vadd.f32 v63, v25;
	v25 =	vadd.f32 v8, v6;
	v6 =	vld [tilespmem:$0x1C70]  }
0x27c: {  	[tilespmem:$0x3110] =	vst v0;
	v52 =	vld [tilespmem:$0x1FF50]  }
0x27d: {  	[tilespmem:$0x3120] =	vst v0;
	v63 =	vld [tilespmem:$0x1E80]  }
0x27e: {  	[tilespmem:$0x3130] =	vst v0;
	v20 =	vadd.f32 v20, v59;
	v59 =	vld [tilespmem:$0x1E50]  }
0x27f: {  	[tilespmem:$0x2D50] =	vst v22;
	v22 =	vld [tilespmem:$0x1D90]  }
0x280: {  	[tilespmem:$0x2DD0] =	vst v20;
	v20 =	vld [tilespmem:$0x2000]  }
0x281: {  	[tilespmem:$0x3140] =	vst v0;
	v24 =	vadd.f32 v52, v50;
	v50 =	vld [tilespmem:$0x1D50]  }
0x282: {  	[tilespmem:$0x3150] =	vst v0;
	v52 =	vadd.f32 v7, v25;
	v25 =	vadd.f32 v33, v32;
	v32 =	vld [tilespmem:$0x1DA0]  }
0x283: {  	[tilespmem:$0x3160] =	vst v0;
	v56 =	vadd.f32 v62, v24;
	v62 =	vld [tilespmem:$0x1FFE0]  }
0x284: {  	[tilespmem:$0x3170] =	vst v0;
	v24 =	vadd.f32 v58, v57;
	v57 =	vld [tilespmem:$0x1D80]  }
0x285: {  	[tilespmem:$0x3180] =	vst v0;
	v30 =	vadd.f32 v34, v25;
	v34 =	vadd.f32 v42, v41;
	v41 =	vld [tilespmem:$0x1DB0]  }
0x286: {  	[tilespmem:$0x3190] =	vst v0;
	v58 =	vadd.f32 v14, v53;
	v53 =	vld [tilespmem:$0x1E40]  }
0x287: {  	[tilespmem:$0x31A0] =	vst v0;
	v14 =	vld [tilespmem:$0x1EE0]  }
0x288: {  	[tilespmem:$0x31B0] =	vst v0;
	v25 =	vld [tilespmem:$0x1FB0]  }
0x289: {  	[tilespmem:$0x2D20] =	vst v56;
	v56 =	vadd.f32 v18, v16;
	v16 =	vld [tilespmem:$0x1F00]  }
0x28a: {  	[tilespmem:$0x31C0] =	vst v0;
	v18 =	vld [tilespmem:$0x1F10]  }
0x28b: {  	[tilespmem:$0x2E00] =	vst v30;
	v30 =	vld [tilespmem:$0x1F50]  }
0x28c: {  	[tilespmem:$0x31D0] =	vst v0;
	v61 =	vadd.f32 v17, v56;
	v56 =	vld [tilespmem:$0x1DD0]  }
0x28d: {  	[tilespmem:$0x31E0] =	vst v0;
	v17 =	vld [tilespmem:$0x1F80]  }
0x28e: {  	[tilespmem:$0x2D00] =	vst v23;
	v23 =	vadd.f32 v62, v24;
	v24 =	vld [tilespmem:$0x1C60]  }
0x28f: {  	[tilespmem:$0x31F0] =	vst v0;
	v62 =	vadd.f32 v27, v26;
	v26 =	vld [tilespmem:$0x1E10]  }
0x290: {  	[tilespmem:$0x3200] =	vst v0;
	v27 =	vadd.f32 v31, v21;
	v31 =	vadd.f32 v39, v38;
	v38 =	vld [tilespmem:$0x1EA0]  }
0x291: {  	[tilespmem:$0x3210] =	vst v0;
	v39 =	vadd.f32 v44, v34;
	v44 =	vld [tilespmem:$0x1E30]  }
0x292: {  	[tilespmem:$0x3220] =	vst v0;
	v21 =	vld [tilespmem:$0x2010]  }
0x293: {  	[tilespmem:$0x3230] =	vst v0;
	v34 =	vld [tilespmem:$0x1F60]  }
0x294: {  	[tilespmem:$0x2DC0] =	vst v61;
	v61 =	vld [tilespmem:$0x1EC0]  }
0x295: {  	[tilespmem:$0x2D40] =	vst v23;
	v23 =	vadd.f32 v28, v62;
	v28 =	vadd.f32 v36, v35;
	v35 =	vld [tilespmem:$0x1E20]  }
0x296: {  	[tilespmem:$0x2DF0] =	vst v27;
	v27 =	vld [tilespmem:$0x2030]  }
0x297: {  	[tilespmem:$0x3240] =	vst v0;
	v36 =	vadd.f32 v40, v31;
	v40 =	vadd.f32 v49, v48;
	v31 =	vld [tilespmem:$0x1FD0]  }
0x298: {  	[tilespmem:$0x2E30] =	vst v39;
	v39 =	vld [tilespmem:$0x2070];
	v33 =	vadd.f32 v37, v28  }
0x299: {  	[tilespmem:$0x3250] =	vst v0;
	v37 =	vadd.f32 v46, v45;
	v45 =	vadd.f32 v50, v40;
	v50 =	vld [tilespmem:$0x1DC0]  }
0x29a: {  	[tilespmem:$0x2DE0] =	vst v23;
	v23 =	vld [tilespmem:$0x1FA0]  }
0x29b: {  	[tilespmem:$0x3260] =	vst v0;
	v28 =	vld [tilespmem:$0x1F40]  }
0x29c: {  	[tilespmem:$0x2E20] =	vst v36;
	v36 =	vld [tilespmem:$0x1F70]  }
0x29d: {  	[tilespmem:$0x3270] =	vst v0;
	v40 =	vld [tilespmem:$0x2080]  }
0x29e: {  	[tilespmem:$0x2D90] =	vst v52;
	v52 =	vadd.f32 v26, v22;
	v22 =	vld [tilespmem:$0x1F20]  }
0x29f: {  	[tilespmem:$0x3280] =	vst v0;
	v43 =	vadd.f32 v5, v24;
	v24 =	vld [tilespmem:$0x1F30]  }
0x2a0: {  	[tilespmem:$0x3290] =	vst v0;
	v26 =	vld [tilespmem:$0x2020]  }
0x2a1: {  	[tilespmem:$0x2DB0] =	vst v58;
	v58 =	vadd.f32 v44, v41;
	v41 =	vld [tilespmem:$0x2100]  }
0x2a2: {  	[tilespmem:$0x32A0] =	vst v0;
	v44 =	vld [tilespmem:$0x2180]  }
0x2a3: {  	[tilespmem:$0x32B0] =	vst v0;
	v5 =	vadd.f32 v59, v56;
	v56 =	vld [tilespmem:$0x21C0]  }
0x2a4: {  	[tilespmem:$0x32C0] =	vst v0;
	v49 =	vadd.f32 v60, v57;
	v46 =	vadd.f32 v51, v6;
	v59 =	vld [tilespmem:$0x2160]  }
0x2a5: {  	[tilespmem:$0x32D0] =	vst v0;
	v42 =	vadd.f32 v47, v37;
	v47 =	vld [tilespmem:$0x1EB0]  }
0x2a6: {  	[tilespmem:$0x32E0] =	vst v0;
	v51 =	vadd.f32 v54, v46;
	v54 =	vadd.f32 v63, v49;
	v63 =	vld [tilespmem:$0x1ED0]  }
0x2a7: {  	[tilespmem:$0x2E10] =	vst v33;
	v33 =	vld [tilespmem:$0x2050]  }
0x2a8: {  	[tilespmem:$0x32F0] =	vst v0;
	v2 =	vadd.f32 v13, v12;
	v37 =	vld [tilespmem:$0x1FF0]  }
0x2a9: {  	[tilespmem:$0x2E50] =	vst v45;
	v45 =	vld [tilespmem:$0x2190]  }
0x2aa: {  	[tilespmem:$0x2D60] =	vst v9;
	v2 =	vadd.f32 v15, v2;
	v46 =	vld [tilespmem:$0x20A0]  }
0x2ab: {  	[tilespmem:$0x2DA0] =	vst v55;
	v49 =	vld [tilespmem:$0x2130]  }
0x2ac: {  	[tilespmem:$0x2EF0] =	vst v2;
	v57 =	vadd.f32 v29, v52;
	v29 =	vld [tilespmem:$0x1FC0]  }
0x2ad: {  	v55 =	vadd.f32 v35, v32;
	v32 =	vld [tilespmem:$0x2040];
	[tilespmem:$0x2E40] =	vst v42  }
0x2ae: {  	v48 =	vadd.f32 v4, v43;
	v35 =	vld [tilespmem:$0x1FE0];
	[tilespmem:$0x2E70] =	vst v51  }
0x2af: {  	v43 =	vld [tilespmem:$0x2110];
	[tilespmem:$0x2E80] =	vst v54;
	v9 =	vadd.f32 v53, v50  }
0x2b0: {  	v52 =	vld [tilespmem:$0x20C0];
	[tilespmem:$0x2E60] =	vst v48;
	v60 =	vadd.f32 v38, v55  }
0x2b1: {  	v4 =	vadd.f32 v11, v10;
	v42 =	vld [tilespmem:$0x2090];
	[tilespmem:$0x2E90] =	vst v57;
	v1 =	vadd.f32 v61, v9  }
0x2b2: {  	v51 =	vld [tilespmem:$0x21B0];
	[tilespmem:$0x2EA0] =	vst v60;
	v3 =	vadd.f32 v63, v5  }
0x2b3: {  	v54 =	vld [tilespmem:$0x20D0];
	v5 =	vadd.f32 v17, v16;
	[tilespmem:$0x2EC0] =	vst v1;
	v1 =	vadd.f32 v14, v4  }
0x2b4: {  	v38 =	vld [tilespmem:$0x2060];
	v62 =	vadd.f32 v47, v58;
	[tilespmem:$0x2ED0] =	vst v3;
	v3 =	vadd.f32 v19, v18  }
0x2b5: {  	v48 =	vld [tilespmem:$0x20B0];
	v4 =	vadd.f32 v23, v22;
	[tilespmem:$0x2EE0] =	vst v1;
	v1 =	vadd.f32 v20, v5  }
0x2b6: {  	v50 =	vld [tilespmem:$0x21A0];
	[tilespmem:$0x2EB0] =	vst v62;
	v2 =	vadd.f32 v21, v3;
	v3 =	vadd.f32 v25, v24  }
0x2b7: {  	v53 =	vld [tilespmem:$0x2140];
	v5 =	vadd.f32 v29, v28;
	[tilespmem:$0x2F00] =	vst v1;
	v1 =	vadd.f32 v26, v4  }
0x2b8: {  	v47 =	vld [tilespmem:$0x2120];
	[tilespmem:$0x2F10] =	vst v2;
	v2 =	vadd.f32 v27, v3;
	v3 =	vadd.f32 v31, v30  }
0x2b9: {  	v55 =	vld [tilespmem:$0x2150];
	v4 =	vadd.f32 v35, v34;
	[tilespmem:$0x2F20] =	vst v1;
	v1 =	vadd.f32 v32, v5  }
0x2ba: {  	v57 =	vld [tilespmem:$0x21D0];
	[tilespmem:$0x2F30] =	vst v2;
	v2 =	vadd.f32 v33, v3;
	v3 =	vadd.f32 v37, v36  }
0x2bb: {  	v58 =	vld [tilespmem:$0x20E0];
	v5 =	vadd.f32 v41, v40;
	[tilespmem:$0x2F40] =	vst v1;
	v1 =	vadd.f32 v38, v4  }
0x2bc: {  	v60 =	vld [tilespmem:$0x20F0];
	[tilespmem:$0x2F50] =	vst v2;
	v2 =	vadd.f32 v39, v3;
	v3 =	vadd.f32 v43, v42  }
0x2bd: {  	v61 =	vld [tilespmem:$0x2170];
	v4 =	vadd.f32 v47, v46;
	[tilespmem:$0x2F60] =	vst v1;
	v1 =	vadd.f32 v44, v5  }
0x2be: {  	v62 =	vld [tilespmem:$0x21E0];
	[tilespmem:$0x2F70] =	vst v2;
	v2 =	vadd.f32 v45, v3;
	v3 =	vadd.f32 v49, v48  }
0x2bf: {  	v63 =	vld [tilespmem:$0x21F0];
	v5 =	vadd.f32 v53, v52;
	[tilespmem:$0x2F80] =	vst v1;
	v1 =	vadd.f32 v50, v4  }
0x2c0: {  	[tilespmem:$0x2F90] =	vst v2;
	v2 =	vadd.f32 v51, v3;
	v3 =	vadd.f32 v55, v54  }
0x2c1: {  	v4 =	vadd.f32 v59, v58;
	[tilespmem:$0x2FA0] =	vst v1;
	v1 =	vadd.f32 v56, v5  }
0x2c2: {  	[tilespmem:$0x2FB0] =	vst v2;
	v2 =	vadd.f32 v57, v3;
	v3 =	vadd.f32 v61, v60  }
0x2c3: {  	[tilespmem:$0x2FC0] =	vst v1;
	v1 =	vadd.f32 v62, v4  }
0x2c4: {  	[tilespmem:$0x2FD0] =	vst v2;
	v2 =	vadd.f32 v63, v3  }
0x2c5: {  	s30 =	sshll.u32 s1, $0x9;
	[tilespmem:$0x2FE0] =	vst v1  }
0x2c6: {  	s31 =	simm.s32 $0x2300;
	s2 =	sadd.s32 s2, s30;
	[tilespmem:$0x2FF0] =	vst v2  }
0x2c7: {  	[hbm4b:s2+s3] =	stream.linear.scatter [tilespmem:s31], [sflag:$0x2], $0x1000, $0x38;
	[tilespmem:$0x3300] =	vst v63  }
0x2c8: {  	_ =	swait.ge [sflag:s25], $0x1000  }
0x2c9: {  	[sflag:s25] =	ssyncset.done $0x0  }
0x2ca: {  	[sflag:s25] =	ssyncadd.s32 $0xFFFFF000  }
0x2cb: {  	_ =	sfence.sel $0x180000  }
0x2cc: {  	[bflag:$0x0] =	sbarrier.arrive $0xFFFF  }
0x2cd: {  	p0 =	sne.s32 s1, $0x0;
	_ =	strace $0x90000047  }
0x2ce: {  	s0 =	sadd.s32 @!p0 $0x100000, s0;
	[bflag:$0x2] =	sbarrier.arrive $0xFFFF  }
0x2cf: {  	[sflag:s0] =	ssyncadd.tile.s32 @!p0 $0x1;
	_ =	shalt  }
.Lfunc_end2:
_tile_overlayer_lowered:
.L_overlay_start_2:
0x2d0: {  	(tag) =	ssettag $0x2  }
0x2d1: {  	s0 =	rddreg [dreg:$0x0];
	s2 =	stileid.u32  }
0x2d2: {  	s1 =	rddreg [dreg:$0x1];
	p0 =	sne.s32 s2, $0x0  }
0x2d3: {  	s3 =	rddreg [dreg:$0x2];
	[bflag:$0x3] =	sbarrier.arrive $0xFFFF;
	s2 =	simm.s32 @!p0 $0x1C02  }
0x2d4: {  	[timem:s3], [sflag:s2] =	dma.local @!p0 [hbm:s0], s1  }
0x2d5: {  	s0 =	simm.s32 @!p0 $0x2  }
0x2d6: {  	_ =	swait.ge @!p0 [sflag:s0], s1  }
0x2d7: {  	s1 =	ssub.s32 @!p0 $0x0, s1;
	[sflag:s0] =	ssyncset.done @!p0 $0x0  }
0x2d8: {  	[sflag:s0] =	ssyncadd.s32 @!p0 s1  }
0x2d9: {  	[bflag:$0x3] =	sbarrier.arrive $0xFFFF  }
0x2da: {  	_ =	shalt  }

</sc_bundles>
